<compile_context>
chip_gen: v7x
topology: tpu7x:2x2x1
jax: 0.10.2.dev20260603
libtpu: 0.0.44.dev20260713+nightly
codegen_flags: <defaults>
</compile_context>

<pallas_src>
import jax
import jax.numpy as jnp
from jax import lax
from jax.experimental import pallas as pl
from jax.experimental.pallas import tpu as pltpu
from jax.experimental.pallas import tpu_sc as plsc

N = 320000
D = 128
S = 10000

NROW = N // D
ROWS_BLK = 2560
TC_BLKS = 45
TC_ROWS = TC_BLKS * ROWS_BLK // D
SC_ROWS = NROW - TC_ROWS
RPT = SC_ROWS // 32
CRW = 2
NCH = RPT // CRW
CW = CRW * D * D
CA = CRW * D

SEG_PER_W = 640
SEG_LAST = S - 15 * SEG_PER_W
S_PAD = 16 * SEG_PER_W

RPC = TC_ROWS // 2
R_HI = 29
R_LO = 28


def _rowmean_body(x_ref, o_ref):
    ones = jnp.full((8, D), 1.0 / D, dtype=jnp.float32)
    r = jax.lax.dot_general(ones, x_ref[...], (((1,), (1,)), ((), ())),
                            preferred_element_type=jnp.float32)
    o_ref[0, 0, :] = r[0, :]


def _rowmean(x):
    return pl.pallas_call(
        _rowmean_body,
        grid=(TC_BLKS,),
        in_specs=[pl.BlockSpec((ROWS_BLK, D), lambda i: (i, 0))],
        out_specs=pl.BlockSpec((1, 1, ROWS_BLK), lambda i: (i, 0, 0)),
        out_shape=jax.ShapeDtypeStruct((TC_BLKS, 1, ROWS_BLK), jnp.float32),
    )(x)


def _reduce_chunk(buf, rs_v):
    lane = lax.iota(jnp.int32, 16)
    mask0 = lane == 0
    dnums = lax.GatherDimensionNumbers(
        offset_dims=(), collapsed_slice_dims=(0,), start_index_map=(0,))

    def _perm(v, idx):
        return lax.gather(v, idx[:, None], dnums, (1,),
                          mode=lax.GatherScatterMode.PROMISE_IN_BOUNDS)

    def _grp(g, _):
        base = g * 16 * D
        w = jnp.zeros((16,), jnp.float32)
        for a in range(16):
            v = buf[pl.ds(base + a * D, 16)]
            for k in range(1, 8):
                v = v + buf[pl.ds(base + a * D + k * 16, 16)]
            for k in (8, 4, 2, 1):
                v = v + _perm(v, lane ^ k)
            w = jnp.where(lane == a, v, w)
        rs_v[pl.ds(g * 16, 16)] = w * (1.0 / D)
        return 0
    lax.fori_loop(0, CA // 16, _grp, 0)


def _scpartial_body(x_hbm, ids_hbm, part_hbm,
                    buf0, buf1, rs_v, ids_v, acc_sh, z_v, sem):
    cid = lax.axis_index("c")
    sid = lax.axis_index("s")
    tile = cid * 16 + sid
    row0 = TC_ROWS + tile * RPT
    base = row0 * D * D

    pltpu.async_copy(x_hbm.at[pl.ds(base, CW)], buf0, sem)
    pltpu.sync_copy(ids_hbm.at[pl.ds(row0 * D, RPT * D)], ids_v)

    def _zero(i, _):
        z_v[pl.ds(i * 16, 16)] = jnp.zeros((16,), jnp.float32)
        return 0
    lax.fori_loop(0, SEG_PER_W // 16, _zero, 0)
    pltpu.sync_copy(z_v, acc_sh.at[pl.ds(sid * SEG_PER_W, SEG_PER_W)])
    plsc.subcore_barrier()

    def _scatter(c):
        for m in range(CRW):
            pltpu.sync_copy(rs_v.at[pl.ds(m * D, D)],
                            acc_sh.at[ids_v.at[pl.ds((c * CRW + m) * D, D)]],
                            add=True)

    def _loop(c, _):
        @pl.when(c % 2 == 0)
        def _():
            pltpu.make_async_copy(x_hbm.at[pl.ds(base, CW)], buf0, sem).wait()
            @pl.when(c + 1 < NCH)
            def _():
                pltpu.async_copy(
                    x_hbm.at[pl.ds(base + (c + 1) * CW, CW)], buf1, sem)
            _reduce_chunk(buf0, rs_v)
            _scatter(c)

        @pl.when(c % 2 == 1)
        def _():
            pltpu.make_async_copy(x_hbm.at[pl.ds(base, CW)], buf1, sem).wait()
            @pl.when(c + 1 < NCH)
            def _():
                pltpu.async_copy(
                    x_hbm.at[pl.ds(base + (c + 1) * CW, CW)], buf0, sem)
            _reduce_chunk(buf1, rs_v)
            _scatter(c)
        return 0

    lax.fori_loop(0, NCH, _loop, 0)
    plsc.subcore_barrier()
    pltpu.sync_copy(acc_sh.at[pl.ds(sid * SEG_PER_W, SEG_PER_W)],
                    part_hbm.at[cid, pl.ds(sid * SEG_PER_W, SEG_PER_W)])


def _scpartial(xflat, ids2d):
    mesh = plsc.VectorSubcoreMesh(core_axis_name="c", subcore_axis_name="s")
    f = pl.kernel(
        _scpartial_body,
        out_type=jax.ShapeDtypeStruct((2, S_PAD), jnp.float32),
        mesh=mesh,
        scratch_types=[
            pltpu.VMEM((CW,), jnp.float32),
            pltpu.VMEM((CW,), jnp.float32),
            pltpu.VMEM((CA + 16,), jnp.float32),
            pltpu.VMEM((RPT * D,), jnp.int32),
            pltpu.VMEM_SHARED((S_PAD,), jnp.float32),
            pltpu.VMEM((SEG_PER_W,), jnp.float32),
            pltpu.SemaphoreType.DMA,
        ],
    )
    return f(xflat, ids2d)


def _scfinal_body(rm_hbm, ids_hbm, part_hbm, na_hbm, out_hbm,
                  vals_v, ids_v, acc_sh, seg_v, na_v, out_v):
    cid = lax.axis_index("c")
    sid = lax.axis_index("s")

    pltpu.sync_copy(part_hbm.at[cid, pl.ds(sid * SEG_PER_W, SEG_PER_W)],
                    acc_sh.at[pl.ds(sid * SEG_PER_W, SEG_PER_W)])
    plsc.subcore_barrier()

    r0 = cid * RPC + R_LO * sid + jnp.minimum(sid, 2)
    @pl.when(sid < 2)
    def _():
        pltpu.sync_copy(rm_hbm.at[pl.ds(r0 * D, R_HI * D)],
                        vals_v.at[pl.ds(0, R_HI * D)])
        pltpu.sync_copy(ids_hbm.at[pl.ds(r0 * D, R_HI * D)],
                        ids_v.at[pl.ds(0, R_HI * D)])

    @pl.when(sid >= 2)
    def _():
        pltpu.sync_copy(rm_hbm.at[pl.ds(r0 * D, R_LO * D)],
                        vals_v.at[pl.ds(0, R_LO * D)])
        pltpu.sync_copy(ids_hbm.at[pl.ds(r0 * D, R_LO * D)],
                        ids_v.at[pl.ds(0, R_LO * D)])

    nr = jnp.where(sid < 2, R_HI, R_LO)

    def _scatter(j, _):
        pltpu.sync_copy(vals_v.at[pl.ds(j * D, D)],
                        acc_sh.at[ids_v.at[pl.ds(j * D, D)]], add=True)
        return 0
    lax.fori_loop(0, nr, _scatter, 0)
    plsc.subcore_barrier()

    sbase = sid * SEG_PER_W
    pltpu.sync_copy(acc_sh.at[pl.ds(sbase, SEG_PER_W)], seg_v)

    @pl.when(sid < 15)
    def _():
        pltpu.sync_copy(na_hbm.at[pl.ds(sbase, SEG_PER_W)], na_v)

    @pl.when(sid == 15)
    def _():
        pltpu.sync_copy(na_hbm.at[pl.ds(15 * SEG_PER_W, SEG_LAST)],
                        na_v.at[pl.ds(0, SEG_LAST)])

    def _div(i, _):
        sl = pl.ds(i * 16, 16)
        out_v[sl] = seg_v[sl] / na_v[sl]
        return 0
    lax.fori_loop(0, SEG_PER_W // 16, _div, 0)
    pltpu.sync_copy(out_v, out_hbm.at[cid, pl.ds(sbase, SEG_PER_W)])


def _scfinal(rm_flat, ids2d, part, na):
    mesh = plsc.VectorSubcoreMesh(core_axis_name="c", subcore_axis_name="s")
    f = pl.kernel(
        _scfinal_body,
        out_type=jax.ShapeDtypeStruct((2, S_PAD), jnp.float32),
        mesh=mesh,
        scratch_types=[
            pltpu.VMEM((R_HI * D,), jnp.float32),
            pltpu.VMEM((R_HI * D,), jnp.int32),
            pltpu.VMEM_SHARED((S_PAD,), jnp.float32),
            pltpu.VMEM((SEG_PER_W,), jnp.float32),
            pltpu.VMEM((SEG_PER_W,), jnp.float32),
            pltpu.VMEM((SEG_PER_W,), jnp.float32),
        ],
    )
    return f(rm_flat, ids2d, part, na)


def kernel(atom_features, segment_ids, num_atoms):
    rm3d = _rowmean(atom_features)
    xflat = atom_features.reshape(N * D)
    part = _scpartial(xflat, segment_ids)
    out2 = _scfinal(rm3d.reshape(TC_ROWS * D), segment_ids, part, num_atoms)
    return (out2[0, :S] + out2[1, :S]).reshape(S, 1)

# --- scband reference (transcript-rebuilt; emitter-appended) ---
"""Pipeline reference for scband-cgpooling-45535243272313 (READ-ONLY COPY).

The authoritative reference and input builder live on the scoring server;
editing this copy changes nothing except your own understanding.
"""

import jax, jax.numpy as jnp
import numpy as np

BATCH_SIZE = 10000
N = 320000
D = 128


def setup_inputs(seed: int = 0) -> dict:
    key = jax.random.key(seed)
    k1, k2 = jax.random.split(key)
    atom_features = jax.random.normal(k1, (N, D), dtype=jnp.float32)
    segment_ids = jnp.sort(jax.random.randint(k2, (N,), 0, BATCH_SIZE, dtype=jnp.int32))
    # num_atoms consistent with segment_ids (clamped to avoid div-by-zero for empty segments)
    num_atoms = jnp.maximum(jnp.bincount(segment_ids, length=BATCH_SIZE), 1).astype(jnp.float32)
    return {"atom_features": atom_features, "segment_ids": segment_ids, "num_atoms": num_atoms}


def reference(atom_features, segment_ids, num_atoms):
    # mean over feature dim per atom -> (N,)
    averaged_features = jnp.mean(atom_features, axis=1)
    # sum per crystal -> (batch_size,)
    averaged_features = jax.ops.segment_sum(
        averaged_features, segment_ids, num_segments=BATCH_SIZE,
        indices_are_sorted=True, unique_indices=False)
    averaged_features = averaged_features / num_atoms
    averaged_features = jnp.expand_dims(averaged_features, axis=1)
    return averaged_features

if __name__ == "__main__":
    import jax
    _d = setup_inputs()
    print(jax.jit(kernel)(*tuple(_d.values())))

</pallas_src>

<mosaic_0001>
#map = affine_map<(d0, d1) -> (0)>
#map1 = affine_map<(d0, d1) -> (0, 0)>
module attributes {stable_mosaic.version = 14 : i64} {
  func.func @_scpartial_body(%arg0: i32, %arg1: i32, %arg2: memref<40960000xf32, #tpu.memory_space<hbm>>, %arg3: memref<320000xi32, #tpu.memory_space<hbm>>, %arg4: memref<2x10240xf32, #tpu.memory_space<hbm>>, %arg5: memref<32768xf32, #tpu.memory_space<vmem>>, %arg6: memref<32768xf32, #tpu.memory_space<vmem>>, %arg7: memref<272xf32, #tpu.memory_space<vmem>>, %arg8: memref<6400xi32, #tpu.memory_space<vmem>>, %arg9: memref<10240xf32, #tpu.memory_space<vmem_shared>>, %arg10: memref<640xf32, #tpu.memory_space<vmem>>, %arg11: memref<!tpu.dma_semaphore, #tpu.memory_space<semaphore_mem>>) attributes {dimension_semantics = [#tpu.dimension_semantics<core_parallel>, #tpu.dimension_semantics<subcore_parallel>], iteration_bounds = array<i64: 2, 16>, scalar_prefetch = 0 : i64, scratch_operands = 7 : i64, tpu.core_type = #tpu.core_type<sc_vector_subcore>, window_params = [{transform_indices = #map}, {transform_indices = #map}, {transform_indices = #map1}]} {
    %mul3A = arith.constant 16 : i32
    %mul3A_0 = arith.muli %arg0, %mul3A : i32
    %add3A = arith.addi %mul3A_0, %arg1 : i32
    %mul3A_1 = arith.constant 50 : i32
    %mul3A_2 = arith.muli %add3A, %mul3A_1 : i32
    %add3A_3 = arith.constant 900 : i32
    %add3A_4 = arith.addi %add3A_3, %mul3A_2 : i32
    %mul3A_5 = arith.constant 128 : i32
    %mul3A_6 = arith.muli %add3A_4, %mul3A_5 : i32
    %mul3A_7 = arith.constant 128 : i32
    %mul3A_8 = arith.muli %mul3A_6, %mul3A_7 : i32
    %dma_start3A = tpu.memref_slice %arg2[%mul3A_8] : memref<40960000xf32, #tpu.memory_space<hbm>> -> memref<32768xf32, #tpu.memory_space<hbm>>
    %dma_start3A_9 = tpu.memref_slice %arg2[%mul3A_8] : memref<40960000xf32, #tpu.memory_space<hbm>> -> memref<32768xf32, #tpu.memory_space<hbm>>
    tpu.enqueue_dma source(%dma_start3A_9 : memref<32768xf32, #tpu.memory_space<hbm>>) target(%arg5 : memref<32768xf32, #tpu.memory_space<vmem>>) target_semaphore(%arg11 : memref<!tpu.dma_semaphore, #tpu.memory_space<semaphore_mem>>)
    %mul3A_10 = arith.constant 128 : i32
    %mul3A_11 = arith.muli %add3A_4, %mul3A_10 : i32
    "tpu.region"() ({
      %run_scoped3A = tpu.sem_alloc : memref<!tpu.dma_semaphore, #tpu.memory_space<semaphore_mem>>
      %dma_start3A_32 = tpu.memref_slice %arg3[%mul3A_11] : memref<320000xi32, #tpu.memory_space<hbm>> -> memref<6400xi32, #tpu.memory_space<hbm>>
      %dma_start3A_33 = tpu.memref_slice %arg3[%mul3A_11] : memref<320000xi32, #tpu.memory_space<hbm>> -> memref<6400xi32, #tpu.memory_space<hbm>>
      tpu.enqueue_dma source(%dma_start3A_33 : memref<6400xi32, #tpu.memory_space<hbm>>) target(%arg8 : memref<6400xi32, #tpu.memory_space<vmem>>) target_semaphore(%run_scoped3A : memref<!tpu.dma_semaphore, #tpu.memory_space<semaphore_mem>>)
      %dma_wait3A = tpu.memref_slice %arg3[%mul3A_11] : memref<320000xi32, #tpu.memory_space<hbm>> -> memref<6400xi32, #tpu.memory_space<hbm>>
      %dma_wait3A_34 = tpu.memref_slice %arg3[%mul3A_11] : memref<320000xi32, #tpu.memory_space<hbm>> -> memref<6400xi32, #tpu.memory_space<hbm>>
      tpu.wait_dma2 semaphore(%run_scoped3A : memref<!tpu.dma_semaphore, #tpu.memory_space<semaphore_mem>>) src(%dma_wait3A_34 : memref<6400xi32, #tpu.memory_space<hbm>>) dst(%arg8 : memref<6400xi32, #tpu.memory_space<vmem>>)
      tpu.yield
    }) : () -> ()
    %scan3A = arith.constant 0 : i32
    %scan3A_12 = arith.constant 0 : i32
    %scan3A_13 = arith.constant 40 : i32
    %scan3A_14 = arith.addi %scan3A_12, %scan3A_13 : i32
    %scan3A_15 = arith.constant 1 : i32
    %scan3A_16 = scf.for %scan3A_32 = %scan3A_12 to %scan3A_14 step %scan3A_15 iter_args(%scan3A_33 = %scan3A) -> (i32)  : i32 {
      %broadcast_in_dim3A = arith.constant 0.000000e+00 : f32
      %broadcast_in_dim3A_34 = vector.broadcast %broadcast_in_dim3A : f32 to vector<16xf32>
      %mul3A_35 = arith.constant 16 : i32
      %mul3A_36 = arith.muli %scan3A_32, %mul3A_35 : i32
      %swap3A = arith.index_cast %mul3A_36 : i32 to index
      %swap3A_37 = tpu.vector_load %arg10[%swap3A] {strides = array<i32>} : memref<640xf32, #tpu.memory_space<vmem>>, vector<16xf32>,
      %swap3A_38 = vector.shape_cast %swap3A_37 : vector<16xf32> to vector<16xf32>
      %swap3A_39 = vector.shape_cast %broadcast_in_dim3A_34 : vector<16xf32> to vector<16xf32>
      tpu.vector_store %arg10[%swap3A], %swap3A_39 {strides = array<i32>} : memref<640xf32, #tpu.memory_space<vmem>>, vector<16xf32>,
      %scan3A_40 = arith.constant 0 : i32
      scf.yield %scan3A_40 : i32
    }
    %scan3A_17 = arith.constant 40 : i32
    %mul3A_18 = arith.constant 640 : i32
    %mul3A_19 = arith.muli %arg1, %mul3A_18 : i32
    "tpu.region"() ({
      %run_scoped3A = tpu.sem_alloc : memref<!tpu.dma_semaphore, #tpu.memory_space<semaphore_mem>>
      %dma_start3A_32 = tpu.memref_slice %arg9[%mul3A_19] : memref<10240xf32, #tpu.memory_space<vmem_shared>> -> memref<640xf32, #tpu.memory_space<vmem_shared>>
      %dma_start3A_33 = tpu.memref_slice %arg9[%mul3A_19] : memref<10240xf32, #tpu.memory_space<vmem_shared>> -> memref<640xf32, #tpu.memory_space<vmem_shared>>
      tpu.enqueue_dma source(%arg10 : memref<640xf32, #tpu.memory_space<vmem>>) target(%dma_start3A_33 : memref<640xf32, #tpu.memory_space<vmem_shared>>) target_semaphore(%run_scoped3A : memref<!tpu.dma_semaphore, #tpu.memory_space<semaphore_mem>>)
      %dma_wait3A = tpu.memref_slice %arg9[%mul3A_19] : memref<10240xf32, #tpu.memory_space<vmem_shared>> -> memref<640xf32, #tpu.memory_space<vmem_shared>>
      %dma_wait3A_34 = tpu.memref_slice %arg9[%mul3A_19] : memref<10240xf32, #tpu.memory_space<vmem_shared>> -> memref<640xf32, #tpu.memory_space<vmem_shared>>
      tpu.wait_dma2 semaphore(%run_scoped3A : memref<!tpu.dma_semaphore, #tpu.memory_space<semaphore_mem>>) src(%arg10 : memref<640xf32, #tpu.memory_space<vmem>>) dst(%dma_wait3A_34 : memref<640xf32, #tpu.memory_space<vmem_shared>>)
      tpu.yield
    }) : () -> ()
    %barrier3A = arith.constant 0 : index
    tpu.barrier barrier_id(%barrier3A)
    %scan3A_20 = arith.constant 0 : i32
    %scan3A_21 = arith.constant 0 : i32
    %scan3A_22 = arith.constant 25 : i32
    %scan3A_23 = arith.addi %scan3A_21, %scan3A_22 : i32
    %scan3A_24 = arith.constant 1 : i32
    %scan3A_25 = scf.for %scan3A_32 = %scan3A_21 to %scan3A_23 step %scan3A_24 iter_args(%scan3A_33 = %scan3A_20) -> (i32)  : i32 {
      %jit3A = arith.constant 2 : i32
      %eq3A = arith.constant 0 : i32
      %eq3A_34 = arith.cmpi eq, %jit3A, %eq3A : i32
      %jit3A_35 = arith.constant 1 : i32
      %select_n3A = arith.select %eq3A_34, %jit3A_35, %jit3A : i32
      %rem3A = arith.remsi %scan3A_32, %select_n3A : i32
      %ne3A = arith.constant 0 : i32
      %ne3A_36 = arith.cmpi ne, %rem3A, %ne3A : i32
      %lt3A = arith.constant 0 : i32
      %lt3A_37 = arith.cmpi slt, %rem3A, %lt3A : i32
      %lt3A_38 = arith.constant 0 : i32
      %lt3A_39 = arith.cmpi slt, %select_n3A, %lt3A_38 : i32
      %ne3A_40 = arith.xori %lt3A_37, %lt3A_39 : i1
      %and3A = arith.andi %ne3A_40, %ne3A_36 : i1
      %add3A_41 = arith.addi %rem3A, %select_n3A : i32
      %select_n3A_42 = arith.select %and3A, %add3A_41, %rem3A : i32
      %eq3A_43 = arith.constant 0 : i32
      %eq3A_44 = arith.cmpi eq, %select_n3A_42, %eq3A_43 : i32
      %convert_element_type3A = arith.extui %eq3A_44 : i1 to i32
      %cond3A = arith.constant 0 : i32
      %cond3A_45 = arith.cmpi ne, %convert_element_type3A, %cond3A : i32
      scf.if %cond3A_45 {
        %dma_wait3A = tpu.memref_slice %arg2[%mul3A_8] : memref<40960000xf32, #tpu.memory_space<hbm>> -> memref<32768xf32, #tpu.memory_space<hbm>>
        %dma_wait3A_68 = tpu.memref_slice %arg2[%mul3A_8] : memref<40960000xf32, #tpu.memory_space<hbm>> -> memref<32768xf32, #tpu.memory_space<hbm>>
        tpu.wait_dma2 semaphore(%arg11 : memref<!tpu.dma_semaphore, #tpu.memory_space<semaphore_mem>>) src(%dma_wait3A_68 : memref<32768xf32, #tpu.memory_space<hbm>>) dst(%arg5 : memref<32768xf32, #tpu.memory_space<vmem>>)
        %add3A_69 = arith.constant 1 : i32
        %add3A_70 = arith.addi %scan3A_32, %add3A_69 : i32
        %lt3A_71 = arith.constant 25 : i32
        %lt3A_72 = arith.cmpi slt, %add3A_70, %lt3A_71 : i32
        %convert_element_type3A_73 = arith.extui %lt3A_72 : i1 to i32
        %cond3A_74 = arith.constant 0 : i32
        %cond3A_75 = arith.cmpi ne, %convert_element_type3A_73, %cond3A_74 : i32
        scf.if %cond3A_75 {
          %add3A_98 = arith.constant 1 : i32
          %add3A_99 = arith.addi %scan3A_32, %add3A_98 : i32
          %mul3A_100 = arith.constant 32768 : i32
          %mul3A_101 = arith.muli %add3A_99, %mul3A_100 : i32
          %add3A_102 = arith.addi %mul3A_8, %mul3A_101 : i32
          %dma_start3A_103 = tpu.memref_slice %arg2[%add3A_102] : memref<40960000xf32, #tpu.memory_space<hbm>> -> memref<32768xf32, #tpu.memory_space<hbm>>
          %dma_start3A_104 = tpu.memref_slice %arg2[%add3A_102] : memref<40960000xf32, #tpu.memory_space<hbm>> -> memref<32768xf32, #tpu.memory_space<hbm>>
          tpu.enqueue_dma source(%dma_start3A_104 : memref<32768xf32, #tpu.memory_space<hbm>>) target(%arg6 : memref<32768xf32, #tpu.memory_space<vmem>>) target_semaphore(%arg11 : memref<!tpu.dma_semaphore, #tpu.memory_space<semaphore_mem>>)
        } else {
        }
        %iota3A = tpu.iota {dimensions = array<i32: 0>} : vector<16xi32>
        %eq3A_76 = arith.constant 0 : i32
        %eq3A_77 = vector.broadcast %eq3A_76 : i32 to vector<16xi32>
        %eq3A_78 = arith.cmpi eq, %iota3A, %eq3A_77 : vector<16xi32>
        %scan3A_79 = arith.constant 0 : i32
        %scan3A_80 = arith.constant 0 : i32
        %scan3A_81 = arith.constant 16 : i32
        %scan3A_82 = arith.addi %scan3A_80, %scan3A_81 : i32
        %scan3A_83 = arith.constant 1 : i32
        %scan3A_84 = scf.for %scan3A_98 = %scan3A_80 to %scan3A_82 step %scan3A_83 iter_args(%scan3A_99 = %scan3A_79) -> (i32)  : i32 {
          %mul3A_100 = arith.constant 16 : i32
          %mul3A_101 = arith.muli %scan3A_98, %mul3A_100 : i32
          %mul3A_102 = arith.constant 128 : i32
          %mul3A_103 = arith.muli %mul3A_101, %mul3A_102 : i32
          %broadcast_in_dim3A = arith.constant 0.000000e+00 : f32
          %broadcast_in_dim3A_104 = vector.broadcast %broadcast_in_dim3A : f32 to vector<16xf32>
          %add3A_105 = arith.constant 0 : i32
          %add3A_106 = arith.addi %mul3A_103, %add3A_105 : i32
          %get3A = arith.index_cast %add3A_106 : i32 to index
          %get3A_107 = tpu.vector_load %arg5[%get3A] {strides = array<i32>} : memref<32768xf32, #tpu.memory_space<vmem>>, vector<16xf32>,
          %get3A_108 = vector.shape_cast %get3A_107 : vector<16xf32> to vector<16xf32>
          %add3A_109 = arith.constant 0 : i32
          %add3A_110 = arith.addi %mul3A_103, %add3A_109 : i32
          %add3A_111 = arith.constant 16 : i32
          %add3A_112 = arith.addi %add3A_110, %add3A_111 : i32
          %get3A_113 = arith.index_cast %add3A_112 : i32 to index
          %get3A_114 = tpu.vector_load %arg5[%get3A_113] {strides = array<i32>} : memref<32768xf32, #tpu.memory_space<vmem>>, vector<16xf32>,
          %get3A_115 = vector.shape_cast %get3A_114 : vector<16xf32> to vector<16xf32>
          %add3A_116 = arith.addf %get3A_108, %get3A_115 : vector<16xf32>
          %add3A_117 = arith.constant 0 : i32
          %add3A_118 = arith.addi %mul3A_103, %add3A_117 : i32
          %add3A_119 = arith.constant 32 : i32
          %add3A_120 = arith.addi %add3A_118, %add3A_119 : i32
          %get3A_121 = arith.index_cast %add3A_120 : i32 to index
          %get3A_122 = tpu.vector_load %arg5[%get3A_121] {strides = array<i32>} : memref<32768xf32, #tpu.memory_space<vmem>>, vector<16xf32>,
          %get3A_123 = vector.shape_cast %get3A_122 : vector<16xf32> to vector<16xf32>
          %add3A_124 = arith.addf %add3A_116, %get3A_123 : vector<16xf32>
          %add3A_125 = arith.constant 0 : i32
          %add3A_126 = arith.addi %mul3A_103, %add3A_125 : i32
          %add3A_127 = arith.constant 48 : i32
          %add3A_128 = arith.addi %add3A_126, %add3A_127 : i32
          %get3A_129 = arith.index_cast %add3A_128 : i32 to index
          %get3A_130 = tpu.vector_load %arg5[%get3A_129] {strides = array<i32>} : memref<32768xf32, #tpu.memory_space<vmem>>, vector<16xf32>,
          %get3A_131 = vector.shape_cast %get3A_130 : vector<16xf32> to vector<16xf32>
          %add3A_132 = arith.addf %add3A_124, %get3A_131 : vector<16xf32>
          %add3A_133 = arith.constant 0 : i32
          %add3A_134 = arith.addi %mul3A_103, %add3A_133 : i32
          %add3A_135 = arith.constant 64 : i32
          %add3A_136 = arith.addi %add3A_134, %add3A_135 : i32
          %get3A_137 = arith.index_cast %add3A_136 : i32 to index
          %get3A_138 = tpu.vector_load %arg5[%get3A_137] {strides = array<i32>} : memref<32768xf32, #tpu.memory_space<vmem>>, vector<16xf32>,
          %get3A_139 = vector.shape_cast %get3A_138 : vector<16xf32> to vector<16xf32>
          %add3A_140 = arith.addf %add3A_132, %get3A_139 : vector<16xf32>
          %add3A_141 = arith.constant 0 : i32
          %add3A_142 = arith.addi %mul3A_103, %add3A_141 : i32
          %add3A_143 = arith.constant 80 : i32
          %add3A_144 = arith.addi %add3A_142, %add3A_143 : i32
          %get3A_145 = arith.index_cast %add3A_144 : i32 to index
          %get3A_146 = tpu.vector_load %arg5[%get3A_145] {strides = array<i32>} : memref<32768xf32, #tpu.memory_space<vmem>>, vector<16xf32>,
          %get3A_147 = vector.shape_cast %get3A_146 : vector<16xf32> to vector<16xf32>
          %add3A_148 = arith.addf %add3A_140, %get3A_147 : vector<16xf32>
          %add3A_149 = arith.constant 0 : i32
          %add3A_150 = arith.addi %mul3A_103, %add3A_149 : i32
          %add3A_151 = arith.constant 96 : i32
          %add3A_152 = arith.addi %add3A_150, %add3A_151 : i32
          %get3A_153 = arith.index_cast %add3A_152 : i32 to index
          %get3A_154 = tpu.vector_load %arg5[%get3A_153] {strides = array<i32>} : memref<32768xf32, #tpu.memory_space<vmem>>, vector<16xf32>,
          %get3A_155 = vector.shape_cast %get3A_154 : vector<16xf32> to vector<16xf32>
          %add3A_156 = arith.addf %add3A_148, %get3A_155 : vector<16xf32>
          %add3A_157 = arith.constant 0 : i32
          %add3A_158 = arith.addi %mul3A_103, %add3A_157 : i32
          %add3A_159 = arith.constant 112 : i32
          %add3A_160 = arith.addi %add3A_158, %add3A_159 : i32
          %get3A_161 = arith.index_cast %add3A_160 : i32 to index
          %get3A_162 = tpu.vector_load %arg5[%get3A_161] {strides = array<i32>} : memref<32768xf32, #tpu.memory_space<vmem>>, vector<16xf32>,
          %get3A_163 = vector.shape_cast %get3A_162 : vector<16xf32> to vector<16xf32>
          %add3A_164 = arith.addf %add3A_156, %get3A_163 : vector<16xf32>
          %xor3A = arith.constant 8 : i32
          %xor3A_165 = vector.broadcast %xor3A : i32 to vector<16xi32>
          %xor3A_166 = arith.xori %iota3A, %xor3A_165 : vector<16xi32>
          %broadcast_in_dim3A_167 = vector.shape_cast %xor3A_166 : vector<16xi32> to vector<16x1xi32>
          %gather3A = vector.shape_cast %broadcast_in_dim3A_167 : vector<16x1xi32> to vector<16xi32>
          %gather3A_168 = tpu.dynamic_gather %add3A_164[%gather3A] in [0] : vector<16xf32>, vector<16xi32> -> vector<16xf32>
          %add3A_169 = arith.addf %add3A_164, %gather3A_168 : vector<16xf32>
          %xor3A_170 = arith.constant 4 : i32
          %xor3A_171 = vector.broadcast %xor3A_170 : i32 to vector<16xi32>
          %xor3A_172 = arith.xori %iota3A, %xor3A_171 : vector<16xi32>
          %broadcast_in_dim3A_173 = vector.shape_cast %xor3A_172 : vector<16xi32> to vector<16x1xi32>
          %gather3A_174 = vector.shape_cast %broadcast_in_dim3A_173 : vector<16x1xi32> to vector<16xi32>
          %gather3A_175 = tpu.dynamic_gather %add3A_169[%gather3A_174] in [0] : vector<16xf32>, vector<16xi32> -> vector<16xf32>
          %add3A_176 = arith.addf %add3A_169, %gather3A_175 : vector<16xf32>
          %xor3A_177 = arith.constant 2 : i32
          %xor3A_178 = vector.broadcast %xor3A_177 : i32 to vector<16xi32>
          %xor3A_179 = arith.xori %iota3A, %xor3A_178 : vector<16xi32>
          %broadcast_in_dim3A_180 = vector.shape_cast %xor3A_179 : vector<16xi32> to vector<16x1xi32>
          %gather3A_181 = vector.shape_cast %broadcast_in_dim3A_180 : vector<16x1xi32> to vector<16xi32>
          %gather3A_182 = tpu.dynamic_gather %add3A_176[%gather3A_181] in [0] : vector<16xf32>, vector<16xi32> -> vector<16xf32>
          %add3A_183 = arith.addf %add3A_176, %gather3A_182 : vector<16xf32>
          %xor3A_184 = arith.constant 1 : i32
          %xor3A_185 = vector.broadcast %xor3A_184 : i32 to vector<16xi32>
          %xor3A_186 = arith.xori %iota3A, %xor3A_185 : vector<16xi32>
          %broadcast_in_dim3A_187 = vector.shape_cast %xor3A_186 : vector<16xi32> to vector<16x1xi32>
          %gather3A_188 = vector.shape_cast %broadcast_in_dim3A_187 : vector<16x1xi32> to vector<16xi32>
          %gather3A_189 = tpu.dynamic_gather %add3A_183[%gather3A_188] in [0] : vector<16xf32>, vector<16xi32> -> vector<16xf32>
          %add3A_190 = arith.addf %add3A_183, %gather3A_189 : vector<16xf32>
          %eq3A_191 = arith.constant 0 : i32
          %eq3A_192 = vector.broadcast %eq3A_191 : i32 to vector<16xi32>
          %eq3A_193 = arith.cmpi eq, %iota3A, %eq3A_192 : vector<16xi32>
          %select_n3A_194 = arith.select %eq3A_193, %add3A_190, %broadcast_in_dim3A_104 : vector<16xi1>, vector<16xf32>
          %add3A_195 = arith.constant 128 : i32
          %add3A_196 = arith.addi %mul3A_103, %add3A_195 : i32
          %get3A_197 = arith.index_cast %add3A_196 : i32 to index
          %get3A_198 = tpu.vector_load %arg5[%get3A_197] {strides = array<i32>} : memref<32768xf32, #tpu.memory_space<vmem>>, vector<16xf32>,
          %get3A_199 = vector.shape_cast %get3A_198 : vector<16xf32> to vector<16xf32>
          %add3A_200 = arith.constant 128 : i32
          %add3A_201 = arith.addi %mul3A_103, %add3A_200 : i32
          %add3A_202 = arith.constant 16 : i32
          %add3A_203 = arith.addi %add3A_201, %add3A_202 : i32
          %get3A_204 = arith.index_cast %add3A_203 : i32 to index
          %get3A_205 = tpu.vector_load %arg5[%get3A_204] {strides = array<i32>} : memref<32768xf32, #tpu.memory_space<vmem>>, vector<16xf32>,
          %get3A_206 = vector.shape_cast %get3A_205 : vector<16xf32> to vector<16xf32>
          %add3A_207 = arith.addf %get3A_199, %get3A_206 : vector<16xf32>
          %add3A_208 = arith.constant 128 : i32
          %add3A_209 = arith.addi %mul3A_103, %add3A_208 : i32
          %add3A_210 = arith.constant 32 : i32
          %add3A_211 = arith.addi %add3A_209, %add3A_210 : i32
          %get3A_212 = arith.index_cast %add3A_211 : i32 to index
          %get3A_213 = tpu.vector_load %arg5[%get3A_212] {strides = array<i32>} : memref<32768xf32, #tpu.memory_space<vmem>>, vector<16xf32>,
          %get3A_214 = vector.shape_cast %get3A_213 : vector<16xf32> to vector<16xf32>
          %add3A_215 = arith.addf %add3A_207, %get3A_214 : vector<16xf32>
          %add3A_216 = arith.constant 128 : i32
          %add3A_217 = arith.addi %mul3A_103, %add3A_216 : i32
          %add3A_218 = arith.constant 48 : i32
          %add3A_219 = arith.addi %add3A_217, %add3A_218 : i32
          %get3A_220 = arith.index_cast %add3A_219 : i32 to index
          %get3A_221 = tpu.vector_load %arg5[%get3A_220] {strides = array<i32>} : memref<32768xf32, #tpu.memory_space<vmem>>, vector<16xf32>,
          %get3A_222 = vector.shape_cast %get3A_221 : vector<16xf32> to vector<16xf32>
          %add3A_223 = arith.addf %add3A_215, %get3A_222 : vector<16xf32>
          %add3A_224 = arith.constant 128 : i32
          %add3A_225 = arith.addi %mul3A_103, %add3A_224 : i32
          %add3A_226 = arith.constant 64 : i32
          %add3A_227 = arith.addi %add3A_225, %add3A_226 : i32
          %get3A_228 = arith.index_cast %add3A_227 : i32 to index
          %get3A_229 = tpu.vector_load %arg5[%get3A_228] {strides = array<i32>} : memref<32768xf32, #tpu.memory_space<vmem>>, vector<16xf32>,
          %get3A_230 = vector.shape_cast %get3A_229 : vector<16xf32> to vector<16xf32>
          %add3A_231 = arith.addf %add3A_223, %get3A_230 : vector<16xf32>
          %add3A_232 = arith.constant 128 : i32
          %add3A_233 = arith.addi %mul3A_103, %add3A_232 : i32
          %add3A_234 = arith.constant 80 : i32
          %add3A_235 = arith.addi %add3A_233, %add3A_234 : i32
          %get3A_236 = arith.index_cast %add3A_235 : i32 to index
          %get3A_237 = tpu.vector_load %arg5[%get3A_236] {strides = array<i32>} : memref<32768xf32, #tpu.memory_space<vmem>>, vector<16xf32>,
          %get3A_238 = vector.shape_cast %get3A_237 : vector<16xf32> to vector<16xf32>
          %add3A_239 = arith.addf %add3A_231, %get3A_238 : vector<16xf32>
          %add3A_240 = arith.constant 128 : i32
          %add3A_241 = arith.addi %mul3A_103, %add3A_240 : i32
          %add3A_242 = arith.constant 96 : i32
          %add3A_243 = arith.addi %add3A_241, %add3A_242 : i32
          %get3A_244 = arith.index_cast %add3A_243 : i32 to index
          %get3A_245 = tpu.vector_load %arg5[%get3A_244] {strides = array<i32>} : memref<32768xf32, #tpu.memory_space<vmem>>, vector<16xf32>,
          %get3A_246 = vector.shape_cast %get3A_245 : vector<16xf32> to vector<16xf32>
          %add3A_247 = arith.addf %add3A_239, %get3A_246 : vector<16xf32>
          %add3A_248 = arith.constant 128 : i32
          %add3A_249 = arith.addi %mul3A_103, %add3A_248 : i32
          %add3A_250 = arith.constant 112 : i32
          %add3A_251 = arith.addi %add3A_249, %add3A_250 : i32
          %get3A_252 = arith.index_cast %add3A_251 : i32 to index
          %get3A_253 = tpu.vector_load %arg5[%get3A_252] {strides = array<i32>} : memref<32768xf32, #tpu.memory_space<vmem>>, vector<16xf32>,
          %get3A_254 = vector.shape_cast %get3A_253 : vector<16xf32> to vector<16xf32>
          %add3A_255 = arith.addf %add3A_247, %get3A_254 : vector<16xf32>
          %xor3A_256 = arith.constant 8 : i32
          %xor3A_257 = vector.broadcast %xor3A_256 : i32 to vector<16xi32>
          %xor3A_258 = arith.xori %iota3A, %xor3A_257 : vector<16xi32>
          %broadcast_in_dim3A_259 = vector.shape_cast %xor3A_258 : vector<16xi32> to vector<16x1xi32>
          %gather3A_260 = vector.shape_cast %broadcast_in_dim3A_259 : vector<16x1xi32> to vector<16xi32>
          %gather3A_261 = tpu.dynamic_gather %add3A_255[%gather3A_260] in [0] : vector<16xf32>, vector<16xi32> -> vector<16xf32>
          %add3A_262 = arith.addf %add3A_255, %gather3A_261 : vector<16xf32>
          %xor3A_263 = arith.constant 4 : i32
          %xor3A_264 = vector.broadcast %xor3A_263 : i32 to vector<16xi32>
          %xor3A_265 = arith.xori %iota3A, %xor3A_264 : vector<16xi32>
          %broadcast_in_dim3A_266 = vector.shape_cast %xor3A_265 : vector<16xi32> to vector<16x1xi32>
          %gather3A_267 = vector.shape_cast %broadcast_in_dim3A_266 : vector<16x1xi32> to vector<16xi32>
          %gather3A_268 = tpu.dynamic_gather %add3A_262[%gather3A_267] in [0] : vector<16xf32>, vector<16xi32> -> vector<16xf32>
          %add3A_269 = arith.addf %add3A_262, %gather3A_268 : vector<16xf32>
          %xor3A_270 = arith.constant 2 : i32
          %xor3A_271 = vector.broadcast %xor3A_270 : i32 to vector<16xi32>
          %xor3A_272 = arith.xori %iota3A, %xor3A_271 : vector<16xi32>
          %broadcast_in_dim3A_273 = vector.shape_cast %xor3A_272 : vector<16xi32> to vector<16x1xi32>
          %gather3A_274 = vector.shape_cast %broadcast_in_dim3A_273 : vector<16x1xi32> to vector<16xi32>
          %gather3A_275 = tpu.dynamic_gather %add3A_269[%gather3A_274] in [0] : vector<16xf32>, vector<16xi32> -> vector<16xf32>
          %add3A_276 = arith.addf %add3A_269, %gather3A_275 : vector<16xf32>
          %xor3A_277 = arith.constant 1 : i32
          %xor3A_278 = vector.broadcast %xor3A_277 : i32 to vector<16xi32>
          %xor3A_279 = arith.xori %iota3A, %xor3A_278 : vector<16xi32>
          %broadcast_in_dim3A_280 = vector.shape_cast %xor3A_279 : vector<16xi32> to vector<16x1xi32>
          %gather3A_281 = vector.shape_cast %broadcast_in_dim3A_280 : vector<16x1xi32> to vector<16xi32>
          %gather3A_282 = tpu.dynamic_gather %add3A_276[%gather3A_281] in [0] : vector<16xf32>, vector<16xi32> -> vector<16xf32>
          %add3A_283 = arith.addf %add3A_276, %gather3A_282 : vector<16xf32>
          %eq3A_284 = arith.constant 1 : i32
          %eq3A_285 = vector.broadcast %eq3A_284 : i32 to vector<16xi32>
          %eq3A_286 = arith.cmpi eq, %iota3A, %eq3A_285 : vector<16xi32>
          %select_n3A_287 = arith.select %eq3A_286, %add3A_283, %select_n3A_194 : vector<16xi1>, vector<16xf32>
          %add3A_288 = arith.constant 256 : i32
          %add3A_289 = arith.addi %mul3A_103, %add3A_288 : i32
          %get3A_290 = arith.index_cast %add3A_289 : i32 to index
          %get3A_291 = tpu.vector_load %arg5[%get3A_290] {strides = array<i32>} : memref<32768xf32, #tpu.memory_space<vmem>>, vector<16xf32>,
          %get3A_292 = vector.shape_cast %get3A_291 : vector<16xf32> to vector<16xf32>
          %add3A_293 = arith.constant 256 : i32
          %add3A_294 = arith.addi %mul3A_103, %add3A_293 : i32
          %add3A_295 = arith.constant 16 : i32
          %add3A_296 = arith.addi %add3A_294, %add3A_295 : i32
          %get3A_297 = arith.index_cast %add3A_296 : i32 to index
          %get3A_298 = tpu.vector_load %arg5[%get3A_297] {strides = array<i32>} : memref<32768xf32, #tpu.memory_space<vmem>>, vector<16xf32>,
          %get3A_299 = vector.shape_cast %get3A_298 : vector<16xf32> to vector<16xf32>
          %add3A_300 = arith.addf %get3A_292, %get3A_299 : vector<16xf32>
          %add3A_301 = arith.constant 256 : i32
          %add3A_302 = arith.addi %mul3A_103, %add3A_301 : i32
          %add3A_303 = arith.constant 32 : i32
          %add3A_304 = arith.addi %add3A_302, %add3A_303 : i32
          %get3A_305 = arith.index_cast %add3A_304 : i32 to index
          %get3A_306 = tpu.vector_load %arg5[%get3A_305] {strides = array<i32>} : memref<32768xf32, #tpu.memory_space<vmem>>, vector<16xf32>,
          %get3A_307 = vector.shape_cast %get3A_306 : vector<16xf32> to vector<16xf32>
          %add3A_308 = arith.addf %add3A_300, %get3A_307 : vector<16xf32>
          %add3A_309 = arith.constant 256 : i32
          %add3A_310 = arith.addi %mul3A_103, %add3A_309 : i32
          %add3A_311 = arith.constant 48 : i32
          %add3A_312 = arith.addi %add3A_310, %add3A_311 : i32
          %get3A_313 = arith.index_cast %add3A_312 : i32 to index
          %get3A_314 = tpu.vector_load %arg5[%get3A_313] {strides = array<i32>} : memref<32768xf32, #tpu.memory_space<vmem>>, vector<16xf32>,
          %get3A_315 = vector.shape_cast %get3A_314 : vector<16xf32> to vector<16xf32>
          %add3A_316 = arith.addf %add3A_308, %get3A_315 : vector<16xf32>
          %add3A_317 = arith.constant 256 : i32
          %add3A_318 = arith.addi %mul3A_103, %add3A_317 : i32
          %add3A_319 = arith.constant 64 : i32
          %add3A_320 = arith.addi %add3A_318, %add3A_319 : i32
          %get3A_321 = arith.index_cast %add3A_320 : i32 to index
          %get3A_322 = tpu.vector_load %arg5[%get3A_321] {strides = array<i32>} : memref<32768xf32, #tpu.memory_space<vmem>>, vector<16xf32>,
          %get3A_323 = vector.shape_cast %get3A_322 : vector<16xf32> to vector<16xf32>
          %add3A_324 = arith.addf %add3A_316, %get3A_323 : vector<16xf32>
          %add3A_325 = arith.constant 256 : i32
          %add3A_326 = arith.addi %mul3A_103, %add3A_325 : i32
          %add3A_327 = arith.constant 80 : i32
          %add3A_328 = arith.addi %add3A_326, %add3A_327 : i32
          %get3A_329 = arith.index_cast %add3A_328 : i32 to index
          %get3A_330 = tpu.vector_load %arg5[%get3A_329] {strides = array<i32>} : memref<32768xf32, #tpu.memory_space<vmem>>, vector<16xf32>,
          %get3A_331 = vector.shape_cast %get3A_330 : vector<16xf32> to vector<16xf32>
          %add3A_332 = arith.addf %add3A_324, %get3A_331 : vector<16xf32>
          %add3A_333 = arith.constant 256 : i32
          %add3A_334 = arith.addi %mul3A_103, %add3A_333 : i32
          %add3A_335 = arith.constant 96 : i32
          %add3A_336 = arith.addi %add3A_334, %add3A_335 : i32
          %get3A_337 = arith.index_cast %add3A_336 : i32 to index
          %get3A_338 = tpu.vector_load %arg5[%get3A_337] {strides = array<i32>} : memref<32768xf32, #tpu.memory_space<vmem>>, vector<16xf32>,
          %get3A_339 = vector.shape_cast %get3A_338 : vector<16xf32> to vector<16xf32>
          %add3A_340 = arith.addf %add3A_332, %get3A_339 : vector<16xf32>
          %add3A_341 = arith.constant 256 : i32
          %add3A_342 = arith.addi %mul3A_103, %add3A_341 : i32
          %add3A_343 = arith.constant 112 : i32
          %add3A_344 = arith.addi %add3A_342, %add3A_343 : i32
          %get3A_345 = arith.index_cast %add3A_344 : i32 to index
          %get3A_346 = tpu.vector_load %arg5[%get3A_345] {strides = array<i32>} : memref<32768xf32, #tpu.memory_space<vmem>>, vector<16xf32>,
          %get3A_347 = vector.shape_cast %get3A_346 : vector<16xf32> to vector<16xf32>
          %add3A_348 = arith.addf %add3A_340, %get3A_347 : vector<16xf32>
          %xor3A_349 = arith.constant 8 : i32
          %xor3A_350 = vector.broadcast %xor3A_349 : i32 to vector<16xi32>
          %xor3A_351 = arith.xori %iota3A, %xor3A_350 : vector<16xi32>
          %broadcast_in_dim3A_352 = vector.shape_cast %xor3A_351 : vector<16xi32> to vector<16x1xi32>
          %gather3A_353 = vector.shape_cast %broadcast_in_dim3A_352 : vector<16x1xi32> to vector<16xi32>
          %gather3A_354 = tpu.dynamic_gather %add3A_348[%gather3A_353] in [0] : vector<16xf32>, vector<16xi32> -> vector<16xf32>
          %add3A_355 = arith.addf %add3A_348, %gather3A_354 : vector<16xf32>
          %xor3A_356 = arith.constant 4 : i32
          %xor3A_357 = vector.broadcast %xor3A_356 : i32 to vector<16xi32>
          %xor3A_358 = arith.xori %iota3A, %xor3A_357 : vector<16xi32>
          %broadcast_in_dim3A_359 = vector.shape_cast %xor3A_358 : vector<16xi32> to vector<16x1xi32>
          %gather3A_360 = vector.shape_cast %broadcast_in_dim3A_359 : vector<16x1xi32> to vector<16xi32>
          %gather3A_361 = tpu.dynamic_gather %add3A_355[%gather3A_360] in [0] : vector<16xf32>, vector<16xi32> -> vector<16xf32>
          %add3A_362 = arith.addf %add3A_355, %gather3A_361 : vector<16xf32>
          %xor3A_363 = arith.constant 2 : i32
          %xor3A_364 = vector.broadcast %xor3A_363 : i32 to vector<16xi32>
          %xor3A_365 = arith.xori %iota3A, %xor3A_364 : vector<16xi32>
          %broadcast_in_dim3A_366 = vector.shape_cast %xor3A_365 : vector<16xi32> to vector<16x1xi32>
          %gather3A_367 = vector.shape_cast %broadcast_in_dim3A_366 : vector<16x1xi32> to vector<16xi32>
          %gather3A_368 = tpu.dynamic_gather %add3A_362[%gather3A_367] in [0] : vector<16xf32>, vector<16xi32> -> vector<16xf32>
          %add3A_369 = arith.addf %add3A_362, %gather3A_368 : vector<16xf32>
          %xor3A_370 = arith.constant 1 : i32
          %xor3A_371 = vector.broadcast %xor3A_370 : i32 to vector<16xi32>
          %xor3A_372 = arith.xori %iota3A, %xor3A_371 : vector<16xi32>
          %broadcast_in_dim3A_373 = vector.shape_cast %xor3A_372 : vector<16xi32> to vector<16x1xi32>
          %gather3A_374 = vector.shape_cast %broadcast_in_dim3A_373 : vector<16x1xi32> to vector<16xi32>
          %gather3A_375 = tpu.dynamic_gather %add3A_369[%gather3A_374] in [0] : vector<16xf32>, vector<16xi32> -> vector<16xf32>
          %add3A_376 = arith.addf %add3A_369, %gather3A_375 : vector<16xf32>
          %eq3A_377 = arith.constant 2 : i32
          %eq3A_378 = vector.broadcast %eq3A_377 : i32 to vector<16xi32>
          %eq3A_379 = arith.cmpi eq, %iota3A, %eq3A_378 : vector<16xi32>
          %select_n3A_380 = arith.select %eq3A_379, %add3A_376, %select_n3A_287 : vector<16xi1>, vector<16xf32>
          %add3A_381 = arith.constant 384 : i32
          %add3A_382 = arith.addi %mul3A_103, %add3A_381 : i32
          %get3A_383 = arith.index_cast %add3A_382 : i32 to index
          %get3A_384 = tpu.vector_load %arg5[%get3A_383] {strides = array<i32>} : memref<32768xf32, #tpu.memory_space<vmem>>, vector<16xf32>,
          %get3A_385 = vector.shape_cast %get3A_384 : vector<16xf32> to vector<16xf32>
          %add3A_386 = arith.constant 384 : i32
          %add3A_387 = arith.addi %mul3A_103, %add3A_386 : i32
          %add3A_388 = arith.constant 16 : i32
          %add3A_389 = arith.addi %add3A_387, %add3A_388 : i32
          %get3A_390 = arith.index_cast %add3A_389 : i32 to index
          %get3A_391 = tpu.vector_load %arg5[%get3A_390] {strides = array<i32>} : memref<32768xf32, #tpu.memory_space<vmem>>, vector<16xf32>,
          %get3A_392 = vector.shape_cast %get3A_391 : vector<16xf32> to vector<16xf32>
          %add3A_393 = arith.addf %get3A_385, %get3A_392 : vector<16xf32>
          %add3A_394 = arith.constant 384 : i32
          %add3A_395 = arith.addi %mul3A_103, %add3A_394 : i32
          %add3A_396 = arith.constant 32 : i32
          %add3A_397 = arith.addi %add3A_395, %add3A_396 : i32
          %get3A_398 = arith.index_cast %add3A_397 : i32 to index
          %get3A_399 = tpu.vector_load %arg5[%get3A_398] {strides = array<i32>} : memref<32768xf32, #tpu.memory_space<vmem>>, vector<16xf32>,
          %get3A_400 = vector.shape_cast %get3A_399 : vector<16xf32> to vector<16xf32>
          %add3A_401 = arith.addf %add3A_393, %get3A_400 : vector<16xf32>
          %add3A_402 = arith.constant 384 : i32
          %add3A_403 = arith.addi %mul3A_103, %add3A_402 : i32
          %add3A_404 = arith.constant 48 : i32
          %add3A_405 = arith.addi %add3A_403, %add3A_404 : i32
          %get3A_406 = arith.index_cast %add3A_405 : i32 to index
          %get3A_407 = tpu.vector_load %arg5[%get3A_406] {strides = array<i32>} : memref<32768xf32, #tpu.memory_space<vmem>>, vector<16xf32>,
          %get3A_408 = vector.shape_cast %get3A_407 : vector<16xf32> to vector<16xf32>
          %add3A_409 = arith.addf %add3A_401, %get3A_408 : vector<16xf32>
          %add3A_410 = arith.constant 384 : i32
          %add3A_411 = arith.addi %mul3A_103, %add3A_410 : i32
          %add3A_412 = arith.constant 64 : i32
          %add3A_413 = arith.addi %add3A_411, %add3A_412 : i32
          %get3A_414 = arith.index_cast %add3A_413 : i32 to index
          %get3A_415 = tpu.vector_load %arg5[%get3A_414] {strides = array<i32>} : memref<32768xf32, #tpu.memory_space<vmem>>, vector<16xf32>,
          %get3A_416 = vector.shape_cast %get3A_415 : vector<16xf32> to vector<16xf32>
          %add3A_417 = arith.addf %add3A_409, %get3A_416 : vector<16xf32>
          %add3A_418 = arith.constant 384 : i32
          %add3A_419 = arith.addi %mul3A_103, %add3A_418 : i32
          %add3A_420 = arith.constant 80 : i32
          %add3A_421 = arith.addi %add3A_419, %add3A_420 : i32
          %get3A_422 = arith.index_cast %add3A_421 : i32 to index
          %get3A_423 = tpu.vector_load %arg5[%get3A_422] {strides = array<i32>} : memref<32768xf32, #tpu.memory_space<vmem>>, vector<16xf32>,
          %get3A_424 = vector.shape_cast %get3A_423 : vector<16xf32> to vector<16xf32>
          %add3A_425 = arith.addf %add3A_417, %get3A_424 : vector<16xf32>
          %add3A_426 = arith.constant 384 : i32
          %add3A_427 = arith.addi %mul3A_103, %add3A_426 : i32
          %add3A_428 = arith.constant 96 : i32
          %add3A_429 = arith.addi %add3A_427, %add3A_428 : i32
          %get3A_430 = arith.index_cast %add3A_429 : i32 to index
          %get3A_431 = tpu.vector_load %arg5[%get3A_430] {strides = array<i32>} : memref<32768xf32, #tpu.memory_space<vmem>>, vector<16xf32>,
          %get3A_432 = vector.shape_cast %get3A_431 : vector<16xf32> to vector<16xf32>
          %add3A_433 = arith.addf %add3A_425, %get3A_432 : vector<16xf32>
          %add3A_434 = arith.constant 384 : i32
          %add3A_435 = arith.addi %mul3A_103, %add3A_434 : i32
          %add3A_436 = arith.constant 112 : i32
          %add3A_437 = arith.addi %add3A_435, %add3A_436 : i32
          %get3A_438 = arith.index_cast %add3A_437 : i32 to index
          %get3A_439 = tpu.vector_load %arg5[%get3A_438] {strides = array<i32>} : memref<32768xf32, #tpu.memory_space<vmem>>, vector<16xf32>,
          %get3A_440 = vector.shape_cast %get3A_439 : vector<16xf32> to vector<16xf32>
          %add3A_441 = arith.addf %add3A_433, %get3A_440 : vector<16xf32>
          %xor3A_442 = arith.constant 8 : i32
          %xor3A_443 = vector.broadcast %xor3A_442 : i32 to vector<16xi32>
          %xor3A_444 = arith.xori %iota3A, %xor3A_443 : vector<16xi32>
          %broadcast_in_dim3A_445 = vector.shape_cast %xor3A_444 : vector<16xi32> to vector<16x1xi32>
          %gather3A_446 = vector.shape_cast %broadcast_in_dim3A_445 : vector<16x1xi32> to vector<16xi32>
          %gather3A_447 = tpu.dynamic_gather %add3A_441[%gather3A_446] in [0] : vector<16xf32>, vector<16xi32> -> vector<16xf32>
          %add3A_448 = arith.addf %add3A_441, %gather3A_447 : vector<16xf32>
          %xor3A_449 = arith.constant 4 : i32
          %xor3A_450 = vector.broadcast %xor3A_449 : i32 to vector<16xi32>
          %xor3A_451 = arith.xori %iota3A, %xor3A_450 : vector<16xi32>
          %broadcast_in_dim3A_452 = vector.shape_cast %xor3A_451 : vector<16xi32> to vector<16x1xi32>
          %gather3A_453 = vector.shape_cast %broadcast_in_dim3A_452 : vector<16x1xi32> to vector<16xi32>
          %gather3A_454 = tpu.dynamic_gather %add3A_448[%gather3A_453] in [0] : vector<16xf32>, vector<16xi32> -> vector<16xf32>
          %add3A_455 = arith.addf %add3A_448, %gather3A_454 : vector<16xf32>
          %xor3A_456 = arith.constant 2 : i32
          %xor3A_457 = vector.broadcast %xor3A_456 : i32 to vector<16xi32>
          %xor3A_458 = arith.xori %iota3A, %xor3A_457 : vector<16xi32>
          %broadcast_in_dim3A_459 = vector.shape_cast %xor3A_458 : vector<16xi32> to vector<16x1xi32>
          %gather3A_460 = vector.shape_cast %broadcast_in_dim3A_459 : vector<16x1xi32> to vector<16xi32>
          %gather3A_461 = tpu.dynamic_gather %add3A_455[%gather3A_460] in [0] : vector<16xf32>, vector<16xi32> -> vector<16xf32>
          %add3A_462 = arith.addf %add3A_455, %gather3A_461 : vector<16xf32>
          %xor3A_463 = arith.constant 1 : i32
          %xor3A_464 = vector.broadcast %xor3A_463 : i32 to vector<16xi32>
          %xor3A_465 = arith.xori %iota3A, %xor3A_464 : vector<16xi32>
          %broadcast_in_dim3A_466 = vector.shape_cast %xor3A_465 : vector<16xi32> to vector<16x1xi32>
          %gather3A_467 = vector.shape_cast %broadcast_in_dim3A_466 : vector<16x1xi32> to vector<16xi32>
          %gather3A_468 = tpu.dynamic_gather %add3A_462[%gather3A_467] in [0] : vector<16xf32>, vector<16xi32> -> vector<16xf32>
          %add3A_469 = arith.addf %add3A_462, %gather3A_468 : vector<16xf32>
          %eq3A_470 = arith.constant 3 : i32
          %eq3A_471 = vector.broadcast %eq3A_470 : i32 to vector<16xi32>
          %eq3A_472 = arith.cmpi eq, %iota3A, %eq3A_471 : vector<16xi32>
          %select_n3A_473 = arith.select %eq3A_472, %add3A_469, %select_n3A_380 : vector<16xi1>, vector<16xf32>
          %add3A_474 = arith.constant 512 : i32
          %add3A_475 = arith.addi %mul3A_103, %add3A_474 : i32
          %get3A_476 = arith.index_cast %add3A_475 : i32 to index
          %get3A_477 = tpu.vector_load %arg5[%get3A_476] {strides = array<i32>} : memref<32768xf32, #tpu.memory_space<vmem>>, vector<16xf32>,
          %get3A_478 = vector.shape_cast %get3A_477 : vector<16xf32> to vector<16xf32>
          %add3A_479 = arith.constant 512 : i32
          %add3A_480 = arith.addi %mul3A_103, %add3A_479 : i32
          %add3A_481 = arith.constant 16 : i32
          %add3A_482 = arith.addi %add3A_480, %add3A_481 : i32
          %get3A_483 = arith.index_cast %add3A_482 : i32 to index
          %get3A_484 = tpu.vector_load %arg5[%get3A_483] {strides = array<i32>} : memref<32768xf32, #tpu.memory_space<vmem>>, vector<16xf32>,
          %get3A_485 = vector.shape_cast %get3A_484 : vector<16xf32> to vector<16xf32>
          %add3A_486 = arith.addf %get3A_478, %get3A_485 : vector<16xf32>
          %add3A_487 = arith.constant 512 : i32
          %add3A_488 = arith.addi %mul3A_103, %add3A_487 : i32
          %add3A_489 = arith.constant 32 : i32
          %add3A_490 = arith.addi %add3A_488, %add3A_489 : i32
          %get3A_491 = arith.index_cast %add3A_490 : i32 to index
          %get3A_492 = tpu.vector_load %arg5[%get3A_491] {strides = array<i32>} : memref<32768xf32, #tpu.memory_space<vmem>>, vector<16xf32>,
          %get3A_493 = vector.shape_cast %get3A_492 : vector<16xf32> to vector<16xf32>
          %add3A_494 = arith.addf %add3A_486, %get3A_493 : vector<16xf32>
          %add3A_495 = arith.constant 512 : i32
          %add3A_496 = arith.addi %mul3A_103, %add3A_495 : i32
          %add3A_497 = arith.constant 48 : i32
          %add3A_498 = arith.addi %add3A_496, %add3A_497 : i32
          %get3A_499 = arith.index_cast %add3A_498 : i32 to index
          %get3A_500 = tpu.vector_load %arg5[%get3A_499] {strides = array<i32>} : memref<32768xf32, #tpu.memory_space<vmem>>, vector<16xf32>,
          %get3A_501 = vector.shape_cast %get3A_500 : vector<16xf32> to vector<16xf32>
          %add3A_502 = arith.addf %add3A_494, %get3A_501 : vector<16xf32>
          %add3A_503 = arith.constant 512 : i32
          %add3A_504 = arith.addi %mul3A_103, %add3A_503 : i32
          %add3A_505 = arith.constant 64 : i32
          %add3A_506 = arith.addi %add3A_504, %add3A_505 : i32
          %get3A_507 = arith.index_cast %add3A_506 : i32 to index
          %get3A_508 = tpu.vector_load %arg5[%get3A_507] {strides = array<i32>} : memref<32768xf32, #tpu.memory_space<vmem>>, vector<16xf32>,
          %get3A_509 = vector.shape_cast %get3A_508 : vector<16xf32> to vector<16xf32>
          %add3A_510 = arith.addf %add3A_502, %get3A_509 : vector<16xf32>
          %add3A_511 = arith.constant 512 : i32
          %add3A_512 = arith.addi %mul3A_103, %add3A_511 : i32
          %add3A_513 = arith.constant 80 : i32
          %add3A_514 = arith.addi %add3A_512, %add3A_513 : i32
          %get3A_515 = arith.index_cast %add3A_514 : i32 to index
          %get3A_516 = tpu.vector_load %arg5[%get3A_515] {strides = array<i32>} : memref<32768xf32, #tpu.memory_space<vmem>>, vector<16xf32>,
          %get3A_517 = vector.shape_cast %get3A_516 : vector<16xf32> to vector<16xf32>
          %add3A_518 = arith.addf %add3A_510, %get3A_517 : vector<16xf32>
          %add3A_519 = arith.constant 512 : i32
          %add3A_520 = arith.addi %mul3A_103, %add3A_519 : i32
          %add3A_521 = arith.constant 96 : i32
          %add3A_522 = arith.addi %add3A_520, %add3A_521 : i32
          %get3A_523 = arith.index_cast %add3A_522 : i32 to index
          %get3A_524 = tpu.vector_load %arg5[%get3A_523] {strides = array<i32>} : memref<32768xf32, #tpu.memory_space<vmem>>, vector<16xf32>,
          %get3A_525 = vector.shape_cast %get3A_524 : vector<16xf32> to vector<16xf32>
          %add3A_526 = arith.addf %add3A_518, %get3A_525 : vector<16xf32>
          %add3A_527 = arith.constant 512 : i32
          %add3A_528 = arith.addi %mul3A_103, %add3A_527 : i32
          %add3A_529 = arith.constant 112 : i32
          %add3A_530 = arith.addi %add3A_528, %add3A_529 : i32
          %get3A_531 = arith.index_cast %add3A_530 : i32 to index
          %get3A_532 = tpu.vector_load %arg5[%get3A_531] {strides = array<i32>} : memref<32768xf32, #tpu.memory_space<vmem>>, vector<16xf32>,
          %get3A_533 = vector.shape_cast %get3A_532 : vector<16xf32> to vector<16xf32>
          %add3A_534 = arith.addf %add3A_526, %get3A_533 : vector<16xf32>
          %xor3A_535 = arith.constant 8 : i32
          %xor3A_536 = vector.broadcast %xor3A_535 : i32 to vector<16xi32>
          %xor3A_537 = arith.xori %iota3A, %xor3A_536 : vector<16xi32>
          %broadcast_in_dim3A_538 = vector.shape_cast %xor3A_537 : vector<16xi32> to vector<16x1xi32>
          %gather3A_539 = vector.shape_cast %broadcast_in_dim3A_538 : vector<16x1xi32> to vector<16xi32>
          %gather3A_540 = tpu.dynamic_gather %add3A_534[%gather3A_539] in [0] : vector<16xf32>, vector<16xi32> -> vector<16xf32>
          %add3A_541 = arith.addf %add3A_534, %gather3A_540 : vector<16xf32>
          %xor3A_542 = arith.constant 4 : i32
          %xor3A_543 = vector.broadcast %xor3A_542 : i32 to vector<16xi32>
          %xor3A_544 = arith.xori %iota3A, %xor3A_543 : vector<16xi32>
          %broadcast_in_dim3A_545 = vector.shape_cast %xor3A_544 : vector<16xi32> to vector<16x1xi32>
          %gather3A_546 = vector.shape_cast %broadcast_in_dim3A_545 : vector<16x1xi32> to vector<16xi32>
          %gather3A_547 = tpu.dynamic_gather %add3A_541[%gather3A_546] in [0] : vector<16xf32>, vector<16xi32> -> vector<16xf32>
          %add3A_548 = arith.addf %add3A_541, %gather3A_547 : vector<16xf32>
          %xor3A_549 = arith.constant 2 : i32
          %xor3A_550 = vector.broadcast %xor3A_549 : i32 to vector<16xi32>
          %xor3A_551 = arith.xori %iota3A, %xor3A_550 : vector<16xi32>
          %broadcast_in_dim3A_552 = vector.shape_cast %xor3A_551 : vector<16xi32> to vector<16x1xi32>
          %gather3A_553 = vector.shape_cast %broadcast_in_dim3A_552 : vector<16x1xi32> to vector<16xi32>
          %gather3A_554 = tpu.dynamic_gather %add3A_548[%gather3A_553] in [0] : vector<16xf32>, vector<16xi32> -> vector<16xf32>
          %add3A_555 = arith.addf %add3A_548, %gather3A_554 : vector<16xf32>
          %xor3A_556 = arith.constant 1 : i32
          %xor3A_557 = vector.broadcast %xor3A_556 : i32 to vector<16xi32>
          %xor3A_558 = arith.xori %iota3A, %xor3A_557 : vector<16xi32>
          %broadcast_in_dim3A_559 = vector.shape_cast %xor3A_558 : vector<16xi32> to vector<16x1xi32>
          %gather3A_560 = vector.shape_cast %broadcast_in_dim3A_559 : vector<16x1xi32> to vector<16xi32>
          %gather3A_561 = tpu.dynamic_gather %add3A_555[%gather3A_560] in [0] : vector<16xf32>, vector<16xi32> -> vector<16xf32>
          %add3A_562 = arith.addf %add3A_555, %gather3A_561 : vector<16xf32>
          %eq3A_563 = arith.constant 4 : i32
          %eq3A_564 = vector.broadcast %eq3A_563 : i32 to vector<16xi32>
          %eq3A_565 = arith.cmpi eq, %iota3A, %eq3A_564 : vector<16xi32>
          %select_n3A_566 = arith.select %eq3A_565, %add3A_562, %select_n3A_473 : vector<16xi1>, vector<16xf32>
          %add3A_567 = arith.constant 640 : i32
          %add3A_568 = arith.addi %mul3A_103, %add3A_567 : i32
          %get3A_569 = arith.index_cast %add3A_568 : i32 to index
          %get3A_570 = tpu.vector_load %arg5[%get3A_569] {strides = array<i32>} : memref<32768xf32, #tpu.memory_space<vmem>>, vector<16xf32>,
          %get3A_571 = vector.shape_cast %get3A_570 : vector<16xf32> to vector<16xf32>
          %add3A_572 = arith.constant 640 : i32
          %add3A_573 = arith.addi %mul3A_103, %add3A_572 : i32
          %add3A_574 = arith.constant 16 : i32
          %add3A_575 = arith.addi %add3A_573, %add3A_574 : i32
          %get3A_576 = arith.index_cast %add3A_575 : i32 to index
          %get3A_577 = tpu.vector_load %arg5[%get3A_576] {strides = array<i32>} : memref<32768xf32, #tpu.memory_space<vmem>>, vector<16xf32>,
          %get3A_578 = vector.shape_cast %get3A_577 : vector<16xf32> to vector<16xf32>
          %add3A_579 = arith.addf %get3A_571, %get3A_578 : vector<16xf32>
          %add3A_580 = arith.constant 640 : i32
          %add3A_581 = arith.addi %mul3A_103, %add3A_580 : i32
          %add3A_582 = arith.constant 32 : i32
          %add3A_583 = arith.addi %add3A_581, %add3A_582 : i32
          %get3A_584 = arith.index_cast %add3A_583 : i32 to index
          %get3A_585 = tpu.vector_load %arg5[%get3A_584] {strides = array<i32>} : memref<32768xf32, #tpu.memory_space<vmem>>, vector<16xf32>,
          %get3A_586 = vector.shape_cast %get3A_585 : vector<16xf32> to vector<16xf32>
          %add3A_587 = arith.addf %add3A_579, %get3A_586 : vector<16xf32>
          %add3A_588 = arith.constant 640 : i32
          %add3A_589 = arith.addi %mul3A_103, %add3A_588 : i32
          %add3A_590 = arith.constant 48 : i32
          %add3A_591 = arith.addi %add3A_589, %add3A_590 : i32
          %get3A_592 = arith.index_cast %add3A_591 : i32 to index
          %get3A_593 = tpu.vector_load %arg5[%get3A_592] {strides = array<i32>} : memref<32768xf32, #tpu.memory_space<vmem>>, vector<16xf32>,
          %get3A_594 = vector.shape_cast %get3A_593 : vector<16xf32> to vector<16xf32>
          %add3A_595 = arith.addf %add3A_587, %get3A_594 : vector<16xf32>
          %add3A_596 = arith.constant 640 : i32
          %add3A_597 = arith.addi %mul3A_103, %add3A_596 : i32
          %add3A_598 = arith.constant 64 : i32
          %add3A_599 = arith.addi %add3A_597, %add3A_598 : i32
          %get3A_600 = arith.index_cast %add3A_599 : i32 to index
          %get3A_601 = tpu.vector_load %arg5[%get3A_600] {strides = array<i32>} : memref<32768xf32, #tpu.memory_space<vmem>>, vector<16xf32>,
          %get3A_602 = vector.shape_cast %get3A_601 : vector<16xf32> to vector<16xf32>
          %add3A_603 = arith.addf %add3A_595, %get3A_602 : vector<16xf32>
          %add3A_604 = arith.constant 640 : i32
          %add3A_605 = arith.addi %mul3A_103, %add3A_604 : i32
          %add3A_606 = arith.constant 80 : i32
          %add3A_607 = arith.addi %add3A_605, %add3A_606 : i32
          %get3A_608 = arith.index_cast %add3A_607 : i32 to index
          %get3A_609 = tpu.vector_load %arg5[%get3A_608] {strides = array<i32>} : memref<32768xf32, #tpu.memory_space<vmem>>, vector<16xf32>,
          %get3A_610 = vector.shape_cast %get3A_609 : vector<16xf32> to vector<16xf32>
          %add3A_611 = arith.addf %add3A_603, %get3A_610 : vector<16xf32>
          %add3A_612 = arith.constant 640 : i32
          %add3A_613 = arith.addi %mul3A_103, %add3A_612 : i32
          %add3A_614 = arith.constant 96 : i32
          %add3A_615 = arith.addi %add3A_613, %add3A_614 : i32
          %get3A_616 = arith.index_cast %add3A_615 : i32 to index
          %get3A_617 = tpu.vector_load %arg5[%get3A_616] {strides = array<i32>} : memref<32768xf32, #tpu.memory_space<vmem>>, vector<16xf32>,
          %get3A_618 = vector.shape_cast %get3A_617 : vector<16xf32> to vector<16xf32>
          %add3A_619 = arith.addf %add3A_611, %get3A_618 : vector<16xf32>
          %add3A_620 = arith.constant 640 : i32
          %add3A_621 = arith.addi %mul3A_103, %add3A_620 : i32
          %add3A_622 = arith.constant 112 : i32
          %add3A_623 = arith.addi %add3A_621, %add3A_622 : i32
          %get3A_624 = arith.index_cast %add3A_623 : i32 to index
          %get3A_625 = tpu.vector_load %arg5[%get3A_624] {strides = array<i32>} : memref<32768xf32, #tpu.memory_space<vmem>>, vector<16xf32>,
          %get3A_626 = vector.shape_cast %get3A_625 : vector<16xf32> to vector<16xf32>
          %add3A_627 = arith.addf %add3A_619, %get3A_626 : vector<16xf32>
          %xor3A_628 = arith.constant 8 : i32
          %xor3A_629 = vector.broadcast %xor3A_628 : i32 to vector<16xi32>
          %xor3A_630 = arith.xori %iota3A, %xor3A_629 : vector<16xi32>
          %broadcast_in_dim3A_631 = vector.shape_cast %xor3A_630 : vector<16xi32> to vector<16x1xi32>
          %gather3A_632 = vector.shape_cast %broadcast_in_dim3A_631 : vector<16x1xi32> to vector<16xi32>
          %gather3A_633 = tpu.dynamic_gather %add3A_627[%gather3A_632] in [0] : vector<16xf32>, vector<16xi32> -> vector<16xf32>
          %add3A_634 = arith.addf %add3A_627, %gather3A_633 : vector<16xf32>
          %xor3A_635 = arith.constant 4 : i32
          %xor3A_636 = vector.broadcast %xor3A_635 : i32 to vector<16xi32>
          %xor3A_637 = arith.xori %iota3A, %xor3A_636 : vector<16xi32>
          %broadcast_in_dim3A_638 = vector.shape_cast %xor3A_637 : vector<16xi32> to vector<16x1xi32>
          %gather3A_639 = vector.shape_cast %broadcast_in_dim3A_638 : vector<16x1xi32> to vector<16xi32>
          %gather3A_640 = tpu.dynamic_gather %add3A_634[%gather3A_639] in [0] : vector<16xf32>, vector<16xi32> -> vector<16xf32>
          %add3A_641 = arith.addf %add3A_634, %gather3A_640 : vector<16xf32>
          %xor3A_642 = arith.constant 2 : i32
          %xor3A_643 = vector.broadcast %xor3A_642 : i32 to vector<16xi32>
          %xor3A_644 = arith.xori %iota3A, %xor3A_643 : vector<16xi32>
          %broadcast_in_dim3A_645 = vector.shape_cast %xor3A_644 : vector<16xi32> to vector<16x1xi32>
          %gather3A_646 = vector.shape_cast %broadcast_in_dim3A_645 : vector<16x1xi32> to vector<16xi32>
          %gather3A_647 = tpu.dynamic_gather %add3A_641[%gather3A_646] in [0] : vector<16xf32>, vector<16xi32> -> vector<16xf32>
          %add3A_648 = arith.addf %add3A_641, %gather3A_647 : vector<16xf32>
          %xor3A_649 = arith.constant 1 : i32
          %xor3A_650 = vector.broadcast %xor3A_649 : i32 to vector<16xi32>
          %xor3A_651 = arith.xori %iota3A, %xor3A_650 : vector<16xi32>
          %broadcast_in_dim3A_652 = vector.shape_cast %xor3A_651 : vector<16xi32> to vector<16x1xi32>
          %gather3A_653 = vector.shape_cast %broadcast_in_dim3A_652 : vector<16x1xi32> to vector<16xi32>
          %gather3A_654 = tpu.dynamic_gather %add3A_648[%gather3A_653] in [0] : vector<16xf32>, vector<16xi32> -> vector<16xf32>
          %add3A_655 = arith.addf %add3A_648, %gather3A_654 : vector<16xf32>
          %eq3A_656 = arith.constant 5 : i32
          %eq3A_657 = vector.broadcast %eq3A_656 : i32 to vector<16xi32>
          %eq3A_658 = arith.cmpi eq, %iota3A, %eq3A_657 : vector<16xi32>
          %select_n3A_659 = arith.select %eq3A_658, %add3A_655, %select_n3A_566 : vector<16xi1>, vector<16xf32>
          %add3A_660 = arith.constant 768 : i32
          %add3A_661 = arith.addi %mul3A_103, %add3A_660 : i32
          %get3A_662 = arith.index_cast %add3A_661 : i32 to index
          %get3A_663 = tpu.vector_load %arg5[%get3A_662] {strides = array<i32>} : memref<32768xf32, #tpu.memory_space<vmem>>, vector<16xf32>,
          %get3A_664 = vector.shape_cast %get3A_663 : vector<16xf32> to vector<16xf32>
          %add3A_665 = arith.constant 768 : i32
          %add3A_666 = arith.addi %mul3A_103, %add3A_665 : i32
          %add3A_667 = arith.constant 16 : i32
          %add3A_668 = arith.addi %add3A_666, %add3A_667 : i32
          %get3A_669 = arith.index_cast %add3A_668 : i32 to index
          %get3A_670 = tpu.vector_load %arg5[%get3A_669] {strides = array<i32>} : memref<32768xf32, #tpu.memory_space<vmem>>, vector<16xf32>,
          %get3A_671 = vector.shape_cast %get3A_670 : vector<16xf32> to vector<16xf32>
          %add3A_672 = arith.addf %get3A_664, %get3A_671 : vector<16xf32>
          %add3A_673 = arith.constant 768 : i32
          %add3A_674 = arith.addi %mul3A_103, %add3A_673 : i32
          %add3A_675 = arith.constant 32 : i32
          %add3A_676 = arith.addi %add3A_674, %add3A_675 : i32
          %get3A_677 = arith.index_cast %add3A_676 : i32 to index
          %get3A_678 = tpu.vector_load %arg5[%get3A_677] {strides = array<i32>} : memref<32768xf32, #tpu.memory_space<vmem>>, vector<16xf32>,
          %get3A_679 = vector.shape_cast %get3A_678 : vector<16xf32> to vector<16xf32>
          %add3A_680 = arith.addf %add3A_672, %get3A_679 : vector<16xf32>
          %add3A_681 = arith.constant 768 : i32
          %add3A_682 = arith.addi %mul3A_103, %add3A_681 : i32
          %add3A_683 = arith.constant 48 : i32
          %add3A_684 = arith.addi %add3A_682, %add3A_683 : i32
          %get3A_685 = arith.index_cast %add3A_684 : i32 to index
          %get3A_686 = tpu.vector_load %arg5[%get3A_685] {strides = array<i32>} : memref<32768xf32, #tpu.memory_space<vmem>>, vector<16xf32>,
          %get3A_687 = vector.shape_cast %get3A_686 : vector<16xf32> to vector<16xf32>
          %add3A_688 = arith.addf %add3A_680, %get3A_687 : vector<16xf32>
          %add3A_689 = arith.constant 768 : i32
          %add3A_690 = arith.addi %mul3A_103, %add3A_689 : i32
          %add3A_691 = arith.constant 64 : i32
          %add3A_692 = arith.addi %add3A_690, %add3A_691 : i32
          %get3A_693 = arith.index_cast %add3A_692 : i32 to index
          %get3A_694 = tpu.vector_load %arg5[%get3A_693] {strides = array<i32>} : memref<32768xf32, #tpu.memory_space<vmem>>, vector<16xf32>,
          %get3A_695 = vector.shape_cast %get3A_694 : vector<16xf32> to vector<16xf32>
          %add3A_696 = arith.addf %add3A_688, %get3A_695 : vector<16xf32>
          %add3A_697 = arith.constant 768 : i32
          %add3A_698 = arith.addi %mul3A_103, %add3A_697 : i32
          %add3A_699 = arith.constant 80 : i32
          %add3A_700 = arith.addi %add3A_698, %add3A_699 : i32
          %get3A_701 = arith.index_cast %add3A_700 : i32 to index
          %get3A_702 = tpu.vector_load %arg5[%get3A_701] {strides = array<i32>} : memref<32768xf32, #tpu.memory_space<vmem>>, vector<16xf32>,
          %get3A_703 = vector.shape_cast %get3A_702 : vector<16xf32> to vector<16xf32>
          %add3A_704 = arith.addf %add3A_696, %get3A_703 : vector<16xf32>
          %add3A_705 = arith.constant 768 : i32
          %add3A_706 = arith.addi %mul3A_103, %add3A_705 : i32
          %add3A_707 = arith.constant 96 : i32
          %add3A_708 = arith.addi %add3A_706, %add3A_707 : i32
          %get3A_709 = arith.index_cast %add3A_708 : i32 to index
          %get3A_710 = tpu.vector_load %arg5[%get3A_709] {strides = array<i32>} : memref<32768xf32, #tpu.memory_space<vmem>>, vector<16xf32>,
          %get3A_711 = vector.shape_cast %get3A_710 : vector<16xf32> to vector<16xf32>
          %add3A_712 = arith.addf %add3A_704, %get3A_711 : vector<16xf32>
          %add3A_713 = arith.constant 768 : i32
          %add3A_714 = arith.addi %mul3A_103, %add3A_713 : i32
          %add3A_715 = arith.constant 112 : i32
          %add3A_716 = arith.addi %add3A_714, %add3A_715 : i32
          %get3A_717 = arith.index_cast %add3A_716 : i32 to index
          %get3A_718 = tpu.vector_load %arg5[%get3A_717] {strides = array<i32>} : memref<32768xf32, #tpu.memory_space<vmem>>, vector<16xf32>,
          %get3A_719 = vector.shape_cast %get3A_718 : vector<16xf32> to vector<16xf32>
          %add3A_720 = arith.addf %add3A_712, %get3A_719 : vector<16xf32>
          %xor3A_721 = arith.constant 8 : i32
          %xor3A_722 = vector.broadcast %xor3A_721 : i32 to vector<16xi32>
          %xor3A_723 = arith.xori %iota3A, %xor3A_722 : vector<16xi32>
          %broadcast_in_dim3A_724 = vector.shape_cast %xor3A_723 : vector<16xi32> to vector<16x1xi32>
          %gather3A_725 = vector.shape_cast %broadcast_in_dim3A_724 : vector<16x1xi32> to vector<16xi32>
          %gather3A_726 = tpu.dynamic_gather %add3A_720[%gather3A_725] in [0] : vector<16xf32>, vector<16xi32> -> vector<16xf32>
          %add3A_727 = arith.addf %add3A_720, %gather3A_726 : vector<16xf32>
          %xor3A_728 = arith.constant 4 : i32
          %xor3A_729 = vector.broadcast %xor3A_728 : i32 to vector<16xi32>
          %xor3A_730 = arith.xori %iota3A, %xor3A_729 : vector<16xi32>
          %broadcast_in_dim3A_731 = vector.shape_cast %xor3A_730 : vector<16xi32> to vector<16x1xi32>
          %gather3A_732 = vector.shape_cast %broadcast_in_dim3A_731 : vector<16x1xi32> to vector<16xi32>
          %gather3A_733 = tpu.dynamic_gather %add3A_727[%gather3A_732] in [0] : vector<16xf32>, vector<16xi32> -> vector<16xf32>
          %add3A_734 = arith.addf %add3A_727, %gather3A_733 : vector<16xf32>
          %xor3A_735 = arith.constant 2 : i32
          %xor3A_736 = vector.broadcast %xor3A_735 : i32 to vector<16xi32>
          %xor3A_737 = arith.xori %iota3A, %xor3A_736 : vector<16xi32>
          %broadcast_in_dim3A_738 = vector.shape_cast %xor3A_737 : vector<16xi32> to vector<16x1xi32>
          %gather3A_739 = vector.shape_cast %broadcast_in_dim3A_738 : vector<16x1xi32> to vector<16xi32>
          %gather3A_740 = tpu.dynamic_gather %add3A_734[%gather3A_739] in [0] : vector<16xf32>, vector<16xi32> -> vector<16xf32>
          %add3A_741 = arith.addf %add3A_734, %gather3A_740 : vector<16xf32>
          %xor3A_742 = arith.constant 1 : i32
          %xor3A_743 = vector.broadcast %xor3A_742 : i32 to vector<16xi32>
          %xor3A_744 = arith.xori %iota3A, %xor3A_743 : vector<16xi32>
          %broadcast_in_dim3A_745 = vector.shape_cast %xor3A_744 : vector<16xi32> to vector<16x1xi32>
          %gather3A_746 = vector.shape_cast %broadcast_in_dim3A_745 : vector<16x1xi32> to vector<16xi32>
          %gather3A_747 = tpu.dynamic_gather %add3A_741[%gather3A_746] in [0] : vector<16xf32>, vector<16xi32> -> vector<16xf32>
          %add3A_748 = arith.addf %add3A_741, %gather3A_747 : vector<16xf32>
          %eq3A_749 = arith.constant 6 : i32
          %eq3A_750 = vector.broadcast %eq3A_749 : i32 to vector<16xi32>
          %eq3A_751 = arith.cmpi eq, %iota3A, %eq3A_750 : vector<16xi32>
          %select_n3A_752 = arith.select %eq3A_751, %add3A_748, %select_n3A_659 : vector<16xi1>, vector<16xf32>
          %add3A_753 = arith.constant 896 : i32
          %add3A_754 = arith.addi %mul3A_103, %add3A_753 : i32
          %get3A_755 = arith.index_cast %add3A_754 : i32 to index
          %get3A_756 = tpu.vector_load %arg5[%get3A_755] {strides = array<i32>} : memref<32768xf32, #tpu.memory_space<vmem>>, vector<16xf32>,
          %get3A_757 = vector.shape_cast %get3A_756 : vector<16xf32> to vector<16xf32>
          %add3A_758 = arith.constant 896 : i32
          %add3A_759 = arith.addi %mul3A_103, %add3A_758 : i32
          %add3A_760 = arith.constant 16 : i32
          %add3A_761 = arith.addi %add3A_759, %add3A_760 : i32
          %get3A_762 = arith.index_cast %add3A_761 : i32 to index
          %get3A_763 = tpu.vector_load %arg5[%get3A_762] {strides = array<i32>} : memref<32768xf32, #tpu.memory_space<vmem>>, vector<16xf32>,
          %get3A_764 = vector.shape_cast %get3A_763 : vector<16xf32> to vector<16xf32>
          %add3A_765 = arith.addf %get3A_757, %get3A_764 : vector<16xf32>
          %add3A_766 = arith.constant 896 : i32
          %add3A_767 = arith.addi %mul3A_103, %add3A_766 : i32
          %add3A_768 = arith.constant 32 : i32
          %add3A_769 = arith.addi %add3A_767, %add3A_768 : i32
          %get3A_770 = arith.index_cast %add3A_769 : i32 to index
          %get3A_771 = tpu.vector_load %arg5[%get3A_770] {strides = array<i32>} : memref<32768xf32, #tpu.memory_space<vmem>>, vector<16xf32>,
          %get3A_772 = vector.shape_cast %get3A_771 : vector<16xf32> to vector<16xf32>
          %add3A_773 = arith.addf %add3A_765, %get3A_772 : vector<16xf32>
          %add3A_774 = arith.constant 896 : i32
          %add3A_775 = arith.addi %mul3A_103, %add3A_774 : i32
          %add3A_776 = arith.constant 48 : i32
          %add3A_777 = arith.addi %add3A_775, %add3A_776 : i32
          %get3A_778 = arith.index_cast %add3A_777 : i32 to index
          %get3A_779 = tpu.vector_load %arg5[%get3A_778] {strides = array<i32>} : memref<32768xf32, #tpu.memory_space<vmem>>, vector<16xf32>,
          %get3A_780 = vector.shape_cast %get3A_779 : vector<16xf32> to vector<16xf32>
          %add3A_781 = arith.addf %add3A_773, %get3A_780 : vector<16xf32>
          %add3A_782 = arith.constant 896 : i32
          %add3A_783 = arith.addi %mul3A_103, %add3A_782 : i32
          %add3A_784 = arith.constant 64 : i32
          %add3A_785 = arith.addi %add3A_783, %add3A_784 : i32
          %get3A_786 = arith.index_cast %add3A_785 : i32 to index
          %get3A_787 = tpu.vector_load %arg5[%get3A_786] {strides = array<i32>} : memref<32768xf32, #tpu.memory_space<vmem>>, vector<16xf32>,
          %get3A_788 = vector.shape_cast %get3A_787 : vector<16xf32> to vector<16xf32>
          %add3A_789 = arith.addf %add3A_781, %get3A_788 : vector<16xf32>
          %add3A_790 = arith.constant 896 : i32
          %add3A_791 = arith.addi %mul3A_103, %add3A_790 : i32
          %add3A_792 = arith.constant 80 : i32
          %add3A_793 = arith.addi %add3A_791, %add3A_792 : i32
          %get3A_794 = arith.index_cast %add3A_793 : i32 to index
          %get3A_795 = tpu.vector_load %arg5[%get3A_794] {strides = array<i32>} : memref<32768xf32, #tpu.memory_space<vmem>>, vector<16xf32>,
          %get3A_796 = vector.shape_cast %get3A_795 : vector<16xf32> to vector<16xf32>
          %add3A_797 = arith.addf %add3A_789, %get3A_796 : vector<16xf32>
          %add3A_798 = arith.constant 896 : i32
          %add3A_799 = arith.addi %mul3A_103, %add3A_798 : i32
          %add3A_800 = arith.constant 96 : i32
          %add3A_801 = arith.addi %add3A_799, %add3A_800 : i32
          %get3A_802 = arith.index_cast %add3A_801 : i32 to index
          %get3A_803 = tpu.vector_load %arg5[%get3A_802] {strides = array<i32>} : memref<32768xf32, #tpu.memory_space<vmem>>, vector<16xf32>,
          %get3A_804 = vector.shape_cast %get3A_803 : vector<16xf32> to vector<16xf32>
          %add3A_805 = arith.addf %add3A_797, %get3A_804 : vector<16xf32>
          %add3A_806 = arith.constant 896 : i32
          %add3A_807 = arith.addi %mul3A_103, %add3A_806 : i32
          %add3A_808 = arith.constant 112 : i32
          %add3A_809 = arith.addi %add3A_807, %add3A_808 : i32
          %get3A_810 = arith.index_cast %add3A_809 : i32 to index
          %get3A_811 = tpu.vector_load %arg5[%get3A_810] {strides = array<i32>} : memref<32768xf32, #tpu.memory_space<vmem>>, vector<16xf32>,
          %get3A_812 = vector.shape_cast %get3A_811 : vector<16xf32> to vector<16xf32>
          %add3A_813 = arith.addf %add3A_805, %get3A_812 : vector<16xf32>
          %xor3A_814 = arith.constant 8 : i32
          %xor3A_815 = vector.broadcast %xor3A_814 : i32 to vector<16xi32>
          %xor3A_816 = arith.xori %iota3A, %xor3A_815 : vector<16xi32>
          %broadcast_in_dim3A_817 = vector.shape_cast %xor3A_816 : vector<16xi32> to vector<16x1xi32>
          %gather3A_818 = vector.shape_cast %broadcast_in_dim3A_817 : vector<16x1xi32> to vector<16xi32>
          %gather3A_819 = tpu.dynamic_gather %add3A_813[%gather3A_818] in [0] : vector<16xf32>, vector<16xi32> -> vector<16xf32>
          %add3A_820 = arith.addf %add3A_813, %gather3A_819 : vector<16xf32>
          %xor3A_821 = arith.constant 4 : i32
          %xor3A_822 = vector.broadcast %xor3A_821 : i32 to vector<16xi32>
          %xor3A_823 = arith.xori %iota3A, %xor3A_822 : vector<16xi32>
          %broadcast_in_dim3A_824 = vector.shape_cast %xor3A_823 : vector<16xi32> to vector<16x1xi32>
          %gather3A_825 = vector.shape_cast %broadcast_in_dim3A_824 : vector<16x1xi32> to vector<16xi32>
          %gather3A_826 = tpu.dynamic_gather %add3A_820[%gather3A_825] in [0] : vector<16xf32>, vector<16xi32> -> vector<16xf32>
          %add3A_827 = arith.addf %add3A_820, %gather3A_826 : vector<16xf32>
          %xor3A_828 = arith.constant 2 : i32
          %xor3A_829 = vector.broadcast %xor3A_828 : i32 to vector<16xi32>
          %xor3A_830 = arith.xori %iota3A, %xor3A_829 : vector<16xi32>
          %broadcast_in_dim3A_831 = vector.shape_cast %xor3A_830 : vector<16xi32> to vector<16x1xi32>
          %gather3A_832 = vector.shape_cast %broadcast_in_dim3A_831 : vector<16x1xi32> to vector<16xi32>
          %gather3A_833 = tpu.dynamic_gather %add3A_827[%gather3A_832] in [0] : vector<16xf32>, vector<16xi32> -> vector<16xf32>
          %add3A_834 = arith.addf %add3A_827, %gather3A_833 : vector<16xf32>
          %xor3A_835 = arith.constant 1 : i32
          %xor3A_836 = vector.broadcast %xor3A_835 : i32 to vector<16xi32>
          %xor3A_837 = arith.xori %iota3A, %xor3A_836 : vector<16xi32>
          %broadcast_in_dim3A_838 = vector.shape_cast %xor3A_837 : vector<16xi32> to vector<16x1xi32>
          %gather3A_839 = vector.shape_cast %broadcast_in_dim3A_838 : vector<16x1xi32> to vector<16xi32>
          %gather3A_840 = tpu.dynamic_gather %add3A_834[%gather3A_839] in [0] : vector<16xf32>, vector<16xi32> -> vector<16xf32>
          %add3A_841 = arith.addf %add3A_834, %gather3A_840 : vector<16xf32>
          %eq3A_842 = arith.constant 7 : i32
          %eq3A_843 = vector.broadcast %eq3A_842 : i32 to vector<16xi32>
          %eq3A_844 = arith.cmpi eq, %iota3A, %eq3A_843 : vector<16xi32>
          %select_n3A_845 = arith.select %eq3A_844, %add3A_841, %select_n3A_752 : vector<16xi1>, vector<16xf32>
          %add3A_846 = arith.constant 1024 : i32
          %add3A_847 = arith.addi %mul3A_103, %add3A_846 : i32
          %get3A_848 = arith.index_cast %add3A_847 : i32 to index
          %get3A_849 = tpu.vector_load %arg5[%get3A_848] {strides = array<i32>} : memref<32768xf32, #tpu.memory_space<vmem>>, vector<16xf32>,
          %get3A_850 = vector.shape_cast %get3A_849 : vector<16xf32> to vector<16xf32>
          %add3A_851 = arith.constant 1024 : i32
          %add3A_852 = arith.addi %mul3A_103, %add3A_851 : i32
          %add3A_853 = arith.constant 16 : i32
          %add3A_854 = arith.addi %add3A_852, %add3A_853 : i32
          %get3A_855 = arith.index_cast %add3A_854 : i32 to index
          %get3A_856 = tpu.vector_load %arg5[%get3A_855] {strides = array<i32>} : memref<32768xf32, #tpu.memory_space<vmem>>, vector<16xf32>,
          %get3A_857 = vector.shape_cast %get3A_856 : vector<16xf32> to vector<16xf32>
          %add3A_858 = arith.addf %get3A_850, %get3A_857 : vector<16xf32>
          %add3A_859 = arith.constant 1024 : i32
          %add3A_860 = arith.addi %mul3A_103, %add3A_859 : i32
          %add3A_861 = arith.constant 32 : i32
          %add3A_862 = arith.addi %add3A_860, %add3A_861 : i32
          %get3A_863 = arith.index_cast %add3A_862 : i32 to index
          %get3A_864 = tpu.vector_load %arg5[%get3A_863] {strides = array<i32>} : memref<32768xf32, #tpu.memory_space<vmem>>, vector<16xf32>,
          %get3A_865 = vector.shape_cast %get3A_864 : vector<16xf32> to vector<16xf32>
          %add3A_866 = arith.addf %add3A_858, %get3A_865 : vector<16xf32>
          %add3A_867 = arith.constant 1024 : i32
          %add3A_868 = arith.addi %mul3A_103, %add3A_867 : i32
          %add3A_869 = arith.constant 48 : i32
          %add3A_870 = arith.addi %add3A_868, %add3A_869 : i32
          %get3A_871 = arith.index_cast %add3A_870 : i32 to index
          %get3A_872 = tpu.vector_load %arg5[%get3A_871] {strides = array<i32>} : memref<32768xf32, #tpu.memory_space<vmem>>, vector<16xf32>,
          %get3A_873 = vector.shape_cast %get3A_872 : vector<16xf32> to vector<16xf32>
          %add3A_874 = arith.addf %add3A_866, %get3A_873 : vector<16xf32>
          %add3A_875 = arith.constant 1024 : i32
          %add3A_876 = arith.addi %mul3A_103, %add3A_875 : i32
          %add3A_877 = arith.constant 64 : i32
          %add3A_878 = arith.addi %add3A_876, %add3A_877 : i32
          %get3A_879 = arith.index_cast %add3A_878 : i32 to index
          %get3A_880 = tpu.vector_load %arg5[%get3A_879] {strides = array<i32>} : memref<32768xf32, #tpu.memory_space<vmem>>, vector<16xf32>,
          %get3A_881 = vector.shape_cast %get3A_880 : vector<16xf32> to vector<16xf32>
          %add3A_882 = arith.addf %add3A_874, %get3A_881 : vector<16xf32>
          %add3A_883 = arith.constant 1024 : i32
          %add3A_884 = arith.addi %mul3A_103, %add3A_883 : i32
          %add3A_885 = arith.constant 80 : i32
          %add3A_886 = arith.addi %add3A_884, %add3A_885 : i32
          %get3A_887 = arith.index_cast %add3A_886 : i32 to index
          %get3A_888 = tpu.vector_load %arg5[%get3A_887] {strides = array<i32>} : memref<32768xf32, #tpu.memory_space<vmem>>, vector<16xf32>,
          %get3A_889 = vector.shape_cast %get3A_888 : vector<16xf32> to vector<16xf32>
          %add3A_890 = arith.addf %add3A_882, %get3A_889 : vector<16xf32>
          %add3A_891 = arith.constant 1024 : i32
          %add3A_892 = arith.addi %mul3A_103, %add3A_891 : i32
          %add3A_893 = arith.constant 96 : i32
          %add3A_894 = arith.addi %add3A_892, %add3A_893 : i32
          %get3A_895 = arith.index_cast %add3A_894 : i32 to index
          %get3A_896 = tpu.vector_load %arg5[%get3A_895] {strides = array<i32>} : memref<32768xf32, #tpu.memory_space<vmem>>, vector<16xf32>,
          %get3A_897 = vector.shape_cast %get3A_896 : vector<16xf32> to vector<16xf32>
          %add3A_898 = arith.addf %add3A_890, %get3A_897 : vector<16xf32>
          %add3A_899 = arith.constant 1024 : i32
          %add3A_900 = arith.addi %mul3A_103, %add3A_899 : i32
          %add3A_901 = arith.constant 112 : i32
          %add3A_902 = arith.addi %add3A_900, %add3A_901 : i32
          %get3A_903 = arith.index_cast %add3A_902 : i32 to index
          %get3A_904 = tpu.vector_load %arg5[%get3A_903] {strides = array<i32>} : memref<32768xf32, #tpu.memory_space<vmem>>, vector<16xf32>,
          %get3A_905 = vector.shape_cast %get3A_904 : vector<16xf32> to vector<16xf32>
          %add3A_906 = arith.addf %add3A_898, %get3A_905 : vector<16xf32>
          %xor3A_907 = arith.constant 8 : i32
          %xor3A_908 = vector.broadcast %xor3A_907 : i32 to vector<16xi32>
          %xor3A_909 = arith.xori %iota3A, %xor3A_908 : vector<16xi32>
          %broadcast_in_dim3A_910 = vector.shape_cast %xor3A_909 : vector<16xi32> to vector<16x1xi32>
          %gather3A_911 = vector.shape_cast %broadcast_in_dim3A_910 : vector<16x1xi32> to vector<16xi32>
          %gather3A_912 = tpu.dynamic_gather %add3A_906[%gather3A_911] in [0] : vector<16xf32>, vector<16xi32> -> vector<16xf32>
          %add3A_913 = arith.addf %add3A_906, %gather3A_912 : vector<16xf32>
          %xor3A_914 = arith.constant 4 : i32
          %xor3A_915 = vector.broadcast %xor3A_914 : i32 to vector<16xi32>
          %xor3A_916 = arith.xori %iota3A, %xor3A_915 : vector<16xi32>
          %broadcast_in_dim3A_917 = vector.shape_cast %xor3A_916 : vector<16xi32> to vector<16x1xi32>
          %gather3A_918 = vector.shape_cast %broadcast_in_dim3A_917 : vector<16x1xi32> to vector<16xi32>
          %gather3A_919 = tpu.dynamic_gather %add3A_913[%gather3A_918] in [0] : vector<16xf32>, vector<16xi32> -> vector<16xf32>
          %add3A_920 = arith.addf %add3A_913, %gather3A_919 : vector<16xf32>
          %xor3A_921 = arith.constant 2 : i32
          %xor3A_922 = vector.broadcast %xor3A_921 : i32 to vector<16xi32>
          %xor3A_923 = arith.xori %iota3A, %xor3A_922 : vector<16xi32>
          %broadcast_in_dim3A_924 = vector.shape_cast %xor3A_923 : vector<16xi32> to vector<16x1xi32>
          %gather3A_925 = vector.shape_cast %broadcast_in_dim3A_924 : vector<16x1xi32> to vector<16xi32>
          %gather3A_926 = tpu.dynamic_gather %add3A_920[%gather3A_925] in [0] : vector<16xf32>, vector<16xi32> -> vector<16xf32>
          %add3A_927 = arith.addf %add3A_920, %gather3A_926 : vector<16xf32>
          %xor3A_928 = arith.constant 1 : i32
          %xor3A_929 = vector.broadcast %xor3A_928 : i32 to vector<16xi32>
          %xor3A_930 = arith.xori %iota3A, %xor3A_929 : vector<16xi32>
          %broadcast_in_dim3A_931 = vector.shape_cast %xor3A_930 : vector<16xi32> to vector<16x1xi32>
          %gather3A_932 = vector.shape_cast %broadcast_in_dim3A_931 : vector<16x1xi32> to vector<16xi32>
          %gather3A_933 = tpu.dynamic_gather %add3A_927[%gather3A_932] in [0] : vector<16xf32>, vector<16xi32> -> vector<16xf32>
          %add3A_934 = arith.addf %add3A_927, %gather3A_933 : vector<16xf32>
          %eq3A_935 = arith.constant 8 : i32
          %eq3A_936 = vector.broadcast %eq3A_935 : i32 to vector<16xi32>
          %eq3A_937 = arith.cmpi eq, %iota3A, %eq3A_936 : vector<16xi32>
          %select_n3A_938 = arith.select %eq3A_937, %add3A_934, %select_n3A_845 : vector<16xi1>, vector<16xf32>
          %add3A_939 = arith.constant 1152 : i32
          %add3A_940 = arith.addi %mul3A_103, %add3A_939 : i32
          %get3A_941 = arith.index_cast %add3A_940 : i32 to index
          %get3A_942 = tpu.vector_load %arg5[%get3A_941] {strides = array<i32>} : memref<32768xf32, #tpu.memory_space<vmem>>, vector<16xf32>,
          %get3A_943 = vector.shape_cast %get3A_942 : vector<16xf32> to vector<16xf32>
          %add3A_944 = arith.constant 1152 : i32
          %add3A_945 = arith.addi %mul3A_103, %add3A_944 : i32
          %add3A_946 = arith.constant 16 : i32
          %add3A_947 = arith.addi %add3A_945, %add3A_946 : i32
          %get3A_948 = arith.index_cast %add3A_947 : i32 to index
          %get3A_949 = tpu.vector_load %arg5[%get3A_948] {strides = array<i32>} : memref<32768xf32, #tpu.memory_space<vmem>>, vector<16xf32>,
          %get3A_950 = vector.shape_cast %get3A_949 : vector<16xf32> to vector<16xf32>
          %add3A_951 = arith.addf %get3A_943, %get3A_950 : vector<16xf32>
          %add3A_952 = arith.constant 1152 : i32
          %add3A_953 = arith.addi %mul3A_103, %add3A_952 : i32
          %add3A_954 = arith.constant 32 : i32
          %add3A_955 = arith.addi %add3A_953, %add3A_954 : i32
          %get3A_956 = arith.index_cast %add3A_955 : i32 to index
          %get3A_957 = tpu.vector_load %arg5[%get3A_956] {strides = array<i32>} : memref<32768xf32, #tpu.memory_space<vmem>>, vector<16xf32>,
          %get3A_958 = vector.shape_cast %get3A_957 : vector<16xf32> to vector<16xf32>
          %add3A_959 = arith.addf %add3A_951, %get3A_958 : vector<16xf32>
          %add3A_960 = arith.constant 1152 : i32
          %add3A_961 = arith.addi %mul3A_103, %add3A_960 : i32
          %add3A_962 = arith.constant 48 : i32
          %add3A_963 = arith.addi %add3A_961, %add3A_962 : i32
          %get3A_964 = arith.index_cast %add3A_963 : i32 to index
          %get3A_965 = tpu.vector_load %arg5[%get3A_964] {strides = array<i32>} : memref<32768xf32, #tpu.memory_space<vmem>>, vector<16xf32>,
          %get3A_966 = vector.shape_cast %get3A_965 : vector<16xf32> to vector<16xf32>
          %add3A_967 = arith.addf %add3A_959, %get3A_966 : vector<16xf32>
          %add3A_968 = arith.constant 1152 : i32
          %add3A_969 = arith.addi %mul3A_103, %add3A_968 : i32
          %add3A_970 = arith.constant 64 : i32
          %add3A_971 = arith.addi %add3A_969, %add3A_970 : i32
          %get3A_972 = arith.index_cast %add3A_971 : i32 to index
          %get3A_973 = tpu.vector_load %arg5[%get3A_972] {strides = array<i32>} : memref<32768xf32, #tpu.memory_space<vmem>>, vector<16xf32>,
          %get3A_974 = vector.shape_cast %get3A_973 : vector<16xf32> to vector<16xf32>
          %add3A_975 = arith.addf %add3A_967, %get3A_974 : vector<16xf32>
          %add3A_976 = arith.constant 1152 : i32
          %add3A_977 = arith.addi %mul3A_103, %add3A_976 : i32
          %add3A_978 = arith.constant 80 : i32
          %add3A_979 = arith.addi %add3A_977, %add3A_978 : i32
          %get3A_980 = arith.index_cast %add3A_979 : i32 to index
          %get3A_981 = tpu.vector_load %arg5[%get3A_980] {strides = array<i32>} : memref<32768xf32, #tpu.memory_space<vmem>>, vector<16xf32>,
          %get3A_982 = vector.shape_cast %get3A_981 : vector<16xf32> to vector<16xf32>
          %add3A_983 = arith.addf %add3A_975, %get3A_982 : vector<16xf32>
          %add3A_984 = arith.constant 1152 : i32
          %add3A_985 = arith.addi %mul3A_103, %add3A_984 : i32
          %add3A_986 = arith.constant 96 : i32
          %add3A_987 = arith.addi %add3A_985, %add3A_986 : i32
          %get3A_988 = arith.index_cast %add3A_987 : i32 to index
          %get3A_989 = tpu.vector_load %arg5[%get3A_988] {strides = array<i32>} : memref<32768xf32, #tpu.memory_space<vmem>>, vector<16xf32>,
          %get3A_990 = vector.shape_cast %get3A_989 : vector<16xf32> to vector<16xf32>
          %add3A_991 = arith.addf %add3A_983, %get3A_990 : vector<16xf32>
          %add3A_992 = arith.constant 1152 : i32
          %add3A_993 = arith.addi %mul3A_103, %add3A_992 : i32
          %add3A_994 = arith.constant 112 : i32
          %add3A_995 = arith.addi %add3A_993, %add3A_994 : i32
          %get3A_996 = arith.index_cast %add3A_995 : i32 to index
          %get3A_997 = tpu.vector_load %arg5[%get3A_996] {strides = array<i32>} : memref<32768xf32, #tpu.memory_space<vmem>>, vector<16xf32>,
          %get3A_998 = vector.shape_cast %get3A_997 : vector<16xf32> to vector<16xf32>
          %add3A_999 = arith.addf %add3A_991, %get3A_998 : vector<16xf32>
          %xor3A_1000 = arith.constant 8 : i32
          %xor3A_1001 = vector.broadcast %xor3A_1000 : i32 to vector<16xi32>
          %xor3A_1002 = arith.xori %iota3A, %xor3A_1001 : vector<16xi32>
          %broadcast_in_dim3A_1003 = vector.shape_cast %xor3A_1002 : vector<16xi32> to vector<16x1xi32>
          %gather3A_1004 = vector.shape_cast %broadcast_in_dim3A_1003 : vector<16x1xi32> to vector<16xi32>
          %gather3A_1005 = tpu.dynamic_gather %add3A_999[%gather3A_1004] in [0] : vector<16xf32>, vector<16xi32> -> vector<16xf32>
          %add3A_1006 = arith.addf %add3A_999, %gather3A_1005 : vector<16xf32>
          %xor3A_1007 = arith.constant 4 : i32
          %xor3A_1008 = vector.broadcast %xor3A_1007 : i32 to vector<16xi32>
          %xor3A_1009 = arith.xori %iota3A, %xor3A_1008 : vector<16xi32>
          %broadcast_in_dim3A_1010 = vector.shape_cast %xor3A_1009 : vector<16xi32> to vector<16x1xi32>
          %gather3A_1011 = vector.shape_cast %broadcast_in_dim3A_1010 : vector<16x1xi32> to vector<16xi32>
          %gather3A_1012 = tpu.dynamic_gather %add3A_1006[%gather3A_1011] in [0] : vector<16xf32>, vector<16xi32> -> vector<16xf32>
          %add3A_1013 = arith.addf %add3A_1006, %gather3A_1012 : vector<16xf32>
          %xor3A_1014 = arith.constant 2 : i32
          %xor3A_1015 = vector.broadcast %xor3A_1014 : i32 to vector<16xi32>
          %xor3A_1016 = arith.xori %iota3A, %xor3A_1015 : vector<16xi32>
          %broadcast_in_dim3A_1017 = vector.shape_cast %xor3A_1016 : vector<16xi32> to vector<16x1xi32>
          %gather3A_1018 = vector.shape_cast %broadcast_in_dim3A_1017 : vector<16x1xi32> to vector<16xi32>
          %gather3A_1019 = tpu.dynamic_gather %add3A_1013[%gather3A_1018] in [0] : vector<16xf32>, vector<16xi32> -> vector<16xf32>
          %add3A_1020 = arith.addf %add3A_1013, %gather3A_1019 : vector<16xf32>
          %xor3A_1021 = arith.constant 1 : i32
          %xor3A_1022 = vector.broadcast %xor3A_1021 : i32 to vector<16xi32>
          %xor3A_1023 = arith.xori %iota3A, %xor3A_1022 : vector<16xi32>
          %broadcast_in_dim3A_1024 = vector.shape_cast %xor3A_1023 : vector<16xi32> to vector<16x1xi32>
          %gather3A_1025 = vector.shape_cast %broadcast_in_dim3A_1024 : vector<16x1xi32> to vector<16xi32>
          %gather3A_1026 = tpu.dynamic_gather %add3A_1020[%gather3A_1025] in [0] : vector<16xf32>, vector<16xi32> -> vector<16xf32>
          %add3A_1027 = arith.addf %add3A_1020, %gather3A_1026 : vector<16xf32>
          %eq3A_1028 = arith.constant 9 : i32
          %eq3A_1029 = vector.broadcast %eq3A_1028 : i32 to vector<16xi32>
          %eq3A_1030 = arith.cmpi eq, %iota3A, %eq3A_1029 : vector<16xi32>
          %select_n3A_1031 = arith.select %eq3A_1030, %add3A_1027, %select_n3A_938 : vector<16xi1>, vector<16xf32>
          %add3A_1032 = arith.constant 1280 : i32
          %add3A_1033 = arith.addi %mul3A_103, %add3A_1032 : i32
          %get3A_1034 = arith.index_cast %add3A_1033 : i32 to index
          %get3A_1035 = tpu.vector_load %arg5[%get3A_1034] {strides = array<i32>} : memref<32768xf32, #tpu.memory_space<vmem>>, vector<16xf32>,
          %get3A_1036 = vector.shape_cast %get3A_1035 : vector<16xf32> to vector<16xf32>
          %add3A_1037 = arith.constant 1280 : i32
          %add3A_1038 = arith.addi %mul3A_103, %add3A_1037 : i32
          %add3A_1039 = arith.constant 16 : i32
          %add3A_1040 = arith.addi %add3A_1038, %add3A_1039 : i32
          %get3A_1041 = arith.index_cast %add3A_1040 : i32 to index
          %get3A_1042 = tpu.vector_load %arg5[%get3A_1041] {strides = array<i32>} : memref<32768xf32, #tpu.memory_space<vmem>>, vector<16xf32>,
          %get3A_1043 = vector.shape_cast %get3A_1042 : vector<16xf32> to vector<16xf32>
          %add3A_1044 = arith.addf %get3A_1036, %get3A_1043 : vector<16xf32>
          %add3A_1045 = arith.constant 1280 : i32
          %add3A_1046 = arith.addi %mul3A_103, %add3A_1045 : i32
          %add3A_1047 = arith.constant 32 : i32
          %add3A_1048 = arith.addi %add3A_1046, %add3A_1047 : i32
          %get3A_1049 = arith.index_cast %add3A_1048 : i32 to index
          %get3A_1050 = tpu.vector_load %arg5[%get3A_1049] {strides = array<i32>} : memref<32768xf32, #tpu.memory_space<vmem>>, vector<16xf32>,
          %get3A_1051 = vector.shape_cast %get3A_1050 : vector<16xf32> to vector<16xf32>
          %add3A_1052 = arith.addf %add3A_1044, %get3A_1051 : vector<16xf32>
          %add3A_1053 = arith.constant 1280 : i32
          %add3A_1054 = arith.addi %mul3A_103, %add3A_1053 : i32
          %add3A_1055 = arith.constant 48 : i32
          %add3A_1056 = arith.addi %add3A_1054, %add3A_1055 : i32
          %get3A_1057 = arith.index_cast %add3A_1056 : i32 to index
          %get3A_1058 = tpu.vector_load %arg5[%get3A_1057] {strides = array<i32>} : memref<32768xf32, #tpu.memory_space<vmem>>, vector<16xf32>,
          %get3A_1059 = vector.shape_cast %get3A_1058 : vector<16xf32> to vector<16xf32>
          %add3A_1060 = arith.addf %add3A_1052, %get3A_1059 : vector<16xf32>
          %add3A_1061 = arith.constant 1280 : i32
          %add3A_1062 = arith.addi %mul3A_103, %add3A_1061 : i32
          %add3A_1063 = arith.constant 64 : i32
          %add3A_1064 = arith.addi %add3A_1062, %add3A_1063 : i32
          %get3A_1065 = arith.index_cast %add3A_1064 : i32 to index
          %get3A_1066 = tpu.vector_load %arg5[%get3A_1065] {strides = array<i32>} : memref<32768xf32, #tpu.memory_space<vmem>>, vector<16xf32>,
          %get3A_1067 = vector.shape_cast %get3A_1066 : vector<16xf32> to vector<16xf32>
          %add3A_1068 = arith.addf %add3A_1060, %get3A_1067 : vector<16xf32>
          %add3A_1069 = arith.constant 1280 : i32
          %add3A_1070 = arith.addi %mul3A_103, %add3A_1069 : i32
          %add3A_1071 = arith.constant 80 : i32
          %add3A_1072 = arith.addi %add3A_1070, %add3A_1071 : i32
          %get3A_1073 = arith.index_cast %add3A_1072 : i32 to index
          %get3A_1074 = tpu.vector_load %arg5[%get3A_1073] {strides = array<i32>} : memref<32768xf32, #tpu.memory_space<vmem>>, vector<16xf32>,
          %get3A_1075 = vector.shape_cast %get3A_1074 : vector<16xf32> to vector<16xf32>
          %add3A_1076 = arith.addf %add3A_1068, %get3A_1075 : vector<16xf32>
          %add3A_1077 = arith.constant 1280 : i32
          %add3A_1078 = arith.addi %mul3A_103, %add3A_1077 : i32
          %add3A_1079 = arith.constant 96 : i32
          %add3A_1080 = arith.addi %add3A_1078, %add3A_1079 : i32
          %get3A_1081 = arith.index_cast %add3A_1080 : i32 to index
          %get3A_1082 = tpu.vector_load %arg5[%get3A_1081] {strides = array<i32>} : memref<32768xf32, #tpu.memory_space<vmem>>, vector<16xf32>,
          %get3A_1083 = vector.shape_cast %get3A_1082 : vector<16xf32> to vector<16xf32>
          %add3A_1084 = arith.addf %add3A_1076, %get3A_1083 : vector<16xf32>
          %add3A_1085 = arith.constant 1280 : i32
          %add3A_1086 = arith.addi %mul3A_103, %add3A_1085 : i32
          %add3A_1087 = arith.constant 112 : i32
          %add3A_1088 = arith.addi %add3A_1086, %add3A_1087 : i32
          %get3A_1089 = arith.index_cast %add3A_1088 : i32 to index
          %get3A_1090 = tpu.vector_load %arg5[%get3A_1089] {strides = array<i32>} : memref<32768xf32, #tpu.memory_space<vmem>>, vector<16xf32>,
          %get3A_1091 = vector.shape_cast %get3A_1090 : vector<16xf32> to vector<16xf32>
          %add3A_1092 = arith.addf %add3A_1084, %get3A_1091 : vector<16xf32>
          %xor3A_1093 = arith.constant 8 : i32
          %xor3A_1094 = vector.broadcast %xor3A_1093 : i32 to vector<16xi32>
          %xor3A_1095 = arith.xori %iota3A, %xor3A_1094 : vector<16xi32>
          %broadcast_in_dim3A_1096 = vector.shape_cast %xor3A_1095 : vector<16xi32> to vector<16x1xi32>
          %gather3A_1097 = vector.shape_cast %broadcast_in_dim3A_1096 : vector<16x1xi32> to vector<16xi32>
          %gather3A_1098 = tpu.dynamic_gather %add3A_1092[%gather3A_1097] in [0] : vector<16xf32>, vector<16xi32> -> vector<16xf32>
          %add3A_1099 = arith.addf %add3A_1092, %gather3A_1098 : vector<16xf32>
          %xor3A_1100 = arith.constant 4 : i32
          %xor3A_1101 = vector.broadcast %xor3A_1100 : i32 to vector<16xi32>
          %xor3A_1102 = arith.xori %iota3A, %xor3A_1101 : vector<16xi32>
          %broadcast_in_dim3A_1103 = vector.shape_cast %xor3A_1102 : vector<16xi32> to vector<16x1xi32>
          %gather3A_1104 = vector.shape_cast %broadcast_in_dim3A_1103 : vector<16x1xi32> to vector<16xi32>
          %gather3A_1105 = tpu.dynamic_gather %add3A_1099[%gather3A_1104] in [0] : vector<16xf32>, vector<16xi32> -> vector<16xf32>
          %add3A_1106 = arith.addf %add3A_1099, %gather3A_1105 : vector<16xf32>
          %xor3A_1107 = arith.constant 2 : i32
          %xor3A_1108 = vector.broadcast %xor3A_1107 : i32 to vector<16xi32>
          %xor3A_1109 = arith.xori %iota3A, %xor3A_1108 : vector<16xi32>
          %broadcast_in_dim3A_1110 = vector.shape_cast %xor3A_1109 : vector<16xi32> to vector<16x1xi32>
          %gather3A_1111 = vector.shape_cast %broadcast_in_dim3A_1110 : vector<16x1xi32> to vector<16xi32>
          %gather3A_1112 = tpu.dynamic_gather %add3A_1106[%gather3A_1111] in [0] : vector<16xf32>, vector<16xi32> -> vector<16xf32>
          %add3A_1113 = arith.addf %add3A_1106, %gather3A_1112 : vector<16xf32>
          %xor3A_1114 = arith.constant 1 : i32
          %xor3A_1115 = vector.broadcast %xor3A_1114 : i32 to vector<16xi32>
          %xor3A_1116 = arith.xori %iota3A, %xor3A_1115 : vector<16xi32>
          %broadcast_in_dim3A_1117 = vector.shape_cast %xor3A_1116 : vector<16xi32> to vector<16x1xi32>
          %gather3A_1118 = vector.shape_cast %broadcast_in_dim3A_1117 : vector<16x1xi32> to vector<16xi32>
          %gather3A_1119 = tpu.dynamic_gather %add3A_1113[%gather3A_1118] in [0] : vector<16xf32>, vector<16xi32> -> vector<16xf32>
          %add3A_1120 = arith.addf %add3A_1113, %gather3A_1119 : vector<16xf32>
          %eq3A_1121 = arith.constant 10 : i32
          %eq3A_1122 = vector.broadcast %eq3A_1121 : i32 to vector<16xi32>
          %eq3A_1123 = arith.cmpi eq, %iota3A, %eq3A_1122 : vector<16xi32>
          %select_n3A_1124 = arith.select %eq3A_1123, %add3A_1120, %select_n3A_1031 : vector<16xi1>, vector<16xf32>
          %add3A_1125 = arith.constant 1408 : i32
          %add3A_1126 = arith.addi %mul3A_103, %add3A_1125 : i32
          %get3A_1127 = arith.index_cast %add3A_1126 : i32 to index
          %get3A_1128 = tpu.vector_load %arg5[%get3A_1127] {strides = array<i32>} : memref<32768xf32, #tpu.memory_space<vmem>>, vector<16xf32>,
          %get3A_1129 = vector.shape_cast %get3A_1128 : vector<16xf32> to vector<16xf32>
          %add3A_1130 = arith.constant 1408 : i32
          %add3A_1131 = arith.addi %mul3A_103, %add3A_1130 : i32
          %add3A_1132 = arith.constant 16 : i32
          %add3A_1133 = arith.addi %add3A_1131, %add3A_1132 : i32
          %get3A_1134 = arith.index_cast %add3A_1133 : i32 to index
          %get3A_1135 = tpu.vector_load %arg5[%get3A_1134] {strides = array<i32>} : memref<32768xf32, #tpu.memory_space<vmem>>, vector<16xf32>,
          %get3A_1136 = vector.shape_cast %get3A_1135 : vector<16xf32> to vector<16xf32>
          %add3A_1137 = arith.addf %get3A_1129, %get3A_1136 : vector<16xf32>
          %add3A_1138 = arith.constant 1408 : i32
          %add3A_1139 = arith.addi %mul3A_103, %add3A_1138 : i32
          %add3A_1140 = arith.constant 32 : i32
          %add3A_1141 = arith.addi %add3A_1139, %add3A_1140 : i32
          %get3A_1142 = arith.index_cast %add3A_1141 : i32 to index
          %get3A_1143 = tpu.vector_load %arg5[%get3A_1142] {strides = array<i32>} : memref<32768xf32, #tpu.memory_space<vmem>>, vector<16xf32>,
          %get3A_1144 = vector.shape_cast %get3A_1143 : vector<16xf32> to vector<16xf32>
          %add3A_1145 = arith.addf %add3A_1137, %get3A_1144 : vector<16xf32>
          %add3A_1146 = arith.constant 1408 : i32
          %add3A_1147 = arith.addi %mul3A_103, %add3A_1146 : i32
          %add3A_1148 = arith.constant 48 : i32
          %add3A_1149 = arith.addi %add3A_1147, %add3A_1148 : i32
          %get3A_1150 = arith.index_cast %add3A_1149 : i32 to index
          %get3A_1151 = tpu.vector_load %arg5[%get3A_1150] {strides = array<i32>} : memref<32768xf32, #tpu.memory_space<vmem>>, vector<16xf32>,
          %get3A_1152 = vector.shape_cast %get3A_1151 : vector<16xf32> to vector<16xf32>
          %add3A_1153 = arith.addf %add3A_1145, %get3A_1152 : vector<16xf32>
          %add3A_1154 = arith.constant 1408 : i32
          %add3A_1155 = arith.addi %mul3A_103, %add3A_1154 : i32
          %add3A_1156 = arith.constant 64 : i32
          %add3A_1157 = arith.addi %add3A_1155, %add3A_1156 : i32
          %get3A_1158 = arith.index_cast %add3A_1157 : i32 to index
          %get3A_1159 = tpu.vector_load %arg5[%get3A_1158] {strides = array<i32>} : memref<32768xf32, #tpu.memory_space<vmem>>, vector<16xf32>,
          %get3A_1160 = vector.shape_cast %get3A_1159 : vector<16xf32> to vector<16xf32>
          %add3A_1161 = arith.addf %add3A_1153, %get3A_1160 : vector<16xf32>
          %add3A_1162 = arith.constant 1408 : i32
          %add3A_1163 = arith.addi %mul3A_103, %add3A_1162 : i32
          %add3A_1164 = arith.constant 80 : i32
          %add3A_1165 = arith.addi %add3A_1163, %add3A_1164 : i32
          %get3A_1166 = arith.index_cast %add3A_1165 : i32 to index
          %get3A_1167 = tpu.vector_load %arg5[%get3A_1166] {strides = array<i32>} : memref<32768xf32, #tpu.memory_space<vmem>>, vector<16xf32>,
          %get3A_1168 = vector.shape_cast %get3A_1167 : vector<16xf32> to vector<16xf32>
          %add3A_1169 = arith.addf %add3A_1161, %get3A_1168 : vector<16xf32>
          %add3A_1170 = arith.constant 1408 : i32
          %add3A_1171 = arith.addi %mul3A_103, %add3A_1170 : i32
          %add3A_1172 = arith.constant 96 : i32
          %add3A_1173 = arith.addi %add3A_1171, %add3A_1172 : i32
          %get3A_1174 = arith.index_cast %add3A_1173 : i32 to index
          %get3A_1175 = tpu.vector_load %arg5[%get3A_1174] {strides = array<i32>} : memref<32768xf32, #tpu.memory_space<vmem>>, vector<16xf32>,
          %get3A_1176 = vector.shape_cast %get3A_1175 : vector<16xf32> to vector<16xf32>
          %add3A_1177 = arith.addf %add3A_1169, %get3A_1176 : vector<16xf32>
          %add3A_1178 = arith.constant 1408 : i32
          %add3A_1179 = arith.addi %mul3A_103, %add3A_1178 : i32
          %add3A_1180 = arith.constant 112 : i32
          %add3A_1181 = arith.addi %add3A_1179, %add3A_1180 : i32
          %get3A_1182 = arith.index_cast %add3A_1181 : i32 to index
          %get3A_1183 = tpu.vector_load %arg5[%get3A_1182] {strides = array<i32>} : memref<32768xf32, #tpu.memory_space<vmem>>, vector<16xf32>,
          %get3A_1184 = vector.shape_cast %get3A_1183 : vector<16xf32> to vector<16xf32>
          %add3A_1185 = arith.addf %add3A_1177, %get3A_1184 : vector<16xf32>
          %xor3A_1186 = arith.constant 8 : i32
          %xor3A_1187 = vector.broadcast %xor3A_1186 : i32 to vector<16xi32>
          %xor3A_1188 = arith.xori %iota3A, %xor3A_1187 : vector<16xi32>
          %broadcast_in_dim3A_1189 = vector.shape_cast %xor3A_1188 : vector<16xi32> to vector<16x1xi32>
          %gather3A_1190 = vector.shape_cast %broadcast_in_dim3A_1189 : vector<16x1xi32> to vector<16xi32>
          %gather3A_1191 = tpu.dynamic_gather %add3A_1185[%gather3A_1190] in [0] : vector<16xf32>, vector<16xi32> -> vector<16xf32>
          %add3A_1192 = arith.addf %add3A_1185, %gather3A_1191 : vector<16xf32>
          %xor3A_1193 = arith.constant 4 : i32
          %xor3A_1194 = vector.broadcast %xor3A_1193 : i32 to vector<16xi32>
          %xor3A_1195 = arith.xori %iota3A, %xor3A_1194 : vector<16xi32>
          %broadcast_in_dim3A_1196 = vector.shape_cast %xor3A_1195 : vector<16xi32> to vector<16x1xi32>
          %gather3A_1197 = vector.shape_cast %broadcast_in_dim3A_1196 : vector<16x1xi32> to vector<16xi32>
          %gather3A_1198 = tpu.dynamic_gather %add3A_1192[%gather3A_1197] in [0] : vector<16xf32>, vector<16xi32> -> vector<16xf32>
          %add3A_1199 = arith.addf %add3A_1192, %gather3A_1198 : vector<16xf32>
          %xor3A_1200 = arith.constant 2 : i32
          %xor3A_1201 = vector.broadcast %xor3A_1200 : i32 to vector<16xi32>
          %xor3A_1202 = arith.xori %iota3A, %xor3A_1201 : vector<16xi32>
          %broadcast_in_dim3A_1203 = vector.shape_cast %xor3A_1202 : vector<16xi32> to vector<16x1xi32>
          %gather3A_1204 = vector.shape_cast %broadcast_in_dim3A_1203 : vector<16x1xi32> to vector<16xi32>
          %gather3A_1205 = tpu.dynamic_gather %add3A_1199[%gather3A_1204] in [0] : vector<16xf32>, vector<16xi32> -> vector<16xf32>
          %add3A_1206 = arith.addf %add3A_1199, %gather3A_1205 : vector<16xf32>
          %xor3A_1207 = arith.constant 1 : i32
          %xor3A_1208 = vector.broadcast %xor3A_1207 : i32 to vector<16xi32>
          %xor3A_1209 = arith.xori %iota3A, %xor3A_1208 : vector<16xi32>
          %broadcast_in_dim3A_1210 = vector.shape_cast %xor3A_1209 : vector<16xi32> to vector<16x1xi32>
          %gather3A_1211 = vector.shape_cast %broadcast_in_dim3A_1210 : vector<16x1xi32> to vector<16xi32>
          %gather3A_1212 = tpu.dynamic_gather %add3A_1206[%gather3A_1211] in [0] : vector<16xf32>, vector<16xi32> -> vector<16xf32>
          %add3A_1213 = arith.addf %add3A_1206, %gather3A_1212 : vector<16xf32>
          %eq3A_1214 = arith.constant 11 : i32
          %eq3A_1215 = vector.broadcast %eq3A_1214 : i32 to vector<16xi32>
          %eq3A_1216 = arith.cmpi eq, %iota3A, %eq3A_1215 : vector<16xi32>
          %select_n3A_1217 = arith.select %eq3A_1216, %add3A_1213, %select_n3A_1124 : vector<16xi1>, vector<16xf32>
          %add3A_1218 = arith.constant 1536 : i32
          %add3A_1219 = arith.addi %mul3A_103, %add3A_1218 : i32
          %get3A_1220 = arith.index_cast %add3A_1219 : i32 to index
          %get3A_1221 = tpu.vector_load %arg5[%get3A_1220] {strides = array<i32>} : memref<32768xf32, #tpu.memory_space<vmem>>, vector<16xf32>,
          %get3A_1222 = vector.shape_cast %get3A_1221 : vector<16xf32> to vector<16xf32>
          %add3A_1223 = arith.constant 1536 : i32
          %add3A_1224 = arith.addi %mul3A_103, %add3A_1223 : i32
          %add3A_1225 = arith.constant 16 : i32
          %add3A_1226 = arith.addi %add3A_1224, %add3A_1225 : i32
          %get3A_1227 = arith.index_cast %add3A_1226 : i32 to index
          %get3A_1228 = tpu.vector_load %arg5[%get3A_1227] {strides = array<i32>} : memref<32768xf32, #tpu.memory_space<vmem>>, vector<16xf32>,
          %get3A_1229 = vector.shape_cast %get3A_1228 : vector<16xf32> to vector<16xf32>
          %add3A_1230 = arith.addf %get3A_1222, %get3A_1229 : vector<16xf32>
          %add3A_1231 = arith.constant 1536 : i32
          %add3A_1232 = arith.addi %mul3A_103, %add3A_1231 : i32
          %add3A_1233 = arith.constant 32 : i32
          %add3A_1234 = arith.addi %add3A_1232, %add3A_1233 : i32
          %get3A_1235 = arith.index_cast %add3A_1234 : i32 to index
          %get3A_1236 = tpu.vector_load %arg5[%get3A_1235] {strides = array<i32>} : memref<32768xf32, #tpu.memory_space<vmem>>, vector<16xf32>,
          %get3A_1237 = vector.shape_cast %get3A_1236 : vector<16xf32> to vector<16xf32>
          %add3A_1238 = arith.addf %add3A_1230, %get3A_1237 : vector<16xf32>
          %add3A_1239 = arith.constant 1536 : i32
          %add3A_1240 = arith.addi %mul3A_103, %add3A_1239 : i32
          %add3A_1241 = arith.constant 48 : i32
          %add3A_1242 = arith.addi %add3A_1240, %add3A_1241 : i32
          %get3A_1243 = arith.index_cast %add3A_1242 : i32 to index
          %get3A_1244 = tpu.vector_load %arg5[%get3A_1243] {strides = array<i32>} : memref<32768xf32, #tpu.memory_space<vmem>>, vector<16xf32>,
          %get3A_1245 = vector.shape_cast %get3A_1244 : vector<16xf32> to vector<16xf32>
          %add3A_1246 = arith.addf %add3A_1238, %get3A_1245 : vector<16xf32>
          %add3A_1247 = arith.constant 1536 : i32
          %add3A_1248 = arith.addi %mul3A_103, %add3A_1247 : i32
          %add3A_1249 = arith.constant 64 : i32
          %add3A_1250 = arith.addi %add3A_1248, %add3A_1249 : i32
          %get3A_1251 = arith.index_cast %add3A_1250 : i32 to index
          %get3A_1252 = tpu.vector_load %arg5[%get3A_1251] {strides = array<i32>} : memref<32768xf32, #tpu.memory_space<vmem>>, vector<16xf32>,
          %get3A_1253 = vector.shape_cast %get3A_1252 : vector<16xf32> to vector<16xf32>
          %add3A_1254 = arith.addf %add3A_1246, %get3A_1253 : vector<16xf32>
          %add3A_1255 = arith.constant 1536 : i32
          %add3A_1256 = arith.addi %mul3A_103, %add3A_1255 : i32
          %add3A_1257 = arith.constant 80 : i32
          %add3A_1258 = arith.addi %add3A_1256, %add3A_1257 : i32
          %get3A_1259 = arith.index_cast %add3A_1258 : i32 to index
          %get3A_1260 = tpu.vector_load %arg5[%get3A_1259] {strides = array<i32>} : memref<32768xf32, #tpu.memory_space<vmem>>, vector<16xf32>,
          %get3A_1261 = vector.shape_cast %get3A_1260 : vector<16xf32> to vector<16xf32>
          %add3A_1262 = arith.addf %add3A_1254, %get3A_1261 : vector<16xf32>
          %add3A_1263 = arith.constant 1536 : i32
          %add3A_1264 = arith.addi %mul3A_103, %add3A_1263 : i32
          %add3A_1265 = arith.constant 96 : i32
          %add3A_1266 = arith.addi %add3A_1264, %add3A_1265 : i32
          %get3A_1267 = arith.index_cast %add3A_1266 : i32 to index
          %get3A_1268 = tpu.vector_load %arg5[%get3A_1267] {strides = array<i32>} : memref<32768xf32, #tpu.memory_space<vmem>>, vector<16xf32>,
          %get3A_1269 = vector.shape_cast %get3A_1268 : vector<16xf32> to vector<16xf32>
          %add3A_1270 = arith.addf %add3A_1262, %get3A_1269 : vector<16xf32>
          %add3A_1271 = arith.constant 1536 : i32
          %add3A_1272 = arith.addi %mul3A_103, %add3A_1271 : i32
          %add3A_1273 = arith.constant 112 : i32
          %add3A_1274 = arith.addi %add3A_1272, %add3A_1273 : i32
          %get3A_1275 = arith.index_cast %add3A_1274 : i32 to index
          %get3A_1276 = tpu.vector_load %arg5[%get3A_1275] {strides = array<i32>} : memref<32768xf32, #tpu.memory_space<vmem>>, vector<16xf32>,
          %get3A_1277 = vector.shape_cast %get3A_1276 : vector<16xf32> to vector<16xf32>
          %add3A_1278 = arith.addf %add3A_1270, %get3A_1277 : vector<16xf32>
          %xor3A_1279 = arith.constant 8 : i32
          %xor3A_1280 = vector.broadcast %xor3A_1279 : i32 to vector<16xi32>
          %xor3A_1281 = arith.xori %iota3A, %xor3A_1280 : vector<16xi32>
          %broadcast_in_dim3A_1282 = vector.shape_cast %xor3A_1281 : vector<16xi32> to vector<16x1xi32>
          %gather3A_1283 = vector.shape_cast %broadcast_in_dim3A_1282 : vector<16x1xi32> to vector<16xi32>
          %gather3A_1284 = tpu.dynamic_gather %add3A_1278[%gather3A_1283] in [0] : vector<16xf32>, vector<16xi32> -> vector<16xf32>
          %add3A_1285 = arith.addf %add3A_1278, %gather3A_1284 : vector<16xf32>
          %xor3A_1286 = arith.constant 4 : i32
          %xor3A_1287 = vector.broadcast %xor3A_1286 : i32 to vector<16xi32>
          %xor3A_1288 = arith.xori %iota3A, %xor3A_1287 : vector<16xi32>
          %broadcast_in_dim3A_1289 = vector.shape_cast %xor3A_1288 : vector<16xi32> to vector<16x1xi32>
          %gather3A_1290 = vector.shape_cast %broadcast_in_dim3A_1289 : vector<16x1xi32> to vector<16xi32>
          %gather3A_1291 = tpu.dynamic_gather %add3A_1285[%gather3A_1290] in [0] : vector<16xf32>, vector<16xi32> -> vector<16xf32>
          %add3A_1292 = arith.addf %add3A_1285, %gather3A_1291 : vector<16xf32>
          %xor3A_1293 = arith.constant 2 : i32
          %xor3A_1294 = vector.broadcast %xor3A_1293 : i32 to vector<16xi32>
          %xor3A_1295 = arith.xori %iota3A, %xor3A_1294 : vector<16xi32>
          %broadcast_in_dim3A_1296 = vector.shape_cast %xor3A_1295 : vector<16xi32> to vector<16x1xi32>
          %gather3A_1297 = vector.shape_cast %broadcast_in_dim3A_1296 : vector<16x1xi32> to vector<16xi32>
          %gather3A_1298 = tpu.dynamic_gather %add3A_1292[%gather3A_1297] in [0] : vector<16xf32>, vector<16xi32> -> vector<16xf32>
          %add3A_1299 = arith.addf %add3A_1292, %gather3A_1298 : vector<16xf32>
          %xor3A_1300 = arith.constant 1 : i32
          %xor3A_1301 = vector.broadcast %xor3A_1300 : i32 to vector<16xi32>
          %xor3A_1302 = arith.xori %iota3A, %xor3A_1301 : vector<16xi32>
          %broadcast_in_dim3A_1303 = vector.shape_cast %xor3A_1302 : vector<16xi32> to vector<16x1xi32>
          %gather3A_1304 = vector.shape_cast %broadcast_in_dim3A_1303 : vector<16x1xi32> to vector<16xi32>
          %gather3A_1305 = tpu.dynamic_gather %add3A_1299[%gather3A_1304] in [0] : vector<16xf32>, vector<16xi32> -> vector<16xf32>
          %add3A_1306 = arith.addf %add3A_1299, %gather3A_1305 : vector<16xf32>
          %eq3A_1307 = arith.constant 12 : i32
          %eq3A_1308 = vector.broadcast %eq3A_1307 : i32 to vector<16xi32>
          %eq3A_1309 = arith.cmpi eq, %iota3A, %eq3A_1308 : vector<16xi32>
          %select_n3A_1310 = arith.select %eq3A_1309, %add3A_1306, %select_n3A_1217 : vector<16xi1>, vector<16xf32>
          %add3A_1311 = arith.constant 1664 : i32
          %add3A_1312 = arith.addi %mul3A_103, %add3A_1311 : i32
          %get3A_1313 = arith.index_cast %add3A_1312 : i32 to index
          %get3A_1314 = tpu.vector_load %arg5[%get3A_1313] {strides = array<i32>} : memref<32768xf32, #tpu.memory_space<vmem>>, vector<16xf32>,
          %get3A_1315 = vector.shape_cast %get3A_1314 : vector<16xf32> to vector<16xf32>
          %add3A_1316 = arith.constant 1664 : i32
          %add3A_1317 = arith.addi %mul3A_103, %add3A_1316 : i32
          %add3A_1318 = arith.constant 16 : i32
          %add3A_1319 = arith.addi %add3A_1317, %add3A_1318 : i32
          %get3A_1320 = arith.index_cast %add3A_1319 : i32 to index
          %get3A_1321 = tpu.vector_load %arg5[%get3A_1320] {strides = array<i32>} : memref<32768xf32, #tpu.memory_space<vmem>>, vector<16xf32>,
          %get3A_1322 = vector.shape_cast %get3A_1321 : vector<16xf32> to vector<16xf32>
          %add3A_1323 = arith.addf %get3A_1315, %get3A_1322 : vector<16xf32>
          %add3A_1324 = arith.constant 1664 : i32
          %add3A_1325 = arith.addi %mul3A_103, %add3A_1324 : i32
          %add3A_1326 = arith.constant 32 : i32
          %add3A_1327 = arith.addi %add3A_1325, %add3A_1326 : i32
          %get3A_1328 = arith.index_cast %add3A_1327 : i32 to index
          %get3A_1329 = tpu.vector_load %arg5[%get3A_1328] {strides = array<i32>} : memref<32768xf32, #tpu.memory_space<vmem>>, vector<16xf32>,
          %get3A_1330 = vector.shape_cast %get3A_1329 : vector<16xf32> to vector<16xf32>
          %add3A_1331 = arith.addf %add3A_1323, %get3A_1330 : vector<16xf32>
          %add3A_1332 = arith.constant 1664 : i32
          %add3A_1333 = arith.addi %mul3A_103, %add3A_1332 : i32
          %add3A_1334 = arith.constant 48 : i32
          %add3A_1335 = arith.addi %add3A_1333, %add3A_1334 : i32
          %get3A_1336 = arith.index_cast %add3A_1335 : i32 to index
          %get3A_1337 = tpu.vector_load %arg5[%get3A_1336] {strides = array<i32>} : memref<32768xf32, #tpu.memory_space<vmem>>, vector<16xf32>,
          %get3A_1338 = vector.shape_cast %get3A_1337 : vector<16xf32> to vector<16xf32>
          %add3A_1339 = arith.addf %add3A_1331, %get3A_1338 : vector<16xf32>
          %add3A_1340 = arith.constant 1664 : i32
          %add3A_1341 = arith.addi %mul3A_103, %add3A_1340 : i32
          %add3A_1342 = arith.constant 64 : i32
          %add3A_1343 = arith.addi %add3A_1341, %add3A_1342 : i32
          %get3A_1344 = arith.index_cast %add3A_1343 : i32 to index
          %get3A_1345 = tpu.vector_load %arg5[%get3A_1344] {strides = array<i32>} : memref<32768xf32, #tpu.memory_space<vmem>>, vector<16xf32>,
          %get3A_1346 = vector.shape_cast %get3A_1345 : vector<16xf32> to vector<16xf32>
          %add3A_1347 = arith.addf %add3A_1339, %get3A_1346 : vector<16xf32>
          %add3A_1348 = arith.constant 1664 : i32
          %add3A_1349 = arith.addi %mul3A_103, %add3A_1348 : i32
          %add3A_1350 = arith.constant 80 : i32
          %add3A_1351 = arith.addi %add3A_1349, %add3A_1350 : i32
          %get3A_1352 = arith.index_cast %add3A_1351 : i32 to index
          %get3A_1353 = tpu.vector_load %arg5[%get3A_1352] {strides = array<i32>} : memref<32768xf32, #tpu.memory_space<vmem>>, vector<16xf32>,
          %get3A_1354 = vector.shape_cast %get3A_1353 : vector<16xf32> to vector<16xf32>
          %add3A_1355 = arith.addf %add3A_1347, %get3A_1354 : vector<16xf32>
          %add3A_1356 = arith.constant 1664 : i32
          %add3A_1357 = arith.addi %mul3A_103, %add3A_1356 : i32
          %add3A_1358 = arith.constant 96 : i32
          %add3A_1359 = arith.addi %add3A_1357, %add3A_1358 : i32
          %get3A_1360 = arith.index_cast %add3A_1359 : i32 to index
          %get3A_1361 = tpu.vector_load %arg5[%get3A_1360] {strides = array<i32>} : memref<32768xf32, #tpu.memory_space<vmem>>, vector<16xf32>,
          %get3A_1362 = vector.shape_cast %get3A_1361 : vector<16xf32> to vector<16xf32>
          %add3A_1363 = arith.addf %add3A_1355, %get3A_1362 : vector<16xf32>
          %add3A_1364 = arith.constant 1664 : i32
          %add3A_1365 = arith.addi %mul3A_103, %add3A_1364 : i32
          %add3A_1366 = arith.constant 112 : i32
          %add3A_1367 = arith.addi %add3A_1365, %add3A_1366 : i32
          %get3A_1368 = arith.index_cast %add3A_1367 : i32 to index
          %get3A_1369 = tpu.vector_load %arg5[%get3A_1368] {strides = array<i32>} : memref<32768xf32, #tpu.memory_space<vmem>>, vector<16xf32>,
          %get3A_1370 = vector.shape_cast %get3A_1369 : vector<16xf32> to vector<16xf32>
          %add3A_1371 = arith.addf %add3A_1363, %get3A_1370 : vector<16xf32>
          %xor3A_1372 = arith.constant 8 : i32
          %xor3A_1373 = vector.broadcast %xor3A_1372 : i32 to vector<16xi32>
          %xor3A_1374 = arith.xori %iota3A, %xor3A_1373 : vector<16xi32>
          %broadcast_in_dim3A_1375 = vector.shape_cast %xor3A_1374 : vector<16xi32> to vector<16x1xi32>
          %gather3A_1376 = vector.shape_cast %broadcast_in_dim3A_1375 : vector<16x1xi32> to vector<16xi32>
          %gather3A_1377 = tpu.dynamic_gather %add3A_1371[%gather3A_1376] in [0] : vector<16xf32>, vector<16xi32> -> vector<16xf32>
          %add3A_1378 = arith.addf %add3A_1371, %gather3A_1377 : vector<16xf32>
          %xor3A_1379 = arith.constant 4 : i32
          %xor3A_1380 = vector.broadcast %xor3A_1379 : i32 to vector<16xi32>
          %xor3A_1381 = arith.xori %iota3A, %xor3A_1380 : vector<16xi32>
          %broadcast_in_dim3A_1382 = vector.shape_cast %xor3A_1381 : vector<16xi32> to vector<16x1xi32>
          %gather3A_1383 = vector.shape_cast %broadcast_in_dim3A_1382 : vector<16x1xi32> to vector<16xi32>
          %gather3A_1384 = tpu.dynamic_gather %add3A_1378[%gather3A_1383] in [0] : vector<16xf32>, vector<16xi32> -> vector<16xf32>
          %add3A_1385 = arith.addf %add3A_1378, %gather3A_1384 : vector<16xf32>
          %xor3A_1386 = arith.constant 2 : i32
          %xor3A_1387 = vector.broadcast %xor3A_1386 : i32 to vector<16xi32>
          %xor3A_1388 = arith.xori %iota3A, %xor3A_1387 : vector<16xi32>
          %broadcast_in_dim3A_1389 = vector.shape_cast %xor3A_1388 : vector<16xi32> to vector<16x1xi32>
          %gather3A_1390 = vector.shape_cast %broadcast_in_dim3A_1389 : vector<16x1xi32> to vector<16xi32>
          %gather3A_1391 = tpu.dynamic_gather %add3A_1385[%gather3A_1390] in [0] : vector<16xf32>, vector<16xi32> -> vector<16xf32>
          %add3A_1392 = arith.addf %add3A_1385, %gather3A_1391 : vector<16xf32>
          %xor3A_1393 = arith.constant 1 : i32
          %xor3A_1394 = vector.broadcast %xor3A_1393 : i32 to vector<16xi32>
          %xor3A_1395 = arith.xori %iota3A, %xor3A_1394 : vector<16xi32>
          %broadcast_in_dim3A_1396 = vector.shape_cast %xor3A_1395 : vector<16xi32> to vector<16x1xi32>
          %gather3A_1397 = vector.shape_cast %broadcast_in_dim3A_1396 : vector<16x1xi32> to vector<16xi32>
          %gather3A_1398 = tpu.dynamic_gather %add3A_1392[%gather3A_1397] in [0] : vector<16xf32>, vector<16xi32> -> vector<16xf32>
          %add3A_1399 = arith.addf %add3A_1392, %gather3A_1398 : vector<16xf32>
          %eq3A_1400 = arith.constant 13 : i32
          %eq3A_1401 = vector.broadcast %eq3A_1400 : i32 to vector<16xi32>
          %eq3A_1402 = arith.cmpi eq, %iota3A, %eq3A_1401 : vector<16xi32>
          %select_n3A_1403 = arith.select %eq3A_1402, %add3A_1399, %select_n3A_1310 : vector<16xi1>, vector<16xf32>
          %add3A_1404 = arith.constant 1792 : i32
          %add3A_1405 = arith.addi %mul3A_103, %add3A_1404 : i32
          %get3A_1406 = arith.index_cast %add3A_1405 : i32 to index
          %get3A_1407 = tpu.vector_load %arg5[%get3A_1406] {strides = array<i32>} : memref<32768xf32, #tpu.memory_space<vmem>>, vector<16xf32>,
          %get3A_1408 = vector.shape_cast %get3A_1407 : vector<16xf32> to vector<16xf32>
          %add3A_1409 = arith.constant 1792 : i32
          %add3A_1410 = arith.addi %mul3A_103, %add3A_1409 : i32
          %add3A_1411 = arith.constant 16 : i32
          %add3A_1412 = arith.addi %add3A_1410, %add3A_1411 : i32
          %get3A_1413 = arith.index_cast %add3A_1412 : i32 to index
          %get3A_1414 = tpu.vector_load %arg5[%get3A_1413] {strides = array<i32>} : memref<32768xf32, #tpu.memory_space<vmem>>, vector<16xf32>,
          %get3A_1415 = vector.shape_cast %get3A_1414 : vector<16xf32> to vector<16xf32>
          %add3A_1416 = arith.addf %get3A_1408, %get3A_1415 : vector<16xf32>
          %add3A_1417 = arith.constant 1792 : i32
          %add3A_1418 = arith.addi %mul3A_103, %add3A_1417 : i32
          %add3A_1419 = arith.constant 32 : i32
          %add3A_1420 = arith.addi %add3A_1418, %add3A_1419 : i32
          %get3A_1421 = arith.index_cast %add3A_1420 : i32 to index
          %get3A_1422 = tpu.vector_load %arg5[%get3A_1421] {strides = array<i32>} : memref<32768xf32, #tpu.memory_space<vmem>>, vector<16xf32>,
          %get3A_1423 = vector.shape_cast %get3A_1422 : vector<16xf32> to vector<16xf32>
          %add3A_1424 = arith.addf %add3A_1416, %get3A_1423 : vector<16xf32>
          %add3A_1425 = arith.constant 1792 : i32
          %add3A_1426 = arith.addi %mul3A_103, %add3A_1425 : i32
          %add3A_1427 = arith.constant 48 : i32
          %add3A_1428 = arith.addi %add3A_1426, %add3A_1427 : i32
          %get3A_1429 = arith.index_cast %add3A_1428 : i32 to index
          %get3A_1430 = tpu.vector_load %arg5[%get3A_1429] {strides = array<i32>} : memref<32768xf32, #tpu.memory_space<vmem>>, vector<16xf32>,
          %get3A_1431 = vector.shape_cast %get3A_1430 : vector<16xf32> to vector<16xf32>
          %add3A_1432 = arith.addf %add3A_1424, %get3A_1431 : vector<16xf32>
          %add3A_1433 = arith.constant 1792 : i32
          %add3A_1434 = arith.addi %mul3A_103, %add3A_1433 : i32
          %add3A_1435 = arith.constant 64 : i32
          %add3A_1436 = arith.addi %add3A_1434, %add3A_1435 : i32
          %get3A_1437 = arith.index_cast %add3A_1436 : i32 to index
          %get3A_1438 = tpu.vector_load %arg5[%get3A_1437] {strides = array<i32>} : memref<32768xf32, #tpu.memory_space<vmem>>, vector<16xf32>,
          %get3A_1439 = vector.shape_cast %get3A_1438 : vector<16xf32> to vector<16xf32>
          %add3A_1440 = arith.addf %add3A_1432, %get3A_1439 : vector<16xf32>
          %add3A_1441 = arith.constant 1792 : i32
          %add3A_1442 = arith.addi %mul3A_103, %add3A_1441 : i32
          %add3A_1443 = arith.constant 80 : i32
          %add3A_1444 = arith.addi %add3A_1442, %add3A_1443 : i32
          %get3A_1445 = arith.index_cast %add3A_1444 : i32 to index
          %get3A_1446 = tpu.vector_load %arg5[%get3A_1445] {strides = array<i32>} : memref<32768xf32, #tpu.memory_space<vmem>>, vector<16xf32>,
          %get3A_1447 = vector.shape_cast %get3A_1446 : vector<16xf32> to vector<16xf32>
          %add3A_1448 = arith.addf %add3A_1440, %get3A_1447 : vector<16xf32>
          %add3A_1449 = arith.constant 1792 : i32
          %add3A_1450 = arith.addi %mul3A_103, %add3A_1449 : i32
          %add3A_1451 = arith.constant 96 : i32
          %add3A_1452 = arith.addi %add3A_1450, %add3A_1451 : i32
          %get3A_1453 = arith.index_cast %add3A_1452 : i32 to index
          %get3A_1454 = tpu.vector_load %arg5[%get3A_1453] {strides = array<i32>} : memref<32768xf32, #tpu.memory_space<vmem>>, vector<16xf32>,
          %get3A_1455 = vector.shape_cast %get3A_1454 : vector<16xf32> to vector<16xf32>
          %add3A_1456 = arith.addf %add3A_1448, %get3A_1455 : vector<16xf32>
          %add3A_1457 = arith.constant 1792 : i32
          %add3A_1458 = arith.addi %mul3A_103, %add3A_1457 : i32
          %add3A_1459 = arith.constant 112 : i32
          %add3A_1460 = arith.addi %add3A_1458, %add3A_1459 : i32
          %get3A_1461 = arith.index_cast %add3A_1460 : i32 to index
          %get3A_1462 = tpu.vector_load %arg5[%get3A_1461] {strides = array<i32>} : memref<32768xf32, #tpu.memory_space<vmem>>, vector<16xf32>,
          %get3A_1463 = vector.shape_cast %get3A_1462 : vector<16xf32> to vector<16xf32>
          %add3A_1464 = arith.addf %add3A_1456, %get3A_1463 : vector<16xf32>
          %xor3A_1465 = arith.constant 8 : i32
          %xor3A_1466 = vector.broadcast %xor3A_1465 : i32 to vector<16xi32>
          %xor3A_1467 = arith.xori %iota3A, %xor3A_1466 : vector<16xi32>
          %broadcast_in_dim3A_1468 = vector.shape_cast %xor3A_1467 : vector<16xi32> to vector<16x1xi32>
          %gather3A_1469 = vector.shape_cast %broadcast_in_dim3A_1468 : vector<16x1xi32> to vector<16xi32>
          %gather3A_1470 = tpu.dynamic_gather %add3A_1464[%gather3A_1469] in [0] : vector<16xf32>, vector<16xi32> -> vector<16xf32>
          %add3A_1471 = arith.addf %add3A_1464, %gather3A_1470 : vector<16xf32>
          %xor3A_1472 = arith.constant 4 : i32
          %xor3A_1473 = vector.broadcast %xor3A_1472 : i32 to vector<16xi32>
          %xor3A_1474 = arith.xori %iota3A, %xor3A_1473 : vector<16xi32>
          %broadcast_in_dim3A_1475 = vector.shape_cast %xor3A_1474 : vector<16xi32> to vector<16x1xi32>
          %gather3A_1476 = vector.shape_cast %broadcast_in_dim3A_1475 : vector<16x1xi32> to vector<16xi32>
          %gather3A_1477 = tpu.dynamic_gather %add3A_1471[%gather3A_1476] in [0] : vector<16xf32>, vector<16xi32> -> vector<16xf32>
          %add3A_1478 = arith.addf %add3A_1471, %gather3A_1477 : vector<16xf32>
          %xor3A_1479 = arith.constant 2 : i32
          %xor3A_1480 = vector.broadcast %xor3A_1479 : i32 to vector<16xi32>
          %xor3A_1481 = arith.xori %iota3A, %xor3A_1480 : vector<16xi32>
          %broadcast_in_dim3A_1482 = vector.shape_cast %xor3A_1481 : vector<16xi32> to vector<16x1xi32>
          %gather3A_1483 = vector.shape_cast %broadcast_in_dim3A_1482 : vector<16x1xi32> to vector<16xi32>
          %gather3A_1484 = tpu.dynamic_gather %add3A_1478[%gather3A_1483] in [0] : vector<16xf32>, vector<16xi32> -> vector<16xf32>
          %add3A_1485 = arith.addf %add3A_1478, %gather3A_1484 : vector<16xf32>
          %xor3A_1486 = arith.constant 1 : i32
          %xor3A_1487 = vector.broadcast %xor3A_1486 : i32 to vector<16xi32>
          %xor3A_1488 = arith.xori %iota3A, %xor3A_1487 : vector<16xi32>
          %broadcast_in_dim3A_1489 = vector.shape_cast %xor3A_1488 : vector<16xi32> to vector<16x1xi32>
          %gather3A_1490 = vector.shape_cast %broadcast_in_dim3A_1489 : vector<16x1xi32> to vector<16xi32>
          %gather3A_1491 = tpu.dynamic_gather %add3A_1485[%gather3A_1490] in [0] : vector<16xf32>, vector<16xi32> -> vector<16xf32>
          %add3A_1492 = arith.addf %add3A_1485, %gather3A_1491 : vector<16xf32>
          %eq3A_1493 = arith.constant 14 : i32
          %eq3A_1494 = vector.broadcast %eq3A_1493 : i32 to vector<16xi32>
          %eq3A_1495 = arith.cmpi eq, %iota3A, %eq3A_1494 : vector<16xi32>
          %select_n3A_1496 = arith.select %eq3A_1495, %add3A_1492, %select_n3A_1403 : vector<16xi1>, vector<16xf32>
          %add3A_1497 = arith.constant 1920 : i32
          %add3A_1498 = arith.addi %mul3A_103, %add3A_1497 : i32
          %get3A_1499 = arith.index_cast %add3A_1498 : i32 to index
          %get3A_1500 = tpu.vector_load %arg5[%get3A_1499] {strides = array<i32>} : memref<32768xf32, #tpu.memory_space<vmem>>, vector<16xf32>,
          %get3A_1501 = vector.shape_cast %get3A_1500 : vector<16xf32> to vector<16xf32>
          %add3A_1502 = arith.constant 1920 : i32
          %add3A_1503 = arith.addi %mul3A_103, %add3A_1502 : i32
          %add3A_1504 = arith.constant 16 : i32
          %add3A_1505 = arith.addi %add3A_1503, %add3A_1504 : i32
          %get3A_1506 = arith.index_cast %add3A_1505 : i32 to index
          %get3A_1507 = tpu.vector_load %arg5[%get3A_1506] {strides = array<i32>} : memref<32768xf32, #tpu.memory_space<vmem>>, vector<16xf32>,
          %get3A_1508 = vector.shape_cast %get3A_1507 : vector<16xf32> to vector<16xf32>
          %add3A_1509 = arith.addf %get3A_1501, %get3A_1508 : vector<16xf32>
          %add3A_1510 = arith.constant 1920 : i32
          %add3A_1511 = arith.addi %mul3A_103, %add3A_1510 : i32
          %add3A_1512 = arith.constant 32 : i32
          %add3A_1513 = arith.addi %add3A_1511, %add3A_1512 : i32
          %get3A_1514 = arith.index_cast %add3A_1513 : i32 to index
          %get3A_1515 = tpu.vector_load %arg5[%get3A_1514] {strides = array<i32>} : memref<32768xf32, #tpu.memory_space<vmem>>, vector<16xf32>,
          %get3A_1516 = vector.shape_cast %get3A_1515 : vector<16xf32> to vector<16xf32>
          %add3A_1517 = arith.addf %add3A_1509, %get3A_1516 : vector<16xf32>
          %add3A_1518 = arith.constant 1920 : i32
          %add3A_1519 = arith.addi %mul3A_103, %add3A_1518 : i32
          %add3A_1520 = arith.constant 48 : i32
          %add3A_1521 = arith.addi %add3A_1519, %add3A_1520 : i32
          %get3A_1522 = arith.index_cast %add3A_1521 : i32 to index
          %get3A_1523 = tpu.vector_load %arg5[%get3A_1522] {strides = array<i32>} : memref<32768xf32, #tpu.memory_space<vmem>>, vector<16xf32>,
          %get3A_1524 = vector.shape_cast %get3A_1523 : vector<16xf32> to vector<16xf32>
          %add3A_1525 = arith.addf %add3A_1517, %get3A_1524 : vector<16xf32>
          %add3A_1526 = arith.constant 1920 : i32
          %add3A_1527 = arith.addi %mul3A_103, %add3A_1526 : i32
          %add3A_1528 = arith.constant 64 : i32
          %add3A_1529 = arith.addi %add3A_1527, %add3A_1528 : i32
          %get3A_1530 = arith.index_cast %add3A_1529 : i32 to index
          %get3A_1531 = tpu.vector_load %arg5[%get3A_1530] {strides = array<i32>} : memref<32768xf32, #tpu.memory_space<vmem>>, vector<16xf32>,
          %get3A_1532 = vector.shape_cast %get3A_1531 : vector<16xf32> to vector<16xf32>
          %add3A_1533 = arith.addf %add3A_1525, %get3A_1532 : vector<16xf32>
          %add3A_1534 = arith.constant 1920 : i32
          %add3A_1535 = arith.addi %mul3A_103, %add3A_1534 : i32
          %add3A_1536 = arith.constant 80 : i32
          %add3A_1537 = arith.addi %add3A_1535, %add3A_1536 : i32
          %get3A_1538 = arith.index_cast %add3A_1537 : i32 to index
          %get3A_1539 = tpu.vector_load %arg5[%get3A_1538] {strides = array<i32>} : memref<32768xf32, #tpu.memory_space<vmem>>, vector<16xf32>,
          %get3A_1540 = vector.shape_cast %get3A_1539 : vector<16xf32> to vector<16xf32>
          %add3A_1541 = arith.addf %add3A_1533, %get3A_1540 : vector<16xf32>
          %add3A_1542 = arith.constant 1920 : i32
          %add3A_1543 = arith.addi %mul3A_103, %add3A_1542 : i32
          %add3A_1544 = arith.constant 96 : i32
          %add3A_1545 = arith.addi %add3A_1543, %add3A_1544 : i32
          %get3A_1546 = arith.index_cast %add3A_1545 : i32 to index
          %get3A_1547 = tpu.vector_load %arg5[%get3A_1546] {strides = array<i32>} : memref<32768xf32, #tpu.memory_space<vmem>>, vector<16xf32>,
          %get3A_1548 = vector.shape_cast %get3A_1547 : vector<16xf32> to vector<16xf32>
          %add3A_1549 = arith.addf %add3A_1541, %get3A_1548 : vector<16xf32>
          %add3A_1550 = arith.constant 1920 : i32
          %add3A_1551 = arith.addi %mul3A_103, %add3A_1550 : i32
          %add3A_1552 = arith.constant 112 : i32
          %add3A_1553 = arith.addi %add3A_1551, %add3A_1552 : i32
          %get3A_1554 = arith.index_cast %add3A_1553 : i32 to index
          %get3A_1555 = tpu.vector_load %arg5[%get3A_1554] {strides = array<i32>} : memref<32768xf32, #tpu.memory_space<vmem>>, vector<16xf32>,
          %get3A_1556 = vector.shape_cast %get3A_1555 : vector<16xf32> to vector<16xf32>
          %add3A_1557 = arith.addf %add3A_1549, %get3A_1556 : vector<16xf32>
          %xor3A_1558 = arith.constant 8 : i32
          %xor3A_1559 = vector.broadcast %xor3A_1558 : i32 to vector<16xi32>
          %xor3A_1560 = arith.xori %iota3A, %xor3A_1559 : vector<16xi32>
          %broadcast_in_dim3A_1561 = vector.shape_cast %xor3A_1560 : vector<16xi32> to vector<16x1xi32>
          %gather3A_1562 = vector.shape_cast %broadcast_in_dim3A_1561 : vector<16x1xi32> to vector<16xi32>
          %gather3A_1563 = tpu.dynamic_gather %add3A_1557[%gather3A_1562] in [0] : vector<16xf32>, vector<16xi32> -> vector<16xf32>
          %add3A_1564 = arith.addf %add3A_1557, %gather3A_1563 : vector<16xf32>
          %xor3A_1565 = arith.constant 4 : i32
          %xor3A_1566 = vector.broadcast %xor3A_1565 : i32 to vector<16xi32>
          %xor3A_1567 = arith.xori %iota3A, %xor3A_1566 : vector<16xi32>
          %broadcast_in_dim3A_1568 = vector.shape_cast %xor3A_1567 : vector<16xi32> to vector<16x1xi32>
          %gather3A_1569 = vector.shape_cast %broadcast_in_dim3A_1568 : vector<16x1xi32> to vector<16xi32>
          %gather3A_1570 = tpu.dynamic_gather %add3A_1564[%gather3A_1569] in [0] : vector<16xf32>, vector<16xi32> -> vector<16xf32>
          %add3A_1571 = arith.addf %add3A_1564, %gather3A_1570 : vector<16xf32>
          %xor3A_1572 = arith.constant 2 : i32
          %xor3A_1573 = vector.broadcast %xor3A_1572 : i32 to vector<16xi32>
          %xor3A_1574 = arith.xori %iota3A, %xor3A_1573 : vector<16xi32>
          %broadcast_in_dim3A_1575 = vector.shape_cast %xor3A_1574 : vector<16xi32> to vector<16x1xi32>
          %gather3A_1576 = vector.shape_cast %broadcast_in_dim3A_1575 : vector<16x1xi32> to vector<16xi32>
          %gather3A_1577 = tpu.dynamic_gather %add3A_1571[%gather3A_1576] in [0] : vector<16xf32>, vector<16xi32> -> vector<16xf32>
          %add3A_1578 = arith.addf %add3A_1571, %gather3A_1577 : vector<16xf32>
          %xor3A_1579 = arith.constant 1 : i32
          %xor3A_1580 = vector.broadcast %xor3A_1579 : i32 to vector<16xi32>
          %xor3A_1581 = arith.xori %iota3A, %xor3A_1580 : vector<16xi32>
          %broadcast_in_dim3A_1582 = vector.shape_cast %xor3A_1581 : vector<16xi32> to vector<16x1xi32>
          %gather3A_1583 = vector.shape_cast %broadcast_in_dim3A_1582 : vector<16x1xi32> to vector<16xi32>
          %gather3A_1584 = tpu.dynamic_gather %add3A_1578[%gather3A_1583] in [0] : vector<16xf32>, vector<16xi32> -> vector<16xf32>
          %add3A_1585 = arith.addf %add3A_1578, %gather3A_1584 : vector<16xf32>
          %eq3A_1586 = arith.constant 15 : i32
          %eq3A_1587 = vector.broadcast %eq3A_1586 : i32 to vector<16xi32>
          %eq3A_1588 = arith.cmpi eq, %iota3A, %eq3A_1587 : vector<16xi32>
          %select_n3A_1589 = arith.select %eq3A_1588, %add3A_1585, %select_n3A_1496 : vector<16xi1>, vector<16xf32>
          %mul3A_1590 = arith.constant 7.812500e-03 : f32
          %mul3A_1591 = vector.broadcast %mul3A_1590 : f32 to vector<16xf32>
          %mul3A_1592 = arith.mulf %select_n3A_1589, %mul3A_1591 : vector<16xf32>
          %mul3A_1593 = arith.constant 16 : i32
          %mul3A_1594 = arith.muli %scan3A_98, %mul3A_1593 : i32
          %swap3A = arith.index_cast %mul3A_1594 : i32 to index
          %swap3A_1595 = tpu.vector_load %arg7[%swap3A] {strides = array<i32>} : memref<272xf32, #tpu.memory_space<vmem>>, vector<16xf32>,
          %swap3A_1596 = vector.shape_cast %swap3A_1595 : vector<16xf32> to vector<16xf32>
          %swap3A_1597 = vector.shape_cast %mul3A_1592 : vector<16xf32> to vector<16xf32>
          tpu.vector_store %arg7[%swap3A], %swap3A_1597 {strides = array<i32>} : memref<272xf32, #tpu.memory_space<vmem>>, vector<16xf32>,
          %scan3A_1598 = arith.constant 0 : i32
          scf.yield %scan3A_1598 : i32
        }
        %scan3A_85 = arith.constant 16 : i32
        %mul3A_86 = arith.constant 2 : i32
        %mul3A_87 = arith.muli %scan3A_32, %mul3A_86 : i32
        %add3A_88 = arith.constant 0 : i32
        %add3A_89 = arith.addi %mul3A_87, %add3A_88 : i32
        %mul3A_90 = arith.constant 128 : i32
        %mul3A_91 = arith.muli %add3A_89, %mul3A_90 : i32
        "tpu.region"() ({
          %run_scoped3A = tpu.sem_alloc : memref<!tpu.dma_semaphore, #tpu.memory_space<semaphore_mem>>
          %dma_start3A_98 = arith.constant 0 : i32
          %dma_start3A_99 = tpu.memref_slice %arg7[%dma_start3A_98] : memref<272xf32, #tpu.memory_space<vmem>> -> memref<128xf32, #tpu.memory_space<vmem>>
          %dma_start3A_100 = tpu.memref_slice %arg8[%mul3A_91] : memref<6400xi32, #tpu.memory_space<vmem>> -> memref<128xi32, #tpu.memory_space<vmem>>
          %dma_start3A_101 = arith.constant 0 : i32
          %dma_start3A_102 = tpu.memref_slice %arg9[%dma_start3A_101] : memref<10240xf32, #tpu.memory_space<vmem_shared>> -> memref<10240xf32, #tpu.memory_space<vmem_shared>>
          tpu.enqueue_indirect_dma source(%dma_start3A_99 : memref<128xf32, #tpu.memory_space<vmem>>) target(%dma_start3A_102 : memref<10240xf32, #tpu.memory_space<vmem_shared>>) offsets(%dma_start3A_100 : memref<128xi32, #tpu.memory_space<vmem>>) semaphore(%run_scoped3A : memref<!tpu.dma_semaphore, #tpu.memory_space<semaphore_mem>>) {add = true}
          %dma_wait3A_103 = arith.constant 0 : i32
          %dma_wait3A_104 = tpu.memref_slice %arg7[%dma_wait3A_103] : memref<272xf32, #tpu.memory_space<vmem>> -> memref<128xf32, #tpu.memory_space<vmem>>
          %dma_wait3A_105 = tpu.memref_slice %arg8[%mul3A_91] : memref<6400xi32, #tpu.memory_space<vmem>> -> memref<128xi32, #tpu.memory_space<vmem>>
          %dma_wait3A_106 = arith.constant 0 : i32
          %dma_wait3A_107 = tpu.memref_slice %arg9[%dma_wait3A_106] : memref<10240xf32, #tpu.memory_space<vmem_shared>> -> memref<10240xf32, #tpu.memory_space<vmem_shared>>
          tpu.wait_indirect_dma semaphore(%run_scoped3A : memref<!tpu.dma_semaphore, #tpu.memory_space<semaphore_mem>>) src(%dma_wait3A_104 : memref<128xf32, #tpu.memory_space<vmem>>) dst(%dma_wait3A_107 : memref<10240xf32, #tpu.memory_space<vmem_shared>>)
          tpu.yield
        }) : () -> ()
        %mul3A_92 = arith.constant 2 : i32
        %mul3A_93 = arith.muli %scan3A_32, %mul3A_92 : i32
        %add3A_94 = arith.constant 1 : i32
        %add3A_95 = arith.addi %mul3A_93, %add3A_94 : i32
        %mul3A_96 = arith.constant 128 : i32
        %mul3A_97 = arith.muli %add3A_95, %mul3A_96 : i32
        "tpu.region"() ({
          %run_scoped3A = tpu.sem_alloc : memref<!tpu.dma_semaphore, #tpu.memory_space<semaphore_mem>>
          %dma_start3A_98 = arith.constant 128 : i32
          %dma_start3A_99 = tpu.memref_slice %arg7[%dma_start3A_98] : memref<272xf32, #tpu.memory_space<vmem>> -> memref<128xf32, #tpu.memory_space<vmem>>
          %dma_start3A_100 = tpu.memref_slice %arg8[%mul3A_97] : memref<6400xi32, #tpu.memory_space<vmem>> -> memref<128xi32, #tpu.memory_space<vmem>>
          %dma_start3A_101 = arith.constant 0 : i32
          %dma_start3A_102 = tpu.memref_slice %arg9[%dma_start3A_101] : memref<10240xf32, #tpu.memory_space<vmem_shared>> -> memref<10240xf32, #tpu.memory_space<vmem_shared>>
          tpu.enqueue_indirect_dma source(%dma_start3A_99 : memref<128xf32, #tpu.memory_space<vmem>>) target(%dma_start3A_102 : memref<10240xf32, #tpu.memory_space<vmem_shared>>) offsets(%dma_start3A_100 : memref<128xi32, #tpu.memory_space<vmem>>) semaphore(%run_scoped3A : memref<!tpu.dma_semaphore, #tpu.memory_space<semaphore_mem>>) {add = true}
          %dma_wait3A_103 = arith.constant 128 : i32
          %dma_wait3A_104 = tpu.memref_slice %arg7[%dma_wait3A_103] : memref<272xf32, #tpu.memory_space<vmem>> -> memref<128xf32, #tpu.memory_space<vmem>>
          %dma_wait3A_105 = tpu.memref_slice %arg8[%mul3A_97] : memref<6400xi32, #tpu.memory_space<vmem>> -> memref<128xi32, #tpu.memory_space<vmem>>
          %dma_wait3A_106 = arith.constant 0 : i32
          %dma_wait3A_107 = tpu.memref_slice %arg9[%dma_wait3A_106] : memref<10240xf32, #tpu.memory_space<vmem_shared>> -> memref<10240xf32, #tpu.memory_space<vmem_shared>>
          tpu.wait_indirect_dma semaphore(%run_scoped3A : memref<!tpu.dma_semaphore, #tpu.memory_space<semaphore_mem>>) src(%dma_wait3A_104 : memref<128xf32, #tpu.memory_space<vmem>>) dst(%dma_wait3A_107 : memref<10240xf32, #tpu.memory_space<vmem_shared>>)
          tpu.yield
        }) : () -> ()
      } else {
      }
      %jit3A_46 = arith.constant 2 : i32
      %eq3A_47 = arith.constant 0 : i32
      %eq3A_48 = arith.cmpi eq, %jit3A_46, %eq3A_47 : i32
      %jit3A_49 = arith.constant 1 : i32
      %select_n3A_50 = arith.select %eq3A_48, %jit3A_49, %jit3A_46 : i32
      %rem3A_51 = arith.remsi %scan3A_32, %select_n3A_50 : i32
      %ne3A_52 = arith.constant 0 : i32
      %ne3A_53 = arith.cmpi ne, %rem3A_51, %ne3A_52 : i32
      %lt3A_54 = arith.constant 0 : i32
      %lt3A_55 = arith.cmpi slt, %rem3A_51, %lt3A_54 : i32
      %lt3A_56 = arith.constant 0 : i32
      %lt3A_57 = arith.cmpi slt, %select_n3A_50, %lt3A_56 : i32
      %ne3A_58 = arith.xori %lt3A_55, %lt3A_57 : i1
      %and3A_59 = arith.andi %ne3A_58, %ne3A_53 : i1
      %add3A_60 = arith.addi %rem3A_51, %select_n3A_50 : i32
      %select_n3A_61 = arith.select %and3A_59, %add3A_60, %rem3A_51 : i32
      %eq3A_62 = arith.constant 1 : i32
      %eq3A_63 = arith.cmpi eq, %select_n3A_61, %eq3A_62 : i32
      %convert_element_type3A_64 = arith.extui %eq3A_63 : i1 to i32
      %cond3A_65 = arith.constant 0 : i32
      %cond3A_66 = arith.cmpi ne, %convert_element_type3A_64, %cond3A_65 : i32
      scf.if %cond3A_66 {
        %dma_wait3A = tpu.memref_slice %arg2[%mul3A_8] : memref<40960000xf32, #tpu.memory_space<hbm>> -> memref<32768xf32, #tpu.memory_space<hbm>>
        %dma_wait3A_68 = tpu.memref_slice %arg2[%mul3A_8] : memref<40960000xf32, #tpu.memory_space<hbm>> -> memref<32768xf32, #tpu.memory_space<hbm>>
        tpu.wait_dma2 semaphore(%arg11 : memref<!tpu.dma_semaphore, #tpu.memory_space<semaphore_mem>>) src(%dma_wait3A_68 : memref<32768xf32, #tpu.memory_space<hbm>>) dst(%arg6 : memref<32768xf32, #tpu.memory_space<vmem>>)
        %add3A_69 = arith.constant 1 : i32
        %add3A_70 = arith.addi %scan3A_32, %add3A_69 : i32
        %lt3A_71 = arith.constant 25 : i32
        %lt3A_72 = arith.cmpi slt, %add3A_70, %lt3A_71 : i32
        %convert_element_type3A_73 = arith.extui %lt3A_72 : i1 to i32
        %cond3A_74 = arith.constant 0 : i32
        %cond3A_75 = arith.cmpi ne, %convert_element_type3A_73, %cond3A_74 : i32
        scf.if %cond3A_75 {
          %add3A_98 = arith.constant 1 : i32
          %add3A_99 = arith.addi %scan3A_32, %add3A_98 : i32
          %mul3A_100 = arith.constant 32768 : i32
          %mul3A_101 = arith.muli %add3A_99, %mul3A_100 : i32
          %add3A_102 = arith.addi %mul3A_8, %mul3A_101 : i32
          %dma_start3A_103 = tpu.memref_slice %arg2[%add3A_102] : memref<40960000xf32, #tpu.memory_space<hbm>> -> memref<32768xf32, #tpu.memory_space<hbm>>
          %dma_start3A_104 = tpu.memref_slice %arg2[%add3A_102] : memref<40960000xf32, #tpu.memory_space<hbm>> -> memref<32768xf32, #tpu.memory_space<hbm>>
          tpu.enqueue_dma source(%dma_start3A_104 : memref<32768xf32, #tpu.memory_space<hbm>>) target(%arg5 : memref<32768xf32, #tpu.memory_space<vmem>>) target_semaphore(%arg11 : memref<!tpu.dma_semaphore, #tpu.memory_space<semaphore_mem>>)
        } else {
        }
        %iota3A = tpu.iota {dimensions = array<i32: 0>} : vector<16xi32>
        %eq3A_76 = arith.constant 0 : i32
        %eq3A_77 = vector.broadcast %eq3A_76 : i32 to vector<16xi32>
        %eq3A_78 = arith.cmpi eq, %iota3A, %eq3A_77 : vector<16xi32>
        %scan3A_79 = arith.constant 0 : i32
        %scan3A_80 = arith.constant 0 : i32
        %scan3A_81 = arith.constant 16 : i32
        %scan3A_82 = arith.addi %scan3A_80, %scan3A_81 : i32
        %scan3A_83 = arith.constant 1 : i32
        %scan3A_84 = scf.for %scan3A_98 = %scan3A_80 to %scan3A_82 step %scan3A_83 iter_args(%scan3A_99 = %scan3A_79) -> (i32)  : i32 {
          %mul3A_100 = arith.constant 16 : i32
          %mul3A_101 = arith.muli %scan3A_98, %mul3A_100 : i32
          %mul3A_102 = arith.constant 128 : i32
          %mul3A_103 = arith.muli %mul3A_101, %mul3A_102 : i32
          %broadcast_in_dim3A = arith.constant 0.000000e+00 : f32
          %broadcast_in_dim3A_104 = vector.broadcast %broadcast_in_dim3A : f32 to vector<16xf32>
          %add3A_105 = arith.constant 0 : i32
          %add3A_106 = arith.addi %mul3A_103, %add3A_105 : i32
          %get3A = arith.index_cast %add3A_106 : i32 to index
          %get3A_107 = tpu.vector_load %arg6[%get3A] {strides = array<i32>} : memref<32768xf32, #tpu.memory_space<vmem>>, vector<16xf32>,
          %get3A_108 = vector.shape_cast %get3A_107 : vector<16xf32> to vector<16xf32>
          %add3A_109 = arith.constant 0 : i32
          %add3A_110 = arith.addi %mul3A_103, %add3A_109 : i32
          %add3A_111 = arith.constant 16 : i32
          %add3A_112 = arith.addi %add3A_110, %add3A_111 : i32
          %get3A_113 = arith.index_cast %add3A_112 : i32 to index
          %get3A_114 = tpu.vector_load %arg6[%get3A_113] {strides = array<i32>} : memref<32768xf32, #tpu.memory_space<vmem>>, vector<16xf32>,
          %get3A_115 = vector.shape_cast %get3A_114 : vector<16xf32> to vector<16xf32>
          %add3A_116 = arith.addf %get3A_108, %get3A_115 : vector<16xf32>
          %add3A_117 = arith.constant 0 : i32
          %add3A_118 = arith.addi %mul3A_103, %add3A_117 : i32
          %add3A_119 = arith.constant 32 : i32
          %add3A_120 = arith.addi %add3A_118, %add3A_119 : i32
          %get3A_121 = arith.index_cast %add3A_120 : i32 to index
          %get3A_122 = tpu.vector_load %arg6[%get3A_121] {strides = array<i32>} : memref<32768xf32, #tpu.memory_space<vmem>>, vector<16xf32>,
          %get3A_123 = vector.shape_cast %get3A_122 : vector<16xf32> to vector<16xf32>
          %add3A_124 = arith.addf %add3A_116, %get3A_123 : vector<16xf32>
          %add3A_125 = arith.constant 0 : i32
          %add3A_126 = arith.addi %mul3A_103, %add3A_125 : i32
          %add3A_127 = arith.constant 48 : i32
          %add3A_128 = arith.addi %add3A_126, %add3A_127 : i32
          %get3A_129 = arith.index_cast %add3A_128 : i32 to index
          %get3A_130 = tpu.vector_load %arg6[%get3A_129] {strides = array<i32>} : memref<32768xf32, #tpu.memory_space<vmem>>, vector<16xf32>,
          %get3A_131 = vector.shape_cast %get3A_130 : vector<16xf32> to vector<16xf32>
          %add3A_132 = arith.addf %add3A_124, %get3A_131 : vector<16xf32>
          %add3A_133 = arith.constant 0 : i32
          %add3A_134 = arith.addi %mul3A_103, %add3A_133 : i32
          %add3A_135 = arith.constant 64 : i32
          %add3A_136 = arith.addi %add3A_134, %add3A_135 : i32
          %get3A_137 = arith.index_cast %add3A_136 : i32 to index
          %get3A_138 = tpu.vector_load %arg6[%get3A_137] {strides = array<i32>} : memref<32768xf32, #tpu.memory_space<vmem>>, vector<16xf32>,
          %get3A_139 = vector.shape_cast %get3A_138 : vector<16xf32> to vector<16xf32>
          %add3A_140 = arith.addf %add3A_132, %get3A_139 : vector<16xf32>
          %add3A_141 = arith.constant 0 : i32
          %add3A_142 = arith.addi %mul3A_103, %add3A_141 : i32
          %add3A_143 = arith.constant 80 : i32
          %add3A_144 = arith.addi %add3A_142, %add3A_143 : i32
          %get3A_145 = arith.index_cast %add3A_144 : i32 to index
          %get3A_146 = tpu.vector_load %arg6[%get3A_145] {strides = array<i32>} : memref<32768xf32, #tpu.memory_space<vmem>>, vector<16xf32>,
          %get3A_147 = vector.shape_cast %get3A_146 : vector<16xf32> to vector<16xf32>
          %add3A_148 = arith.addf %add3A_140, %get3A_147 : vector<16xf32>
          %add3A_149 = arith.constant 0 : i32
          %add3A_150 = arith.addi %mul3A_103, %add3A_149 : i32
          %add3A_151 = arith.constant 96 : i32
          %add3A_152 = arith.addi %add3A_150, %add3A_151 : i32
          %get3A_153 = arith.index_cast %add3A_152 : i32 to index
          %get3A_154 = tpu.vector_load %arg6[%get3A_153] {strides = array<i32>} : memref<32768xf32, #tpu.memory_space<vmem>>, vector<16xf32>,
          %get3A_155 = vector.shape_cast %get3A_154 : vector<16xf32> to vector<16xf32>
          %add3A_156 = arith.addf %add3A_148, %get3A_155 : vector<16xf32>
          %add3A_157 = arith.constant 0 : i32
          %add3A_158 = arith.addi %mul3A_103, %add3A_157 : i32
          %add3A_159 = arith.constant 112 : i32
          %add3A_160 = arith.addi %add3A_158, %add3A_159 : i32
          %get3A_161 = arith.index_cast %add3A_160 : i32 to index
          %get3A_162 = tpu.vector_load %arg6[%get3A_161] {strides = array<i32>} : memref<32768xf32, #tpu.memory_space<vmem>>, vector<16xf32>,
          %get3A_163 = vector.shape_cast %get3A_162 : vector<16xf32> to vector<16xf32>
          %add3A_164 = arith.addf %add3A_156, %get3A_163 : vector<16xf32>
          %xor3A = arith.constant 8 : i32
          %xor3A_165 = vector.broadcast %xor3A : i32 to vector<16xi32>
          %xor3A_166 = arith.xori %iota3A, %xor3A_165 : vector<16xi32>
          %broadcast_in_dim3A_167 = vector.shape_cast %xor3A_166 : vector<16xi32> to vector<16x1xi32>
          %gather3A = vector.shape_cast %broadcast_in_dim3A_167 : vector<16x1xi32> to vector<16xi32>
          %gather3A_168 = tpu.dynamic_gather %add3A_164[%gather3A] in [0] : vector<16xf32>, vector<16xi32> -> vector<16xf32>
          %add3A_169 = arith.addf %add3A_164, %gather3A_168 : vector<16xf32>
          %xor3A_170 = arith.constant 4 : i32
          %xor3A_171 = vector.broadcast %xor3A_170 : i32 to vector<16xi32>
          %xor3A_172 = arith.xori %iota3A, %xor3A_171 : vector<16xi32>
          %broadcast_in_dim3A_173 = vector.shape_cast %xor3A_172 : vector<16xi32> to vector<16x1xi32>
          %gather3A_174 = vector.shape_cast %broadcast_in_dim3A_173 : vector<16x1xi32> to vector<16xi32>
          %gather3A_175 = tpu.dynamic_gather %add3A_169[%gather3A_174] in [0] : vector<16xf32>, vector<16xi32> -> vector<16xf32>
          %add3A_176 = arith.addf %add3A_169, %gather3A_175 : vector<16xf32>
          %xor3A_177 = arith.constant 2 : i32
          %xor3A_178 = vector.broadcast %xor3A_177 : i32 to vector<16xi32>
          %xor3A_179 = arith.xori %iota3A, %xor3A_178 : vector<16xi32>
          %broadcast_in_dim3A_180 = vector.shape_cast %xor3A_179 : vector<16xi32> to vector<16x1xi32>
          %gather3A_181 = vector.shape_cast %broadcast_in_dim3A_180 : vector<16x1xi32> to vector<16xi32>
          %gather3A_182 = tpu.dynamic_gather %add3A_176[%gather3A_181] in [0] : vector<16xf32>, vector<16xi32> -> vector<16xf32>
          %add3A_183 = arith.addf %add3A_176, %gather3A_182 : vector<16xf32>
          %xor3A_184 = arith.constant 1 : i32
          %xor3A_185 = vector.broadcast %xor3A_184 : i32 to vector<16xi32>
          %xor3A_186 = arith.xori %iota3A, %xor3A_185 : vector<16xi32>
          %broadcast_in_dim3A_187 = vector.shape_cast %xor3A_186 : vector<16xi32> to vector<16x1xi32>
          %gather3A_188 = vector.shape_cast %broadcast_in_dim3A_187 : vector<16x1xi32> to vector<16xi32>
          %gather3A_189 = tpu.dynamic_gather %add3A_183[%gather3A_188] in [0] : vector<16xf32>, vector<16xi32> -> vector<16xf32>
          %add3A_190 = arith.addf %add3A_183, %gather3A_189 : vector<16xf32>
          %eq3A_191 = arith.constant 0 : i32
          %eq3A_192 = vector.broadcast %eq3A_191 : i32 to vector<16xi32>
          %eq3A_193 = arith.cmpi eq, %iota3A, %eq3A_192 : vector<16xi32>
          %select_n3A_194 = arith.select %eq3A_193, %add3A_190, %broadcast_in_dim3A_104 : vector<16xi1>, vector<16xf32>
          %add3A_195 = arith.constant 128 : i32
          %add3A_196 = arith.addi %mul3A_103, %add3A_195 : i32
          %get3A_197 = arith.index_cast %add3A_196 : i32 to index
          %get3A_198 = tpu.vector_load %arg6[%get3A_197] {strides = array<i32>} : memref<32768xf32, #tpu.memory_space<vmem>>, vector<16xf32>,
          %get3A_199 = vector.shape_cast %get3A_198 : vector<16xf32> to vector<16xf32>
          %add3A_200 = arith.constant 128 : i32
          %add3A_201 = arith.addi %mul3A_103, %add3A_200 : i32
          %add3A_202 = arith.constant 16 : i32
          %add3A_203 = arith.addi %add3A_201, %add3A_202 : i32
          %get3A_204 = arith.index_cast %add3A_203 : i32 to index
          %get3A_205 = tpu.vector_load %arg6[%get3A_204] {strides = array<i32>} : memref<32768xf32, #tpu.memory_space<vmem>>, vector<16xf32>,
          %get3A_206 = vector.shape_cast %get3A_205 : vector<16xf32> to vector<16xf32>
          %add3A_207 = arith.addf %get3A_199, %get3A_206 : vector<16xf32>
          %add3A_208 = arith.constant 128 : i32
          %add3A_209 = arith.addi %mul3A_103, %add3A_208 : i32
          %add3A_210 = arith.constant 32 : i32
          %add3A_211 = arith.addi %add3A_209, %add3A_210 : i32
          %get3A_212 = arith.index_cast %add3A_211 : i32 to index
          %get3A_213 = tpu.vector_load %arg6[%get3A_212] {strides = array<i32>} : memref<32768xf32, #tpu.memory_space<vmem>>, vector<16xf32>,
          %get3A_214 = vector.shape_cast %get3A_213 : vector<16xf32> to vector<16xf32>
          %add3A_215 = arith.addf %add3A_207, %get3A_214 : vector<16xf32>
          %add3A_216 = arith.constant 128 : i32
          %add3A_217 = arith.addi %mul3A_103, %add3A_216 : i32
          %add3A_218 = arith.constant 48 : i32
          %add3A_219 = arith.addi %add3A_217, %add3A_218 : i32
          %get3A_220 = arith.index_cast %add3A_219 : i32 to index
          %get3A_221 = tpu.vector_load %arg6[%get3A_220] {strides = array<i32>} : memref<32768xf32, #tpu.memory_space<vmem>>, vector<16xf32>,
          %get3A_222 = vector.shape_cast %get3A_221 : vector<16xf32> to vector<16xf32>
          %add3A_223 = arith.addf %add3A_215, %get3A_222 : vector<16xf32>
          %add3A_224 = arith.constant 128 : i32
          %add3A_225 = arith.addi %mul3A_103, %add3A_224 : i32
          %add3A_226 = arith.constant 64 : i32
          %add3A_227 = arith.addi %add3A_225, %add3A_226 : i32
          %get3A_228 = arith.index_cast %add3A_227 : i32 to index
          %get3A_229 = tpu.vector_load %arg6[%get3A_228] {strides = array<i32>} : memref<32768xf32, #tpu.memory_space<vmem>>, vector<16xf32>,
          %get3A_230 = vector.shape_cast %get3A_229 : vector<16xf32> to vector<16xf32>
          %add3A_231 = arith.addf %add3A_223, %get3A_230 : vector<16xf32>
          %add3A_232 = arith.constant 128 : i32
          %add3A_233 = arith.addi %mul3A_103, %add3A_232 : i32
          %add3A_234 = arith.constant 80 : i32
          %add3A_235 = arith.addi %add3A_233, %add3A_234 : i32
          %get3A_236 = arith.index_cast %add3A_235 : i32 to index
          %get3A_237 = tpu.vector_load %arg6[%get3A_236] {strides = array<i32>} : memref<32768xf32, #tpu.memory_space<vmem>>, vector<16xf32>,
          %get3A_238 = vector.shape_cast %get3A_237 : vector<16xf32> to vector<16xf32>
          %add3A_239 = arith.addf %add3A_231, %get3A_238 : vector<16xf32>
          %add3A_240 = arith.constant 128 : i32
          %add3A_241 = arith.addi %mul3A_103, %add3A_240 : i32
          %add3A_242 = arith.constant 96 : i32
          %add3A_243 = arith.addi %add3A_241, %add3A_242 : i32
          %get3A_244 = arith.index_cast %add3A_243 : i32 to index
          %get3A_245 = tpu.vector_load %arg6[%get3A_244] {strides = array<i32>} : memref<32768xf32, #tpu.memory_space<vmem>>, vector<16xf32>,
          %get3A_246 = vector.shape_cast %get3A_245 : vector<16xf32> to vector<16xf32>
          %add3A_247 = arith.addf %add3A_239, %get3A_246 : vector<16xf32>
          %add3A_248 = arith.constant 128 : i32
          %add3A_249 = arith.addi %mul3A_103, %add3A_248 : i32
          %add3A_250 = arith.constant 112 : i32
          %add3A_251 = arith.addi %add3A_249, %add3A_250 : i32
          %get3A_252 = arith.index_cast %add3A_251 : i32 to index
          %get3A_253 = tpu.vector_load %arg6[%get3A_252] {strides = array<i32>} : memref<32768xf32, #tpu.memory_space<vmem>>, vector<16xf32>,
          %get3A_254 = vector.shape_cast %get3A_253 : vector<16xf32> to vector<16xf32>
          %add3A_255 = arith.addf %add3A_247, %get3A_254 : vector<16xf32>
          %xor3A_256 = arith.constant 8 : i32
          %xor3A_257 = vector.broadcast %xor3A_256 : i32 to vector<16xi32>
          %xor3A_258 = arith.xori %iota3A, %xor3A_257 : vector<16xi32>
          %broadcast_in_dim3A_259 = vector.shape_cast %xor3A_258 : vector<16xi32> to vector<16x1xi32>
          %gather3A_260 = vector.shape_cast %broadcast_in_dim3A_259 : vector<16x1xi32> to vector<16xi32>
          %gather3A_261 = tpu.dynamic_gather %add3A_255[%gather3A_260] in [0] : vector<16xf32>, vector<16xi32> -> vector<16xf32>
          %add3A_262 = arith.addf %add3A_255, %gather3A_261 : vector<16xf32>
          %xor3A_263 = arith.constant 4 : i32
          %xor3A_264 = vector.broadcast %xor3A_263 : i32 to vector<16xi32>
          %xor3A_265 = arith.xori %iota3A, %xor3A_264 : vector<16xi32>
          %broadcast_in_dim3A_266 = vector.shape_cast %xor3A_265 : vector<16xi32> to vector<16x1xi32>
          %gather3A_267 = vector.shape_cast %broadcast_in_dim3A_266 : vector<16x1xi32> to vector<16xi32>
          %gather3A_268 = tpu.dynamic_gather %add3A_262[%gather3A_267] in [0] : vector<16xf32>, vector<16xi32> -> vector<16xf32>
          %add3A_269 = arith.addf %add3A_262, %gather3A_268 : vector<16xf32>
          %xor3A_270 = arith.constant 2 : i32
          %xor3A_271 = vector.broadcast %xor3A_270 : i32 to vector<16xi32>
          %xor3A_272 = arith.xori %iota3A, %xor3A_271 : vector<16xi32>
          %broadcast_in_dim3A_273 = vector.shape_cast %xor3A_272 : vector<16xi32> to vector<16x1xi32>
          %gather3A_274 = vector.shape_cast %broadcast_in_dim3A_273 : vector<16x1xi32> to vector<16xi32>
          %gather3A_275 = tpu.dynamic_gather %add3A_269[%gather3A_274] in [0] : vector<16xf32>, vector<16xi32> -> vector<16xf32>
          %add3A_276 = arith.addf %add3A_269, %gather3A_275 : vector<16xf32>
          %xor3A_277 = arith.constant 1 : i32
          %xor3A_278 = vector.broadcast %xor3A_277 : i32 to vector<16xi32>
          %xor3A_279 = arith.xori %iota3A, %xor3A_278 : vector<16xi32>
          %broadcast_in_dim3A_280 = vector.shape_cast %xor3A_279 : vector<16xi32> to vector<16x1xi32>
          %gather3A_281 = vector.shape_cast %broadcast_in_dim3A_280 : vector<16x1xi32> to vector<16xi32>
          %gather3A_282 = tpu.dynamic_gather %add3A_276[%gather3A_281] in [0] : vector<16xf32>, vector<16xi32> -> vector<16xf32>
          %add3A_283 = arith.addf %add3A_276, %gather3A_282 : vector<16xf32>
          %eq3A_284 = arith.constant 1 : i32
          %eq3A_285 = vector.broadcast %eq3A_284 : i32 to vector<16xi32>
          %eq3A_286 = arith.cmpi eq, %iota3A, %eq3A_285 : vector<16xi32>
          %select_n3A_287 = arith.select %eq3A_286, %add3A_283, %select_n3A_194 : vector<16xi1>, vector<16xf32>
          %add3A_288 = arith.constant 256 : i32
          %add3A_289 = arith.addi %mul3A_103, %add3A_288 : i32
          %get3A_290 = arith.index_cast %add3A_289 : i32 to index
          %get3A_291 = tpu.vector_load %arg6[%get3A_290] {strides = array<i32>} : memref<32768xf32, #tpu.memory_space<vmem>>, vector<16xf32>,
          %get3A_292 = vector.shape_cast %get3A_291 : vector<16xf32> to vector<16xf32>
          %add3A_293 = arith.constant 256 : i32
          %add3A_294 = arith.addi %mul3A_103, %add3A_293 : i32
          %add3A_295 = arith.constant 16 : i32
          %add3A_296 = arith.addi %add3A_294, %add3A_295 : i32
          %get3A_297 = arith.index_cast %add3A_296 : i32 to index
          %get3A_298 = tpu.vector_load %arg6[%get3A_297] {strides = array<i32>} : memref<32768xf32, #tpu.memory_space<vmem>>, vector<16xf32>,
          %get3A_299 = vector.shape_cast %get3A_298 : vector<16xf32> to vector<16xf32>
          %add3A_300 = arith.addf %get3A_292, %get3A_299 : vector<16xf32>
          %add3A_301 = arith.constant 256 : i32
          %add3A_302 = arith.addi %mul3A_103, %add3A_301 : i32
          %add3A_303 = arith.constant 32 : i32
          %add3A_304 = arith.addi %add3A_302, %add3A_303 : i32
          %get3A_305 = arith.index_cast %add3A_304 : i32 to index
          %get3A_306 = tpu.vector_load %arg6[%get3A_305] {strides = array<i32>} : memref<32768xf32, #tpu.memory_space<vmem>>, vector<16xf32>,
          %get3A_307 = vector.shape_cast %get3A_306 : vector<16xf32> to vector<16xf32>
          %add3A_308 = arith.addf %add3A_300, %get3A_307 : vector<16xf32>
          %add3A_309 = arith.constant 256 : i32
          %add3A_310 = arith.addi %mul3A_103, %add3A_309 : i32
          %add3A_311 = arith.constant 48 : i32
          %add3A_312 = arith.addi %add3A_310, %add3A_311 : i32
          %get3A_313 = arith.index_cast %add3A_312 : i32 to index
          %get3A_314 = tpu.vector_load %arg6[%get3A_313] {strides = array<i32>} : memref<32768xf32, #tpu.memory_space<vmem>>, vector<16xf32>,
          %get3A_315 = vector.shape_cast %get3A_314 : vector<16xf32> to vector<16xf32>
          %add3A_316 = arith.addf %add3A_308, %get3A_315 : vector<16xf32>
          %add3A_317 = arith.constant 256 : i32
          %add3A_318 = arith.addi %mul3A_103, %add3A_317 : i32
          %add3A_319 = arith.constant 64 : i32
          %add3A_320 = arith.addi %add3A_318, %add3A_319 : i32
          %get3A_321 = arith.index_cast %add3A_320 : i32 to index
          %get3A_322 = tpu.vector_load %arg6[%get3A_321] {strides = array<i32>} : memref<32768xf32, #tpu.memory_space<vmem>>, vector<16xf32>,
          %get3A_323 = vector.shape_cast %get3A_322 : vector<16xf32> to vector<16xf32>
          %add3A_324 = arith.addf %add3A_316, %get3A_323 : vector<16xf32>
          %add3A_325 = arith.constant 256 : i32
          %add3A_326 = arith.addi %mul3A_103, %add3A_325 : i32
          %add3A_327 = arith.constant 80 : i32
          %add3A_328 = arith.addi %add3A_326, %add3A_327 : i32
          %get3A_329 = arith.index_cast %add3A_328 : i32 to index
          %get3A_330 = tpu.vector_load %arg6[%get3A_329] {strides = array<i32>} : memref<32768xf32, #tpu.memory_space<vmem>>, vector<16xf32>,
          %get3A_331 = vector.shape_cast %get3A_330 : vector<16xf32> to vector<16xf32>
          %add3A_332 = arith.addf %add3A_324, %get3A_331 : vector<16xf32>
          %add3A_333 = arith.constant 256 : i32
          %add3A_334 = arith.addi %mul3A_103, %add3A_333 : i32
          %add3A_335 = arith.constant 96 : i32
          %add3A_336 = arith.addi %add3A_334, %add3A_335 : i32
          %get3A_337 = arith.index_cast %add3A_336 : i32 to index
          %get3A_338 = tpu.vector_load %arg6[%get3A_337] {strides = array<i32>} : memref<32768xf32, #tpu.memory_space<vmem>>, vector<16xf32>,
          %get3A_339 = vector.shape_cast %get3A_338 : vector<16xf32> to vector<16xf32>
          %add3A_340 = arith.addf %add3A_332, %get3A_339 : vector<16xf32>
          %add3A_341 = arith.constant 256 : i32
          %add3A_342 = arith.addi %mul3A_103, %add3A_341 : i32
          %add3A_343 = arith.constant 112 : i32
          %add3A_344 = arith.addi %add3A_342, %add3A_343 : i32
          %get3A_345 = arith.index_cast %add3A_344 : i32 to index
          %get3A_346 = tpu.vector_load %arg6[%get3A_345] {strides = array<i32>} : memref<32768xf32, #tpu.memory_space<vmem>>, vector<16xf32>,
          %get3A_347 = vector.shape_cast %get3A_346 : vector<16xf32> to vector<16xf32>
          %add3A_348 = arith.addf %add3A_340, %get3A_347 : vector<16xf32>
          %xor3A_349 = arith.constant 8 : i32
          %xor3A_350 = vector.broadcast %xor3A_349 : i32 to vector<16xi32>
          %xor3A_351 = arith.xori %iota3A, %xor3A_350 : vector<16xi32>
          %broadcast_in_dim3A_352 = vector.shape_cast %xor3A_351 : vector<16xi32> to vector<16x1xi32>
          %gather3A_353 = vector.shape_cast %broadcast_in_dim3A_352 : vector<16x1xi32> to vector<16xi32>
          %gather3A_354 = tpu.dynamic_gather %add3A_348[%gather3A_353] in [0] : vector<16xf32>, vector<16xi32> -> vector<16xf32>
          %add3A_355 = arith.addf %add3A_348, %gather3A_354 : vector<16xf32>
          %xor3A_356 = arith.constant 4 : i32
          %xor3A_357 = vector.broadcast %xor3A_356 : i32 to vector<16xi32>
          %xor3A_358 = arith.xori %iota3A, %xor3A_357 : vector<16xi32>
          %broadcast_in_dim3A_359 = vector.shape_cast %xor3A_358 : vector<16xi32> to vector<16x1xi32>
          %gather3A_360 = vector.shape_cast %broadcast_in_dim3A_359 : vector<16x1xi32> to vector<16xi32>
          %gather3A_361 = tpu.dynamic_gather %add3A_355[%gather3A_360] in [0] : vector<16xf32>, vector<16xi32> -> vector<16xf32>
          %add3A_362 = arith.addf %add3A_355, %gather3A_361 : vector<16xf32>
          %xor3A_363 = arith.constant 2 : i32
          %xor3A_364 = vector.broadcast %xor3A_363 : i32 to vector<16xi32>
          %xor3A_365 = arith.xori %iota3A, %xor3A_364 : vector<16xi32>
          %broadcast_in_dim3A_366 = vector.shape_cast %xor3A_365 : vector<16xi32> to vector<16x1xi32>
          %gather3A_367 = vector.shape_cast %broadcast_in_dim3A_366 : vector<16x1xi32> to vector<16xi32>
          %gather3A_368 = tpu.dynamic_gather %add3A_362[%gather3A_367] in [0] : vector<16xf32>, vector<16xi32> -> vector<16xf32>
          %add3A_369 = arith.addf %add3A_362, %gather3A_368 : vector<16xf32>
          %xor3A_370 = arith.constant 1 : i32
          %xor3A_371 = vector.broadcast %xor3A_370 : i32 to vector<16xi32>
          %xor3A_372 = arith.xori %iota3A, %xor3A_371 : vector<16xi32>
          %broadcast_in_dim3A_373 = vector.shape_cast %xor3A_372 : vector<16xi32> to vector<16x1xi32>
          %gather3A_374 = vector.shape_cast %broadcast_in_dim3A_373 : vector<16x1xi32> to vector<16xi32>
          %gather3A_375 = tpu.dynamic_gather %add3A_369[%gather3A_374] in [0] : vector<16xf32>, vector<16xi32> -> vector<16xf32>
          %add3A_376 = arith.addf %add3A_369, %gather3A_375 : vector<16xf32>
          %eq3A_377 = arith.constant 2 : i32
          %eq3A_378 = vector.broadcast %eq3A_377 : i32 to vector<16xi32>
          %eq3A_379 = arith.cmpi eq, %iota3A, %eq3A_378 : vector<16xi32>
          %select_n3A_380 = arith.select %eq3A_379, %add3A_376, %select_n3A_287 : vector<16xi1>, vector<16xf32>
          %add3A_381 = arith.constant 384 : i32
          %add3A_382 = arith.addi %mul3A_103, %add3A_381 : i32
          %get3A_383 = arith.index_cast %add3A_382 : i32 to index
          %get3A_384 = tpu.vector_load %arg6[%get3A_383] {strides = array<i32>} : memref<32768xf32, #tpu.memory_space<vmem>>, vector<16xf32>,
          %get3A_385 = vector.shape_cast %get3A_384 : vector<16xf32> to vector<16xf32>
          %add3A_386 = arith.constant 384 : i32
          %add3A_387 = arith.addi %mul3A_103, %add3A_386 : i32
          %add3A_388 = arith.constant 16 : i32
          %add3A_389 = arith.addi %add3A_387, %add3A_388 : i32
          %get3A_390 = arith.index_cast %add3A_389 : i32 to index
          %get3A_391 = tpu.vector_load %arg6[%get3A_390] {strides = array<i32>} : memref<32768xf32, #tpu.memory_space<vmem>>, vector<16xf32>,
          %get3A_392 = vector.shape_cast %get3A_391 : vector<16xf32> to vector<16xf32>
          %add3A_393 = arith.addf %get3A_385, %get3A_392 : vector<16xf32>
          %add3A_394 = arith.constant 384 : i32
          %add3A_395 = arith.addi %mul3A_103, %add3A_394 : i32
          %add3A_396 = arith.constant 32 : i32
          %add3A_397 = arith.addi %add3A_395, %add3A_396 : i32
          %get3A_398 = arith.index_cast %add3A_397 : i32 to index
          %get3A_399 = tpu.vector_load %arg6[%get3A_398] {strides = array<i32>} : memref<32768xf32, #tpu.memory_space<vmem>>, vector<16xf32>,
          %get3A_400 = vector.shape_cast %get3A_399 : vector<16xf32> to vector<16xf32>
          %add3A_401 = arith.addf %add3A_393, %get3A_400 : vector<16xf32>
          %add3A_402 = arith.constant 384 : i32
          %add3A_403 = arith.addi %mul3A_103, %add3A_402 : i32
          %add3A_404 = arith.constant 48 : i32
          %add3A_405 = arith.addi %add3A_403, %add3A_404 : i32
          %get3A_406 = arith.index_cast %add3A_405 : i32 to index
          %get3A_407 = tpu.vector_load %arg6[%get3A_406] {strides = array<i32>} : memref<32768xf32, #tpu.memory_space<vmem>>, vector<16xf32>,
          %get3A_408 = vector.shape_cast %get3A_407 : vector<16xf32> to vector<16xf32>
          %add3A_409 = arith.addf %add3A_401, %get3A_408 : vector<16xf32>
          %add3A_410 = arith.constant 384 : i32
          %add3A_411 = arith.addi %mul3A_103, %add3A_410 : i32
          %add3A_412 = arith.constant 64 : i32
          %add3A_413 = arith.addi %add3A_411, %add3A_412 : i32
          %get3A_414 = arith.index_cast %add3A_413 : i32 to index
          %get3A_415 = tpu.vector_load %arg6[%get3A_414] {strides = array<i32>} : memref<32768xf32, #tpu.memory_space<vmem>>, vector<16xf32>,
          %get3A_416 = vector.shape_cast %get3A_415 : vector<16xf32> to vector<16xf32>
          %add3A_417 = arith.addf %add3A_409, %get3A_416 : vector<16xf32>
          %add3A_418 = arith.constant 384 : i32
          %add3A_419 = arith.addi %mul3A_103, %add3A_418 : i32
          %add3A_420 = arith.constant 80 : i32
          %add3A_421 = arith.addi %add3A_419, %add3A_420 : i32
          %get3A_422 = arith.index_cast %add3A_421 : i32 to index
          %get3A_423 = tpu.vector_load %arg6[%get3A_422] {strides = array<i32>} : memref<32768xf32, #tpu.memory_space<vmem>>, vector<16xf32>,
          %get3A_424 = vector.shape_cast %get3A_423 : vector<16xf32> to vector<16xf32>
          %add3A_425 = arith.addf %add3A_417, %get3A_424 : vector<16xf32>
          %add3A_426 = arith.constant 384 : i32
          %add3A_427 = arith.addi %mul3A_103, %add3A_426 : i32
          %add3A_428 = arith.constant 96 : i32
          %add3A_429 = arith.addi %add3A_427, %add3A_428 : i32
          %get3A_430 = arith.index_cast %add3A_429 : i32 to index
          %get3A_431 = tpu.vector_load %arg6[%get3A_430] {strides = array<i32>} : memref<32768xf32, #tpu.memory_space<vmem>>, vector<16xf32>,
          %get3A_432 = vector.shape_cast %get3A_431 : vector<16xf32> to vector<16xf32>
          %add3A_433 = arith.addf %add3A_425, %get3A_432 : vector<16xf32>
          %add3A_434 = arith.constant 384 : i32
          %add3A_435 = arith.addi %mul3A_103, %add3A_434 : i32
          %add3A_436 = arith.constant 112 : i32
          %add3A_437 = arith.addi %add3A_435, %add3A_436 : i32
          %get3A_438 = arith.index_cast %add3A_437 : i32 to index
          %get3A_439 = tpu.vector_load %arg6[%get3A_438] {strides = array<i32>} : memref<32768xf32, #tpu.memory_space<vmem>>, vector<16xf32>,
          %get3A_440 = vector.shape_cast %get3A_439 : vector<16xf32> to vector<16xf32>
          %add3A_441 = arith.addf %add3A_433, %get3A_440 : vector<16xf32>
          %xor3A_442 = arith.constant 8 : i32
          %xor3A_443 = vector.broadcast %xor3A_442 : i32 to vector<16xi32>
          %xor3A_444 = arith.xori %iota3A, %xor3A_443 : vector<16xi32>
          %broadcast_in_dim3A_445 = vector.shape_cast %xor3A_444 : vector<16xi32> to vector<16x1xi32>
          %gather3A_446 = vector.shape_cast %broadcast_in_dim3A_445 : vector<16x1xi32> to vector<16xi32>
          %gather3A_447 = tpu.dynamic_gather %add3A_441[%gather3A_446] in [0] : vector<16xf32>, vector<16xi32> -> vector<16xf32>
          %add3A_448 = arith.addf %add3A_441, %gather3A_447 : vector<16xf32>
          %xor3A_449 = arith.constant 4 : i32
          %xor3A_450 = vector.broadcast %xor3A_449 : i32 to vector<16xi32>
          %xor3A_451 = arith.xori %iota3A, %xor3A_450 : vector<16xi32>
          %broadcast_in_dim3A_452 = vector.shape_cast %xor3A_451 : vector<16xi32> to vector<16x1xi32>
          %gather3A_453 = vector.shape_cast %broadcast_in_dim3A_452 : vector<16x1xi32> to vector<16xi32>
          %gather3A_454 = tpu.dynamic_gather %add3A_448[%gather3A_453] in [0] : vector<16xf32>, vector<16xi32> -> vector<16xf32>
          %add3A_455 = arith.addf %add3A_448, %gather3A_454 : vector<16xf32>
          %xor3A_456 = arith.constant 2 : i32
          %xor3A_457 = vector.broadcast %xor3A_456 : i32 to vector<16xi32>
          %xor3A_458 = arith.xori %iota3A, %xor3A_457 : vector<16xi32>
          %broadcast_in_dim3A_459 = vector.shape_cast %xor3A_458 : vector<16xi32> to vector<16x1xi32>
          %gather3A_460 = vector.shape_cast %broadcast_in_dim3A_459 : vector<16x1xi32> to vector<16xi32>
          %gather3A_461 = tpu.dynamic_gather %add3A_455[%gather3A_460] in [0] : vector<16xf32>, vector<16xi32> -> vector<16xf32>
          %add3A_462 = arith.addf %add3A_455, %gather3A_461 : vector<16xf32>
          %xor3A_463 = arith.constant 1 : i32
          %xor3A_464 = vector.broadcast %xor3A_463 : i32 to vector<16xi32>
          %xor3A_465 = arith.xori %iota3A, %xor3A_464 : vector<16xi32>
          %broadcast_in_dim3A_466 = vector.shape_cast %xor3A_465 : vector<16xi32> to vector<16x1xi32>
          %gather3A_467 = vector.shape_cast %broadcast_in_dim3A_466 : vector<16x1xi32> to vector<16xi32>
          %gather3A_468 = tpu.dynamic_gather %add3A_462[%gather3A_467] in [0] : vector<16xf32>, vector<16xi32> -> vector<16xf32>
          %add3A_469 = arith.addf %add3A_462, %gather3A_468 : vector<16xf32>
          %eq3A_470 = arith.constant 3 : i32
          %eq3A_471 = vector.broadcast %eq3A_470 : i32 to vector<16xi32>
          %eq3A_472 = arith.cmpi eq, %iota3A, %eq3A_471 : vector<16xi32>
          %select_n3A_473 = arith.select %eq3A_472, %add3A_469, %select_n3A_380 : vector<16xi1>, vector<16xf32>
          %add3A_474 = arith.constant 512 : i32
          %add3A_475 = arith.addi %mul3A_103, %add3A_474 : i32
          %get3A_476 = arith.index_cast %add3A_475 : i32 to index
          %get3A_477 = tpu.vector_load %arg6[%get3A_476] {strides = array<i32>} : memref<32768xf32, #tpu.memory_space<vmem>>, vector<16xf32>,
          %get3A_478 = vector.shape_cast %get3A_477 : vector<16xf32> to vector<16xf32>
          %add3A_479 = arith.constant 512 : i32
          %add3A_480 = arith.addi %mul3A_103, %add3A_479 : i32
          %add3A_481 = arith.constant 16 : i32
          %add3A_482 = arith.addi %add3A_480, %add3A_481 : i32
          %get3A_483 = arith.index_cast %add3A_482 : i32 to index
          %get3A_484 = tpu.vector_load %arg6[%get3A_483] {strides = array<i32>} : memref<32768xf32, #tpu.memory_space<vmem>>, vector<16xf32>,
          %get3A_485 = vector.shape_cast %get3A_484 : vector<16xf32> to vector<16xf32>
          %add3A_486 = arith.addf %get3A_478, %get3A_485 : vector<16xf32>
          %add3A_487 = arith.constant 512 : i32
          %add3A_488 = arith.addi %mul3A_103, %add3A_487 : i32
          %add3A_489 = arith.constant 32 : i32
          %add3A_490 = arith.addi %add3A_488, %add3A_489 : i32
          %get3A_491 = arith.index_cast %add3A_490 : i32 to index
          %get3A_492 = tpu.vector_load %arg6[%get3A_491] {strides = array<i32>} : memref<32768xf32, #tpu.memory_space<vmem>>, vector<16xf32>,
          %get3A_493 = vector.shape_cast %get3A_492 : vector<16xf32> to vector<16xf32>
          %add3A_494 = arith.addf %add3A_486, %get3A_493 : vector<16xf32>
          %add3A_495 = arith.constant 512 : i32
          %add3A_496 = arith.addi %mul3A_103, %add3A_495 : i32
          %add3A_497 = arith.constant 48 : i32
          %add3A_498 = arith.addi %add3A_496, %add3A_497 : i32
          %get3A_499 = arith.index_cast %add3A_498 : i32 to index
          %get3A_500 = tpu.vector_load %arg6[%get3A_499] {strides = array<i32>} : memref<32768xf32, #tpu.memory_space<vmem>>, vector<16xf32>,
          %get3A_501 = vector.shape_cast %get3A_500 : vector<16xf32> to vector<16xf32>
          %add3A_502 = arith.addf %add3A_494, %get3A_501 : vector<16xf32>
          %add3A_503 = arith.constant 512 : i32
          %add3A_504 = arith.addi %mul3A_103, %add3A_503 : i32
          %add3A_505 = arith.constant 64 : i32
          %add3A_506 = arith.addi %add3A_504, %add3A_505 : i32
          %get3A_507 = arith.index_cast %add3A_506 : i32 to index
          %get3A_508 = tpu.vector_load %arg6[%get3A_507] {strides = array<i32>} : memref<32768xf32, #tpu.memory_space<vmem>>, vector<16xf32>,
          %get3A_509 = vector.shape_cast %get3A_508 : vector<16xf32> to vector<16xf32>
          %add3A_510 = arith.addf %add3A_502, %get3A_509 : vector<16xf32>
          %add3A_511 = arith.constant 512 : i32
          %add3A_512 = arith.addi %mul3A_103, %add3A_511 : i32
          %add3A_513 = arith.constant 80 : i32
          %add3A_514 = arith.addi %add3A_512, %add3A_513 : i32
          %get3A_515 = arith.index_cast %add3A_514 : i32 to index
          %get3A_516 = tpu.vector_load %arg6[%get3A_515] {strides = array<i32>} : memref<32768xf32, #tpu.memory_space<vmem>>, vector<16xf32>,
          %get3A_517 = vector.shape_cast %get3A_516 : vector<16xf32> to vector<16xf32>
          %add3A_518 = arith.addf %add3A_510, %get3A_517 : vector<16xf32>
          %add3A_519 = arith.constant 512 : i32
          %add3A_520 = arith.addi %mul3A_103, %add3A_519 : i32
          %add3A_521 = arith.constant 96 : i32
          %add3A_522 = arith.addi %add3A_520, %add3A_521 : i32
          %get3A_523 = arith.index_cast %add3A_522 : i32 to index
          %get3A_524 = tpu.vector_load %arg6[%get3A_523] {strides = array<i32>} : memref<32768xf32, #tpu.memory_space<vmem>>, vector<16xf32>,
          %get3A_525 = vector.shape_cast %get3A_524 : vector<16xf32> to vector<16xf32>
          %add3A_526 = arith.addf %add3A_518, %get3A_525 : vector<16xf32>
          %add3A_527 = arith.constant 512 : i32
          %add3A_528 = arith.addi %mul3A_103, %add3A_527 : i32
          %add3A_529 = arith.constant 112 : i32
          %add3A_530 = arith.addi %add3A_528, %add3A_529 : i32
          %get3A_531 = arith.index_cast %add3A_530 : i32 to index
          %get3A_532 = tpu.vector_load %arg6[%get3A_531] {strides = array<i32>} : memref<32768xf32, #tpu.memory_space<vmem>>, vector<16xf32>,
          %get3A_533 = vector.shape_cast %get3A_532 : vector<16xf32> to vector<16xf32>
          %add3A_534 = arith.addf %add3A_526, %get3A_533 : vector<16xf32>
          %xor3A_535 = arith.constant 8 : i32
          %xor3A_536 = vector.broadcast %xor3A_535 : i32 to vector<16xi32>
          %xor3A_537 = arith.xori %iota3A, %xor3A_536 : vector<16xi32>
          %broadcast_in_dim3A_538 = vector.shape_cast %xor3A_537 : vector<16xi32> to vector<16x1xi32>
          %gather3A_539 = vector.shape_cast %broadcast_in_dim3A_538 : vector<16x1xi32> to vector<16xi32>
          %gather3A_540 = tpu.dynamic_gather %add3A_534[%gather3A_539] in [0] : vector<16xf32>, vector<16xi32> -> vector<16xf32>
          %add3A_541 = arith.addf %add3A_534, %gather3A_540 : vector<16xf32>
          %xor3A_542 = arith.constant 4 : i32
          %xor3A_543 = vector.broadcast %xor3A_542 : i32 to vector<16xi32>
          %xor3A_544 = arith.xori %iota3A, %xor3A_543 : vector<16xi32>
          %broadcast_in_dim3A_545 = vector.shape_cast %xor3A_544 : vector<16xi32> to vector<16x1xi32>
          %gather3A_546 = vector.shape_cast %broadcast_in_dim3A_545 : vector<16x1xi32> to vector<16xi32>
          %gather3A_547 = tpu.dynamic_gather %add3A_541[%gather3A_546] in [0] : vector<16xf32>, vector<16xi32> -> vector<16xf32>
          %add3A_548 = arith.addf %add3A_541, %gather3A_547 : vector<16xf32>
          %xor3A_549 = arith.constant 2 : i32
          %xor3A_550 = vector.broadcast %xor3A_549 : i32 to vector<16xi32>
          %xor3A_551 = arith.xori %iota3A, %xor3A_550 : vector<16xi32>
          %broadcast_in_dim3A_552 = vector.shape_cast %xor3A_551 : vector<16xi32> to vector<16x1xi32>
          %gather3A_553 = vector.shape_cast %broadcast_in_dim3A_552 : vector<16x1xi32> to vector<16xi32>
          %gather3A_554 = tpu.dynamic_gather %add3A_548[%gather3A_553] in [0] : vector<16xf32>, vector<16xi32> -> vector<16xf32>
          %add3A_555 = arith.addf %add3A_548, %gather3A_554 : vector<16xf32>
          %xor3A_556 = arith.constant 1 : i32
          %xor3A_557 = vector.broadcast %xor3A_556 : i32 to vector<16xi32>
          %xor3A_558 = arith.xori %iota3A, %xor3A_557 : vector<16xi32>
          %broadcast_in_dim3A_559 = vector.shape_cast %xor3A_558 : vector<16xi32> to vector<16x1xi32>
          %gather3A_560 = vector.shape_cast %broadcast_in_dim3A_559 : vector<16x1xi32> to vector<16xi32>
          %gather3A_561 = tpu.dynamic_gather %add3A_555[%gather3A_560] in [0] : vector<16xf32>, vector<16xi32> -> vector<16xf32>
          %add3A_562 = arith.addf %add3A_555, %gather3A_561 : vector<16xf32>
          %eq3A_563 = arith.constant 4 : i32
          %eq3A_564 = vector.broadcast %eq3A_563 : i32 to vector<16xi32>
          %eq3A_565 = arith.cmpi eq, %iota3A, %eq3A_564 : vector<16xi32>
          %select_n3A_566 = arith.select %eq3A_565, %add3A_562, %select_n3A_473 : vector<16xi1>, vector<16xf32>
          %add3A_567 = arith.constant 640 : i32
          %add3A_568 = arith.addi %mul3A_103, %add3A_567 : i32
          %get3A_569 = arith.index_cast %add3A_568 : i32 to index
          %get3A_570 = tpu.vector_load %arg6[%get3A_569] {strides = array<i32>} : memref<32768xf32, #tpu.memory_space<vmem>>, vector<16xf32>,
          %get3A_571 = vector.shape_cast %get3A_570 : vector<16xf32> to vector<16xf32>
          %add3A_572 = arith.constant 640 : i32
          %add3A_573 = arith.addi %mul3A_103, %add3A_572 : i32
          %add3A_574 = arith.constant 16 : i32
          %add3A_575 = arith.addi %add3A_573, %add3A_574 : i32
          %get3A_576 = arith.index_cast %add3A_575 : i32 to index
          %get3A_577 = tpu.vector_load %arg6[%get3A_576] {strides = array<i32>} : memref<32768xf32, #tpu.memory_space<vmem>>, vector<16xf32>,
          %get3A_578 = vector.shape_cast %get3A_577 : vector<16xf32> to vector<16xf32>
          %add3A_579 = arith.addf %get3A_571, %get3A_578 : vector<16xf32>
          %add3A_580 = arith.constant 640 : i32
          %add3A_581 = arith.addi %mul3A_103, %add3A_580 : i32
          %add3A_582 = arith.constant 32 : i32
          %add3A_583 = arith.addi %add3A_581, %add3A_582 : i32
          %get3A_584 = arith.index_cast %add3A_583 : i32 to index
          %get3A_585 = tpu.vector_load %arg6[%get3A_584] {strides = array<i32>} : memref<32768xf32, #tpu.memory_space<vmem>>, vector<16xf32>,
          %get3A_586 = vector.shape_cast %get3A_585 : vector<16xf32> to vector<16xf32>
          %add3A_587 = arith.addf %add3A_579, %get3A_586 : vector<16xf32>
          %add3A_588 = arith.constant 640 : i32
          %add3A_589 = arith.addi %mul3A_103, %add3A_588 : i32
          %add3A_590 = arith.constant 48 : i32
          %add3A_591 = arith.addi %add3A_589, %add3A_590 : i32
          %get3A_592 = arith.index_cast %add3A_591 : i32 to index
          %get3A_593 = tpu.vector_load %arg6[%get3A_592] {strides = array<i32>} : memref<32768xf32, #tpu.memory_space<vmem>>, vector<16xf32>,
          %get3A_594 = vector.shape_cast %get3A_593 : vector<16xf32> to vector<16xf32>
          %add3A_595 = arith.addf %add3A_587, %get3A_594 : vector<16xf32>
          %add3A_596 = arith.constant 640 : i32
          %add3A_597 = arith.addi %mul3A_103, %add3A_596 : i32
          %add3A_598 = arith.constant 64 : i32
          %add3A_599 = arith.addi %add3A_597, %add3A_598 : i32
          %get3A_600 = arith.index_cast %add3A_599 : i32 to index
          %get3A_601 = tpu.vector_load %arg6[%get3A_600] {strides = array<i32>} : memref<32768xf32, #tpu.memory_space<vmem>>, vector<16xf32>,
          %get3A_602 = vector.shape_cast %get3A_601 : vector<16xf32> to vector<16xf32>
          %add3A_603 = arith.addf %add3A_595, %get3A_602 : vector<16xf32>
          %add3A_604 = arith.constant 640 : i32
          %add3A_605 = arith.addi %mul3A_103, %add3A_604 : i32
          %add3A_606 = arith.constant 80 : i32
          %add3A_607 = arith.addi %add3A_605, %add3A_606 : i32
          %get3A_608 = arith.index_cast %add3A_607 : i32 to index
          %get3A_609 = tpu.vector_load %arg6[%get3A_608] {strides = array<i32>} : memref<32768xf32, #tpu.memory_space<vmem>>, vector<16xf32>,
          %get3A_610 = vector.shape_cast %get3A_609 : vector<16xf32> to vector<16xf32>
          %add3A_611 = arith.addf %add3A_603, %get3A_610 : vector<16xf32>
          %add3A_612 = arith.constant 640 : i32
          %add3A_613 = arith.addi %mul3A_103, %add3A_612 : i32
          %add3A_614 = arith.constant 96 : i32
          %add3A_615 = arith.addi %add3A_613, %add3A_614 : i32
          %get3A_616 = arith.index_cast %add3A_615 : i32 to index
          %get3A_617 = tpu.vector_load %arg6[%get3A_616] {strides = array<i32>} : memref<32768xf32, #tpu.memory_space<vmem>>, vector<16xf32>,
          %get3A_618 = vector.shape_cast %get3A_617 : vector<16xf32> to vector<16xf32>
          %add3A_619 = arith.addf %add3A_611, %get3A_618 : vector<16xf32>
          %add3A_620 = arith.constant 640 : i32
          %add3A_621 = arith.addi %mul3A_103, %add3A_620 : i32
          %add3A_622 = arith.constant 112 : i32
          %add3A_623 = arith.addi %add3A_621, %add3A_622 : i32
          %get3A_624 = arith.index_cast %add3A_623 : i32 to index
          %get3A_625 = tpu.vector_load %arg6[%get3A_624] {strides = array<i32>} : memref<32768xf32, #tpu.memory_space<vmem>>, vector<16xf32>,
          %get3A_626 = vector.shape_cast %get3A_625 : vector<16xf32> to vector<16xf32>
          %add3A_627 = arith.addf %add3A_619, %get3A_626 : vector<16xf32>
          %xor3A_628 = arith.constant 8 : i32
          %xor3A_629 = vector.broadcast %xor3A_628 : i32 to vector<16xi32>
          %xor3A_630 = arith.xori %iota3A, %xor3A_629 : vector<16xi32>
          %broadcast_in_dim3A_631 = vector.shape_cast %xor3A_630 : vector<16xi32> to vector<16x1xi32>
          %gather3A_632 = vector.shape_cast %broadcast_in_dim3A_631 : vector<16x1xi32> to vector<16xi32>
          %gather3A_633 = tpu.dynamic_gather %add3A_627[%gather3A_632] in [0] : vector<16xf32>, vector<16xi32> -> vector<16xf32>
          %add3A_634 = arith.addf %add3A_627, %gather3A_633 : vector<16xf32>
          %xor3A_635 = arith.constant 4 : i32
          %xor3A_636 = vector.broadcast %xor3A_635 : i32 to vector<16xi32>
          %xor3A_637 = arith.xori %iota3A, %xor3A_636 : vector<16xi32>
          %broadcast_in_dim3A_638 = vector.shape_cast %xor3A_637 : vector<16xi32> to vector<16x1xi32>
          %gather3A_639 = vector.shape_cast %broadcast_in_dim3A_638 : vector<16x1xi32> to vector<16xi32>
          %gather3A_640 = tpu.dynamic_gather %add3A_634[%gather3A_639] in [0] : vector<16xf32>, vector<16xi32> -> vector<16xf32>
          %add3A_641 = arith.addf %add3A_634, %gather3A_640 : vector<16xf32>
          %xor3A_642 = arith.constant 2 : i32
          %xor3A_643 = vector.broadcast %xor3A_642 : i32 to vector<16xi32>
          %xor3A_644 = arith.xori %iota3A, %xor3A_643 : vector<16xi32>
          %broadcast_in_dim3A_645 = vector.shape_cast %xor3A_644 : vector<16xi32> to vector<16x1xi32>
          %gather3A_646 = vector.shape_cast %broadcast_in_dim3A_645 : vector<16x1xi32> to vector<16xi32>
          %gather3A_647 = tpu.dynamic_gather %add3A_641[%gather3A_646] in [0] : vector<16xf32>, vector<16xi32> -> vector<16xf32>
          %add3A_648 = arith.addf %add3A_641, %gather3A_647 : vector<16xf32>
          %xor3A_649 = arith.constant 1 : i32
          %xor3A_650 = vector.broadcast %xor3A_649 : i32 to vector<16xi32>
          %xor3A_651 = arith.xori %iota3A, %xor3A_650 : vector<16xi32>
          %broadcast_in_dim3A_652 = vector.shape_cast %xor3A_651 : vector<16xi32> to vector<16x1xi32>
          %gather3A_653 = vector.shape_cast %broadcast_in_dim3A_652 : vector<16x1xi32> to vector<16xi32>
          %gather3A_654 = tpu.dynamic_gather %add3A_648[%gather3A_653] in [0] : vector<16xf32>, vector<16xi32> -> vector<16xf32>
          %add3A_655 = arith.addf %add3A_648, %gather3A_654 : vector<16xf32>
          %eq3A_656 = arith.constant 5 : i32
          %eq3A_657 = vector.broadcast %eq3A_656 : i32 to vector<16xi32>
          %eq3A_658 = arith.cmpi eq, %iota3A, %eq3A_657 : vector<16xi32>
          %select_n3A_659 = arith.select %eq3A_658, %add3A_655, %select_n3A_566 : vector<16xi1>, vector<16xf32>
          %add3A_660 = arith.constant 768 : i32
          %add3A_661 = arith.addi %mul3A_103, %add3A_660 : i32
          %get3A_662 = arith.index_cast %add3A_661 : i32 to index
          %get3A_663 = tpu.vector_load %arg6[%get3A_662] {strides = array<i32>} : memref<32768xf32, #tpu.memory_space<vmem>>, vector<16xf32>,
          %get3A_664 = vector.shape_cast %get3A_663 : vector<16xf32> to vector<16xf32>
          %add3A_665 = arith.constant 768 : i32
          %add3A_666 = arith.addi %mul3A_103, %add3A_665 : i32
          %add3A_667 = arith.constant 16 : i32
          %add3A_668 = arith.addi %add3A_666, %add3A_667 : i32
          %get3A_669 = arith.index_cast %add3A_668 : i32 to index
          %get3A_670 = tpu.vector_load %arg6[%get3A_669] {strides = array<i32>} : memref<32768xf32, #tpu.memory_space<vmem>>, vector<16xf32>,
          %get3A_671 = vector.shape_cast %get3A_670 : vector<16xf32> to vector<16xf32>
          %add3A_672 = arith.addf %get3A_664, %get3A_671 : vector<16xf32>
          %add3A_673 = arith.constant 768 : i32
          %add3A_674 = arith.addi %mul3A_103, %add3A_673 : i32
          %add3A_675 = arith.constant 32 : i32
          %add3A_676 = arith.addi %add3A_674, %add3A_675 : i32
          %get3A_677 = arith.index_cast %add3A_676 : i32 to index
          %get3A_678 = tpu.vector_load %arg6[%get3A_677] {strides = array<i32>} : memref<32768xf32, #tpu.memory_space<vmem>>, vector<16xf32>,
          %get3A_679 = vector.shape_cast %get3A_678 : vector<16xf32> to vector<16xf32>
          %add3A_680 = arith.addf %add3A_672, %get3A_679 : vector<16xf32>
          %add3A_681 = arith.constant 768 : i32
          %add3A_682 = arith.addi %mul3A_103, %add3A_681 : i32
          %add3A_683 = arith.constant 48 : i32
          %add3A_684 = arith.addi %add3A_682, %add3A_683 : i32
          %get3A_685 = arith.index_cast %add3A_684 : i32 to index
          %get3A_686 = tpu.vector_load %arg6[%get3A_685] {strides = array<i32>} : memref<32768xf32, #tpu.memory_space<vmem>>, vector<16xf32>,
          %get3A_687 = vector.shape_cast %get3A_686 : vector<16xf32> to vector<16xf32>
          %add3A_688 = arith.addf %add3A_680, %get3A_687 : vector<16xf32>
          %add3A_689 = arith.constant 768 : i32
          %add3A_690 = arith.addi %mul3A_103, %add3A_689 : i32
          %add3A_691 = arith.constant 64 : i32
          %add3A_692 = arith.addi %add3A_690, %add3A_691 : i32
          %get3A_693 = arith.index_cast %add3A_692 : i32 to index
          %get3A_694 = tpu.vector_load %arg6[%get3A_693] {strides = array<i32>} : memref<32768xf32, #tpu.memory_space<vmem>>, vector<16xf32>,
          %get3A_695 = vector.shape_cast %get3A_694 : vector<16xf32> to vector<16xf32>
          %add3A_696 = arith.addf %add3A_688, %get3A_695 : vector<16xf32>
          %add3A_697 = arith.constant 768 : i32
          %add3A_698 = arith.addi %mul3A_103, %add3A_697 : i32
          %add3A_699 = arith.constant 80 : i32
          %add3A_700 = arith.addi %add3A_698, %add3A_699 : i32
          %get3A_701 = arith.index_cast %add3A_700 : i32 to index
          %get3A_702 = tpu.vector_load %arg6[%get3A_701] {strides = array<i32>} : memref<32768xf32, #tpu.memory_space<vmem>>, vector<16xf32>,
          %get3A_703 = vector.shape_cast %get3A_702 : vector<16xf32> to vector<16xf32>
          %add3A_704 = arith.addf %add3A_696, %get3A_703 : vector<16xf32>
          %add3A_705 = arith.constant 768 : i32
          %add3A_706 = arith.addi %mul3A_103, %add3A_705 : i32
          %add3A_707 = arith.constant 96 : i32
          %add3A_708 = arith.addi %add3A_706, %add3A_707 : i32
          %get3A_709 = arith.index_cast %add3A_708 : i32 to index
          %get3A_710 = tpu.vector_load %arg6[%get3A_709] {strides = array<i32>} : memref<32768xf32, #tpu.memory_space<vmem>>, vector<16xf32>,
          %get3A_711 = vector.shape_cast %get3A_710 : vector<16xf32> to vector<16xf32>
          %add3A_712 = arith.addf %add3A_704, %get3A_711 : vector<16xf32>
          %add3A_713 = arith.constant 768 : i32
          %add3A_714 = arith.addi %mul3A_103, %add3A_713 : i32
          %add3A_715 = arith.constant 112 : i32
          %add3A_716 = arith.addi %add3A_714, %add3A_715 : i32
          %get3A_717 = arith.index_cast %add3A_716 : i32 to index
          %get3A_718 = tpu.vector_load %arg6[%get3A_717] {strides = array<i32>} : memref<32768xf32, #tpu.memory_space<vmem>>, vector<16xf32>,
          %get3A_719 = vector.shape_cast %get3A_718 : vector<16xf32> to vector<16xf32>
          %add3A_720 = arith.addf %add3A_712, %get3A_719 : vector<16xf32>
          %xor3A_721 = arith.constant 8 : i32
          %xor3A_722 = vector.broadcast %xor3A_721 : i32 to vector<16xi32>
          %xor3A_723 = arith.xori %iota3A, %xor3A_722 : vector<16xi32>
          %broadcast_in_dim3A_724 = vector.shape_cast %xor3A_723 : vector<16xi32> to vector<16x1xi32>
          %gather3A_725 = vector.shape_cast %broadcast_in_dim3A_724 : vector<16x1xi32> to vector<16xi32>
          %gather3A_726 = tpu.dynamic_gather %add3A_720[%gather3A_725] in [0] : vector<16xf32>, vector<16xi32> -> vector<16xf32>
          %add3A_727 = arith.addf %add3A_720, %gather3A_726 : vector<16xf32>
          %xor3A_728 = arith.constant 4 : i32
          %xor3A_729 = vector.broadcast %xor3A_728 : i32 to vector<16xi32>
          %xor3A_730 = arith.xori %iota3A, %xor3A_729 : vector<16xi32>
          %broadcast_in_dim3A_731 = vector.shape_cast %xor3A_730 : vector<16xi32> to vector<16x1xi32>
          %gather3A_732 = vector.shape_cast %broadcast_in_dim3A_731 : vector<16x1xi32> to vector<16xi32>
          %gather3A_733 = tpu.dynamic_gather %add3A_727[%gather3A_732] in [0] : vector<16xf32>, vector<16xi32> -> vector<16xf32>
          %add3A_734 = arith.addf %add3A_727, %gather3A_733 : vector<16xf32>
          %xor3A_735 = arith.constant 2 : i32
          %xor3A_736 = vector.broadcast %xor3A_735 : i32 to vector<16xi32>
          %xor3A_737 = arith.xori %iota3A, %xor3A_736 : vector<16xi32>
          %broadcast_in_dim3A_738 = vector.shape_cast %xor3A_737 : vector<16xi32> to vector<16x1xi32>
          %gather3A_739 = vector.shape_cast %broadcast_in_dim3A_738 : vector<16x1xi32> to vector<16xi32>
          %gather3A_740 = tpu.dynamic_gather %add3A_734[%gather3A_739] in [0] : vector<16xf32>, vector<16xi32> -> vector<16xf32>
          %add3A_741 = arith.addf %add3A_734, %gather3A_740 : vector<16xf32>
          %xor3A_742 = arith.constant 1 : i32
          %xor3A_743 = vector.broadcast %xor3A_742 : i32 to vector<16xi32>
          %xor3A_744 = arith.xori %iota3A, %xor3A_743 : vector<16xi32>
          %broadcast_in_dim3A_745 = vector.shape_cast %xor3A_744 : vector<16xi32> to vector<16x1xi32>
          %gather3A_746 = vector.shape_cast %broadcast_in_dim3A_745 : vector<16x1xi32> to vector<16xi32>
          %gather3A_747 = tpu.dynamic_gather %add3A_741[%gather3A_746] in [0] : vector<16xf32>, vector<16xi32> -> vector<16xf32>
          %add3A_748 = arith.addf %add3A_741, %gather3A_747 : vector<16xf32>
          %eq3A_749 = arith.constant 6 : i32
          %eq3A_750 = vector.broadcast %eq3A_749 : i32 to vector<16xi32>
          %eq3A_751 = arith.cmpi eq, %iota3A, %eq3A_750 : vector<16xi32>
          %select_n3A_752 = arith.select %eq3A_751, %add3A_748, %select_n3A_659 : vector<16xi1>, vector<16xf32>
          %add3A_753 = arith.constant 896 : i32
          %add3A_754 = arith.addi %mul3A_103, %add3A_753 : i32
          %get3A_755 = arith.index_cast %add3A_754 : i32 to index
          %get3A_756 = tpu.vector_load %arg6[%get3A_755] {strides = array<i32>} : memref<32768xf32, #tpu.memory_space<vmem>>, vector<16xf32>,
          %get3A_757 = vector.shape_cast %get3A_756 : vector<16xf32> to vector<16xf32>
          %add3A_758 = arith.constant 896 : i32
          %add3A_759 = arith.addi %mul3A_103, %add3A_758 : i32
          %add3A_760 = arith.constant 16 : i32
          %add3A_761 = arith.addi %add3A_759, %add3A_760 : i32
          %get3A_762 = arith.index_cast %add3A_761 : i32 to index
          %get3A_763 = tpu.vector_load %arg6[%get3A_762] {strides = array<i32>} : memref<32768xf32, #tpu.memory_space<vmem>>, vector<16xf32>,
          %get3A_764 = vector.shape_cast %get3A_763 : vector<16xf32> to vector<16xf32>
          %add3A_765 = arith.addf %get3A_757, %get3A_764 : vector<16xf32>
          %add3A_766 = arith.constant 896 : i32
          %add3A_767 = arith.addi %mul3A_103, %add3A_766 : i32
          %add3A_768 = arith.constant 32 : i32
          %add3A_769 = arith.addi %add3A_767, %add3A_768 : i32
          %get3A_770 = arith.index_cast %add3A_769 : i32 to index
          %get3A_771 = tpu.vector_load %arg6[%get3A_770] {strides = array<i32>} : memref<32768xf32, #tpu.memory_space<vmem>>, vector<16xf32>,
          %get3A_772 = vector.shape_cast %get3A_771 : vector<16xf32> to vector<16xf32>
          %add3A_773 = arith.addf %add3A_765, %get3A_772 : vector<16xf32>
          %add3A_774 = arith.constant 896 : i32
          %add3A_775 = arith.addi %mul3A_103, %add3A_774 : i32
          %add3A_776 = arith.constant 48 : i32
          %add3A_777 = arith.addi %add3A_775, %add3A_776 : i32
          %get3A_778 = arith.index_cast %add3A_777 : i32 to index
          %get3A_779 = tpu.vector_load %arg6[%get3A_778] {strides = array<i32>} : memref<32768xf32, #tpu.memory_space<vmem>>, vector<16xf32>,
          %get3A_780 = vector.shape_cast %get3A_779 : vector<16xf32> to vector<16xf32>
          %add3A_781 = arith.addf %add3A_773, %get3A_780 : vector<16xf32>
          %add3A_782 = arith.constant 896 : i32
          %add3A_783 = arith.addi %mul3A_103, %add3A_782 : i32
          %add3A_784 = arith.constant 64 : i32
          %add3A_785 = arith.addi %add3A_783, %add3A_784 : i32
          %get3A_786 = arith.index_cast %add3A_785 : i32 to index
          %get3A_787 = tpu.vector_load %arg6[%get3A_786] {strides = array<i32>} : memref<32768xf32, #tpu.memory_space<vmem>>, vector<16xf32>,
          %get3A_788 = vector.shape_cast %get3A_787 : vector<16xf32> to vector<16xf32>
          %add3A_789 = arith.addf %add3A_781, %get3A_788 : vector<16xf32>
          %add3A_790 = arith.constant 896 : i32
          %add3A_791 = arith.addi %mul3A_103, %add3A_790 : i32
          %add3A_792 = arith.constant 80 : i32
          %add3A_793 = arith.addi %add3A_791, %add3A_792 : i32
          %get3A_794 = arith.index_cast %add3A_793 : i32 to index
          %get3A_795 = tpu.vector_load %arg6[%get3A_794] {strides = array<i32>} : memref<32768xf32, #tpu.memory_space<vmem>>, vector<16xf32>,
          %get3A_796 = vector.shape_cast %get3A_795 : vector<16xf32> to vector<16xf32>
          %add3A_797 = arith.addf %add3A_789, %get3A_796 : vector<16xf32>
          %add3A_798 = arith.constant 896 : i32
          %add3A_799 = arith.addi %mul3A_103, %add3A_798 : i32
          %add3A_800 = arith.constant 96 : i32
          %add3A_801 = arith.addi %add3A_799, %add3A_800 : i32
          %get3A_802 = arith.index_cast %add3A_801 : i32 to index
          %get3A_803 = tpu.vector_load %arg6[%get3A_802] {strides = array<i32>} : memref<32768xf32, #tpu.memory_space<vmem>>, vector<16xf32>,
          %get3A_804 = vector.shape_cast %get3A_803 : vector<16xf32> to vector<16xf32>
          %add3A_805 = arith.addf %add3A_797, %get3A_804 : vector<16xf32>
          %add3A_806 = arith.constant 896 : i32
          %add3A_807 = arith.addi %mul3A_103, %add3A_806 : i32
          %add3A_808 = arith.constant 112 : i32
          %add3A_809 = arith.addi %add3A_807, %add3A_808 : i32
          %get3A_810 = arith.index_cast %add3A_809 : i32 to index
          %get3A_811 = tpu.vector_load %arg6[%get3A_810] {strides = array<i32>} : memref<32768xf32, #tpu.memory_space<vmem>>, vector<16xf32>,
          %get3A_812 = vector.shape_cast %get3A_811 : vector<16xf32> to vector<16xf32>
          %add3A_813 = arith.addf %add3A_805, %get3A_812 : vector<16xf32>
          %xor3A_814 = arith.constant 8 : i32
          %xor3A_815 = vector.broadcast %xor3A_814 : i32 to vector<16xi32>
          %xor3A_816 = arith.xori %iota3A, %xor3A_815 : vector<16xi32>
          %broadcast_in_dim3A_817 = vector.shape_cast %xor3A_816 : vector<16xi32> to vector<16x1xi32>
          %gather3A_818 = vector.shape_cast %broadcast_in_dim3A_817 : vector<16x1xi32> to vector<16xi32>
          %gather3A_819 = tpu.dynamic_gather %add3A_813[%gather3A_818] in [0] : vector<16xf32>, vector<16xi32> -> vector<16xf32>
          %add3A_820 = arith.addf %add3A_813, %gather3A_819 : vector<16xf32>
          %xor3A_821 = arith.constant 4 : i32
          %xor3A_822 = vector.broadcast %xor3A_821 : i32 to vector<16xi32>
          %xor3A_823 = arith.xori %iota3A, %xor3A_822 : vector<16xi32>
          %broadcast_in_dim3A_824 = vector.shape_cast %xor3A_823 : vector<16xi32> to vector<16x1xi32>
          %gather3A_825 = vector.shape_cast %broadcast_in_dim3A_824 : vector<16x1xi32> to vector<16xi32>
          %gather3A_826 = tpu.dynamic_gather %add3A_820[%gather3A_825] in [0] : vector<16xf32>, vector<16xi32> -> vector<16xf32>
          %add3A_827 = arith.addf %add3A_820, %gather3A_826 : vector<16xf32>
          %xor3A_828 = arith.constant 2 : i32
          %xor3A_829 = vector.broadcast %xor3A_828 : i32 to vector<16xi32>
          %xor3A_830 = arith.xori %iota3A, %xor3A_829 : vector<16xi32>
          %broadcast_in_dim3A_831 = vector.shape_cast %xor3A_830 : vector<16xi32> to vector<16x1xi32>
          %gather3A_832 = vector.shape_cast %broadcast_in_dim3A_831 : vector<16x1xi32> to vector<16xi32>
          %gather3A_833 = tpu.dynamic_gather %add3A_827[%gather3A_832] in [0] : vector<16xf32>, vector<16xi32> -> vector<16xf32>
          %add3A_834 = arith.addf %add3A_827, %gather3A_833 : vector<16xf32>
          %xor3A_835 = arith.constant 1 : i32
          %xor3A_836 = vector.broadcast %xor3A_835 : i32 to vector<16xi32>
          %xor3A_837 = arith.xori %iota3A, %xor3A_836 : vector<16xi32>
          %broadcast_in_dim3A_838 = vector.shape_cast %xor3A_837 : vector<16xi32> to vector<16x1xi32>
          %gather3A_839 = vector.shape_cast %broadcast_in_dim3A_838 : vector<16x1xi32> to vector<16xi32>
          %gather3A_840 = tpu.dynamic_gather %add3A_834[%gather3A_839] in [0] : vector<16xf32>, vector<16xi32> -> vector<16xf32>
          %add3A_841 = arith.addf %add3A_834, %gather3A_840 : vector<16xf32>
          %eq3A_842 = arith.constant 7 : i32
          %eq3A_843 = vector.broadcast %eq3A_842 : i32 to vector<16xi32>
          %eq3A_844 = arith.cmpi eq, %iota3A, %eq3A_843 : vector<16xi32>
          %select_n3A_845 = arith.select %eq3A_844, %add3A_841, %select_n3A_752 : vector<16xi1>, vector<16xf32>
          %add3A_846 = arith.constant 1024 : i32
          %add3A_847 = arith.addi %mul3A_103, %add3A_846 : i32
          %get3A_848 = arith.index_cast %add3A_847 : i32 to index
          %get3A_849 = tpu.vector_load %arg6[%get3A_848] {strides = array<i32>} : memref<32768xf32, #tpu.memory_space<vmem>>, vector<16xf32>,
          %get3A_850 = vector.shape_cast %get3A_849 : vector<16xf32> to vector<16xf32>
          %add3A_851 = arith.constant 1024 : i32
          %add3A_852 = arith.addi %mul3A_103, %add3A_851 : i32
          %add3A_853 = arith.constant 16 : i32
          %add3A_854 = arith.addi %add3A_852, %add3A_853 : i32
          %get3A_855 = arith.index_cast %add3A_854 : i32 to index
          %get3A_856 = tpu.vector_load %arg6[%get3A_855] {strides = array<i32>} : memref<32768xf32, #tpu.memory_space<vmem>>, vector<16xf32>,
          %get3A_857 = vector.shape_cast %get3A_856 : vector<16xf32> to vector<16xf32>
          %add3A_858 = arith.addf %get3A_850, %get3A_857 : vector<16xf32>
          %add3A_859 = arith.constant 1024 : i32
          %add3A_860 = arith.addi %mul3A_103, %add3A_859 : i32
          %add3A_861 = arith.constant 32 : i32
          %add3A_862 = arith.addi %add3A_860, %add3A_861 : i32
          %get3A_863 = arith.index_cast %add3A_862 : i32 to index
          %get3A_864 = tpu.vector_load %arg6[%get3A_863] {strides = array<i32>} : memref<32768xf32, #tpu.memory_space<vmem>>, vector<16xf32>,
          %get3A_865 = vector.shape_cast %get3A_864 : vector<16xf32> to vector<16xf32>
          %add3A_866 = arith.addf %add3A_858, %get3A_865 : vector<16xf32>
          %add3A_867 = arith.constant 1024 : i32
          %add3A_868 = arith.addi %mul3A_103, %add3A_867 : i32
          %add3A_869 = arith.constant 48 : i32
          %add3A_870 = arith.addi %add3A_868, %add3A_869 : i32
          %get3A_871 = arith.index_cast %add3A_870 : i32 to index
          %get3A_872 = tpu.vector_load %arg6[%get3A_871] {strides = array<i32>} : memref<32768xf32, #tpu.memory_space<vmem>>, vector<16xf32>,
          %get3A_873 = vector.shape_cast %get3A_872 : vector<16xf32> to vector<16xf32>
          %add3A_874 = arith.addf %add3A_866, %get3A_873 : vector<16xf32>
          %add3A_875 = arith.constant 1024 : i32
          %add3A_876 = arith.addi %mul3A_103, %add3A_875 : i32
          %add3A_877 = arith.constant 64 : i32
          %add3A_878 = arith.addi %add3A_876, %add3A_877 : i32
          %get3A_879 = arith.index_cast %add3A_878 : i32 to index
          %get3A_880 = tpu.vector_load %arg6[%get3A_879] {strides = array<i32>} : memref<32768xf32, #tpu.memory_space<vmem>>, vector<16xf32>,
          %get3A_881 = vector.shape_cast %get3A_880 : vector<16xf32> to vector<16xf32>
          %add3A_882 = arith.addf %add3A_874, %get3A_881 : vector<16xf32>
          %add3A_883 = arith.constant 1024 : i32
          %add3A_884 = arith.addi %mul3A_103, %add3A_883 : i32
          %add3A_885 = arith.constant 80 : i32
          %add3A_886 = arith.addi %add3A_884, %add3A_885 : i32
          %get3A_887 = arith.index_cast %add3A_886 : i32 to index
          %get3A_888 = tpu.vector_load %arg6[%get3A_887] {strides = array<i32>} : memref<32768xf32, #tpu.memory_space<vmem>>, vector<16xf32>,
          %get3A_889 = vector.shape_cast %get3A_888 : vector<16xf32> to vector<16xf32>
          %add3A_890 = arith.addf %add3A_882, %get3A_889 : vector<16xf32>
          %add3A_891 = arith.constant 1024 : i32
          %add3A_892 = arith.addi %mul3A_103, %add3A_891 : i32
          %add3A_893 = arith.constant 96 : i32
          %add3A_894 = arith.addi %add3A_892, %add3A_893 : i32
          %get3A_895 = arith.index_cast %add3A_894 : i32 to index
          %get3A_896 = tpu.vector_load %arg6[%get3A_895] {strides = array<i32>} : memref<32768xf32, #tpu.memory_space<vmem>>, vector<16xf32>,
          %get3A_897 = vector.shape_cast %get3A_896 : vector<16xf32> to vector<16xf32>
          %add3A_898 = arith.addf %add3A_890, %get3A_897 : vector<16xf32>
          %add3A_899 = arith.constant 1024 : i32
          %add3A_900 = arith.addi %mul3A_103, %add3A_899 : i32
          %add3A_901 = arith.constant 112 : i32
          %add3A_902 = arith.addi %add3A_900, %add3A_901 : i32
          %get3A_903 = arith.index_cast %add3A_902 : i32 to index
          %get3A_904 = tpu.vector_load %arg6[%get3A_903] {strides = array<i32>} : memref<32768xf32, #tpu.memory_space<vmem>>, vector<16xf32>,
          %get3A_905 = vector.shape_cast %get3A_904 : vector<16xf32> to vector<16xf32>
          %add3A_906 = arith.addf %add3A_898, %get3A_905 : vector<16xf32>
          %xor3A_907 = arith.constant 8 : i32
          %xor3A_908 = vector.broadcast %xor3A_907 : i32 to vector<16xi32>
          %xor3A_909 = arith.xori %iota3A, %xor3A_908 : vector<16xi32>
          %broadcast_in_dim3A_910 = vector.shape_cast %xor3A_909 : vector<16xi32> to vector<16x1xi32>
          %gather3A_911 = vector.shape_cast %broadcast_in_dim3A_910 : vector<16x1xi32> to vector<16xi32>
          %gather3A_912 = tpu.dynamic_gather %add3A_906[%gather3A_911] in [0] : vector<16xf32>, vector<16xi32> -> vector<16xf32>
          %add3A_913 = arith.addf %add3A_906, %gather3A_912 : vector<16xf32>
          %xor3A_914 = arith.constant 4 : i32
          %xor3A_915 = vector.broadcast %xor3A_914 : i32 to vector<16xi32>
          %xor3A_916 = arith.xori %iota3A, %xor3A_915 : vector<16xi32>
          %broadcast_in_dim3A_917 = vector.shape_cast %xor3A_916 : vector<16xi32> to vector<16x1xi32>
          %gather3A_918 = vector.shape_cast %broadcast_in_dim3A_917 : vector<16x1xi32> to vector<16xi32>
          %gather3A_919 = tpu.dynamic_gather %add3A_913[%gather3A_918] in [0] : vector<16xf32>, vector<16xi32> -> vector<16xf32>
          %add3A_920 = arith.addf %add3A_913, %gather3A_919 : vector<16xf32>
          %xor3A_921 = arith.constant 2 : i32
          %xor3A_922 = vector.broadcast %xor3A_921 : i32 to vector<16xi32>
          %xor3A_923 = arith.xori %iota3A, %xor3A_922 : vector<16xi32>
          %broadcast_in_dim3A_924 = vector.shape_cast %xor3A_923 : vector<16xi32> to vector<16x1xi32>
          %gather3A_925 = vector.shape_cast %broadcast_in_dim3A_924 : vector<16x1xi32> to vector<16xi32>
          %gather3A_926 = tpu.dynamic_gather %add3A_920[%gather3A_925] in [0] : vector<16xf32>, vector<16xi32> -> vector<16xf32>
          %add3A_927 = arith.addf %add3A_920, %gather3A_926 : vector<16xf32>
          %xor3A_928 = arith.constant 1 : i32
          %xor3A_929 = vector.broadcast %xor3A_928 : i32 to vector<16xi32>
          %xor3A_930 = arith.xori %iota3A, %xor3A_929 : vector<16xi32>
          %broadcast_in_dim3A_931 = vector.shape_cast %xor3A_930 : vector<16xi32> to vector<16x1xi32>
          %gather3A_932 = vector.shape_cast %broadcast_in_dim3A_931 : vector<16x1xi32> to vector<16xi32>
          %gather3A_933 = tpu.dynamic_gather %add3A_927[%gather3A_932] in [0] : vector<16xf32>, vector<16xi32> -> vector<16xf32>
          %add3A_934 = arith.addf %add3A_927, %gather3A_933 : vector<16xf32>
          %eq3A_935 = arith.constant 8 : i32
          %eq3A_936 = vector.broadcast %eq3A_935 : i32 to vector<16xi32>
          %eq3A_937 = arith.cmpi eq, %iota3A, %eq3A_936 : vector<16xi32>
          %select_n3A_938 = arith.select %eq3A_937, %add3A_934, %select_n3A_845 : vector<16xi1>, vector<16xf32>
          %add3A_939 = arith.constant 1152 : i32
          %add3A_940 = arith.addi %mul3A_103, %add3A_939 : i32
          %get3A_941 = arith.index_cast %add3A_940 : i32 to index
          %get3A_942 = tpu.vector_load %arg6[%get3A_941] {strides = array<i32>} : memref<32768xf32, #tpu.memory_space<vmem>>, vector<16xf32>,
          %get3A_943 = vector.shape_cast %get3A_942 : vector<16xf32> to vector<16xf32>
          %add3A_944 = arith.constant 1152 : i32
          %add3A_945 = arith.addi %mul3A_103, %add3A_944 : i32
          %add3A_946 = arith.constant 16 : i32
          %add3A_947 = arith.addi %add3A_945, %add3A_946 : i32
          %get3A_948 = arith.index_cast %add3A_947 : i32 to index
          %get3A_949 = tpu.vector_load %arg6[%get3A_948] {strides = array<i32>} : memref<32768xf32, #tpu.memory_space<vmem>>, vector<16xf32>,
          %get3A_950 = vector.shape_cast %get3A_949 : vector<16xf32> to vector<16xf32>
          %add3A_951 = arith.addf %get3A_943, %get3A_950 : vector<16xf32>
          %add3A_952 = arith.constant 1152 : i32
          %add3A_953 = arith.addi %mul3A_103, %add3A_952 : i32
          %add3A_954 = arith.constant 32 : i32
          %add3A_955 = arith.addi %add3A_953, %add3A_954 : i32
          %get3A_956 = arith.index_cast %add3A_955 : i32 to index
          %get3A_957 = tpu.vector_load %arg6[%get3A_956] {strides = array<i32>} : memref<32768xf32, #tpu.memory_space<vmem>>, vector<16xf32>,
          %get3A_958 = vector.shape_cast %get3A_957 : vector<16xf32> to vector<16xf32>
          %add3A_959 = arith.addf %add3A_951, %get3A_958 : vector<16xf32>
          %add3A_960 = arith.constant 1152 : i32
          %add3A_961 = arith.addi %mul3A_103, %add3A_960 : i32
          %add3A_962 = arith.constant 48 : i32
          %add3A_963 = arith.addi %add3A_961, %add3A_962 : i32
          %get3A_964 = arith.index_cast %add3A_963 : i32 to index
          %get3A_965 = tpu.vector_load %arg6[%get3A_964] {strides = array<i32>} : memref<32768xf32, #tpu.memory_space<vmem>>, vector<16xf32>,
          %get3A_966 = vector.shape_cast %get3A_965 : vector<16xf32> to vector<16xf32>
          %add3A_967 = arith.addf %add3A_959, %get3A_966 : vector<16xf32>
          %add3A_968 = arith.constant 1152 : i32
          %add3A_969 = arith.addi %mul3A_103, %add3A_968 : i32
          %add3A_970 = arith.constant 64 : i32
          %add3A_971 = arith.addi %add3A_969, %add3A_970 : i32
          %get3A_972 = arith.index_cast %add3A_971 : i32 to index
          %get3A_973 = tpu.vector_load %arg6[%get3A_972] {strides = array<i32>} : memref<32768xf32, #tpu.memory_space<vmem>>, vector<16xf32>,
          %get3A_974 = vector.shape_cast %get3A_973 : vector<16xf32> to vector<16xf32>
          %add3A_975 = arith.addf %add3A_967, %get3A_974 : vector<16xf32>
          %add3A_976 = arith.constant 1152 : i32
          %add3A_977 = arith.addi %mul3A_103, %add3A_976 : i32
          %add3A_978 = arith.constant 80 : i32
          %add3A_979 = arith.addi %add3A_977, %add3A_978 : i32
          %get3A_980 = arith.index_cast %add3A_979 : i32 to index
          %get3A_981 = tpu.vector_load %arg6[%get3A_980] {strides = array<i32>} : memref<32768xf32, #tpu.memory_space<vmem>>, vector<16xf32>,
          %get3A_982 = vector.shape_cast %get3A_981 : vector<16xf32> to vector<16xf32>
          %add3A_983 = arith.addf %add3A_975, %get3A_982 : vector<16xf32>
          %add3A_984 = arith.constant 1152 : i32
          %add3A_985 = arith.addi %mul3A_103, %add3A_984 : i32
          %add3A_986 = arith.constant 96 : i32
          %add3A_987 = arith.addi %add3A_985, %add3A_986 : i32
          %get3A_988 = arith.index_cast %add3A_987 : i32 to index
          %get3A_989 = tpu.vector_load %arg6[%get3A_988] {strides = array<i32>} : memref<32768xf32, #tpu.memory_space<vmem>>, vector<16xf32>,
          %get3A_990 = vector.shape_cast %get3A_989 : vector<16xf32> to vector<16xf32>
          %add3A_991 = arith.addf %add3A_983, %get3A_990 : vector<16xf32>
          %add3A_992 = arith.constant 1152 : i32
          %add3A_993 = arith.addi %mul3A_103, %add3A_992 : i32
          %add3A_994 = arith.constant 112 : i32
          %add3A_995 = arith.addi %add3A_993, %add3A_994 : i32
          %get3A_996 = arith.index_cast %add3A_995 : i32 to index
          %get3A_997 = tpu.vector_load %arg6[%get3A_996] {strides = array<i32>} : memref<32768xf32, #tpu.memory_space<vmem>>, vector<16xf32>,
          %get3A_998 = vector.shape_cast %get3A_997 : vector<16xf32> to vector<16xf32>
          %add3A_999 = arith.addf %add3A_991, %get3A_998 : vector<16xf32>
          %xor3A_1000 = arith.constant 8 : i32
          %xor3A_1001 = vector.broadcast %xor3A_1000 : i32 to vector<16xi32>
          %xor3A_1002 = arith.xori %iota3A, %xor3A_1001 : vector<16xi32>
          %broadcast_in_dim3A_1003 = vector.shape_cast %xor3A_1002 : vector<16xi32> to vector<16x1xi32>
          %gather3A_1004 = vector.shape_cast %broadcast_in_dim3A_1003 : vector<16x1xi32> to vector<16xi32>
          %gather3A_1005 = tpu.dynamic_gather %add3A_999[%gather3A_1004] in [0] : vector<16xf32>, vector<16xi32> -> vector<16xf32>
          %add3A_1006 = arith.addf %add3A_999, %gather3A_1005 : vector<16xf32>
          %xor3A_1007 = arith.constant 4 : i32
          %xor3A_1008 = vector.broadcast %xor3A_1007 : i32 to vector<16xi32>
          %xor3A_1009 = arith.xori %iota3A, %xor3A_1008 : vector<16xi32>
          %broadcast_in_dim3A_1010 = vector.shape_cast %xor3A_1009 : vector<16xi32> to vector<16x1xi32>
          %gather3A_1011 = vector.shape_cast %broadcast_in_dim3A_1010 : vector<16x1xi32> to vector<16xi32>
          %gather3A_1012 = tpu.dynamic_gather %add3A_1006[%gather3A_1011] in [0] : vector<16xf32>, vector<16xi32> -> vector<16xf32>
          %add3A_1013 = arith.addf %add3A_1006, %gather3A_1012 : vector<16xf32>
          %xor3A_1014 = arith.constant 2 : i32
          %xor3A_1015 = vector.broadcast %xor3A_1014 : i32 to vector<16xi32>
          %xor3A_1016 = arith.xori %iota3A, %xor3A_1015 : vector<16xi32>
          %broadcast_in_dim3A_1017 = vector.shape_cast %xor3A_1016 : vector<16xi32> to vector<16x1xi32>
          %gather3A_1018 = vector.shape_cast %broadcast_in_dim3A_1017 : vector<16x1xi32> to vector<16xi32>
          %gather3A_1019 = tpu.dynamic_gather %add3A_1013[%gather3A_1018] in [0] : vector<16xf32>, vector<16xi32> -> vector<16xf32>
          %add3A_1020 = arith.addf %add3A_1013, %gather3A_1019 : vector<16xf32>
          %xor3A_1021 = arith.constant 1 : i32
          %xor3A_1022 = vector.broadcast %xor3A_1021 : i32 to vector<16xi32>
          %xor3A_1023 = arith.xori %iota3A, %xor3A_1022 : vector<16xi32>
          %broadcast_in_dim3A_1024 = vector.shape_cast %xor3A_1023 : vector<16xi32> to vector<16x1xi32>
          %gather3A_1025 = vector.shape_cast %broadcast_in_dim3A_1024 : vector<16x1xi32> to vector<16xi32>
          %gather3A_1026 = tpu.dynamic_gather %add3A_1020[%gather3A_1025] in [0] : vector<16xf32>, vector<16xi32> -> vector<16xf32>
          %add3A_1027 = arith.addf %add3A_1020, %gather3A_1026 : vector<16xf32>
          %eq3A_1028 = arith.constant 9 : i32
          %eq3A_1029 = vector.broadcast %eq3A_1028 : i32 to vector<16xi32>
          %eq3A_1030 = arith.cmpi eq, %iota3A, %eq3A_1029 : vector<16xi32>
          %select_n3A_1031 = arith.select %eq3A_1030, %add3A_1027, %select_n3A_938 : vector<16xi1>, vector<16xf32>
          %add3A_1032 = arith.constant 1280 : i32
          %add3A_1033 = arith.addi %mul3A_103, %add3A_1032 : i32
          %get3A_1034 = arith.index_cast %add3A_1033 : i32 to index
          %get3A_1035 = tpu.vector_load %arg6[%get3A_1034] {strides = array<i32>} : memref<32768xf32, #tpu.memory_space<vmem>>, vector<16xf32>,
          %get3A_1036 = vector.shape_cast %get3A_1035 : vector<16xf32> to vector<16xf32>
          %add3A_1037 = arith.constant 1280 : i32
          %add3A_1038 = arith.addi %mul3A_103, %add3A_1037 : i32
          %add3A_1039 = arith.constant 16 : i32
          %add3A_1040 = arith.addi %add3A_1038, %add3A_1039 : i32
          %get3A_1041 = arith.index_cast %add3A_1040 : i32 to index
          %get3A_1042 = tpu.vector_load %arg6[%get3A_1041] {strides = array<i32>} : memref<32768xf32, #tpu.memory_space<vmem>>, vector<16xf32>,
          %get3A_1043 = vector.shape_cast %get3A_1042 : vector<16xf32> to vector<16xf32>
          %add3A_1044 = arith.addf %get3A_1036, %get3A_1043 : vector<16xf32>
          %add3A_1045 = arith.constant 1280 : i32
          %add3A_1046 = arith.addi %mul3A_103, %add3A_1045 : i32
          %add3A_1047 = arith.constant 32 : i32
          %add3A_1048 = arith.addi %add3A_1046, %add3A_1047 : i32
          %get3A_1049 = arith.index_cast %add3A_1048 : i32 to index
          %get3A_1050 = tpu.vector_load %arg6[%get3A_1049] {strides = array<i32>} : memref<32768xf32, #tpu.memory_space<vmem>>, vector<16xf32>,
          %get3A_1051 = vector.shape_cast %get3A_1050 : vector<16xf32> to vector<16xf32>
          %add3A_1052 = arith.addf %add3A_1044, %get3A_1051 : vector<16xf32>
          %add3A_1053 = arith.constant 1280 : i32
          %add3A_1054 = arith.addi %mul3A_103, %add3A_1053 : i32
          %add3A_1055 = arith.constant 48 : i32
          %add3A_1056 = arith.addi %add3A_1054, %add3A_1055 : i32
          %get3A_1057 = arith.index_cast %add3A_1056 : i32 to index
          %get3A_1058 = tpu.vector_load %arg6[%get3A_1057] {strides = array<i32>} : memref<32768xf32, #tpu.memory_space<vmem>>, vector<16xf32>,
          %get3A_1059 = vector.shape_cast %get3A_1058 : vector<16xf32> to vector<16xf32>
          %add3A_1060 = arith.addf %add3A_1052, %get3A_1059 : vector<16xf32>
          %add3A_1061 = arith.constant 1280 : i32
          %add3A_1062 = arith.addi %mul3A_103, %add3A_1061 : i32
          %add3A_1063 = arith.constant 64 : i32
          %add3A_1064 = arith.addi %add3A_1062, %add3A_1063 : i32
          %get3A_1065 = arith.index_cast %add3A_1064 : i32 to index
          %get3A_1066 = tpu.vector_load %arg6[%get3A_1065] {strides = array<i32>} : memref<32768xf32, #tpu.memory_space<vmem>>, vector<16xf32>,
          %get3A_1067 = vector.shape_cast %get3A_1066 : vector<16xf32> to vector<16xf32>
          %add3A_1068 = arith.addf %add3A_1060, %get3A_1067 : vector<16xf32>
          %add3A_1069 = arith.constant 1280 : i32
          %add3A_1070 = arith.addi %mul3A_103, %add3A_1069 : i32
          %add3A_1071 = arith.constant 80 : i32
          %add3A_1072 = arith.addi %add3A_1070, %add3A_1071 : i32
          %get3A_1073 = arith.index_cast %add3A_1072 : i32 to index
          %get3A_1074 = tpu.vector_load %arg6[%get3A_1073] {strides = array<i32>} : memref<32768xf32, #tpu.memory_space<vmem>>, vector<16xf32>,
          %get3A_1075 = vector.shape_cast %get3A_1074 : vector<16xf32> to vector<16xf32>
          %add3A_1076 = arith.addf %add3A_1068, %get3A_1075 : vector<16xf32>
          %add3A_1077 = arith.constant 1280 : i32
          %add3A_1078 = arith.addi %mul3A_103, %add3A_1077 : i32
          %add3A_1079 = arith.constant 96 : i32
          %add3A_1080 = arith.addi %add3A_1078, %add3A_1079 : i32
          %get3A_1081 = arith.index_cast %add3A_1080 : i32 to index
          %get3A_1082 = tpu.vector_load %arg6[%get3A_1081] {strides = array<i32>} : memref<32768xf32, #tpu.memory_space<vmem>>, vector<16xf32>,
          %get3A_1083 = vector.shape_cast %get3A_1082 : vector<16xf32> to vector<16xf32>
          %add3A_1084 = arith.addf %add3A_1076, %get3A_1083 : vector<16xf32>
          %add3A_1085 = arith.constant 1280 : i32
          %add3A_1086 = arith.addi %mul3A_103, %add3A_1085 : i32
          %add3A_1087 = arith.constant 112 : i32
          %add3A_1088 = arith.addi %add3A_1086, %add3A_1087 : i32
          %get3A_1089 = arith.index_cast %add3A_1088 : i32 to index
          %get3A_1090 = tpu.vector_load %arg6[%get3A_1089] {strides = array<i32>} : memref<32768xf32, #tpu.memory_space<vmem>>, vector<16xf32>,
          %get3A_1091 = vector.shape_cast %get3A_1090 : vector<16xf32> to vector<16xf32>
          %add3A_1092 = arith.addf %add3A_1084, %get3A_1091 : vector<16xf32>
          %xor3A_1093 = arith.constant 8 : i32
          %xor3A_1094 = vector.broadcast %xor3A_1093 : i32 to vector<16xi32>
          %xor3A_1095 = arith.xori %iota3A, %xor3A_1094 : vector<16xi32>
          %broadcast_in_dim3A_1096 = vector.shape_cast %xor3A_1095 : vector<16xi32> to vector<16x1xi32>
          %gather3A_1097 = vector.shape_cast %broadcast_in_dim3A_1096 : vector<16x1xi32> to vector<16xi32>
          %gather3A_1098 = tpu.dynamic_gather %add3A_1092[%gather3A_1097] in [0] : vector<16xf32>, vector<16xi32> -> vector<16xf32>
          %add3A_1099 = arith.addf %add3A_1092, %gather3A_1098 : vector<16xf32>
          %xor3A_1100 = arith.constant 4 : i32
          %xor3A_1101 = vector.broadcast %xor3A_1100 : i32 to vector<16xi32>
          %xor3A_1102 = arith.xori %iota3A, %xor3A_1101 : vector<16xi32>
          %broadcast_in_dim3A_1103 = vector.shape_cast %xor3A_1102 : vector<16xi32> to vector<16x1xi32>
          %gather3A_1104 = vector.shape_cast %broadcast_in_dim3A_1103 : vector<16x1xi32> to vector<16xi32>
          %gather3A_1105 = tpu.dynamic_gather %add3A_1099[%gather3A_1104] in [0] : vector<16xf32>, vector<16xi32> -> vector<16xf32>
          %add3A_1106 = arith.addf %add3A_1099, %gather3A_1105 : vector<16xf32>
          %xor3A_1107 = arith.constant 2 : i32
          %xor3A_1108 = vector.broadcast %xor3A_1107 : i32 to vector<16xi32>
          %xor3A_1109 = arith.xori %iota3A, %xor3A_1108 : vector<16xi32>
          %broadcast_in_dim3A_1110 = vector.shape_cast %xor3A_1109 : vector<16xi32> to vector<16x1xi32>
          %gather3A_1111 = vector.shape_cast %broadcast_in_dim3A_1110 : vector<16x1xi32> to vector<16xi32>
          %gather3A_1112 = tpu.dynamic_gather %add3A_1106[%gather3A_1111] in [0] : vector<16xf32>, vector<16xi32> -> vector<16xf32>
          %add3A_1113 = arith.addf %add3A_1106, %gather3A_1112 : vector<16xf32>
          %xor3A_1114 = arith.constant 1 : i32
          %xor3A_1115 = vector.broadcast %xor3A_1114 : i32 to vector<16xi32>
          %xor3A_1116 = arith.xori %iota3A, %xor3A_1115 : vector<16xi32>
          %broadcast_in_dim3A_1117 = vector.shape_cast %xor3A_1116 : vector<16xi32> to vector<16x1xi32>
          %gather3A_1118 = vector.shape_cast %broadcast_in_dim3A_1117 : vector<16x1xi32> to vector<16xi32>
          %gather3A_1119 = tpu.dynamic_gather %add3A_1113[%gather3A_1118] in [0] : vector<16xf32>, vector<16xi32> -> vector<16xf32>
          %add3A_1120 = arith.addf %add3A_1113, %gather3A_1119 : vector<16xf32>
          %eq3A_1121 = arith.constant 10 : i32
          %eq3A_1122 = vector.broadcast %eq3A_1121 : i32 to vector<16xi32>
          %eq3A_1123 = arith.cmpi eq, %iota3A, %eq3A_1122 : vector<16xi32>
          %select_n3A_1124 = arith.select %eq3A_1123, %add3A_1120, %select_n3A_1031 : vector<16xi1>, vector<16xf32>
          %add3A_1125 = arith.constant 1408 : i32
          %add3A_1126 = arith.addi %mul3A_103, %add3A_1125 : i32
          %get3A_1127 = arith.index_cast %add3A_1126 : i32 to index
          %get3A_1128 = tpu.vector_load %arg6[%get3A_1127] {strides = array<i32>} : memref<32768xf32, #tpu.memory_space<vmem>>, vector<16xf32>,
          %get3A_1129 = vector.shape_cast %get3A_1128 : vector<16xf32> to vector<16xf32>
          %add3A_1130 = arith.constant 1408 : i32
          %add3A_1131 = arith.addi %mul3A_103, %add3A_1130 : i32
          %add3A_1132 = arith.constant 16 : i32
          %add3A_1133 = arith.addi %add3A_1131, %add3A_1132 : i32
          %get3A_1134 = arith.index_cast %add3A_1133 : i32 to index
          %get3A_1135 = tpu.vector_load %arg6[%get3A_1134] {strides = array<i32>} : memref<32768xf32, #tpu.memory_space<vmem>>, vector<16xf32>,
          %get3A_1136 = vector.shape_cast %get3A_1135 : vector<16xf32> to vector<16xf32>
          %add3A_1137 = arith.addf %get3A_1129, %get3A_1136 : vector<16xf32>
          %add3A_1138 = arith.constant 1408 : i32
          %add3A_1139 = arith.addi %mul3A_103, %add3A_1138 : i32
          %add3A_1140 = arith.constant 32 : i32
          %add3A_1141 = arith.addi %add3A_1139, %add3A_1140 : i32
          %get3A_1142 = arith.index_cast %add3A_1141 : i32 to index
          %get3A_1143 = tpu.vector_load %arg6[%get3A_1142] {strides = array<i32>} : memref<32768xf32, #tpu.memory_space<vmem>>, vector<16xf32>,
          %get3A_1144 = vector.shape_cast %get3A_1143 : vector<16xf32> to vector<16xf32>
          %add3A_1145 = arith.addf %add3A_1137, %get3A_1144 : vector<16xf32>
          %add3A_1146 = arith.constant 1408 : i32
          %add3A_1147 = arith.addi %mul3A_103, %add3A_1146 : i32
          %add3A_1148 = arith.constant 48 : i32
          %add3A_1149 = arith.addi %add3A_1147, %add3A_1148 : i32
          %get3A_1150 = arith.index_cast %add3A_1149 : i32 to index
          %get3A_1151 = tpu.vector_load %arg6[%get3A_1150] {strides = array<i32>} : memref<32768xf32, #tpu.memory_space<vmem>>, vector<16xf32>,
          %get3A_1152 = vector.shape_cast %get3A_1151 : vector<16xf32> to vector<16xf32>
          %add3A_1153 = arith.addf %add3A_1145, %get3A_1152 : vector<16xf32>
          %add3A_1154 = arith.constant 1408 : i32
          %add3A_1155 = arith.addi %mul3A_103, %add3A_1154 : i32
          %add3A_1156 = arith.constant 64 : i32
          %add3A_1157 = arith.addi %add3A_1155, %add3A_1156 : i32
          %get3A_1158 = arith.index_cast %add3A_1157 : i32 to index
          %get3A_1159 = tpu.vector_load %arg6[%get3A_1158] {strides = array<i32>} : memref<32768xf32, #tpu.memory_space<vmem>>, vector<16xf32>,
          %get3A_1160 = vector.shape_cast %get3A_1159 : vector<16xf32> to vector<16xf32>
          %add3A_1161 = arith.addf %add3A_1153, %get3A_1160 : vector<16xf32>
          %add3A_1162 = arith.constant 1408 : i32
          %add3A_1163 = arith.addi %mul3A_103, %add3A_1162 : i32
          %add3A_1164 = arith.constant 80 : i32
          %add3A_1165 = arith.addi %add3A_1163, %add3A_1164 : i32
          %get3A_1166 = arith.index_cast %add3A_1165 : i32 to index
          %get3A_1167 = tpu.vector_load %arg6[%get3A_1166] {strides = array<i32>} : memref<32768xf32, #tpu.memory_space<vmem>>, vector<16xf32>,
          %get3A_1168 = vector.shape_cast %get3A_1167 : vector<16xf32> to vector<16xf32>
          %add3A_1169 = arith.addf %add3A_1161, %get3A_1168 : vector<16xf32>
          %add3A_1170 = arith.constant 1408 : i32
          %add3A_1171 = arith.addi %mul3A_103, %add3A_1170 : i32
          %add3A_1172 = arith.constant 96 : i32
          %add3A_1173 = arith.addi %add3A_1171, %add3A_1172 : i32
          %get3A_1174 = arith.index_cast %add3A_1173 : i32 to index
          %get3A_1175 = tpu.vector_load %arg6[%get3A_1174] {strides = array<i32>} : memref<32768xf32, #tpu.memory_space<vmem>>, vector<16xf32>,
          %get3A_1176 = vector.shape_cast %get3A_1175 : vector<16xf32> to vector<16xf32>
          %add3A_1177 = arith.addf %add3A_1169, %get3A_1176 : vector<16xf32>
          %add3A_1178 = arith.constant 1408 : i32
          %add3A_1179 = arith.addi %mul3A_103, %add3A_1178 : i32
          %add3A_1180 = arith.constant 112 : i32
          %add3A_1181 = arith.addi %add3A_1179, %add3A_1180 : i32
          %get3A_1182 = arith.index_cast %add3A_1181 : i32 to index
          %get3A_1183 = tpu.vector_load %arg6[%get3A_1182] {strides = array<i32>} : memref<32768xf32, #tpu.memory_space<vmem>>, vector<16xf32>,
          %get3A_1184 = vector.shape_cast %get3A_1183 : vector<16xf32> to vector<16xf32>
          %add3A_1185 = arith.addf %add3A_1177, %get3A_1184 : vector<16xf32>
          %xor3A_1186 = arith.constant 8 : i32
          %xor3A_1187 = vector.broadcast %xor3A_1186 : i32 to vector<16xi32>
          %xor3A_1188 = arith.xori %iota3A, %xor3A_1187 : vector<16xi32>
          %broadcast_in_dim3A_1189 = vector.shape_cast %xor3A_1188 : vector<16xi32> to vector<16x1xi32>
          %gather3A_1190 = vector.shape_cast %broadcast_in_dim3A_1189 : vector<16x1xi32> to vector<16xi32>
          %gather3A_1191 = tpu.dynamic_gather %add3A_1185[%gather3A_1190] in [0] : vector<16xf32>, vector<16xi32> -> vector<16xf32>
          %add3A_1192 = arith.addf %add3A_1185, %gather3A_1191 : vector<16xf32>
          %xor3A_1193 = arith.constant 4 : i32
          %xor3A_1194 = vector.broadcast %xor3A_1193 : i32 to vector<16xi32>
          %xor3A_1195 = arith.xori %iota3A, %xor3A_1194 : vector<16xi32>
          %broadcast_in_dim3A_1196 = vector.shape_cast %xor3A_1195 : vector<16xi32> to vector<16x1xi32>
          %gather3A_1197 = vector.shape_cast %broadcast_in_dim3A_1196 : vector<16x1xi32> to vector<16xi32>
          %gather3A_1198 = tpu.dynamic_gather %add3A_1192[%gather3A_1197] in [0] : vector<16xf32>, vector<16xi32> -> vector<16xf32>
          %add3A_1199 = arith.addf %add3A_1192, %gather3A_1198 : vector<16xf32>
          %xor3A_1200 = arith.constant 2 : i32
          %xor3A_1201 = vector.broadcast %xor3A_1200 : i32 to vector<16xi32>
          %xor3A_1202 = arith.xori %iota3A, %xor3A_1201 : vector<16xi32>
          %broadcast_in_dim3A_1203 = vector.shape_cast %xor3A_1202 : vector<16xi32> to vector<16x1xi32>
          %gather3A_1204 = vector.shape_cast %broadcast_in_dim3A_1203 : vector<16x1xi32> to vector<16xi32>
          %gather3A_1205 = tpu.dynamic_gather %add3A_1199[%gather3A_1204] in [0] : vector<16xf32>, vector<16xi32> -> vector<16xf32>
          %add3A_1206 = arith.addf %add3A_1199, %gather3A_1205 : vector<16xf32>
          %xor3A_1207 = arith.constant 1 : i32
          %xor3A_1208 = vector.broadcast %xor3A_1207 : i32 to vector<16xi32>
          %xor3A_1209 = arith.xori %iota3A, %xor3A_1208 : vector<16xi32>
          %broadcast_in_dim3A_1210 = vector.shape_cast %xor3A_1209 : vector<16xi32> to vector<16x1xi32>
          %gather3A_1211 = vector.shape_cast %broadcast_in_dim3A_1210 : vector<16x1xi32> to vector<16xi32>
          %gather3A_1212 = tpu.dynamic_gather %add3A_1206[%gather3A_1211] in [0] : vector<16xf32>, vector<16xi32> -> vector<16xf32>
          %add3A_1213 = arith.addf %add3A_1206, %gather3A_1212 : vector<16xf32>
          %eq3A_1214 = arith.constant 11 : i32
          %eq3A_1215 = vector.broadcast %eq3A_1214 : i32 to vector<16xi32>
          %eq3A_1216 = arith.cmpi eq, %iota3A, %eq3A_1215 : vector<16xi32>
          %select_n3A_1217 = arith.select %eq3A_1216, %add3A_1213, %select_n3A_1124 : vector<16xi1>, vector<16xf32>
          %add3A_1218 = arith.constant 1536 : i32
          %add3A_1219 = arith.addi %mul3A_103, %add3A_1218 : i32
          %get3A_1220 = arith.index_cast %add3A_1219 : i32 to index
          %get3A_1221 = tpu.vector_load %arg6[%get3A_1220] {strides = array<i32>} : memref<32768xf32, #tpu.memory_space<vmem>>, vector<16xf32>,
          %get3A_1222 = vector.shape_cast %get3A_1221 : vector<16xf32> to vector<16xf32>
          %add3A_1223 = arith.constant 1536 : i32
          %add3A_1224 = arith.addi %mul3A_103, %add3A_1223 : i32
          %add3A_1225 = arith.constant 16 : i32
          %add3A_1226 = arith.addi %add3A_1224, %add3A_1225 : i32
          %get3A_1227 = arith.index_cast %add3A_1226 : i32 to index
          %get3A_1228 = tpu.vector_load %arg6[%get3A_1227] {strides = array<i32>} : memref<32768xf32, #tpu.memory_space<vmem>>, vector<16xf32>,
          %get3A_1229 = vector.shape_cast %get3A_1228 : vector<16xf32> to vector<16xf32>
          %add3A_1230 = arith.addf %get3A_1222, %get3A_1229 : vector<16xf32>
          %add3A_1231 = arith.constant 1536 : i32
          %add3A_1232 = arith.addi %mul3A_103, %add3A_1231 : i32
          %add3A_1233 = arith.constant 32 : i32
          %add3A_1234 = arith.addi %add3A_1232, %add3A_1233 : i32
          %get3A_1235 = arith.index_cast %add3A_1234 : i32 to index
          %get3A_1236 = tpu.vector_load %arg6[%get3A_1235] {strides = array<i32>} : memref<32768xf32, #tpu.memory_space<vmem>>, vector<16xf32>,
          %get3A_1237 = vector.shape_cast %get3A_1236 : vector<16xf32> to vector<16xf32>
          %add3A_1238 = arith.addf %add3A_1230, %get3A_1237 : vector<16xf32>
          %add3A_1239 = arith.constant 1536 : i32
          %add3A_1240 = arith.addi %mul3A_103, %add3A_1239 : i32
          %add3A_1241 = arith.constant 48 : i32
          %add3A_1242 = arith.addi %add3A_1240, %add3A_1241 : i32
          %get3A_1243 = arith.index_cast %add3A_1242 : i32 to index
          %get3A_1244 = tpu.vector_load %arg6[%get3A_1243] {strides = array<i32>} : memref<32768xf32, #tpu.memory_space<vmem>>, vector<16xf32>,
          %get3A_1245 = vector.shape_cast %get3A_1244 : vector<16xf32> to vector<16xf32>
          %add3A_1246 = arith.addf %add3A_1238, %get3A_1245 : vector<16xf32>
          %add3A_1247 = arith.constant 1536 : i32
          %add3A_1248 = arith.addi %mul3A_103, %add3A_1247 : i32
          %add3A_1249 = arith.constant 64 : i32
          %add3A_1250 = arith.addi %add3A_1248, %add3A_1249 : i32
          %get3A_1251 = arith.index_cast %add3A_1250 : i32 to index
          %get3A_1252 = tpu.vector_load %arg6[%get3A_1251] {strides = array<i32>} : memref<32768xf32, #tpu.memory_space<vmem>>, vector<16xf32>,
          %get3A_1253 = vector.shape_cast %get3A_1252 : vector<16xf32> to vector<16xf32>
          %add3A_1254 = arith.addf %add3A_1246, %get3A_1253 : vector<16xf32>
          %add3A_1255 = arith.constant 1536 : i32
          %add3A_1256 = arith.addi %mul3A_103, %add3A_1255 : i32
          %add3A_1257 = arith.constant 80 : i32
          %add3A_1258 = arith.addi %add3A_1256, %add3A_1257 : i32
          %get3A_1259 = arith.index_cast %add3A_1258 : i32 to index
          %get3A_1260 = tpu.vector_load %arg6[%get3A_1259] {strides = array<i32>} : memref<32768xf32, #tpu.memory_space<vmem>>, vector<16xf32>,
          %get3A_1261 = vector.shape_cast %get3A_1260 : vector<16xf32> to vector<16xf32>
          %add3A_1262 = arith.addf %add3A_1254, %get3A_1261 : vector<16xf32>
          %add3A_1263 = arith.constant 1536 : i32
          %add3A_1264 = arith.addi %mul3A_103, %add3A_1263 : i32
          %add3A_1265 = arith.constant 96 : i32
          %add3A_1266 = arith.addi %add3A_1264, %add3A_1265 : i32
          %get3A_1267 = arith.index_cast %add3A_1266 : i32 to index
          %get3A_1268 = tpu.vector_load %arg6[%get3A_1267] {strides = array<i32>} : memref<32768xf32, #tpu.memory_space<vmem>>, vector<16xf32>,
          %get3A_1269 = vector.shape_cast %get3A_1268 : vector<16xf32> to vector<16xf32>
          %add3A_1270 = arith.addf %add3A_1262, %get3A_1269 : vector<16xf32>
          %add3A_1271 = arith.constant 1536 : i32
          %add3A_1272 = arith.addi %mul3A_103, %add3A_1271 : i32
          %add3A_1273 = arith.constant 112 : i32
          %add3A_1274 = arith.addi %add3A_1272, %add3A_1273 : i32
          %get3A_1275 = arith.index_cast %add3A_1274 : i32 to index
          %get3A_1276 = tpu.vector_load %arg6[%get3A_1275] {strides = array<i32>} : memref<32768xf32, #tpu.memory_space<vmem>>, vector<16xf32>,
          %get3A_1277 = vector.shape_cast %get3A_1276 : vector<16xf32> to vector<16xf32>
          %add3A_1278 = arith.addf %add3A_1270, %get3A_1277 : vector<16xf32>
          %xor3A_1279 = arith.constant 8 : i32
          %xor3A_1280 = vector.broadcast %xor3A_1279 : i32 to vector<16xi32>
          %xor3A_1281 = arith.xori %iota3A, %xor3A_1280 : vector<16xi32>
          %broadcast_in_dim3A_1282 = vector.shape_cast %xor3A_1281 : vector<16xi32> to vector<16x1xi32>
          %gather3A_1283 = vector.shape_cast %broadcast_in_dim3A_1282 : vector<16x1xi32> to vector<16xi32>
          %gather3A_1284 = tpu.dynamic_gather %add3A_1278[%gather3A_1283] in [0] : vector<16xf32>, vector<16xi32> -> vector<16xf32>
          %add3A_1285 = arith.addf %add3A_1278, %gather3A_1284 : vector<16xf32>
          %xor3A_1286 = arith.constant 4 : i32
          %xor3A_1287 = vector.broadcast %xor3A_1286 : i32 to vector<16xi32>
          %xor3A_1288 = arith.xori %iota3A, %xor3A_1287 : vector<16xi32>
          %broadcast_in_dim3A_1289 = vector.shape_cast %xor3A_1288 : vector<16xi32> to vector<16x1xi32>
          %gather3A_1290 = vector.shape_cast %broadcast_in_dim3A_1289 : vector<16x1xi32> to vector<16xi32>
          %gather3A_1291 = tpu.dynamic_gather %add3A_1285[%gather3A_1290] in [0] : vector<16xf32>, vector<16xi32> -> vector<16xf32>
          %add3A_1292 = arith.addf %add3A_1285, %gather3A_1291 : vector<16xf32>
          %xor3A_1293 = arith.constant 2 : i32
          %xor3A_1294 = vector.broadcast %xor3A_1293 : i32 to vector<16xi32>
          %xor3A_1295 = arith.xori %iota3A, %xor3A_1294 : vector<16xi32>
          %broadcast_in_dim3A_1296 = vector.shape_cast %xor3A_1295 : vector<16xi32> to vector<16x1xi32>
          %gather3A_1297 = vector.shape_cast %broadcast_in_dim3A_1296 : vector<16x1xi32> to vector<16xi32>
          %gather3A_1298 = tpu.dynamic_gather %add3A_1292[%gather3A_1297] in [0] : vector<16xf32>, vector<16xi32> -> vector<16xf32>
          %add3A_1299 = arith.addf %add3A_1292, %gather3A_1298 : vector<16xf32>
          %xor3A_1300 = arith.constant 1 : i32
          %xor3A_1301 = vector.broadcast %xor3A_1300 : i32 to vector<16xi32>
          %xor3A_1302 = arith.xori %iota3A, %xor3A_1301 : vector<16xi32>
          %broadcast_in_dim3A_1303 = vector.shape_cast %xor3A_1302 : vector<16xi32> to vector<16x1xi32>
          %gather3A_1304 = vector.shape_cast %broadcast_in_dim3A_1303 : vector<16x1xi32> to vector<16xi32>
          %gather3A_1305 = tpu.dynamic_gather %add3A_1299[%gather3A_1304] in [0] : vector<16xf32>, vector<16xi32> -> vector<16xf32>
          %add3A_1306 = arith.addf %add3A_1299, %gather3A_1305 : vector<16xf32>
          %eq3A_1307 = arith.constant 12 : i32
          %eq3A_1308 = vector.broadcast %eq3A_1307 : i32 to vector<16xi32>
          %eq3A_1309 = arith.cmpi eq, %iota3A, %eq3A_1308 : vector<16xi32>
          %select_n3A_1310 = arith.select %eq3A_1309, %add3A_1306, %select_n3A_1217 : vector<16xi1>, vector<16xf32>
          %add3A_1311 = arith.constant 1664 : i32
          %add3A_1312 = arith.addi %mul3A_103, %add3A_1311 : i32
          %get3A_1313 = arith.index_cast %add3A_1312 : i32 to index
          %get3A_1314 = tpu.vector_load %arg6[%get3A_1313] {strides = array<i32>} : memref<32768xf32, #tpu.memory_space<vmem>>, vector<16xf32>,
          %get3A_1315 = vector.shape_cast %get3A_1314 : vector<16xf32> to vector<16xf32>
          %add3A_1316 = arith.constant 1664 : i32
          %add3A_1317 = arith.addi %mul3A_103, %add3A_1316 : i32
          %add3A_1318 = arith.constant 16 : i32
          %add3A_1319 = arith.addi %add3A_1317, %add3A_1318 : i32
          %get3A_1320 = arith.index_cast %add3A_1319 : i32 to index
          %get3A_1321 = tpu.vector_load %arg6[%get3A_1320] {strides = array<i32>} : memref<32768xf32, #tpu.memory_space<vmem>>, vector<16xf32>,
          %get3A_1322 = vector.shape_cast %get3A_1321 : vector<16xf32> to vector<16xf32>
          %add3A_1323 = arith.addf %get3A_1315, %get3A_1322 : vector<16xf32>
          %add3A_1324 = arith.constant 1664 : i32
          %add3A_1325 = arith.addi %mul3A_103, %add3A_1324 : i32
          %add3A_1326 = arith.constant 32 : i32
          %add3A_1327 = arith.addi %add3A_1325, %add3A_1326 : i32
          %get3A_1328 = arith.index_cast %add3A_1327 : i32 to index
          %get3A_1329 = tpu.vector_load %arg6[%get3A_1328] {strides = array<i32>} : memref<32768xf32, #tpu.memory_space<vmem>>, vector<16xf32>,
          %get3A_1330 = vector.shape_cast %get3A_1329 : vector<16xf32> to vector<16xf32>
          %add3A_1331 = arith.addf %add3A_1323, %get3A_1330 : vector<16xf32>
          %add3A_1332 = arith.constant 1664 : i32
          %add3A_1333 = arith.addi %mul3A_103, %add3A_1332 : i32
          %add3A_1334 = arith.constant 48 : i32
          %add3A_1335 = arith.addi %add3A_1333, %add3A_1334 : i32
          %get3A_1336 = arith.index_cast %add3A_1335 : i32 to index
          %get3A_1337 = tpu.vector_load %arg6[%get3A_1336] {strides = array<i32>} : memref<32768xf32, #tpu.memory_space<vmem>>, vector<16xf32>,
          %get3A_1338 = vector.shape_cast %get3A_1337 : vector<16xf32> to vector<16xf32>
          %add3A_1339 = arith.addf %add3A_1331, %get3A_1338 : vector<16xf32>
          %add3A_1340 = arith.constant 1664 : i32
          %add3A_1341 = arith.addi %mul3A_103, %add3A_1340 : i32
          %add3A_1342 = arith.constant 64 : i32
          %add3A_1343 = arith.addi %add3A_1341, %add3A_1342 : i32
          %get3A_1344 = arith.index_cast %add3A_1343 : i32 to index
          %get3A_1345 = tpu.vector_load %arg6[%get3A_1344] {strides = array<i32>} : memref<32768xf32, #tpu.memory_space<vmem>>, vector<16xf32>,
          %get3A_1346 = vector.shape_cast %get3A_1345 : vector<16xf32> to vector<16xf32>
          %add3A_1347 = arith.addf %add3A_1339, %get3A_1346 : vector<16xf32>
          %add3A_1348 = arith.constant 1664 : i32
          %add3A_1349 = arith.addi %mul3A_103, %add3A_1348 : i32
          %add3A_1350 = arith.constant 80 : i32
          %add3A_1351 = arith.addi %add3A_1349, %add3A_1350 : i32
          %get3A_1352 = arith.index_cast %add3A_1351 : i32 to index
          %get3A_1353 = tpu.vector_load %arg6[%get3A_1352] {strides = array<i32>} : memref<32768xf32, #tpu.memory_space<vmem>>, vector<16xf32>,
          %get3A_1354 = vector.shape_cast %get3A_1353 : vector<16xf32> to vector<16xf32>
          %add3A_1355 = arith.addf %add3A_1347, %get3A_1354 : vector<16xf32>
          %add3A_1356 = arith.constant 1664 : i32
          %add3A_1357 = arith.addi %mul3A_103, %add3A_1356 : i32
          %add3A_1358 = arith.constant 96 : i32
          %add3A_1359 = arith.addi %add3A_1357, %add3A_1358 : i32
          %get3A_1360 = arith.index_cast %add3A_1359 : i32 to index
          %get3A_1361 = tpu.vector_load %arg6[%get3A_1360] {strides = array<i32>} : memref<32768xf32, #tpu.memory_space<vmem>>, vector<16xf32>,
          %get3A_1362 = vector.shape_cast %get3A_1361 : vector<16xf32> to vector<16xf32>
          %add3A_1363 = arith.addf %add3A_1355, %get3A_1362 : vector<16xf32>
          %add3A_1364 = arith.constant 1664 : i32
          %add3A_1365 = arith.addi %mul3A_103, %add3A_1364 : i32
          %add3A_1366 = arith.constant 112 : i32
          %add3A_1367 = arith.addi %add3A_1365, %add3A_1366 : i32
          %get3A_1368 = arith.index_cast %add3A_1367 : i32 to index
          %get3A_1369 = tpu.vector_load %arg6[%get3A_1368] {strides = array<i32>} : memref<32768xf32, #tpu.memory_space<vmem>>, vector<16xf32>,
          %get3A_1370 = vector.shape_cast %get3A_1369 : vector<16xf32> to vector<16xf32>
          %add3A_1371 = arith.addf %add3A_1363, %get3A_1370 : vector<16xf32>
          %xor3A_1372 = arith.constant 8 : i32
          %xor3A_1373 = vector.broadcast %xor3A_1372 : i32 to vector<16xi32>
          %xor3A_1374 = arith.xori %iota3A, %xor3A_1373 : vector<16xi32>
          %broadcast_in_dim3A_1375 = vector.shape_cast %xor3A_1374 : vector<16xi32> to vector<16x1xi32>
          %gather3A_1376 = vector.shape_cast %broadcast_in_dim3A_1375 : vector<16x1xi32> to vector<16xi32>
          %gather3A_1377 = tpu.dynamic_gather %add3A_1371[%gather3A_1376] in [0] : vector<16xf32>, vector<16xi32> -> vector<16xf32>
          %add3A_1378 = arith.addf %add3A_1371, %gather3A_1377 : vector<16xf32>
          %xor3A_1379 = arith.constant 4 : i32
          %xor3A_1380 = vector.broadcast %xor3A_1379 : i32 to vector<16xi32>
          %xor3A_1381 = arith.xori %iota3A, %xor3A_1380 : vector<16xi32>
          %broadcast_in_dim3A_1382 = vector.shape_cast %xor3A_1381 : vector<16xi32> to vector<16x1xi32>
          %gather3A_1383 = vector.shape_cast %broadcast_in_dim3A_1382 : vector<16x1xi32> to vector<16xi32>
          %gather3A_1384 = tpu.dynamic_gather %add3A_1378[%gather3A_1383] in [0] : vector<16xf32>, vector<16xi32> -> vector<16xf32>
          %add3A_1385 = arith.addf %add3A_1378, %gather3A_1384 : vector<16xf32>
          %xor3A_1386 = arith.constant 2 : i32
          %xor3A_1387 = vector.broadcast %xor3A_1386 : i32 to vector<16xi32>
          %xor3A_1388 = arith.xori %iota3A, %xor3A_1387 : vector<16xi32>
          %broadcast_in_dim3A_1389 = vector.shape_cast %xor3A_1388 : vector<16xi32> to vector<16x1xi32>
          %gather3A_1390 = vector.shape_cast %broadcast_in_dim3A_1389 : vector<16x1xi32> to vector<16xi32>
          %gather3A_1391 = tpu.dynamic_gather %add3A_1385[%gather3A_1390] in [0] : vector<16xf32>, vector<16xi32> -> vector<16xf32>
          %add3A_1392 = arith.addf %add3A_1385, %gather3A_1391 : vector<16xf32>
          %xor3A_1393 = arith.constant 1 : i32
          %xor3A_1394 = vector.broadcast %xor3A_1393 : i32 to vector<16xi32>
          %xor3A_1395 = arith.xori %iota3A, %xor3A_1394 : vector<16xi32>
          %broadcast_in_dim3A_1396 = vector.shape_cast %xor3A_1395 : vector<16xi32> to vector<16x1xi32>
          %gather3A_1397 = vector.shape_cast %broadcast_in_dim3A_1396 : vector<16x1xi32> to vector<16xi32>
          %gather3A_1398 = tpu.dynamic_gather %add3A_1392[%gather3A_1397] in [0] : vector<16xf32>, vector<16xi32> -> vector<16xf32>
          %add3A_1399 = arith.addf %add3A_1392, %gather3A_1398 : vector<16xf32>
          %eq3A_1400 = arith.constant 13 : i32
          %eq3A_1401 = vector.broadcast %eq3A_1400 : i32 to vector<16xi32>
          %eq3A_1402 = arith.cmpi eq, %iota3A, %eq3A_1401 : vector<16xi32>
          %select_n3A_1403 = arith.select %eq3A_1402, %add3A_1399, %select_n3A_1310 : vector<16xi1>, vector<16xf32>
          %add3A_1404 = arith.constant 1792 : i32
          %add3A_1405 = arith.addi %mul3A_103, %add3A_1404 : i32
          %get3A_1406 = arith.index_cast %add3A_1405 : i32 to index
          %get3A_1407 = tpu.vector_load %arg6[%get3A_1406] {strides = array<i32>} : memref<32768xf32, #tpu.memory_space<vmem>>, vector<16xf32>,
          %get3A_1408 = vector.shape_cast %get3A_1407 : vector<16xf32> to vector<16xf32>
          %add3A_1409 = arith.constant 1792 : i32
          %add3A_1410 = arith.addi %mul3A_103, %add3A_1409 : i32
          %add3A_1411 = arith.constant 16 : i32
          %add3A_1412 = arith.addi %add3A_1410, %add3A_1411 : i32
          %get3A_1413 = arith.index_cast %add3A_1412 : i32 to index
          %get3A_1414 = tpu.vector_load %arg6[%get3A_1413] {strides = array<i32>} : memref<32768xf32, #tpu.memory_space<vmem>>, vector<16xf32>,
          %get3A_1415 = vector.shape_cast %get3A_1414 : vector<16xf32> to vector<16xf32>
          %add3A_1416 = arith.addf %get3A_1408, %get3A_1415 : vector<16xf32>
          %add3A_1417 = arith.constant 1792 : i32
          %add3A_1418 = arith.addi %mul3A_103, %add3A_1417 : i32
          %add3A_1419 = arith.constant 32 : i32
          %add3A_1420 = arith.addi %add3A_1418, %add3A_1419 : i32
          %get3A_1421 = arith.index_cast %add3A_1420 : i32 to index
          %get3A_1422 = tpu.vector_load %arg6[%get3A_1421] {strides = array<i32>} : memref<32768xf32, #tpu.memory_space<vmem>>, vector<16xf32>,
          %get3A_1423 = vector.shape_cast %get3A_1422 : vector<16xf32> to vector<16xf32>
          %add3A_1424 = arith.addf %add3A_1416, %get3A_1423 : vector<16xf32>
          %add3A_1425 = arith.constant 1792 : i32
          %add3A_1426 = arith.addi %mul3A_103, %add3A_1425 : i32
          %add3A_1427 = arith.constant 48 : i32
          %add3A_1428 = arith.addi %add3A_1426, %add3A_1427 : i32
          %get3A_1429 = arith.index_cast %add3A_1428 : i32 to index
          %get3A_1430 = tpu.vector_load %arg6[%get3A_1429] {strides = array<i32>} : memref<32768xf32, #tpu.memory_space<vmem>>, vector<16xf32>,
          %get3A_1431 = vector.shape_cast %get3A_1430 : vector<16xf32> to vector<16xf32>
          %add3A_1432 = arith.addf %add3A_1424, %get3A_1431 : vector<16xf32>
          %add3A_1433 = arith.constant 1792 : i32
          %add3A_1434 = arith.addi %mul3A_103, %add3A_1433 : i32
          %add3A_1435 = arith.constant 64 : i32
          %add3A_1436 = arith.addi %add3A_1434, %add3A_1435 : i32
          %get3A_1437 = arith.index_cast %add3A_1436 : i32 to index
          %get3A_1438 = tpu.vector_load %arg6[%get3A_1437] {strides = array<i32>} : memref<32768xf32, #tpu.memory_space<vmem>>, vector<16xf32>,
          %get3A_1439 = vector.shape_cast %get3A_1438 : vector<16xf32> to vector<16xf32>
          %add3A_1440 = arith.addf %add3A_1432, %get3A_1439 : vector<16xf32>
          %add3A_1441 = arith.constant 1792 : i32
          %add3A_1442 = arith.addi %mul3A_103, %add3A_1441 : i32
          %add3A_1443 = arith.constant 80 : i32
          %add3A_1444 = arith.addi %add3A_1442, %add3A_1443 : i32
          %get3A_1445 = arith.index_cast %add3A_1444 : i32 to index
          %get3A_1446 = tpu.vector_load %arg6[%get3A_1445] {strides = array<i32>} : memref<32768xf32, #tpu.memory_space<vmem>>, vector<16xf32>,
          %get3A_1447 = vector.shape_cast %get3A_1446 : vector<16xf32> to vector<16xf32>
          %add3A_1448 = arith.addf %add3A_1440, %get3A_1447 : vector<16xf32>
          %add3A_1449 = arith.constant 1792 : i32
          %add3A_1450 = arith.addi %mul3A_103, %add3A_1449 : i32
          %add3A_1451 = arith.constant 96 : i32
          %add3A_1452 = arith.addi %add3A_1450, %add3A_1451 : i32
          %get3A_1453 = arith.index_cast %add3A_1452 : i32 to index
          %get3A_1454 = tpu.vector_load %arg6[%get3A_1453] {strides = array<i32>} : memref<32768xf32, #tpu.memory_space<vmem>>, vector<16xf32>,
          %get3A_1455 = vector.shape_cast %get3A_1454 : vector<16xf32> to vector<16xf32>
          %add3A_1456 = arith.addf %add3A_1448, %get3A_1455 : vector<16xf32>
          %add3A_1457 = arith.constant 1792 : i32
          %add3A_1458 = arith.addi %mul3A_103, %add3A_1457 : i32
          %add3A_1459 = arith.constant 112 : i32
          %add3A_1460 = arith.addi %add3A_1458, %add3A_1459 : i32
          %get3A_1461 = arith.index_cast %add3A_1460 : i32 to index
          %get3A_1462 = tpu.vector_load %arg6[%get3A_1461] {strides = array<i32>} : memref<32768xf32, #tpu.memory_space<vmem>>, vector<16xf32>,
          %get3A_1463 = vector.shape_cast %get3A_1462 : vector<16xf32> to vector<16xf32>
          %add3A_1464 = arith.addf %add3A_1456, %get3A_1463 : vector<16xf32>
          %xor3A_1465 = arith.constant 8 : i32
          %xor3A_1466 = vector.broadcast %xor3A_1465 : i32 to vector<16xi32>
          %xor3A_1467 = arith.xori %iota3A, %xor3A_1466 : vector<16xi32>
          %broadcast_in_dim3A_1468 = vector.shape_cast %xor3A_1467 : vector<16xi32> to vector<16x1xi32>
          %gather3A_1469 = vector.shape_cast %broadcast_in_dim3A_1468 : vector<16x1xi32> to vector<16xi32>
          %gather3A_1470 = tpu.dynamic_gather %add3A_1464[%gather3A_1469] in [0] : vector<16xf32>, vector<16xi32> -> vector<16xf32>
          %add3A_1471 = arith.addf %add3A_1464, %gather3A_1470 : vector<16xf32>
          %xor3A_1472 = arith.constant 4 : i32
          %xor3A_1473 = vector.broadcast %xor3A_1472 : i32 to vector<16xi32>
          %xor3A_1474 = arith.xori %iota3A, %xor3A_1473 : vector<16xi32>
          %broadcast_in_dim3A_1475 = vector.shape_cast %xor3A_1474 : vector<16xi32> to vector<16x1xi32>
          %gather3A_1476 = vector.shape_cast %broadcast_in_dim3A_1475 : vector<16x1xi32> to vector<16xi32>
          %gather3A_1477 = tpu.dynamic_gather %add3A_1471[%gather3A_1476] in [0] : vector<16xf32>, vector<16xi32> -> vector<16xf32>
          %add3A_1478 = arith.addf %add3A_1471, %gather3A_1477 : vector<16xf32>
          %xor3A_1479 = arith.constant 2 : i32
          %xor3A_1480 = vector.broadcast %xor3A_1479 : i32 to vector<16xi32>
          %xor3A_1481 = arith.xori %iota3A, %xor3A_1480 : vector<16xi32>
          %broadcast_in_dim3A_1482 = vector.shape_cast %xor3A_1481 : vector<16xi32> to vector<16x1xi32>
          %gather3A_1483 = vector.shape_cast %broadcast_in_dim3A_1482 : vector<16x1xi32> to vector<16xi32>
          %gather3A_1484 = tpu.dynamic_gather %add3A_1478[%gather3A_1483] in [0] : vector<16xf32>, vector<16xi32> -> vector<16xf32>
          %add3A_1485 = arith.addf %add3A_1478, %gather3A_1484 : vector<16xf32>
          %xor3A_1486 = arith.constant 1 : i32
          %xor3A_1487 = vector.broadcast %xor3A_1486 : i32 to vector<16xi32>
          %xor3A_1488 = arith.xori %iota3A, %xor3A_1487 : vector<16xi32>
          %broadcast_in_dim3A_1489 = vector.shape_cast %xor3A_1488 : vector<16xi32> to vector<16x1xi32>
          %gather3A_1490 = vector.shape_cast %broadcast_in_dim3A_1489 : vector<16x1xi32> to vector<16xi32>
          %gather3A_1491 = tpu.dynamic_gather %add3A_1485[%gather3A_1490] in [0] : vector<16xf32>, vector<16xi32> -> vector<16xf32>
          %add3A_1492 = arith.addf %add3A_1485, %gather3A_1491 : vector<16xf32>
          %eq3A_1493 = arith.constant 14 : i32
          %eq3A_1494 = vector.broadcast %eq3A_1493 : i32 to vector<16xi32>
          %eq3A_1495 = arith.cmpi eq, %iota3A, %eq3A_1494 : vector<16xi32>
          %select_n3A_1496 = arith.select %eq3A_1495, %add3A_1492, %select_n3A_1403 : vector<16xi1>, vector<16xf32>
          %add3A_1497 = arith.constant 1920 : i32
          %add3A_1498 = arith.addi %mul3A_103, %add3A_1497 : i32
          %get3A_1499 = arith.index_cast %add3A_1498 : i32 to index
          %get3A_1500 = tpu.vector_load %arg6[%get3A_1499] {strides = array<i32>} : memref<32768xf32, #tpu.memory_space<vmem>>, vector<16xf32>,
          %get3A_1501 = vector.shape_cast %get3A_1500 : vector<16xf32> to vector<16xf32>
          %add3A_1502 = arith.constant 1920 : i32
          %add3A_1503 = arith.addi %mul3A_103, %add3A_1502 : i32
          %add3A_1504 = arith.constant 16 : i32
          %add3A_1505 = arith.addi %add3A_1503, %add3A_1504 : i32
          %get3A_1506 = arith.index_cast %add3A_1505 : i32 to index
          %get3A_1507 = tpu.vector_load %arg6[%get3A_1506] {strides = array<i32>} : memref<32768xf32, #tpu.memory_space<vmem>>, vector<16xf32>,
          %get3A_1508 = vector.shape_cast %get3A_1507 : vector<16xf32> to vector<16xf32>
          %add3A_1509 = arith.addf %get3A_1501, %get3A_1508 : vector<16xf32>
          %add3A_1510 = arith.constant 1920 : i32
          %add3A_1511 = arith.addi %mul3A_103, %add3A_1510 : i32
          %add3A_1512 = arith.constant 32 : i32
          %add3A_1513 = arith.addi %add3A_1511, %add3A_1512 : i32
          %get3A_1514 = arith.index_cast %add3A_1513 : i32 to index
          %get3A_1515 = tpu.vector_load %arg6[%get3A_1514] {strides = array<i32>} : memref<32768xf32, #tpu.memory_space<vmem>>, vector<16xf32>,
          %get3A_1516 = vector.shape_cast %get3A_1515 : vector<16xf32> to vector<16xf32>
          %add3A_1517 = arith.addf %add3A_1509, %get3A_1516 : vector<16xf32>
          %add3A_1518 = arith.constant 1920 : i32
          %add3A_1519 = arith.addi %mul3A_103, %add3A_1518 : i32
          %add3A_1520 = arith.constant 48 : i32
          %add3A_1521 = arith.addi %add3A_1519, %add3A_1520 : i32
          %get3A_1522 = arith.index_cast %add3A_1521 : i32 to index
          %get3A_1523 = tpu.vector_load %arg6[%get3A_1522] {strides = array<i32>} : memref<32768xf32, #tpu.memory_space<vmem>>, vector<16xf32>,
          %get3A_1524 = vector.shape_cast %get3A_1523 : vector<16xf32> to vector<16xf32>
          %add3A_1525 = arith.addf %add3A_1517, %get3A_1524 : vector<16xf32>
          %add3A_1526 = arith.constant 1920 : i32
          %add3A_1527 = arith.addi %mul3A_103, %add3A_1526 : i32
          %add3A_1528 = arith.constant 64 : i32
          %add3A_1529 = arith.addi %add3A_1527, %add3A_1528 : i32
          %get3A_1530 = arith.index_cast %add3A_1529 : i32 to index
          %get3A_1531 = tpu.vector_load %arg6[%get3A_1530] {strides = array<i32>} : memref<32768xf32, #tpu.memory_space<vmem>>, vector<16xf32>,
          %get3A_1532 = vector.shape_cast %get3A_1531 : vector<16xf32> to vector<16xf32>
          %add3A_1533 = arith.addf %add3A_1525, %get3A_1532 : vector<16xf32>
          %add3A_1534 = arith.constant 1920 : i32
          %add3A_1535 = arith.addi %mul3A_103, %add3A_1534 : i32
          %add3A_1536 = arith.constant 80 : i32
          %add3A_1537 = arith.addi %add3A_1535, %add3A_1536 : i32
          %get3A_1538 = arith.index_cast %add3A_1537 : i32 to index
          %get3A_1539 = tpu.vector_load %arg6[%get3A_1538] {strides = array<i32>} : memref<32768xf32, #tpu.memory_space<vmem>>, vector<16xf32>,
          %get3A_1540 = vector.shape_cast %get3A_1539 : vector<16xf32> to vector<16xf32>
          %add3A_1541 = arith.addf %add3A_1533, %get3A_1540 : vector<16xf32>
          %add3A_1542 = arith.constant 1920 : i32
          %add3A_1543 = arith.addi %mul3A_103, %add3A_1542 : i32
          %add3A_1544 = arith.constant 96 : i32
          %add3A_1545 = arith.addi %add3A_1543, %add3A_1544 : i32
          %get3A_1546 = arith.index_cast %add3A_1545 : i32 to index
          %get3A_1547 = tpu.vector_load %arg6[%get3A_1546] {strides = array<i32>} : memref<32768xf32, #tpu.memory_space<vmem>>, vector<16xf32>,
          %get3A_1548 = vector.shape_cast %get3A_1547 : vector<16xf32> to vector<16xf32>
          %add3A_1549 = arith.addf %add3A_1541, %get3A_1548 : vector<16xf32>
          %add3A_1550 = arith.constant 1920 : i32
          %add3A_1551 = arith.addi %mul3A_103, %add3A_1550 : i32
          %add3A_1552 = arith.constant 112 : i32
          %add3A_1553 = arith.addi %add3A_1551, %add3A_1552 : i32
          %get3A_1554 = arith.index_cast %add3A_1553 : i32 to index
          %get3A_1555 = tpu.vector_load %arg6[%get3A_1554] {strides = array<i32>} : memref<32768xf32, #tpu.memory_space<vmem>>, vector<16xf32>,
          %get3A_1556 = vector.shape_cast %get3A_1555 : vector<16xf32> to vector<16xf32>
          %add3A_1557 = arith.addf %add3A_1549, %get3A_1556 : vector<16xf32>
          %xor3A_1558 = arith.constant 8 : i32
          %xor3A_1559 = vector.broadcast %xor3A_1558 : i32 to vector<16xi32>
          %xor3A_1560 = arith.xori %iota3A, %xor3A_1559 : vector<16xi32>
          %broadcast_in_dim3A_1561 = vector.shape_cast %xor3A_1560 : vector<16xi32> to vector<16x1xi32>
          %gather3A_1562 = vector.shape_cast %broadcast_in_dim3A_1561 : vector<16x1xi32> to vector<16xi32>
          %gather3A_1563 = tpu.dynamic_gather %add3A_1557[%gather3A_1562] in [0] : vector<16xf32>, vector<16xi32> -> vector<16xf32>
          %add3A_1564 = arith.addf %add3A_1557, %gather3A_1563 : vector<16xf32>
          %xor3A_1565 = arith.constant 4 : i32
          %xor3A_1566 = vector.broadcast %xor3A_1565 : i32 to vector<16xi32>
          %xor3A_1567 = arith.xori %iota3A, %xor3A_1566 : vector<16xi32>
          %broadcast_in_dim3A_1568 = vector.shape_cast %xor3A_1567 : vector<16xi32> to vector<16x1xi32>
          %gather3A_1569 = vector.shape_cast %broadcast_in_dim3A_1568 : vector<16x1xi32> to vector<16xi32>
          %gather3A_1570 = tpu.dynamic_gather %add3A_1564[%gather3A_1569] in [0] : vector<16xf32>, vector<16xi32> -> vector<16xf32>
          %add3A_1571 = arith.addf %add3A_1564, %gather3A_1570 : vector<16xf32>
          %xor3A_1572 = arith.constant 2 : i32
          %xor3A_1573 = vector.broadcast %xor3A_1572 : i32 to vector<16xi32>
          %xor3A_1574 = arith.xori %iota3A, %xor3A_1573 : vector<16xi32>
          %broadcast_in_dim3A_1575 = vector.shape_cast %xor3A_1574 : vector<16xi32> to vector<16x1xi32>
          %gather3A_1576 = vector.shape_cast %broadcast_in_dim3A_1575 : vector<16x1xi32> to vector<16xi32>
          %gather3A_1577 = tpu.dynamic_gather %add3A_1571[%gather3A_1576] in [0] : vector<16xf32>, vector<16xi32> -> vector<16xf32>
          %add3A_1578 = arith.addf %add3A_1571, %gather3A_1577 : vector<16xf32>
          %xor3A_1579 = arith.constant 1 : i32
          %xor3A_1580 = vector.broadcast %xor3A_1579 : i32 to vector<16xi32>
          %xor3A_1581 = arith.xori %iota3A, %xor3A_1580 : vector<16xi32>
          %broadcast_in_dim3A_1582 = vector.shape_cast %xor3A_1581 : vector<16xi32> to vector<16x1xi32>
          %gather3A_1583 = vector.shape_cast %broadcast_in_dim3A_1582 : vector<16x1xi32> to vector<16xi32>
          %gather3A_1584 = tpu.dynamic_gather %add3A_1578[%gather3A_1583] in [0] : vector<16xf32>, vector<16xi32> -> vector<16xf32>
          %add3A_1585 = arith.addf %add3A_1578, %gather3A_1584 : vector<16xf32>
          %eq3A_1586 = arith.constant 15 : i32
          %eq3A_1587 = vector.broadcast %eq3A_1586 : i32 to vector<16xi32>
          %eq3A_1588 = arith.cmpi eq, %iota3A, %eq3A_1587 : vector<16xi32>
          %select_n3A_1589 = arith.select %eq3A_1588, %add3A_1585, %select_n3A_1496 : vector<16xi1>, vector<16xf32>
          %mul3A_1590 = arith.constant 7.812500e-03 : f32
          %mul3A_1591 = vector.broadcast %mul3A_1590 : f32 to vector<16xf32>
          %mul3A_1592 = arith.mulf %select_n3A_1589, %mul3A_1591 : vector<16xf32>
          %mul3A_1593 = arith.constant 16 : i32
          %mul3A_1594 = arith.muli %scan3A_98, %mul3A_1593 : i32
          %swap3A = arith.index_cast %mul3A_1594 : i32 to index
          %swap3A_1595 = tpu.vector_load %arg7[%swap3A] {strides = array<i32>} : memref<272xf32, #tpu.memory_space<vmem>>, vector<16xf32>,
          %swap3A_1596 = vector.shape_cast %swap3A_1595 : vector<16xf32> to vector<16xf32>
          %swap3A_1597 = vector.shape_cast %mul3A_1592 : vector<16xf32> to vector<16xf32>
          tpu.vector_store %arg7[%swap3A], %swap3A_1597 {strides = array<i32>} : memref<272xf32, #tpu.memory_space<vmem>>, vector<16xf32>,
          %scan3A_1598 = arith.constant 0 : i32
          scf.yield %scan3A_1598 : i32
        }
        %scan3A_85 = arith.constant 16 : i32
        %mul3A_86 = arith.constant 2 : i32
        %mul3A_87 = arith.muli %scan3A_32, %mul3A_86 : i32
        %add3A_88 = arith.constant 0 : i32
        %add3A_89 = arith.addi %mul3A_87, %add3A_88 : i32
        %mul3A_90 = arith.constant 128 : i32
        %mul3A_91 = arith.muli %add3A_89, %mul3A_90 : i32
        "tpu.region"() ({
          %run_scoped3A = tpu.sem_alloc : memref<!tpu.dma_semaphore, #tpu.memory_space<semaphore_mem>>
          %dma_start3A_98 = arith.constant 0 : i32
          %dma_start3A_99 = tpu.memref_slice %arg7[%dma_start3A_98] : memref<272xf32, #tpu.memory_space<vmem>> -> memref<128xf32, #tpu.memory_space<vmem>>
          %dma_start3A_100 = tpu.memref_slice %arg8[%mul3A_91] : memref<6400xi32, #tpu.memory_space<vmem>> -> memref<128xi32, #tpu.memory_space<vmem>>
          %dma_start3A_101 = arith.constant 0 : i32
          %dma_start3A_102 = tpu.memref_slice %arg9[%dma_start3A_101] : memref<10240xf32, #tpu.memory_space<vmem_shared>> -> memref<10240xf32, #tpu.memory_space<vmem_shared>>
          tpu.enqueue_indirect_dma source(%dma_start3A_99 : memref<128xf32, #tpu.memory_space<vmem>>) target(%dma_start3A_102 : memref<10240xf32, #tpu.memory_space<vmem_shared>>) offsets(%dma_start3A_100 : memref<128xi32, #tpu.memory_space<vmem>>) semaphore(%run_scoped3A : memref<!tpu.dma_semaphore, #tpu.memory_space<semaphore_mem>>) {add = true}
          %dma_wait3A_103 = arith.constant 0 : i32
          %dma_wait3A_104 = tpu.memref_slice %arg7[%dma_wait3A_103] : memref<272xf32, #tpu.memory_space<vmem>> -> memref<128xf32, #tpu.memory_space<vmem>>
          %dma_wait3A_105 = tpu.memref_slice %arg8[%mul3A_91] : memref<6400xi32, #tpu.memory_space<vmem>> -> memref<128xi32, #tpu.memory_space<vmem>>
          %dma_wait3A_106 = arith.constant 0 : i32
          %dma_wait3A_107 = tpu.memref_slice %arg9[%dma_wait3A_106] : memref<10240xf32, #tpu.memory_space<vmem_shared>> -> memref<10240xf32, #tpu.memory_space<vmem_shared>>
          tpu.wait_indirect_dma semaphore(%run_scoped3A : memref<!tpu.dma_semaphore, #tpu.memory_space<semaphore_mem>>) src(%dma_wait3A_104 : memref<128xf32, #tpu.memory_space<vmem>>) dst(%dma_wait3A_107 : memref<10240xf32, #tpu.memory_space<vmem_shared>>)
          tpu.yield
        }) : () -> ()
        %mul3A_92 = arith.constant 2 : i32
        %mul3A_93 = arith.muli %scan3A_32, %mul3A_92 : i32
        %add3A_94 = arith.constant 1 : i32
        %add3A_95 = arith.addi %mul3A_93, %add3A_94 : i32
        %mul3A_96 = arith.constant 128 : i32
        %mul3A_97 = arith.muli %add3A_95, %mul3A_96 : i32
        "tpu.region"() ({
          %run_scoped3A = tpu.sem_alloc : memref<!tpu.dma_semaphore, #tpu.memory_space<semaphore_mem>>
          %dma_start3A_98 = arith.constant 128 : i32
          %dma_start3A_99 = tpu.memref_slice %arg7[%dma_start3A_98] : memref<272xf32, #tpu.memory_space<vmem>> -> memref<128xf32, #tpu.memory_space<vmem>>
          %dma_start3A_100 = tpu.memref_slice %arg8[%mul3A_97] : memref<6400xi32, #tpu.memory_space<vmem>> -> memref<128xi32, #tpu.memory_space<vmem>>
          %dma_start3A_101 = arith.constant 0 : i32
          %dma_start3A_102 = tpu.memref_slice %arg9[%dma_start3A_101] : memref<10240xf32, #tpu.memory_space<vmem_shared>> -> memref<10240xf32, #tpu.memory_space<vmem_shared>>
          tpu.enqueue_indirect_dma source(%dma_start3A_99 : memref<128xf32, #tpu.memory_space<vmem>>) target(%dma_start3A_102 : memref<10240xf32, #tpu.memory_space<vmem_shared>>) offsets(%dma_start3A_100 : memref<128xi32, #tpu.memory_space<vmem>>) semaphore(%run_scoped3A : memref<!tpu.dma_semaphore, #tpu.memory_space<semaphore_mem>>) {add = true}
          %dma_wait3A_103 = arith.constant 128 : i32
          %dma_wait3A_104 = tpu.memref_slice %arg7[%dma_wait3A_103] : memref<272xf32, #tpu.memory_space<vmem>> -> memref<128xf32, #tpu.memory_space<vmem>>
          %dma_wait3A_105 = tpu.memref_slice %arg8[%mul3A_97] : memref<6400xi32, #tpu.memory_space<vmem>> -> memref<128xi32, #tpu.memory_space<vmem>>
          %dma_wait3A_106 = arith.constant 0 : i32
          %dma_wait3A_107 = tpu.memref_slice %arg9[%dma_wait3A_106] : memref<10240xf32, #tpu.memory_space<vmem_shared>> -> memref<10240xf32, #tpu.memory_space<vmem_shared>>
          tpu.wait_indirect_dma semaphore(%run_scoped3A : memref<!tpu.dma_semaphore, #tpu.memory_space<semaphore_mem>>) src(%dma_wait3A_104 : memref<128xf32, #tpu.memory_space<vmem>>) dst(%dma_wait3A_107 : memref<10240xf32, #tpu.memory_space<vmem_shared>>)
          tpu.yield
        }) : () -> ()
      } else {
      }
      %scan3A_67 = arith.constant 0 : i32
      scf.yield %scan3A_67 : i32
    }
    %scan3A_26 = arith.constant 25 : i32
    %barrier3A_27 = arith.constant 0 : index
    tpu.barrier barrier_id(%barrier3A_27)
    %mul3A_28 = arith.constant 640 : i32
    %mul3A_29 = arith.muli %arg1, %mul3A_28 : i32
    %mul3A_30 = arith.constant 640 : i32
    %mul3A_31 = arith.muli %arg1, %mul3A_30 : i32
    "tpu.region"() ({
      %run_scoped3A = tpu.sem_alloc : memref<!tpu.dma_semaphore, #tpu.memory_space<semaphore_mem>>
      %dma_start3A_32 = tpu.memref_slice %arg4[%arg0, %mul3A_31] : memref<2x10240xf32, #tpu.memory_space<hbm>> -> memref<1x640xf32, #tpu.memory_space<hbm>>
      %dma_start3A_33 = tpu.memref_squeeze %dma_start3A_32 : memref<1x640xf32, #tpu.memory_space<hbm>> -> memref<640xf32, #tpu.memory_space<hbm>>
      %dma_start3A_34 = tpu.memref_slice %arg9[%mul3A_29] : memref<10240xf32, #tpu.memory_space<vmem_shared>> -> memref<640xf32, #tpu.memory_space<vmem_shared>>
      tpu.enqueue_dma source(%dma_start3A_34 : memref<640xf32, #tpu.memory_space<vmem_shared>>) target(%dma_start3A_33 : memref<640xf32, #tpu.memory_space<hbm>>) target_semaphore(%run_scoped3A : memref<!tpu.dma_semaphore, #tpu.memory_space<semaphore_mem>>)
      %dma_wait3A = tpu.memref_slice %arg4[%arg0, %mul3A_31] : memref<2x10240xf32, #tpu.memory_space<hbm>> -> memref<1x640xf32, #tpu.memory_space<hbm>>
      %dma_wait3A_35 = tpu.memref_squeeze %dma_wait3A : memref<1x640xf32, #tpu.memory_space<hbm>> -> memref<640xf32, #tpu.memory_space<hbm>>
      %dma_wait3A_36 = tpu.memref_slice %arg9[%mul3A_29] : memref<10240xf32, #tpu.memory_space<vmem_shared>> -> memref<640xf32, #tpu.memory_space<vmem_shared>>
      tpu.wait_dma2 semaphore(%run_scoped3A : memref<!tpu.dma_semaphore, #tpu.memory_space<semaphore_mem>>) src(%dma_wait3A_36 : memref<640xf32, #tpu.memory_space<vmem_shared>>) dst(%dma_wait3A_35 : memref<640xf32, #tpu.memory_space<hbm>>)
      tpu.yield
    }) : () -> ()
    return
  }
}

#map = affine_map<(d0, d1) -> (0)>
#map1 = affine_map<(d0, d1) -> (0, 0)>
module attributes {stable_mosaic.version = 14 : i64} {
  func.func @_scfinal_body(%arg0: i32, %arg1: i32, %arg2: memref<115200xf32, #tpu.memory_space<hbm>>, %arg3: memref<320000xi32, #tpu.memory_space<hbm>>, %arg4: memref<2x10240xf32, #tpu.memory_space<hbm>>, %arg5: memref<10000xf32, #tpu.memory_space<hbm>>, %arg6: memref<2x10240xf32, #tpu.memory_space<hbm>>, %arg7: memref<3712xf32, #tpu.memory_space<vmem>>, %arg8: memref<3712xi32, #tpu.memory_space<vmem>>, %arg9: memref<10240xf32, #tpu.memory_space<vmem_shared>>, %arg10: memref<640xf32, #tpu.memory_space<vmem>>, %arg11: memref<640xf32, #tpu.memory_space<vmem>>, %arg12: memref<640xf32, #tpu.memory_space<vmem>>) attributes {dimension_semantics = [#tpu.dimension_semantics<core_parallel>, #tpu.dimension_semantics<subcore_parallel>], iteration_bounds = array<i64: 2, 16>, scalar_prefetch = 0 : i64, scratch_operands = 6 : i64, tpu.core_type = #tpu.core_type<sc_vector_subcore>, window_params = [{transform_indices = #map}, {transform_indices = #map}, {transform_indices = #map1}, {transform_indices = #map}, {transform_indices = #map1}]} {
    %mul3A = arith.constant 640 : i32
    %mul3A_0 = arith.muli %arg1, %mul3A : i32
    %mul3A_1 = arith.constant 640 : i32
    %mul3A_2 = arith.muli %arg1, %mul3A_1 : i32
    "tpu.region"() ({
      %run_scoped3A = tpu.sem_alloc : memref<!tpu.dma_semaphore, #tpu.memory_space<semaphore_mem>>
      %dma_start3A = tpu.memref_slice %arg9[%mul3A_2] : memref<10240xf32, #tpu.memory_space<vmem_shared>> -> memref<640xf32, #tpu.memory_space<vmem_shared>>
      %dma_start3A_47 = tpu.memref_slice %arg4[%arg0, %mul3A_0] : memref<2x10240xf32, #tpu.memory_space<hbm>> -> memref<1x640xf32, #tpu.memory_space<hbm>>
      %dma_start3A_48 = tpu.memref_squeeze %dma_start3A_47 : memref<1x640xf32, #tpu.memory_space<hbm>> -> memref<640xf32, #tpu.memory_space<hbm>>
      tpu.enqueue_dma source(%dma_start3A_48 : memref<640xf32, #tpu.memory_space<hbm>>) target(%dma_start3A : memref<640xf32, #tpu.memory_space<vmem_shared>>) target_semaphore(%run_scoped3A : memref<!tpu.dma_semaphore, #tpu.memory_space<semaphore_mem>>)
      %dma_wait3A = tpu.memref_slice %arg9[%mul3A_2] : memref<10240xf32, #tpu.memory_space<vmem_shared>> -> memref<640xf32, #tpu.memory_space<vmem_shared>>
      %dma_wait3A_49 = tpu.memref_slice %arg4[%arg0, %mul3A_0] : memref<2x10240xf32, #tpu.memory_space<hbm>> -> memref<1x640xf32, #tpu.memory_space<hbm>>
      %dma_wait3A_50 = tpu.memref_squeeze %dma_wait3A_49 : memref<1x640xf32, #tpu.memory_space<hbm>> -> memref<640xf32, #tpu.memory_space<hbm>>
      tpu.wait_dma2 semaphore(%run_scoped3A : memref<!tpu.dma_semaphore, #tpu.memory_space<semaphore_mem>>) src(%dma_wait3A_50 : memref<640xf32, #tpu.memory_space<hbm>>) dst(%dma_wait3A : memref<640xf32, #tpu.memory_space<vmem_shared>>)
      tpu.yield
    }) : () -> ()
    %barrier3A = arith.constant 0 : index
    tpu.barrier barrier_id(%barrier3A)
    %mul3A_3 = arith.constant 450 : i32
    %mul3A_4 = arith.muli %arg0, %mul3A_3 : i32
    %mul3A_5 = arith.constant 28 : i32
    %mul3A_6 = arith.muli %mul3A_5, %arg1 : i32
    %add3A = arith.addi %mul3A_4, %mul3A_6 : i32
    %min3A = arith.constant 2 : i32
    %min3A_7 = arith.minsi %arg1, %min3A : i32
    %add3A_8 = arith.addi %add3A, %min3A_7 : i32
    %lt3A = arith.constant 2 : i32
    %lt3A_9 = arith.cmpi slt, %arg1, %lt3A : i32
    %convert_element_type3A = arith.extui %lt3A_9 : i1 to i32
    %cond3A = arith.constant 0 : i32
    %cond3A_10 = arith.cmpi ne, %convert_element_type3A, %cond3A : i32
    scf.if %cond3A_10 {
      %mul3A_47 = arith.constant 128 : i32
      %mul3A_48 = arith.muli %add3A_8, %mul3A_47 : i32
      "tpu.region"() ({
        %run_scoped3A = tpu.sem_alloc : memref<!tpu.dma_semaphore, #tpu.memory_space<semaphore_mem>>
        %dma_start3A = arith.constant 0 : i32
        %dma_start3A_51 = tpu.memref_slice %arg7[%dma_start3A] : memref<3712xf32, #tpu.memory_space<vmem>> -> memref<3712xf32, #tpu.memory_space<vmem>>
        %dma_start3A_52 = tpu.memref_slice %arg2[%mul3A_48] : memref<115200xf32, #tpu.memory_space<hbm>> -> memref<3712xf32, #tpu.memory_space<hbm>>
        %dma_start3A_53 = arith.constant 0 : i32
        %dma_start3A_54 = tpu.memref_slice %arg7[%dma_start3A_53] : memref<3712xf32, #tpu.memory_space<vmem>> -> memref<3712xf32, #tpu.memory_space<vmem>>
        %dma_start3A_55 = tpu.memref_slice %arg2[%mul3A_48] : memref<115200xf32, #tpu.memory_space<hbm>> -> memref<3712xf32, #tpu.memory_space<hbm>>
        tpu.enqueue_dma source(%dma_start3A_55 : memref<3712xf32, #tpu.memory_space<hbm>>) target(%dma_start3A_54 : memref<3712xf32, #tpu.memory_space<vmem>>) target_semaphore(%run_scoped3A : memref<!tpu.dma_semaphore, #tpu.memory_space<semaphore_mem>>)
        %dma_wait3A = arith.constant 0 : i32
        %dma_wait3A_56 = tpu.memref_slice %arg7[%dma_wait3A] : memref<3712xf32, #tpu.memory_space<vmem>> -> memref<3712xf32, #tpu.memory_space<vmem>>
        %dma_wait3A_57 = tpu.memref_slice %arg2[%mul3A_48] : memref<115200xf32, #tpu.memory_space<hbm>> -> memref<3712xf32, #tpu.memory_space<hbm>>
        %dma_wait3A_58 = arith.constant 0 : i32
        %dma_wait3A_59 = tpu.memref_slice %arg7[%dma_wait3A_58] : memref<3712xf32, #tpu.memory_space<vmem>> -> memref<3712xf32, #tpu.memory_space<vmem>>
        %dma_wait3A_60 = tpu.memref_slice %arg2[%mul3A_48] : memref<115200xf32, #tpu.memory_space<hbm>> -> memref<3712xf32, #tpu.memory_space<hbm>>
        tpu.wait_dma2 semaphore(%run_scoped3A : memref<!tpu.dma_semaphore, #tpu.memory_space<semaphore_mem>>) src(%dma_wait3A_60 : memref<3712xf32, #tpu.memory_space<hbm>>) dst(%dma_wait3A_59 : memref<3712xf32, #tpu.memory_space<vmem>>)
        tpu.yield
      }) : () -> ()
      %mul3A_49 = arith.constant 128 : i32
      %mul3A_50 = arith.muli %add3A_8, %mul3A_49 : i32
      "tpu.region"() ({
        %run_scoped3A = tpu.sem_alloc : memref<!tpu.dma_semaphore, #tpu.memory_space<semaphore_mem>>
        %dma_start3A = arith.constant 0 : i32
        %dma_start3A_51 = tpu.memref_slice %arg8[%dma_start3A] : memref<3712xi32, #tpu.memory_space<vmem>> -> memref<3712xi32, #tpu.memory_space<vmem>>
        %dma_start3A_52 = tpu.memref_slice %arg3[%mul3A_50] : memref<320000xi32, #tpu.memory_space<hbm>> -> memref<3712xi32, #tpu.memory_space<hbm>>
        %dma_start3A_53 = arith.constant 0 : i32
        %dma_start3A_54 = tpu.memref_slice %arg8[%dma_start3A_53] : memref<3712xi32, #tpu.memory_space<vmem>> -> memref<3712xi32, #tpu.memory_space<vmem>>
        %dma_start3A_55 = tpu.memref_slice %arg3[%mul3A_50] : memref<320000xi32, #tpu.memory_space<hbm>> -> memref<3712xi32, #tpu.memory_space<hbm>>
        tpu.enqueue_dma source(%dma_start3A_55 : memref<3712xi32, #tpu.memory_space<hbm>>) target(%dma_start3A_54 : memref<3712xi32, #tpu.memory_space<vmem>>) target_semaphore(%run_scoped3A : memref<!tpu.dma_semaphore, #tpu.memory_space<semaphore_mem>>)
        %dma_wait3A = arith.constant 0 : i32
        %dma_wait3A_56 = tpu.memref_slice %arg8[%dma_wait3A] : memref<3712xi32, #tpu.memory_space<vmem>> -> memref<3712xi32, #tpu.memory_space<vmem>>
        %dma_wait3A_57 = tpu.memref_slice %arg3[%mul3A_50] : memref<320000xi32, #tpu.memory_space<hbm>> -> memref<3712xi32, #tpu.memory_space<hbm>>
        %dma_wait3A_58 = arith.constant 0 : i32
        %dma_wait3A_59 = tpu.memref_slice %arg8[%dma_wait3A_58] : memref<3712xi32, #tpu.memory_space<vmem>> -> memref<3712xi32, #tpu.memory_space<vmem>>
        %dma_wait3A_60 = tpu.memref_slice %arg3[%mul3A_50] : memref<320000xi32, #tpu.memory_space<hbm>> -> memref<3712xi32, #tpu.memory_space<hbm>>
        tpu.wait_dma2 semaphore(%run_scoped3A : memref<!tpu.dma_semaphore, #tpu.memory_space<semaphore_mem>>) src(%dma_wait3A_60 : memref<3712xi32, #tpu.memory_space<hbm>>) dst(%dma_wait3A_59 : memref<3712xi32, #tpu.memory_space<vmem>>)
        tpu.yield
      }) : () -> ()
    } else {
    }
    %ge3A = arith.constant 2 : i32
    %ge3A_11 = arith.cmpi sge, %arg1, %ge3A : i32
    %convert_element_type3A_12 = arith.extui %ge3A_11 : i1 to i32
    %cond3A_13 = arith.constant 0 : i32
    %cond3A_14 = arith.cmpi ne, %convert_element_type3A_12, %cond3A_13 : i32
    scf.if %cond3A_14 {
      %mul3A_47 = arith.constant 128 : i32
      %mul3A_48 = arith.muli %add3A_8, %mul3A_47 : i32
      "tpu.region"() ({
        %run_scoped3A = tpu.sem_alloc : memref<!tpu.dma_semaphore, #tpu.memory_space<semaphore_mem>>
        %dma_start3A = arith.constant 0 : i32
        %dma_start3A_51 = tpu.memref_slice %arg7[%dma_start3A] : memref<3712xf32, #tpu.memory_space<vmem>> -> memref<3584xf32, #tpu.memory_space<vmem>>
        %dma_start3A_52 = tpu.memref_slice %arg2[%mul3A_48] : memref<115200xf32, #tpu.memory_space<hbm>> -> memref<3584xf32, #tpu.memory_space<hbm>>
        %dma_start3A_53 = arith.constant 0 : i32
        %dma_start3A_54 = tpu.memref_slice %arg7[%dma_start3A_53] : memref<3712xf32, #tpu.memory_space<vmem>> -> memref<3584xf32, #tpu.memory_space<vmem>>
        %dma_start3A_55 = tpu.memref_slice %arg2[%mul3A_48] : memref<115200xf32, #tpu.memory_space<hbm>> -> memref<3584xf32, #tpu.memory_space<hbm>>
        tpu.enqueue_dma source(%dma_start3A_55 : memref<3584xf32, #tpu.memory_space<hbm>>) target(%dma_start3A_54 : memref<3584xf32, #tpu.memory_space<vmem>>) target_semaphore(%run_scoped3A : memref<!tpu.dma_semaphore, #tpu.memory_space<semaphore_mem>>)
        %dma_wait3A = arith.constant 0 : i32
        %dma_wait3A_56 = tpu.memref_slice %arg7[%dma_wait3A] : memref<3712xf32, #tpu.memory_space<vmem>> -> memref<3584xf32, #tpu.memory_space<vmem>>
        %dma_wait3A_57 = tpu.memref_slice %arg2[%mul3A_48] : memref<115200xf32, #tpu.memory_space<hbm>> -> memref<3584xf32, #tpu.memory_space<hbm>>
        %dma_wait3A_58 = arith.constant 0 : i32
        %dma_wait3A_59 = tpu.memref_slice %arg7[%dma_wait3A_58] : memref<3712xf32, #tpu.memory_space<vmem>> -> memref<3584xf32, #tpu.memory_space<vmem>>
        %dma_wait3A_60 = tpu.memref_slice %arg2[%mul3A_48] : memref<115200xf32, #tpu.memory_space<hbm>> -> memref<3584xf32, #tpu.memory_space<hbm>>
        tpu.wait_dma2 semaphore(%run_scoped3A : memref<!tpu.dma_semaphore, #tpu.memory_space<semaphore_mem>>) src(%dma_wait3A_60 : memref<3584xf32, #tpu.memory_space<hbm>>) dst(%dma_wait3A_59 : memref<3584xf32, #tpu.memory_space<vmem>>)
        tpu.yield
      }) : () -> ()
      %mul3A_49 = arith.constant 128 : i32
      %mul3A_50 = arith.muli %add3A_8, %mul3A_49 : i32
      "tpu.region"() ({
        %run_scoped3A = tpu.sem_alloc : memref<!tpu.dma_semaphore, #tpu.memory_space<semaphore_mem>>
        %dma_start3A = arith.constant 0 : i32
        %dma_start3A_51 = tpu.memref_slice %arg8[%dma_start3A] : memref<3712xi32, #tpu.memory_space<vmem>> -> memref<3584xi32, #tpu.memory_space<vmem>>
        %dma_start3A_52 = tpu.memref_slice %arg3[%mul3A_50] : memref<320000xi32, #tpu.memory_space<hbm>> -> memref<3584xi32, #tpu.memory_space<hbm>>
        %dma_start3A_53 = arith.constant 0 : i32
        %dma_start3A_54 = tpu.memref_slice %arg8[%dma_start3A_53] : memref<3712xi32, #tpu.memory_space<vmem>> -> memref<3584xi32, #tpu.memory_space<vmem>>
        %dma_start3A_55 = tpu.memref_slice %arg3[%mul3A_50] : memref<320000xi32, #tpu.memory_space<hbm>> -> memref<3584xi32, #tpu.memory_space<hbm>>
        tpu.enqueue_dma source(%dma_start3A_55 : memref<3584xi32, #tpu.memory_space<hbm>>) target(%dma_start3A_54 : memref<3584xi32, #tpu.memory_space<vmem>>) target_semaphore(%run_scoped3A : memref<!tpu.dma_semaphore, #tpu.memory_space<semaphore_mem>>)
        %dma_wait3A = arith.constant 0 : i32
        %dma_wait3A_56 = tpu.memref_slice %arg8[%dma_wait3A] : memref<3712xi32, #tpu.memory_space<vmem>> -> memref<3584xi32, #tpu.memory_space<vmem>>
        %dma_wait3A_57 = tpu.memref_slice %arg3[%mul3A_50] : memref<320000xi32, #tpu.memory_space<hbm>> -> memref<3584xi32, #tpu.memory_space<hbm>>
        %dma_wait3A_58 = arith.constant 0 : i32
        %dma_wait3A_59 = tpu.memref_slice %arg8[%dma_wait3A_58] : memref<3712xi32, #tpu.memory_space<vmem>> -> memref<3584xi32, #tpu.memory_space<vmem>>
        %dma_wait3A_60 = tpu.memref_slice %arg3[%mul3A_50] : memref<320000xi32, #tpu.memory_space<hbm>> -> memref<3584xi32, #tpu.memory_space<hbm>>
        tpu.wait_dma2 semaphore(%run_scoped3A : memref<!tpu.dma_semaphore, #tpu.memory_space<semaphore_mem>>) src(%dma_wait3A_60 : memref<3584xi32, #tpu.memory_space<hbm>>) dst(%dma_wait3A_59 : memref<3584xi32, #tpu.memory_space<vmem>>)
        tpu.yield
      }) : () -> ()
    } else {
    }
    %lt3A_15 = arith.constant 2 : i32
    %lt3A_16 = arith.cmpi slt, %arg1, %lt3A_15 : i32
    %jit3A = arith.constant 29 : i32
    %jit3A_17 = arith.constant 28 : i32
    %select_n3A = arith.select %lt3A_16, %jit3A, %jit3A_17 : i32
    %while3A = arith.constant 0 : i32
    %while3A_18 = arith.constant 0 : i32
    %while3A_19 = arith.subi %select_n3A, %while3A : i32
    %while3A_20 = arith.addi %while3A, %while3A_19 : i32
    %while3A_21 = arith.constant 1 : i32
    %while3A_22 = arith.divsi %while3A_19, %while3A_21 : i32
    %while3A_23 = arith.muli %while3A_22, %while3A_21 : i32
    %while3A_24 = arith.addi %while3A, %while3A_23 : i32
    %while3A_25 = arith.constant 1 : i32
    %while3A_26 = scf.for %while3A_47 = %while3A to %while3A_24 step %while3A_25 iter_args(%while3A_48 = %while3A_18) -> (i32)  : i32 {
      %mul3A_49 = arith.constant 128 : i32
      %mul3A_50 = arith.muli %while3A_47, %mul3A_49 : i32
      %mul3A_51 = arith.constant 128 : i32
      %mul3A_52 = arith.muli %while3A_47, %mul3A_51 : i32
      "tpu.region"() ({
        %run_scoped3A = tpu.sem_alloc : memref<!tpu.dma_semaphore, #tpu.memory_space<semaphore_mem>>
        %dma_start3A = tpu.memref_slice %arg7[%mul3A_50] : memref<3712xf32, #tpu.memory_space<vmem>> -> memref<128xf32, #tpu.memory_space<vmem>>
        %dma_start3A_54 = tpu.memref_slice %arg8[%mul3A_52] : memref<3712xi32, #tpu.memory_space<vmem>> -> memref<128xi32, #tpu.memory_space<vmem>>
        %dma_start3A_55 = arith.constant 0 : i32
        %dma_start3A_56 = tpu.memref_slice %arg9[%dma_start3A_55] : memref<10240xf32, #tpu.memory_space<vmem_shared>> -> memref<10240xf32, #tpu.memory_space<vmem_shared>>
        tpu.enqueue_indirect_dma source(%dma_start3A : memref<128xf32, #tpu.memory_space<vmem>>) target(%dma_start3A_56 : memref<10240xf32, #tpu.memory_space<vmem_shared>>) offsets(%dma_start3A_54 : memref<128xi32, #tpu.memory_space<vmem>>) semaphore(%run_scoped3A : memref<!tpu.dma_semaphore, #tpu.memory_space<semaphore_mem>>) {add = true}
        %dma_wait3A = tpu.memref_slice %arg7[%mul3A_50] : memref<3712xf32, #tpu.memory_space<vmem>> -> memref<128xf32, #tpu.memory_space<vmem>>
        %dma_wait3A_57 = tpu.memref_slice %arg8[%mul3A_52] : memref<3712xi32, #tpu.memory_space<vmem>> -> memref<128xi32, #tpu.memory_space<vmem>>
        %dma_wait3A_58 = arith.constant 0 : i32
        %dma_wait3A_59 = tpu.memref_slice %arg9[%dma_wait3A_58] : memref<10240xf32, #tpu.memory_space<vmem_shared>> -> memref<10240xf32, #tpu.memory_space<vmem_shared>>
        tpu.wait_indirect_dma semaphore(%run_scoped3A : memref<!tpu.dma_semaphore, #tpu.memory_space<semaphore_mem>>) src(%dma_wait3A : memref<128xf32, #tpu.memory_space<vmem>>) dst(%dma_wait3A_59 : memref<10240xf32, #tpu.memory_space<vmem_shared>>)
        tpu.yield
      }) : () -> ()
      %while3A_53 = arith.constant 0 : i32
      scf.yield %while3A_53 : i32
    }
    %while3A_27 = arith.constant 1 : i32
    %while3A_28 = scf.for %while3A_47 = %while3A_24 to %while3A_20 step %while3A_27 iter_args(%while3A_48 = %while3A_26) -> (i32)  : i32 {
      %mul3A_49 = arith.constant 128 : i32
      %mul3A_50 = arith.muli %while3A_47, %mul3A_49 : i32
      %mul3A_51 = arith.constant 128 : i32
      %mul3A_52 = arith.muli %while3A_47, %mul3A_51 : i32
      "tpu.region"() ({
        %run_scoped3A = tpu.sem_alloc : memref<!tpu.dma_semaphore, #tpu.memory_space<semaphore_mem>>
        %dma_start3A = tpu.memref_slice %arg7[%mul3A_50] : memref<3712xf32, #tpu.memory_space<vmem>> -> memref<128xf32, #tpu.memory_space<vmem>>
        %dma_start3A_54 = tpu.memref_slice %arg8[%mul3A_52] : memref<3712xi32, #tpu.memory_space<vmem>> -> memref<128xi32, #tpu.memory_space<vmem>>
        %dma_start3A_55 = arith.constant 0 : i32
        %dma_start3A_56 = tpu.memref_slice %arg9[%dma_start3A_55] : memref<10240xf32, #tpu.memory_space<vmem_shared>> -> memref<10240xf32, #tpu.memory_space<vmem_shared>>
        tpu.enqueue_indirect_dma source(%dma_start3A : memref<128xf32, #tpu.memory_space<vmem>>) target(%dma_start3A_56 : memref<10240xf32, #tpu.memory_space<vmem_shared>>) offsets(%dma_start3A_54 : memref<128xi32, #tpu.memory_space<vmem>>) semaphore(%run_scoped3A : memref<!tpu.dma_semaphore, #tpu.memory_space<semaphore_mem>>) {add = true}
        %dma_wait3A = tpu.memref_slice %arg7[%mul3A_50] : memref<3712xf32, #tpu.memory_space<vmem>> -> memref<128xf32, #tpu.memory_space<vmem>>
        %dma_wait3A_57 = tpu.memref_slice %arg8[%mul3A_52] : memref<3712xi32, #tpu.memory_space<vmem>> -> memref<128xi32, #tpu.memory_space<vmem>>
        %dma_wait3A_58 = arith.constant 0 : i32
        %dma_wait3A_59 = tpu.memref_slice %arg9[%dma_wait3A_58] : memref<10240xf32, #tpu.memory_space<vmem_shared>> -> memref<10240xf32, #tpu.memory_space<vmem_shared>>
        tpu.wait_indirect_dma semaphore(%run_scoped3A : memref<!tpu.dma_semaphore, #tpu.memory_space<semaphore_mem>>) src(%dma_wait3A : memref<128xf32, #tpu.memory_space<vmem>>) dst(%dma_wait3A_59 : memref<10240xf32, #tpu.memory_space<vmem_shared>>)
        tpu.yield
      }) : () -> ()
      %while3A_53 = arith.constant 0 : i32
      scf.yield %while3A_53 : i32
    }
    %barrier3A_29 = arith.constant 0 : index
    tpu.barrier barrier_id(%barrier3A_29)
    %mul3A_30 = arith.constant 640 : i32
    %mul3A_31 = arith.muli %arg1, %mul3A_30 : i32
    "tpu.region"() ({
      %run_scoped3A = tpu.sem_alloc : memref<!tpu.dma_semaphore, #tpu.memory_space<semaphore_mem>>
      %dma_start3A = tpu.memref_slice %arg9[%mul3A_31] : memref<10240xf32, #tpu.memory_space<vmem_shared>> -> memref<640xf32, #tpu.memory_space<vmem_shared>>
      %dma_start3A_47 = tpu.memref_slice %arg9[%mul3A_31] : memref<10240xf32, #tpu.memory_space<vmem_shared>> -> memref<640xf32, #tpu.memory_space<vmem_shared>>
      tpu.enqueue_dma source(%dma_start3A_47 : memref<640xf32, #tpu.memory_space<vmem_shared>>) target(%arg10 : memref<640xf32, #tpu.memory_space<vmem>>) target_semaphore(%run_scoped3A : memref<!tpu.dma_semaphore, #tpu.memory_space<semaphore_mem>>)
      %dma_wait3A = tpu.memref_slice %arg9[%mul3A_31] : memref<10240xf32, #tpu.memory_space<vmem_shared>> -> memref<640xf32, #tpu.memory_space<vmem_shared>>
      %dma_wait3A_48 = tpu.memref_slice %arg9[%mul3A_31] : memref<10240xf32, #tpu.memory_space<vmem_shared>> -> memref<640xf32, #tpu.memory_space<vmem_shared>>
      tpu.wait_dma2 semaphore(%run_scoped3A : memref<!tpu.dma_semaphore, #tpu.memory_space<semaphore_mem>>) src(%dma_wait3A_48 : memref<640xf32, #tpu.memory_space<vmem_shared>>) dst(%arg10 : memref<640xf32, #tpu.memory_space<vmem>>)
      tpu.yield
    }) : () -> ()
    %lt3A_32 = arith.constant 15 : i32
    %lt3A_33 = arith.cmpi slt, %arg1, %lt3A_32 : i32
    %convert_element_type3A_34 = arith.extui %lt3A_33 : i1 to i32
    %cond3A_35 = arith.constant 0 : i32
    %cond3A_36 = arith.cmpi ne, %convert_element_type3A_34, %cond3A_35 : i32
    scf.if %cond3A_36 {
      "tpu.region"() ({
        %run_scoped3A = tpu.sem_alloc : memref<!tpu.dma_semaphore, #tpu.memory_space<semaphore_mem>>
        %dma_start3A = tpu.memref_slice %arg5[%mul3A_31] : memref<10000xf32, #tpu.memory_space<hbm>> -> memref<640xf32, #tpu.memory_space<hbm>>
        %dma_start3A_47 = tpu.memref_slice %arg5[%mul3A_31] : memref<10000xf32, #tpu.memory_space<hbm>> -> memref<640xf32, #tpu.memory_space<hbm>>
        tpu.enqueue_dma source(%dma_start3A_47 : memref<640xf32, #tpu.memory_space<hbm>>) target(%arg11 : memref<640xf32, #tpu.memory_space<vmem>>) target_semaphore(%run_scoped3A : memref<!tpu.dma_semaphore, #tpu.memory_space<semaphore_mem>>)
        %dma_wait3A = tpu.memref_slice %arg5[%mul3A_31] : memref<10000xf32, #tpu.memory_space<hbm>> -> memref<640xf32, #tpu.memory_space<hbm>>
        %dma_wait3A_48 = tpu.memref_slice %arg5[%mul3A_31] : memref<10000xf32, #tpu.memory_space<hbm>> -> memref<640xf32, #tpu.memory_space<hbm>>
        tpu.wait_dma2 semaphore(%run_scoped3A : memref<!tpu.dma_semaphore, #tpu.memory_space<semaphore_mem>>) src(%dma_wait3A_48 : memref<640xf32, #tpu.memory_space<hbm>>) dst(%arg11 : memref<640xf32, #tpu.memory_space<vmem>>)
        tpu.yield
      }) : () -> ()
    } else {
    }
    %eq3A = arith.constant 15 : i32
    %eq3A_37 = arith.cmpi eq, %arg1, %eq3A : i32
    %convert_element_type3A_38 = arith.extui %eq3A_37 : i1 to i32
    %cond3A_39 = arith.constant 0 : i32
    %cond3A_40 = arith.cmpi ne, %convert_element_type3A_38, %cond3A_39 : i32
    scf.if %cond3A_40 {
      "tpu.region"() ({
        %run_scoped3A = tpu.sem_alloc : memref<!tpu.dma_semaphore, #tpu.memory_space<semaphore_mem>>
        %dma_start3A = arith.constant 0 : i32
        %dma_start3A_47 = tpu.memref_slice %arg11[%dma_start3A] : memref<640xf32, #tpu.memory_space<vmem>> -> memref<400xf32, #tpu.memory_space<vmem>>
        %dma_start3A_48 = arith.constant 9600 : i32
        %dma_start3A_49 = tpu.memref_slice %arg5[%dma_start3A_48] : memref<10000xf32, #tpu.memory_space<hbm>> -> memref<400xf32, #tpu.memory_space<hbm>>
        %dma_start3A_50 = arith.constant 0 : i32
        %dma_start3A_51 = tpu.memref_slice %arg11[%dma_start3A_50] : memref<640xf32, #tpu.memory_space<vmem>> -> memref<400xf32, #tpu.memory_space<vmem>>
        %dma_start3A_52 = arith.constant 9600 : i32
        %dma_start3A_53 = tpu.memref_slice %arg5[%dma_start3A_52] : memref<10000xf32, #tpu.memory_space<hbm>> -> memref<400xf32, #tpu.memory_space<hbm>>
        tpu.enqueue_dma source(%dma_start3A_53 : memref<400xf32, #tpu.memory_space<hbm>>) target(%dma_start3A_51 : memref<400xf32, #tpu.memory_space<vmem>>) target_semaphore(%run_scoped3A : memref<!tpu.dma_semaphore, #tpu.memory_space<semaphore_mem>>)
        %dma_wait3A = arith.constant 0 : i32
        %dma_wait3A_54 = tpu.memref_slice %arg11[%dma_wait3A] : memref<640xf32, #tpu.memory_space<vmem>> -> memref<400xf32, #tpu.memory_space<vmem>>
        %dma_wait3A_55 = arith.constant 9600 : i32
        %dma_wait3A_56 = tpu.memref_slice %arg5[%dma_wait3A_55] : memref<10000xf32, #tpu.memory_space<hbm>> -> memref<400xf32, #tpu.memory_space<hbm>>
        %dma_wait3A_57 = arith.constant 0 : i32
        %dma_wait3A_58 = tpu.memref_slice %arg11[%dma_wait3A_57] : memref<640xf32, #tpu.memory_space<vmem>> -> memref<400xf32, #tpu.memory_space<vmem>>
        %dma_wait3A_59 = arith.constant 9600 : i32
        %dma_wait3A_60 = tpu.memref_slice %arg5[%dma_wait3A_59] : memref<10000xf32, #tpu.memory_space<hbm>> -> memref<400xf32, #tpu.memory_space<hbm>>
        tpu.wait_dma2 semaphore(%run_scoped3A : memref<!tpu.dma_semaphore, #tpu.memory_space<semaphore_mem>>) src(%dma_wait3A_60 : memref<400xf32, #tpu.memory_space<hbm>>) dst(%dma_wait3A_58 : memref<400xf32, #tpu.memory_space<vmem>>)
        tpu.yield
      }) : () -> ()
    } else {
    }
    %scan3A = arith.constant 0 : i32
    %scan3A_41 = arith.constant 0 : i32
    %scan3A_42 = arith.constant 40 : i32
    %scan3A_43 = arith.addi %scan3A_41, %scan3A_42 : i32
    %scan3A_44 = arith.constant 1 : i32
    %scan3A_45 = scf.for %scan3A_47 = %scan3A_41 to %scan3A_43 step %scan3A_44 iter_args(%scan3A_48 = %scan3A) -> (i32)  : i32 {
      %mul3A_49 = arith.constant 16 : i32
      %mul3A_50 = arith.muli %scan3A_47, %mul3A_49 : i32
      %get3A = arith.index_cast %mul3A_50 : i32 to index
      %get3A_51 = tpu.vector_load %arg10[%get3A] {strides = array<i32>} : memref<640xf32, #tpu.memory_space<vmem>>, vector<16xf32>,
      %get3A_52 = vector.shape_cast %get3A_51 : vector<16xf32> to vector<16xf32>
      %get3A_53 = arith.index_cast %mul3A_50 : i32 to index
      %get3A_54 = tpu.vector_load %arg11[%get3A_53] {strides = array<i32>} : memref<640xf32, #tpu.memory_space<vmem>>, vector<16xf32>,
      %get3A_55 = vector.shape_cast %get3A_54 : vector<16xf32> to vector<16xf32>
      %div3A = arith.divf %get3A_52, %get3A_55 : vector<16xf32>
      %swap3A = arith.index_cast %mul3A_50 : i32 to index
      %swap3A_56 = tpu.vector_load %arg12[%swap3A] {strides = array<i32>} : memref<640xf32, #tpu.memory_space<vmem>>, vector<16xf32>,
      %swap3A_57 = vector.shape_cast %swap3A_56 : vector<16xf32> to vector<16xf32>
      %swap3A_58 = vector.shape_cast %div3A : vector<16xf32> to vector<16xf32>
      tpu.vector_store %arg12[%swap3A], %swap3A_58 {strides = array<i32>} : memref<640xf32, #tpu.memory_space<vmem>>, vector<16xf32>,
      %scan3A_59 = arith.constant 0 : i32
      scf.yield %scan3A_59 : i32
    }
    %scan3A_46 = arith.constant 40 : i32
    "tpu.region"() ({
      %run_scoped3A = tpu.sem_alloc : memref<!tpu.dma_semaphore, #tpu.memory_space<semaphore_mem>>
      %dma_start3A = tpu.memref_slice %arg6[%arg0, %mul3A_31] : memref<2x10240xf32, #tpu.memory_space<hbm>> -> memref<1x640xf32, #tpu.memory_space<hbm>>
      %dma_start3A_47 = tpu.memref_squeeze %dma_start3A : memref<1x640xf32, #tpu.memory_space<hbm>> -> memref<640xf32, #tpu.memory_space<hbm>>
      %dma_start3A_48 = tpu.memref_slice %arg6[%arg0, %mul3A_31] : memref<2x10240xf32, #tpu.memory_space<hbm>> -> memref<1x640xf32, #tpu.memory_space<hbm>>
      %dma_start3A_49 = tpu.memref_squeeze %dma_start3A_48 : memref<1x640xf32, #tpu.memory_space<hbm>> -> memref<640xf32, #tpu.memory_space<hbm>>
      tpu.enqueue_dma source(%arg12 : memref<640xf32, #tpu.memory_space<vmem>>) target(%dma_start3A_49 : memref<640xf32, #tpu.memory_space<hbm>>) target_semaphore(%run_scoped3A : memref<!tpu.dma_semaphore, #tpu.memory_space<semaphore_mem>>)
      %dma_wait3A = tpu.memref_slice %arg6[%arg0, %mul3A_31] : memref<2x10240xf32, #tpu.memory_space<hbm>> -> memref<1x640xf32, #tpu.memory_space<hbm>>
      %dma_wait3A_50 = tpu.memref_squeeze %dma_wait3A : memref<1x640xf32, #tpu.memory_space<hbm>> -> memref<640xf32, #tpu.memory_space<hbm>>
      %dma_wait3A_51 = tpu.memref_slice %arg6[%arg0, %mul3A_31] : memref<2x10240xf32, #tpu.memory_space<hbm>> -> memref<1x640xf32, #tpu.memory_space<hbm>>
      %dma_wait3A_52 = tpu.memref_squeeze %dma_wait3A_51 : memref<1x640xf32, #tpu.memory_space<hbm>> -> memref<640xf32, #tpu.memory_space<hbm>>
      tpu.wait_dma2 semaphore(%run_scoped3A : memref<!tpu.dma_semaphore, #tpu.memory_space<semaphore_mem>>) src(%arg12 : memref<640xf32, #tpu.memory_space<vmem>>) dst(%dma_wait3A_52 : memref<640xf32, #tpu.memory_space<hbm>>)
      tpu.yield
    }) : () -> ()
    return
  }
}

module attributes {stable_mosaic.version = 14 : i64} {
  func.func @_rowmean_body(%arg0: i32, %arg1: memref<2560x128xf32, #tpu.memory_space<vmem>>, %arg2: memref<1x1x2560xf32, #tpu.memory_space<vmem>>) attributes {dimension_semantics = [#tpu.dimension_semantics<arbitrary>], iteration_bounds = array<i64: 45>, scalar_prefetch = 0 : i64, scratch_operands = 0 : i64, tpu.core_type = #tpu.core_type<tc>, window_params = [{transform_indices = @transform_0, window_bounds = array<i64: 2560, 128>}, {transform_indices = @transform_1, window_bounds = array<i64: 1, 1, 2560>}]} {
    %broadcast_in_dim3A = arith.constant 7.812500e-03 : f32
    %broadcast_in_dim3A_0 = vector.broadcast %broadcast_in_dim3A : f32 to vector<8x128xf32>
    %get3A = arith.constant 0 : index
    %get3A_1 = arith.constant 0 : index
    %get3A_2 = vector.load %arg1[%get3A, %get3A_1] : memref<2560x128xf32, #tpu.memory_space<vmem>>, vector<2560x128xf32>
    %dot_general3A = arith.constant dense<0.000000e+00> : vector<8x2560xf32>
    %dot_general3A_3 = tpu.matmul %broadcast_in_dim3A_0, %get3A_2, %dot_general3A {dimension_numbers = #tpu.dot_dimension_numbers<[1], [1], [0], [0], [0, 0, 1, 0], [], []>, transpose_lhs_hint = false} : vector<8x128xf32>, vector<2560x128xf32>, vector<8x2560xf32> -> vector<8x2560xf32>
    %slice3A = vector.extract_strided_slice %dot_general3A_3 {offsets = [0, 0], sizes = [1, 2560], strides = [1, 1]} : vector<8x2560xf32> to vector<1x2560xf32>
    %squeeze3A = vector.shape_cast %slice3A : vector<1x2560xf32> to vector<2560xf32>
    %swap3A = arith.constant 0 : index
    %swap3A_4 = arith.constant 0 : index
    %swap3A_5 = arith.constant 0 : index
    %swap3A_6 = vector.load %arg2[%swap3A, %swap3A_4, %swap3A_5] : memref<1x1x2560xf32, #tpu.memory_space<vmem>>, vector<1x1x2560xf32>
    %swap3A_7 = vector.shape_cast %swap3A_6 : vector<1x1x2560xf32> to vector<2560xf32>
    %swap3A_8 = vector.shape_cast %squeeze3A : vector<2560xf32> to vector<1x1x2560xf32>
    tpu.vector_store %arg2[%swap3A, %swap3A_4, %swap3A_5], %swap3A_8 {strides = array<i32>} : memref<1x1x2560xf32, #tpu.memory_space<vmem>>, vector<1x1x2560xf32>,
    return
  }
  func.func @transform_0(%arg0: i32) -> (i32, i32) {
    %c0_i32 = arith.constant 0 : i32
    %c0_i32_0 = arith.constant 0 : i32
    return %arg0, %c0_i32 : i32, i32
  }
  func.func @transform_1(%arg0: i32) -> (i32, i32, i32) {
    %c0_i32 = arith.constant 0 : i32
    %c0_i32_0 = arith.constant 0 : i32
    %c0_i32_1 = arith.constant 0 : i32
    return %arg0, %c0_i32, %c0_i32_0 : i32, i32, i32
  }
}

</mosaic_0001>

<sc_bundles>
// kernel: kernel.5.cloned.1.call-start
scs
__scs_entry_jumppad:
0x0: {  	(pc) =	sbr.rel $0x88, $3  }
0x1: {  	(tag) =	ssettag $0x0;
	lr =	simm.s32 $0x1  }
0x2: {  	[smem:$0x3F9E] =	sst lr;
	_ =	strace $0xD0000000  }
0x3: {  	_ = 	snop  }
0x4: {  	_ = 	snop  }
0x5: {  	_ = 	snop  }
0x6: {  	_ = 	snop  }
0x7: {  	_ = 	snop  }
__scs_overlays_trampoline_lowered:
0x8: {  	[smem:$0x3FAD] =	sst s0  }
0x9: {  	[smem:$0x3FAE] =	sst s1  }
0xa: {  	[smem:$0x3FAF] =	sst s2  }
0xb: {  	[smem:$0x3FB0] =	sst s3  }
0xc: {  	[smem:$0x3FB1] =	sst s4  }
0xd: {  	[smem:$0x3FB2] =	sst s5  }
0xe: {  	[smem:$0x3FB3] =	sst s6  }
0xf: {  	[smem:$0x3FB4] =	sst s7  }
0x10: {  	[smem:$0x3FB5] =	sst s8  }
0x11: {  	[smem:$0x3FB6] =	sst s9;
	s0 =	simm.s32 @!p0 $0x0  }
0x12: {  	s1 =	sld [smem:$0x3F9C];
	s0 =	simm.s32 @p0 $0x1  }
0x13: {  	[smem:$0x3FB7] =	sst s0;
	s0 =	simm.s32 @!p1 $0x0  }
0x14: {  	s2 =	sld [smem:$0x3F9B];
	s0 =	simm.s32 @p1 $0x1  }
0x15: {  	[smem:$0x3FB8] =	sst s0;
	s0 =	simm.s32 @!p2 $0x0  }
0x16: {  	s3 =	sld [smem:$0x3FDB];
	s0 =	simm.s32 @p2 $0x1  }
0x17: {  	s4 =	simm.s32 $0x1BF5;
	[smem:$0x3FBA] =	sst s0  }
0x18: {  	s0 =	sld [smem:$0x3F9D];
	_ =	swait.ge [sflag:s4], $0x0  }
0x19: {  	s7 =	sld [smem:$0x3F9E]  }
0x1a: {  	s8 =	sadd.s32 $0xFFFFE003, lr  }
0x1b: {  	s9 =	sadd.s32 $0xFFFFFEF7, lr;
	s5 =	simm.s32 $0xFFFFFFFF;
	p2 =	slt.u32 s8, $0xFFFFF086  }
0x1c: {  	p1 =	slt.u32 s9, $0xF7A;
	s5 =	simm.s32 @!p2 $0x0  }
0x1d: {  	s5 =	simm.s32 @p1 $0x1;
	p0 =	seq.s32 s7, s2  }
0x1e: {  	s7 =	smul.u32 @!p0 $0xF7A, s2;
	p2 =	seq.s32 @!p0 s5, $0x0  }
0x1f: {  	s9 =	smul.u32 $0xF7A, s1;
	s8 =	simm.s32 @!p0 $0x1BF5;
	p2 =	por !p2, p0  }
0x20: {  	[sflag:s8] =	ssyncset.s32 @!p0 $0xFFFFF086;
	s6 =	sadd.s32 @!p0 s3, s7;
	s7 =	simm.s32 @!p0 $0x108  }
0x21: {  	s3 =	sadd.s32 s3, s9;
	s6 =	sadd.s32 @!p0 $0x88, s6;
	s7 =	simm.s32 @p2 $0x1082  }
0x22: {  	[simem:s7], [sflag:s8] =	dma.local @!p0 [hbm:s6], $0xF7A  }
0x23: {  	s9 =	sor.u32 $0xD0000000, s2;
	s6 =	simm.s32 $0x108;
	_ =	swait.ge @!p0 [sflag:s8], $0x0  }
0x24: {  	s3 =	sadd.s32 $0x88, s3;
	s6 =	simm.s32 @!p1 $0x1082;
	[sflag:s4] =	ssyncset.s32 $0xFFFFF086  }
0x25: {  	[simem:s6], [sflag:s4] =	dma.local [hbm:s3], $0xF7A  }
0x26: {  	[smem:$0x3F9E] =	sst s1;
	(tag) =	ssettag s2;
	_ =	strace s9  }
0x27: {  	s1 =	sld [smem:$0x3FAE]  }
0x28: {  	s2 =	sld [smem:$0x3FAF]  }
0x29: {  	s4 =	sld [smem:$0x3FB1]  }
0x2a: {  	p0 =	seq.s32 s5, $0x0;
	s5 =	sld [smem:$0x3FB2]  }
0x2b: {  	s6 =	sld [smem:$0x3FB3]  }
0x2c: {  	s7 =	sld [smem:$0x3FB4]  }
0x2d: {  	s3 =	simm.s32 $0x108;
	s8 =	sld [smem:$0x3FB5]  }
0x2e: {  	s3 =	simm.s32 @!p0 $0x1082;
	s9 =	sld [smem:$0x3FB6]  }
0x2f: {  	lr =	sadd.s32 s0, s3;
	s0 =	sld [smem:$0x3FAD]  }
0x30: {  	s3 =	sld [smem:$0x3FB0]  }
0x31: {  	[smem:$0x3FB9] =	sst s10  }
0x32: {  	s10 =	sld [smem:$0x3FB7];
	_ =	sdelay $0x3  }
0x33: {  	p0 =	seq.s32 s10, $0x1;
	s10 =	sld [smem:$0x3FB9];
	_ =	sdelay $0x3  }
0x34: {  	[smem:$0x3FB9] =	sst s10  }
0x35: {  	s10 =	sld [smem:$0x3FB8];
	_ =	sdelay $0x3  }
0x36: {  	p1 =	seq.s32 s10, $0x1;
	s10 =	sld [smem:$0x3FB9];
	_ =	sdelay $0x3  }
0x37: {  	[smem:$0x3FB9] =	sst s10  }
0x38: {  	s10 =	sld [smem:$0x3FBA]  }
0x39: {  	_ = 	snop;
	(pc) =	sbr.ind lr, $3  }
0x3a: {  	_ = 	snop  }
0x3b: {  	_ = 	snop  }
0x3c: {  	p2 =	seq.s32 s10, $0x1;
	s10 =	sld [smem:$0x3FB9]  }
0x3d: {  	_ =	shalt  }
0x3e: {  	_ =	shalt  }
0x3f: {  	_ =	shalt  }
0x40: {  	_ =	shalt  }
0x41: {  	_ =	shalt  }
0x42: {  	_ =	shalt  }
0x43: {  	_ =	shalt  }
0x44: {  	_ =	shalt  }
0x45: {  	_ =	shalt  }
0x46: {  	_ =	shalt  }
0x47: {  	_ =	shalt  }
0x48: {  	_ =	shalt  }
0x49: {  	_ =	shalt  }
0x4a: {  	_ =	shalt  }
0x4b: {  	_ =	shalt  }
0x4c: {  	_ =	shalt  }
0x4d: {  	_ =	shalt  }
0x4e: {  	_ =	shalt  }
0x4f: {  	_ =	shalt  }
0x50: {  	_ =	shalt  }
0x51: {  	_ =	shalt  }
0x52: {  	_ =	shalt  }
0x53: {  	_ =	shalt  }
0x54: {  	_ =	shalt  }
0x55: {  	_ =	shalt  }
0x56: {  	_ =	shalt  }
0x57: {  	_ =	shalt  }
0x58: {  	_ =	shalt  }
0x59: {  	_ =	shalt  }
0x5a: {  	_ =	shalt  }
0x5b: {  	_ =	shalt  }
0x5c: {  	_ =	shalt  }
0x5d: {  	_ =	shalt  }
0x5e: {  	_ =	shalt  }
0x5f: {  	_ =	shalt  }
0x60: {  	_ =	shalt  }
0x61: {  	_ =	shalt  }
0x62: {  	_ =	shalt  }
0x63: {  	_ =	shalt  }
0x64: {  	_ =	shalt  }
0x65: {  	_ =	shalt  }
0x66: {  	_ =	shalt  }
0x67: {  	_ =	shalt  }
0x68: {  	_ =	shalt  }
0x69: {  	_ =	shalt  }
0x6a: {  	_ =	shalt  }
0x6b: {  	_ =	shalt  }
0x6c: {  	_ =	shalt  }
0x6d: {  	_ =	shalt  }
0x6e: {  	_ =	shalt  }
0x6f: {  	_ =	shalt  }
0x70: {  	_ =	shalt  }
0x71: {  	_ =	shalt  }
0x72: {  	_ =	shalt  }
0x73: {  	_ =	shalt  }
0x74: {  	_ =	shalt  }
0x75: {  	_ =	shalt  }
0x76: {  	_ =	shalt  }
0x77: {  	_ =	shalt  }
0x78: {  	_ =	shalt  }
0x79: {  	_ =	shalt  }
0x7a: {  	_ =	shalt  }
0x7b: {  	_ =	shalt  }
0x7c: {  	_ =	shalt  }
0x7d: {  	_ =	shalt  }
0x7e: {  	_ =	shalt  }
0x7f: {  	_ =	shalt  }
0x80: {  	_ =	shalt  }
0x81: {  	_ =	shalt  }
0x82: {  	_ =	shalt  }
0x83: {  	_ =	shalt  }
0x84: {  	_ =	shalt  }
0x85: {  	_ =	shalt  }
0x86: {  	_ =	shalt  }
0x87: {  	_ =	shalt  }
.Lfunc_end0:
.L_simem_size_0:
called_computation_lowered:
.L_overlay_start_0:
0x88: {  	s2 =	sld [smem:$0x3FD9]  }
0x89: {  	s3 =	sld [smem:$0x3FFE];
	_ =	sdelay $0x1  }
0x8a: {  	s1 =	srdreg.scid  }
0x8b: {  	s0 =	sand.u32 $0x1, s1  }
0x8c: {  	s17 =	sshll.u32 s0, $0xA;
	s2 =	sadd.s32 s3, s2  }
0x8d: {  	s2 =	sadd.s32 s2, s17  }
0x8e: {  	[smem:$0x3FC5] =	sst s2  }
0x8f: {  	_ = 	snop  }
0x90: {  	s2 =	sld [smem:$0x3FC9]  }
0x91: {  	s18 =	sld [smem:$0x3FC8];
	(tm) =	ssettm $0x1  }
0x92: {  	s4 =	sld [smem:$0x3FFB];
	_ =	sdelay $0x3  }
0x93: {  	_ =	strace s4  }
0x94: {  	s4 =	sld [smem:$0x3FFC];
	_ =	sdelay $0x3  }
0x95: {  	_ =	strace s4  }
0x96: {  	s4 =	sld [smem:$0x3FFD];
	_ =	sdelay $0x3  }
0x97: {  	_ =	strace s4  }
0x98: {  	_ =	strace $0x8FFFFFFF  }
0x99: {  	s19 =	sld [smem:$0x3FDB];
	_ =	sdelay $0x1  }
0x9a: {  	s5 =	simm.s32 $_scs_section_size  }
0x9b: {  	s6 =	simm.s32 $_size__tile_overlayer_lowered;
	s7 =	simm.s32 $_tile_overlayer_lowered  }
0x9c: {  	s22 =	simm.s32 $0x1BFF;
	s21 =	sshll.u32 s7, $0x1;
	s4 =	sadd.s32 s5, s19  }
0x9d: {  	s8 =	simm.s32 $0x0;
	s20 =	sshll.u32 s6, $0x1;
	s6 =	sadd.s32 s21, s4  }
0x9e: {  	[timem:s8], [sflag:s22] =	dma.local [hbm:s6], s20  }
0x9f: {  	_ =	swait.ge [sflag:s22], s20  }
0xa0: {  	s5 =	ssub.s32 $0x0, s20;
	[sflag:s22] =	ssyncset.done $0x0  }
0xa1: {  	[sflag:s22] =	ssyncadd.s32 s5;
	_ =	sdelay $0x1  }
0xa2: {  	s23 =	simm.s32 $0x1B8B  }
0xa3: {  	_ =	swait.ge [sflag:s23], $0x1  }
0xa4: {  	[sflag:s23] =	ssyncset.done $0x0  }
0xa5: {  	s25 =	simm.s32 $0x1B8E;
	s24 =	sld [smem:$0x3FFE];
	[sflag:s23] =	ssyncadd.s32 $0xFFFFFFFF  }
0xa6: {  	s26 =	simm.s32 $execute0_lowered;
	[smem:$0x3FD2] =	sst s25  }
0xa7: {  	s6 =	sshll.u32 s26, $0x1;
	_ =	strace $0x80000046;
	[dreg:$0x1] =	wrdreg $0xFFFFFFFF  }
0xa8: {  	s28 =	simm.s32 $_size_execute0_lowered;
	s4 =	sadd.s32 s4, s6;
	[dreg:$0x0] =	wrdreg $0x0  }
0xa9: {  	s6 =	sshll.u32 s28, $0x1;
	[dreg:$0x2] =	wrdreg s4  }
0xaa: {  	[dreg:$0x3] =	wrdreg s6  }
0xab: {  	[dreg:$0x4] =	wrdreg $0xC0  }
0xac: {  	_ =	task [dreg:s8], $0x5FFFF  }
0xad: {  	[dreg:$0x1] =	wrdreg $0xFFFFFFFF  }
0xae: {  	[dreg:$0x0] =	wrdreg $0x60  }
0xaf: {  	[dreg:$0x2] =	wrdreg s2  }
0xb0: {  	[dreg:$0x3] =	wrdreg s18  }
0xb1: {  	[dreg:$0x4] =	wrdreg s24  }
0xb2: {  	[dreg:$0x5] =	wrdreg $0x11A800  }
0xb3: {  	[dreg:$0x6] =	wrdreg $0x9  }
0xb4: {  	_ =	task.clear_ibuf [dreg:s8], $0x7FFFF;
	_ =	strace $0x90000046  }
0xb5: {  	s29 =	simm.s32 $0x9;
	_ =	strace $0x80000048  }
0xb6: {  	_ =	swait.ge [sflag:s29], $0x1  }
0xb7: {  	[sflag:s29] =	ssyncadd.s32 $0xFFFFFFFF  }
0xb8: {  	_ =	strace $0x90000048  }
0xb9: {  	_ =	sfence  }
0xba: {  	s30 =	sld [smem:$0x0];
	_ =	sdelay $0x2  }
0xbb: {  	s31 =	sshll.u32 s1, $0xD;
	s1 =	sshrl.u32 s1, $0x2  }
0xbc: {  	s3 =	sand.u32 $0x4000, s31;
	s1 =	sadd.s32 s1, s30  }
0xbd: {  	s0 =	sor.u32 s3, s0;
	s1 =	sshll.u32 s1, $0x11  }
0xbe: {  	s0 =	sor.u32 s1, s0  }
0xbf: {  	s0 =	sadd.s32 $0x8F2B, s0  }
0xc0: {  	[sflag:s0] =	ssyncadd.remote.s32 $0x1  }
0xc1: {  	_ =	sfence.sel $0xFFFF  }
0xc2: {  	[dreg:$0x0] =	wrdreg $0xFFFFFFFF;
	(pc) =	sbr.abs _section_cstart, $3  }
0xc3: {  	[dreg:$0x1] =	wrdreg $0xFFFFFFFF  }
0xc4: {  	_ =	task.clear_ibuf [dreg:s8], $0x2FFFF;
	_ =	strace $0x9FFFFFFF  }
0xc5: {  	(tm) =	ssettm $0x7FFFFFFF  }
tec
execute0_lowered:
.L_overlay_start_1:
0x0: {  	(tag) =	ssettag $0x1  }
0x1: {  	s0 =	rddreg [dreg:$0x0]  }
0x2: {  	s7 =	rddreg [dreg:$0x1]  }
0x3: {  	v0 =	vimm.s32 $0xFEDCBA98;
	v1 =	vimm.s32 $0x76543210;
	s5 =	rddreg [dreg:$0x2];
	v2 =	vimm.s32 $0xBA98FEDC  }
0x4: {  	s2 =	rddreg [dreg:$0x3];
	s1 =	stileid.u32;
	v3 =	vimm.s32 $0x32107654;
	v4 =	vimm.s32 $0xDCFE98BA;
	v5 =	vimm.s32 $0x54761032  }
0x5: {  	s4 =	srdreg.scid;
	s3 =	rddreg [dreg:$0x4];
	v6 =	vimm.s32 $0xEFCDAB89;
	v7 =	vimm.s32 $0x67452301;
	vm0 =	vmmov $0x1  }
0x6: {  	vm1 =	vmmov $0x3;
	vm2 =	vmmov $0x7;
	s13 =	simm.s32 $0x2;
	vm3 =	vmmov $0xf;
	s14 =	simm.s32 $0x11D00;
	s15 =	simm.s32 $0x1  }
0x7: {  	vm4 =	vmmov $0x1f;
	vm5 =	vmmov $0x3f;
	vm6 =	vmmov $0x7f;
	s16 =	simm.s32 $0x80;
	s17 =	simm.s32 $0x10000;
	s18 =	simm.s32 $0x3  }
0x8: {  	vm7 =	vmmov $0xff;
	vm8 =	vmmov $0x1ff;
	vm9 =	vmmov $0x3ff;
	s19 =	simm.s32 $0x10080;
	s20 =	simm.s32 $0x20;
	s21 =	simm.s32 $0x10  }
0x9: {  	vm10 =	vmmov $0x7ff;
	vm11 =	vmmov $0xfff;
	vm12 =	vmmov $0x1fff;
	s22 =	simm.s32 $0x0;
	s6 =	smul.u32 $0x500, s1;
	s8 =	sand.u32 $0x1, s4  }
0xa: {  	v0 =	vunpack.c.l.s4.s8 v0;
	v1 =	vunpack.c.l.s4.s8 v1;
	v2 =	vunpack.c.l.s4.s8 v2;
	s4 =	simm.s32 $0x0;
	s31 =	smul.u32 $0xA00, s1;
	s9 =	sshll.u32 s8, $0x7  }
0xb: {  	v3 =	vunpack.c.l.s4.s8 v3;
	v4 =	vunpack.c.l.s4.s8 v4;
	v5 =	vunpack.c.l.s4.s8 v5;
	s10 =	sshll.u32 s8, $0x4;
	[smem:$0x7FF] =	sst s4;
	s8 =	ssub.s32 $0x2, s8  }
0xc: {  	v6 =	vunpack.c.l.s4.s8 v6;
	v7 =	vunpack.c.l.s4.s8 v7;
	v0 =	vunpack.c.0.s8.s32 v0;
	s6 =	sor.u32 s9, s6;
	s26 =	sor.u32 s1, s10;
	_ =	strace $0x80000047  }
0xd: {  	v2 =	vunpack.c.0.s8.s32 v2;
	v3 =	vunpack.c.0.s8.s32 v3;
	v4 =	vunpack.c.0.s8.s32 v4;
	s29 =	sshrl.u32 s8, $0x1;
	s6 =	sshrl.u32 s6, $0x3;
	s9 =	smul.u32 $0x32, s26  }
.Ltmp0:
0xe: {  	v5 =	vunpack.c.0.s8.s32 v5;
	v6 =	vunpack.c.0.s8.s32 v6;
	v7 =	vunpack.c.0.s8.s32 v7;
	s11 =	ssub.s32 s8, s29;
	s8 =	sshrl.u32 s31, $0x2;
	(pc) =	sbr.rel .LBB2_1-.Ltmp0, $4  }
0xf: {  	vm13 =	vmmov $0x3fff;
	v1 =	vunpack.c.0.s8.s32 v1;
	v2 =	vcombine.low v3, v2;
	s28 =	sadd.s32 s6, s5;
	s8 =	sadd.s32 s8, s2;
	s30 =	sadd.s32 $0x384, s9  }
0x10: {  	v3 =	vcombine.low v5, v4;
	v4 =	vand.u32 $0xF, v0;
	v5 =	vcombine.low v7, v6;
	s11 =	smax.u32 s11, $0x1;
	s10 =	sadd.s32 $0x400, s28;
	s9 =	sshll.u32 s30, $0xB  }
0x11: {  	vm14 =	vmmov $0x7fff;
	v0 =	vimm.f32 $0.0e+00;
	v1 =	vcombine.low v4, v1;
	s5 =	sshll.u32 s30, $0xE;
	s12 =	sshll.u32 s30, $0x4;
	s6 =	sadd.s32 s0, s9  }
0x12: {  	v2 =	vand.u32 $0xF, v2;
	v3 =	vand.u32 $0xF, v3;
	v4 =	vand.u32 $0xF, v5;
	s7 =	sadd.s32 s7, s12;
	s9 =	sadd.s32 $0x8000, s5;
	s12 =	simm.s32 $0x10180  }
.LBB2_10:
0x13: {  	s22 =	sadd.s32 $0x1, s22  }
0x14: {  	s23 =	sshll.u32 s1, $0x6;
	[bflag:$0x0] =	sbarrier.arrive $0xFFFF;
	p0 =	sne.s32 s22, s11  }
.Ltmp1:
0x15: {  	s24 =	sshrl.u32 s8, $0x3;
	s23 =	sor.u32 $0x1C02, s23;
	(pc) =	sbr.rel @!p0 .LBB2_11-.Ltmp1, $4  }
0x16: {  	[hbm:s10@s20], [sflag:s23] =	dma.strided [spmem:s24@s21], $0x50, s15, $0x10   }
0x17: {  	_ =	swait.ge [sflag:s13], $0x50  }
0x18: {  	[sflag:s13] =	ssyncset.done $0x0  }
0x19: {  	[sflag:s13] =	ssyncadd.s32 $0xFFFFFFB0  }
.LBB2_1:
0x1a: {  	[tilespmem:s4], [sflag:$0x1] =	stream.linear.gather [hbm4b:s6+s4], $0x8000, $0x38;
	[tilespmem:$0x11F80] =	vst v63  }
0x1b: {  	_ = 	snop  }
0x1c: {  	[tilespmem:s12], [sflag:$0x2] =	stream.linear.gather [hbm4b:s7+s4], $0x1900, $0x38;
	[tilespmem:$0x11F80] =	vst v63  }
0x1d: {  	_ =	swait.ge [sflag:s13], $0x1900  }
0x1e: {  	[sflag:s13] =	ssyncset.done $0x0  }
0x1f: {  	[sflag:s13] =	ssyncadd.s32 $0xFFFFE700  }
0x20: {  	[tilespmem:$0x11D00] =	vst v0  }
0x21: {  	[tilespmem:$0x11D10] =	vst v0  }
0x22: {  	[tilespmem:$0x11D20] =	vst v0  }
0x23: {  	[tilespmem:$0x11D30] =	vst v0  }
0x24: {  	[tilespmem:$0x11D40] =	vst v0  }
0x25: {  	[tilespmem:$0x11D50] =	vst v0  }
0x26: {  	[tilespmem:$0x11D60] =	vst v0  }
0x27: {  	[tilespmem:$0x11D70] =	vst v0  }
0x28: {  	[tilespmem:$0x11D80] =	vst v0  }
0x29: {  	[tilespmem:$0x11D90] =	vst v0  }
0x2a: {  	[tilespmem:$0x11DA0] =	vst v0  }
0x2b: {  	[tilespmem:$0x11DB0] =	vst v0  }
0x2c: {  	[tilespmem:$0x11DC0] =	vst v0  }
0x2d: {  	[tilespmem:$0x11DD0] =	vst v0  }
0x2e: {  	[tilespmem:$0x11DE0] =	vst v0  }
0x2f: {  	[tilespmem:$0x11DF0] =	vst v0  }
0x30: {  	[tilespmem:$0x11E00] =	vst v0  }
0x31: {  	[tilespmem:$0x11E10] =	vst v0  }
0x32: {  	[tilespmem:$0x11E20] =	vst v0  }
0x33: {  	[tilespmem:$0x11E30] =	vst v0  }
0x34: {  	[tilespmem:$0x11E40] =	vst v0  }
0x35: {  	[tilespmem:$0x11E50] =	vst v0  }
0x36: {  	[tilespmem:$0x11E60] =	vst v0  }
0x37: {  	[tilespmem:$0x11E70] =	vst v0  }
0x38: {  	[tilespmem:$0x11E80] =	vst v0  }
0x39: {  	[tilespmem:$0x11E90] =	vst v0  }
0x3a: {  	[tilespmem:$0x11EA0] =	vst v0  }
0x3b: {  	[tilespmem:$0x11EB0] =	vst v0  }
0x3c: {  	[tilespmem:$0x11EC0] =	vst v0  }
0x3d: {  	[tilespmem:$0x11ED0] =	vst v0  }
0x3e: {  	[tilespmem:$0x11EE0] =	vst v0  }
0x3f: {  	[tilespmem:$0x11EF0] =	vst v0  }
0x40: {  	[tilespmem:$0x11F00] =	vst v0  }
0x41: {  	[tilespmem:$0x11F10] =	vst v0  }
0x42: {  	[tilespmem:$0x11F20] =	vst v0  }
0x43: {  	[tilespmem:$0x11F30] =	vst v0  }
0x44: {  	[tilespmem:$0x11F40] =	vst v0  }
0x45: {  	[tilespmem:$0x11F50] =	vst v0  }
0x46: {  	[tilespmem:$0x11F60] =	vst v0  }
0x47: {  	[tilespmem:$0x11F70] =	vst v0  }
0x48: {  	[spmem:s8] =	stream.linear.scatter [tilespmem:s14], [sflag:$0x2], $0x280, $0x38;
	[tilespmem:$0x11F80] =	vst v63  }
.Ltmp2:
0x49: {  	_ =	swait.ge [sflag:s13], $0x280;
	(pc) =	sbr.rel .LBB2_2-.Ltmp2, $4  }
0x4a: {  	[sflag:s13] =	ssyncset.done $0x0  }
0x4b: {  	[sflag:s13] =	ssyncadd.s32 $0xFFFFFD80  }
0x4c: {  	[bflag:$0x0] =	sbarrier.arrive $0xFFFF  }
0x4d: {  	s23 =	simm.s32 $0x0  }
.LBB2_8:
0x4e: {  	v42 =	vld [tilespmem:s25+$0xFFFFFD10];
	v43 =	vperm.xlane v38, v2;
	v23 =	vadd.f32 v40, v23;
	v22 =	vadd.f32 v22, v41  }
0x4f: {  	v44 =	vperm.xlane v39, v3;
	v62 =	vld [tilespmem:s25+$0xFFFFFCA0];
	v13 =	vadd.f32 v13, v32;
	v45 =	vadd.f32 v34, v35  }
0x50: {  	v63 =	vld [tilespmem:s25+$0xFFFFFD20];
	v46 =	vadd.f32 v37, v36;
	v26 =	vadd.f32 v26, v30  }
0x51: {  	v38 =	vadd.f32 v43, v38;
	v39 =	vadd.f32 v44, v39;
	v44 =	vld [tilespmem:s25+$0xFFFFFCB0]  }
0x52: {  	v47 =	vld [tilespmem:s25+$0xFFFFFD30];
	v19 =	vadd.f32 v19, v22;
	v11 =	vadd.f32 v11, v13  }
0x53: {  	v48 =	vld [tilespmem:s25+$0xFFFFFCC0];
	v13 =	vadd.f32 v31, v45;
	v33 =	vadd.f32 v42, v33  }
0x54: {  	v49 =	vld [tilespmem:s25+$0xFFFFFD40];
	v26 =	vadd.f32 v29, v26;
	v22 =	vadd.f32 v62, v46  }
0x55: {  	v50 =	vld [tilespmem:s25+$0xFFFFFCD0];
	v13 =	vadd.f32 v28, v13;
	v32 =	vadd.f32 v63, v33  }
0x56: {  	v51 =	vld [tilespmem:s25+$0xFFFFFD50];
	v25 =	vadd.f32 v25, v26;
	v22 =	vadd.f32 v44, v22  }
0x57: {  	v52 =	vld [tilespmem:s25+$0xFFFFFCE0];
	v10 =	vadd.f32 v10, v19;
	v32 =	vadd.f32 v47, v32  }
0x58: {  	v53 =	vld [tilespmem:s25+$0xFFFFFD60];
	v13 =	vadd.f32 v27, v13;
	v22 =	vadd.f32 v48, v22  }
0x59: {  	v54 =	vld [tilespmem:s25+$0xFFFFFCF0];
	v21 =	vadd.f32 v21, v25;
	v30 =	vadd.f32 v49, v32  }
0x5a: {  	v55 =	vld [tilespmem:s25+$0xFFFFFD70];
	v13 =	vadd.f32 v24, v13;
	v22 =	vadd.f32 v50, v22  }
0x5b: {  	v57 =	vld [tilespmem:s25+$0xFFFFFDF0];
	v17 =	vadd.f32 v17, v21;
	v56 =	vadd.f32 v51, v30  }
0x5c: {  	v59 =	vld [tilespmem:s25+$0xFFFFFE70];
	v13 =	vadd.f32 v20, v13;
	v58 =	vadd.f32 v52, v22  }
0x5d: {  	v12 =	vadd.f32 v12, v17;
	v25 =	vadd.f32 v53, v56  }
0x5e: {  	v13 =	vadd.f32 v14, v13;
	v60 =	vadd.f32 v54, v58  }
0x5f: {  	v6 =	vadd.f32 v6, v11;
	v61 =	vadd.f32 v55, v25  }
0x60: {  	v12 =	vadd.f32 v57, v12;
	v63 =	vperm.xlane v13, v1;
	v28 =	vperm.xlane v60, v1  }
0x61: {  	v62 =	vperm.xlane v38, v3;
	v10 =	vadd.f32 v59, v10;
	v29 =	vperm.xlane v61, v1  }
0x62: {  	v32 =	vperm.xlane v12, v1;
	v30 =	vadd.f32 v63, v13;
	v31 =	vadd.f32 v28, v60  }
0x63: {  	v34 =	vperm.xlane v6, v1;
	v33 =	vperm.xlane v10, v1;
	v17 =	vadd.f32 v29, v61  }
0x64: {  	v12 =	vadd.f32 v32, v12;
	v35 =	vperm.xlane v30, v2;
	v24 =	vperm.xlane v31, v2  }
0x65: {  	v6 =	vadd.f32 v34, v6;
	v10 =	vadd.f32 v33, v10;
	v36 =	vperm.xlane v17, v2  }
0x66: {  	v37 =	vperm.xlane v12, v2;
	v11 =	vadd.f32 v35, v30;
	v13 =	vadd.f32 v24, v31  }
0x67: {  	v21 =	vperm.xlane v6, v2;
	v40 =	vperm.xlane v10, v2;
	v14 =	vadd.f32 v36, v17  }
0x68: {  	v12 =	vadd.f32 v37, v12;
	v22 =	vperm.xlane v11, v3;
	v24 =	vperm.xlane v13, v3  }
0x69: {  	v6 =	vadd.f32 v21, v6;
	v10 =	vadd.f32 v40, v10;
	v41 =	vperm.xlane v14, v3  }
0x6a: {  	v42 =	vperm.xlane v12, v3;
	v11 =	vadd.f32 v22, v11;
	v13 =	vadd.f32 v24, v13  }
0x6b: {  	v21 =	vperm.xlane v6, v3;
	v43 =	vperm.xlane v10, v3;
	v14 =	vadd.f32 v41, v14  }
0x6c: {  	v12 =	vadd.f32 v42, v12;
	v22 =	vperm.xlane v11, v4;
	v24 =	vperm.xlane v13, v4  }
0x6d: {  	v6 =	vadd.f32 v21, v6;
	v10 =	vadd.f32 v43, v10;
	v44 =	vperm.xlane v14, v4  }
0x6e: {  	v45 =	vperm.xlane v12, v4;
	v11 =	vadd.f32 v22, v11;
	v13 =	vadd.f32 v24, v13  }
0x6f: {  	v19 =	vadd.f32 v62, v38;
	v46 =	vperm.xlane v10, v4;
	v14 =	vadd.f32 v44, v14  }
0x70: {  	v47 =	vperm.xlane v6, v4;
	v12 =	vadd.f32 v45, v12;
	v11 =	vsel vm0, v11, v13  }
0x71: {  	v48 =	vperm.xlane v19, v4;
	v10 =	vadd.f32 v46, v10;
	v11 =	vsel vm1, v11, v14  }
0x72: {  	v49 =	vperm.xlane v39, v4;
	v6 =	vadd.f32 v47, v6;
	v11 =	vsel vm2, v11, v12  }
0x73: {  	v50 =	vadd.f32 v48, v19;
	v51 =	vperm.xlane v23, v4;
	v10 =	vsel vm3, v11, v10  }
0x74: {  	v52 =	vadd.f32 v49, v39;
	v53 =	vperm.xlane v18, v4;
	v6 =	vsel vm4, v10, v6  }
0x75: {  	v54 =	vadd.f32 v51, v23;
	v55 =	vperm.xlane v16, v4;
	v6 =	vsel vm5, v6, v50  }
0x76: {  	v57 =	vperm.xlane v15, v4;
	v56 =	vadd.f32 v53, v18;
	v6 =	vsel vm6, v6, v52  }
0x77: {  	v59 =	vperm.xlane v9, v4;
	v58 =	vadd.f32 v55, v16;
	v6 =	vsel vm7, v6, v54  }
0x78: {  	v60 =	vadd.f32 v57, v15;
	v61 =	vperm.xlane v8, v4;
	v6 =	vsel vm8, v6, v56  }
0x79: {  	v62 =	vperm.xlane v7, v4;
	v9 =	vadd.f32 v59, v9;
	v6 =	vsel vm9, v6, v58  }
0x7a: {  	v63 =	vperm.xlane v5, v4;
	v8 =	vadd.f32 v61, v8;
	v6 =	vsel vm10, v6, v60  }
0x7b: {  	v7 =	vadd.f32 v62, v7;
	v6 =	vsel vm11, v6, v9  }
0x7c: {  	v5 =	vadd.f32 v63, v5;
	v6 =	vsel vm12, v6, v8  }
0x7d: {  	v6 =	vsel vm13, v6, v7  }
0x7e: {  	v5 =	vsel vm14, v6, v5  }
0x7f: {  	v5 =	vmul.f32 $7.812500000e-03, v5  }
0x80: {  	s24 =	sshra.s32 s24, $0x2  }
0x81: {  	[tilespmem:s24+$0x10000] =	vst v5;
	s24 =	simm.s32 $0x2  }
.LBB2_9:
0x82: {  	s25 =	sshll.u32 s23, $0x8  }
0x83: {  	s25 =	sand.u32 $0x3FFFFF00, s25  }
0x84: {  	s26 =	sadd.s32 $0x10180, s25  }
0x85: {  	[spmem:s2] =	stream.indirect.scatter.add.f32 [tilespmem:s17], [sflag:$0x3], $0x1, s26, s16, $0xb8;
	[tilespmem:$0x11F80] =	vst v63  }
0x86: {  	s23 =	sadd.s32 $0x1, s23;
	_ =	swait.ge [sflag:s18], $0x80  }
0x87: {  	p0 =	sne.s32 s23, $0x19;
	[sflag:s18] =	ssyncset.done $0x0  }
.Ltmp3:
0x88: {  	s25 =	sadd.s32 $0x10200, s25;
	[sflag:s18] =	ssyncadd.s32 $0xFFFFFF80;
	(pc) =	sbr.rel @!p0 .LBB2_10-.Ltmp3, $4  }
0x89: {  	[spmem:s2] =	stream.indirect.scatter.add.f32 [tilespmem:s19], [sflag:s24], $0x1, s25, s16, $0xb8;
	[tilespmem:$0x11F80] =	vst v63  }
0x8a: {  	_ =	swait.ge [sflag:s24], $0x80  }
0x8b: {  	[sflag:s24] =	ssyncset.done $0x0  }
0x8c: {  	[sflag:s24] =	ssyncadd.s32 $0xFFFFFF80  }
.LBB2_2:
0x8d: {  	s24 =	sand.u32 $0x1, s23  }
0x8e: {  	p0 =	seq.s32 s24, $0x1  }
.Ltmp4:
0x8f: {  	_ = 	snop;
	(pc) =	sbr.rel @p0 .LBB2_6-.Ltmp4, $4  }
0x90: {  	_ = 	snop  }
0x91: {  	_ =	swait.ge [sflag:s15], $0x8000  }
0x92: {  	[sflag:s15] =	ssyncset.done $0x0  }
0x93: {  	[sflag:s15] =	ssyncadd.s32 $0xFFFF8000  }
0x94: {  	s24 =	sor.u32 $0x1, s23  }
0x95: {  	p0 =	sgt.u32 s24, $0x18  }
0x96: {  	s24 =	sshll.u32 @!p0 s24, $0xF  }
0x97: {  	s24 =	sadd.s32 @!p0 s5, s24  }
0x98: {  	s24 =	sshrl.u32 @!p0 s24, $0x3  }
0x99: {  	s25 =	simm.s32 @!p0 $0x0;
	s26 =	simm.s32 @!p0 $0x8000;
	s24 =	sadd.s32 @!p0 s0, s24  }
0x9a: {  	[tilespmem:s26], [sflag:$0x1] =	stream.linear.gather @!p0 [hbm4b:s24+s25], $0x8000, $0x38;
	[tilespmem:$0x11F80] =	vst v63  }
0x9b: {  	s24 =	simm.s32 $0x400  }
0x9c: {  	v5 =	vld [tilespmem:s24+$0x3F0]  }
0x9d: {  	v7 =	vld [tilespmem:s24+$0x370]  }
0x9e: {  	v9 =	vld [tilespmem:s24+$0x3E0]  }
0x9f: {  	v12 =	vld [tilespmem:s24+$0x2F0]  }
0xa0: {  	v14 =	vld [tilespmem:s24+$0x360]  }
0xa1: {  	v10 =	vld [tilespmem:s24+$0x3D0]  }
0xa2: {  	v17 =	vld [tilespmem:s24+$0x270]  }
0xa3: {  	v19 =	vld [tilespmem:s24+$0x2E0]  }
0xa4: {  	v13 =	vld [tilespmem:s24+$0x350]  }
0xa5: {  	v11 =	vld [tilespmem:s24+$0x3C0]  }
0xa6: {  	v8 =	vld [tilespmem:s24+$0x1F0]  }
0xa7: {  	v22 =	vld [tilespmem:s24+$0x260]  }
0xa8: {  	v31 =	vld [tilespmem:s24+$0x2D0]  }
0xa9: {  	v32 =	vld [tilespmem:s24+$0x340]  }
0xaa: {  	v30 =	vld [tilespmem:s24+$0x3B0]  }
0xab: {  	v21 =	vld [tilespmem:s24+$0x170]  }
0xac: {  	v33 =	vld [tilespmem:s24+$0x1E0]  }
0xad: {  	v34 =	vld [tilespmem:s24+$0x250]  }
0xae: {  	v35 =	vld [tilespmem:s24+$0x2C0]  }
0xaf: {  	v36 =	vld [tilespmem:s24+$0x330]  }
0xb0: {  	v37 =	vld [tilespmem:s24+$0x3A0]  }
0xb1: {  	v24 =	vld [tilespmem:s24+$0xF0]  }
0xb2: {  	v20 =	vld [tilespmem:s24+$0x160]  }
0xb3: {  	v38 =	vld [tilespmem:s24+$0x1D0]  }
0xb4: {  	v39 =	vld [tilespmem:s24+$0x240]  }
0xb5: {  	v40 =	vld [tilespmem:s24+$0x2B0]  }
0xb6: {  	v41 =	vld [tilespmem:s24+$0x320]  }
0xb7: {  	v18 =	vld [tilespmem:s24+$0x380]  }
0xb8: {  	v28 =	vld [tilespmem:s24+$0x390]  }
0xb9: {  	v16 =	vld [tilespmem:s24+$0x70]  }
0xba: {  	v25 =	vld [tilespmem:s24+$0xE0]  }
0xbb: {  	v42 =	vld [tilespmem:s24+$0x150]  }
0xbc: {  	v43 =	vld [tilespmem:s24+$0x1C0]  }
0xbd: {  	v44 =	vld [tilespmem:s24+$0x230]  }
0xbe: {  	v45 =	vld [tilespmem:s24+$0x2A0]  }
0xbf: {  	v46 =	vld [tilespmem:s24+$0x300]  }
0xc0: {  	v47 =	vld [tilespmem:s24+$0x310]  }
0xc1: {  	v15 =	vld [tilespmem:s24+$0xFFFFFFF0]  }
0xc2: {  	v27 =	vld [tilespmem:s24+$0x60]  }
0xc3: {  	v48 =	vld [tilespmem:s24+$0xD0]  }
0xc4: {  	v49 =	vld [tilespmem:s24+$0x140]  }
0xc5: {  	v50 =	vld [tilespmem:s24+$0x1B0]  }
0xc6: {  	v51 =	vld [tilespmem:s24+$0x220]  }
0xc7: {  	v52 =	vld [tilespmem:s24+$0x280]  }
0xc8: {  	v53 =	vld [tilespmem:s24+$0x290]  }
0xc9: {  	v23 =	vld [tilespmem:s24+$0xFFFFFF70]  }
0xca: {  	v26 =	vld [tilespmem:s24+$0xFFFFFFE0]  }
0xcb: {  	v29 =	vld [tilespmem:s24+$0x50]  }
0xcc: {  	v54 =	vld [tilespmem:s24+$0xC0]  }
0xcd: {  	v55 =	vld [tilespmem:s24+$0x130]  }
0xce: {  	v56 =	vld [tilespmem:s24+$0x1A0]  }
0xcf: {  	v57 =	vld [tilespmem:s24+$0x200]  }
0xd0: {  	v58 =	vld [tilespmem:s24+$0x210]  }
0xd1: {  	v6 =	vld [tilespmem:s24+$0xFFFFFEF0]  }
0xd2: {  	v60 =	vld [tilespmem:s24+$0xB0]  }
0xd3: {  	v61 =	vld [tilespmem:s24+$0x180]  }
0xd4: {  	v59 =	vadd.f32 v28, v18;
	v18 =	vld [tilespmem:s24+$0xFFFFFF60]  }
0xd5: {  	v28 =	vld [tilespmem:s24+$0xFFFFFFD0];
	v46 =	vadd.f32 v47, v46  }
0xd6: {  	v47 =	vld [tilespmem:s24+$0x190];
	v52 =	vadd.f32 v53, v52;
	v37 =	vadd.f32 v37, v59  }
0xd7: {  	v59 =	vld [tilespmem:s24+$0x40];
	v41 =	vadd.f32 v41, v46  }
0xd8: {  	v45 =	vadd.f32 v45, v52;
	v52 =	vld [tilespmem:s24+$0xFFFFFFC0];
	v30 =	vadd.f32 v30, v37  }
0xd9: {  	v37 =	vld [tilespmem:s24+$0x120]  }
0xda: {  	v36 =	vadd.f32 v36, v41;
	v41 =	vld [tilespmem:s24+$0x30];
	v30 =	vadd.f32 v11, v30  }
0xdb: {  	v40 =	vadd.f32 v40, v45;
	v45 =	vld [tilespmem:s24+$0xA0]  }
0xdc: {  	v62 =	vadd.f32 v58, v57;
	v11 =	vld [tilespmem:s24+$0xFFFFFEE0];
	v10 =	vadd.f32 v10, v30  }
0xdd: {  	v32 =	vadd.f32 v32, v36;
	v35 =	vadd.f32 v35, v40;
	v40 =	vld [tilespmem:s24+$0x110]  }
0xde: {  	v30 =	vld [tilespmem:s24+$0xFFFFFF50];
	v9 =	vadd.f32 v9, v10;
	v10 =	vadd.f32 v51, v62  }
0xdf: {  	v32 =	vadd.f32 v13, v32;
	v13 =	vld [tilespmem:s24+$0xFFFFFED0]  }
0xe0: {  	v5 =	vadd.f32 v5, v9;
	v9 =	vld [tilespmem:s24+$0x100];
	v63 =	vadd.f32 v44, v10  }
0xe1: {  	v31 =	vadd.f32 v31, v35;
	v35 =	vld [tilespmem:s24+$0x20]  }
0xe2: {  	v14 =	vadd.f32 v14, v32;
	v32 =	vld [tilespmem:s24+$0xFFFFFF40];
	v51 =	vperm.xlane v5, v1;
	v36 =	vadd.f32 v39, v63  }
0xe3: {  	v19 =	vadd.f32 v19, v31;
	v39 =	vld [tilespmem:s24+$0x90]  }
0xe4: {  	v5 =	vadd.f32 v51, v5;
	v34 =	vadd.f32 v34, v36;
	v36 =	vld [tilespmem:s24+$0x80]  }
0xe5: {  	v31 =	vld [tilespmem:s24+$0xFFFFFFB0];
	v7 =	vadd.f32 v7, v14;
	v9 =	vadd.f32 v40, v9  }
0xe6: {  	v10 =	vld [tilespmem:s24+$0xFFFFFE60];
	v53 =	vadd.f32 v12, v19;
	v14 =	vperm.xlane v5, v2;
	v22 =	vadd.f32 v22, v34  }
0xe7: {  	v19 =	vadd.f32 v47, v61;
	v12 =	vld [tilespmem:s24+$0xFFFFFDE0];
	v9 =	vadd.f32 v37, v9  }
0xe8: {  	v47 =	vld [tilespmem:s24+$0xFFFFFFA0];
	v5 =	vadd.f32 v14, v5;
	v14 =	vadd.f32 v17, v22;
	v17 =	vperm.xlane v53, v1  }
0xe9: {  	v57 =	vadd.f32 v56, v19;
	v19 =	vld [tilespmem:s24+$0xFFFFFE50];
	v22 =	vperm.xlane v7, v1;
	v36 =	vadd.f32 v39, v36  }
0xea: {  	v51 =	vld [tilespmem:s24+$0xFFFFFEC0];
	v9 =	vadd.f32 v55, v9;
	v58 =	vperm.xlane v5, v3;
	v17 =	vadd.f32 v17, v53  }
0xeb: {  	v40 =	vld [tilespmem:s24+$0x0];
	v61 =	vperm.xlane v14, v1;
	v7 =	vadd.f32 v22, v7;
	v22 =	vadd.f32 v50, v57  }
0xec: {  	v57 =	vld [tilespmem:s24+$0x10];
	v36 =	vadd.f32 v45, v36;
	v9 =	vadd.f32 v49, v9  }
0xed: {  	v34 =	vld [tilespmem:s24+$0xFFFFFF30];
	v5 =	vadd.f32 v58, v5;
	v62 =	vadd.f32 v61, v14;
	v14 =	vperm.xlane v17, v2  }
0xee: {  	v39 =	vld [tilespmem:s24+$0xFFFFFEB0];
	v63 =	vperm.xlane v7, v2;
	v22 =	vadd.f32 v43, v22;
	v36 =	vadd.f32 v60, v36  }
0xef: {  	v55 =	vld [tilespmem:s24+$0xFFFFFF10];
	v42 =	vadd.f32 v42, v9;
	v56 =	vadd.f32 v14, v17  }
0xf0: {  	v49 =	vld [tilespmem:s24+$0xFFFFFF90];
	v53 =	vperm.xlane v62, v2;
	v7 =	vadd.f32 v63, v7;
	v22 =	vadd.f32 v38, v22  }
0xf1: {  	v63 =	vld [tilespmem:s24+$0xFFFFFF80];
	v40 =	vadd.f32 v57, v40;
	v36 =	vadd.f32 v54, v36  }
0xf2: {  	v14 =	vld [tilespmem:s24+$0xFFFFFC70];
	v42 =	vadd.f32 v20, v42;
	v58 =	vadd.f32 v53, v62;
	v61 =	vperm.xlane v7, v3  }
0xf3: {  	v54 =	vld [tilespmem:s24+$0xFFFFFF00];
	v33 =	vadd.f32 v33, v22;
	v62 =	vperm.xlane v56, v3;
	v35 =	vadd.f32 v35, v40  }
0xf4: {  	v17 =	vld [tilespmem:s24+$0xFFFFFDD0];
	v36 =	vadd.f32 v48, v36;
	v7 =	vadd.f32 v61, v7  }
0xf5: {  	v20 =	vld [tilespmem:s24+$0xFFFFFC60];
	v33 =	vadd.f32 v8, v33;
	v8 =	vadd.f32 v62, v56  }
0xf6: {  	v53 =	vld [tilespmem:s24+$0xFFFFFF20];
	v43 =	vperm.xlane v58, v3;
	v56 =	vadd.f32 v21, v42;
	v38 =	vadd.f32 v49, v63  }
0xf7: {  	v22 =	vld [tilespmem:s24+$0xFFFFFE40];
	v35 =	vadd.f32 v41, v35;
	v25 =	vadd.f32 v25, v36  }
0xf8: {  	v48 =	vld [tilespmem:s24+$0xFFFFFE80];
	v50 =	vperm.xlane v33, v1;
	v9 =	vadd.f32 v43, v58;
	v43 =	vadd.f32 v55, v54  }
0xf9: {  	v21 =	vld [tilespmem:s24+$0xFFFFFDC0];
	v58 =	vadd.f32 v47, v38;
	v35 =	vadd.f32 v59, v35  }
0xfa: {  	v41 =	vld [tilespmem:s24+$0xFFFFFE30];
	v60 =	vperm.xlane v56, v1;
	v59 =	vadd.f32 v24, v25;
	v33 =	vadd.f32 v50, v33  }
0xfb: {  	v63 =	vld [tilespmem:s24+$0xFFFFFE20];
	v37 =	vadd.f32 v53, v43;
	v31 =	vadd.f32 v31, v58  }
0xfc: {  	v54 =	vld [tilespmem:s24+$0xFFFFFE10];
	v62 =	vadd.f32 v60, v56;
	v29 =	vadd.f32 v29, v35;
	v61 =	vperm.xlane v59, v1  }
0xfd: {  	v50 =	vld [tilespmem:s24+$0xFFFFFE90];
	v57 =	vperm.xlane v33, v2;
	v34 =	vadd.f32 v34, v37;
	v31 =	vadd.f32 v52, v31  }
0xfe: {  	v38 =	vld [tilespmem:s24+$0xFFFFFEA0];
	v49 =	vperm.xlane v62, v2;
	v29 =	vadd.f32 v27, v29;
	v35 =	vadd.f32 v61, v59  }
0xff: {  	v24 =	vld [tilespmem:s24+$0xFFFFFC50];
	v33 =	vadd.f32 v57, v33;
	v28 =	vadd.f32 v28, v31  }
0x100: {  	v52 =	vld [tilespmem:s24+$0xFFFFFE00];
	v36 =	vadd.f32 v49, v62;
	v32 =	vadd.f32 v32, v34  }
0x101: {  	v25 =	vld [tilespmem:s24+$0xFFFFFDB0];
	v31 =	vadd.f32 v16, v29;
	v16 =	vperm.xlane v35, v2;
	v26 =	vadd.f32 v26, v28  }
0x102: {  	v27 =	vld [tilespmem:s24+$0xFFFFFC40];
	v59 =	vadd.f32 v50, v48;
	v53 =	vperm.xlane v33, v3;
	v32 =	vadd.f32 v30, v32  }
0x103: {  	v34 =	vld [tilespmem:s24+$0xFFFFFC10];
	v35 =	vadd.f32 v16, v35;
	v55 =	vadd.f32 v15, v26;
	v26 =	vperm.xlane v31, v1  }
0x104: {  	v29 =	vld [tilespmem:s24+$0xFFFFFDA0];
	v16 =	vperm.xlane v36, v3;
	v37 =	vadd.f32 v38, v59;
	v32 =	vadd.f32 v18, v32  }
0x105: {  	v30 =	vld [tilespmem:s24+$0xFFFFFD80];
	v42 =	vadd.f32 v54, v52;
	v57 =	vperm.xlane v55, v1;
	v58 =	vadd.f32 v26, v31  }
0x106: {  	v28 =	vld [tilespmem:s24+$0xFFFFFC30];
	v16 =	vadd.f32 v16, v36;
	v15 =	vadd.f32 v53, v33  }
0x107: {  	v33 =	vld [tilespmem:s24+$0xFFFFFD00];
	v32 =	vadd.f32 v23, v32;
	v60 =	vadd.f32 v57, v55;
	v23 =	vperm.xlane v58, v2  }
0x108: {  	v56 =	vperm.xlane v35, v3;
	v36 =	vld [tilespmem:s24+$0xFFFFFC80];
	v42 =	vadd.f32 v63, v42;
	v63 =	vadd.f32 v39, v37  }
0x109: {  	v37 =	vld [tilespmem:s24+$0xFFFFFC90];
	v61 =	vperm.xlane v32, v1;
	v62 =	vperm.xlane v60, v2;
	v23 =	vadd.f32 v23, v58  }
0x10a: {  	v26 =	vld [tilespmem:s24+$0xFFFFFD90];
	v18 =	vadd.f32 v56, v35  }
0x10b: {  	v31 =	vld [tilespmem:s24+$0xFFFFFC20];
	v38 =	vadd.f32 v61, v32;
	v39 =	vadd.f32 v62, v60;
	v40 =	vperm.xlane v23, v3  }
0x10c: {  	s25 =	simm.s32 $0x0;
	s26 =	simm.s32 $0x40;
	v35 =	vld [tilespmem:s24+$0xFFFFFC00];
	v41 =	vadd.f32 v41, v42;
	v32 =	vadd.f32 v51, v63  }
.LBB2_4:
0x10d: {  	p0 =	sne.s32 s26, $0x3C0;
	v42 =	vld [tilespmem:s24+$0xFFFFFD10];
	v43 =	vperm.xlane v38, v2;
	v44 =	vperm.xlane v39, v3;
	v23 =	vadd.f32 v40, v23  }
0x10e: {  	v40 =	vld [tilespmem:s24+$0xFFFFFCA0];
	v22 =	vadd.f32 v22, v41;
	v32 =	vadd.f32 v13, v32  }
0x10f: {  	v41 =	vld [tilespmem:s24+$0xFFFFFD20];
	v38 =	vadd.f32 v43, v38;
	v13 =	vadd.f32 v44, v39  }
0x110: {  	v39 =	vld [tilespmem:s24+$0xFFFFFCB0];
	v19 =	vadd.f32 v19, v22;
	v11 =	vadd.f32 v11, v32  }
0x111: {  	v22 =	vadd.f32 v34, v35;
	v32 =	vadd.f32 v37, v36;
	v34 =	vld [tilespmem:s24+$0xFFFFFD30]  }
0x112: {  	v26 =	vadd.f32 v26, v30;
	v35 =	vld [tilespmem:s24+$0xFFFFFCC0];
	v33 =	vadd.f32 v42, v33  }
0x113: {  	v22 =	vadd.f32 v31, v22;
	v30 =	vadd.f32 v40, v32;
	v31 =	vld [tilespmem:s24+$0xFFFFFD40]  }
0x114: {  	v26 =	vadd.f32 v29, v26;
	v32 =	vld [tilespmem:s24+$0xFFFFFCD0];
	v33 =	vadd.f32 v41, v33  }
0x115: {  	v22 =	vadd.f32 v28, v22;
	v28 =	vadd.f32 v39, v30;
	v29 =	vld [tilespmem:s24+$0xFFFFFD50]  }
0x116: {  	v25 =	vadd.f32 v25, v26;
	v30 =	vld [tilespmem:s24+$0xFFFFFCE0];
	v33 =	vadd.f32 v34, v33  }
0x117: {  	v22 =	vadd.f32 v27, v22;
	v26 =	vadd.f32 v35, v28;
	v27 =	vld [tilespmem:s24+$0xFFFFFD60]  }
0x118: {  	v21 =	vadd.f32 v21, v25;
	v28 =	vld [tilespmem:s24+$0xFFFFFCF0];
	v31 =	vadd.f32 v31, v33  }
0x119: {  	v22 =	vadd.f32 v24, v22;
	v24 =	vadd.f32 v32, v26;
	v25 =	vld [tilespmem:s24+$0xFFFFFD70]  }
0x11a: {  	v17 =	vadd.f32 v17, v21;
	v26 =	vadd.f32 v29, v31;
	v21 =	vld [tilespmem:s24+$0xFFFFFDF0]  }
0x11b: {  	v20 =	vadd.f32 v20, v22;
	v22 =	vadd.f32 v30, v24;
	v24 =	vld [tilespmem:s24+$0xFFFFFE70]  }
0x11c: {  	v12 =	vadd.f32 v12, v17;
	v26 =	vadd.f32 v27, v26  }
0x11d: {  	v14 =	vadd.f32 v14, v20;
	v17 =	vadd.f32 v28, v22  }
0x11e: {  	v10 =	vadd.f32 v10, v19;
	v19 =	vperm.xlane v38, v3;
	v20 =	vadd.f32 v25, v26  }
0x11f: {  	v22 =	vperm.xlane v14, v1;
	v25 =	vperm.xlane v17, v1;
	v12 =	vadd.f32 v21, v12  }
0x120: {  	v6 =	vadd.f32 v6, v11;
	v21 =	vperm.xlane v20, v1;
	v10 =	vadd.f32 v24, v10  }
0x121: {  	v11 =	vadd.f32 v22, v14;
	v14 =	vadd.f32 v25, v17;
	v17 =	vperm.xlane v12, v1  }
0x122: {  	v22 =	vperm.xlane v6, v1;
	v20 =	vadd.f32 v21, v20;
	v21 =	vperm.xlane v10, v1  }
0x123: {  	v24 =	vperm.xlane v11, v2;
	v25 =	vperm.xlane v14, v2;
	v12 =	vadd.f32 v17, v12  }
0x124: {  	v6 =	vadd.f32 v22, v6;
	v17 =	vperm.xlane v20, v2;
	v10 =	vadd.f32 v21, v10  }
0x125: {  	v11 =	vadd.f32 v24, v11;
	v14 =	vadd.f32 v25, v14;
	v21 =	vperm.xlane v12, v2  }
0x126: {  	v22 =	vperm.xlane v6, v2;
	v17 =	vadd.f32 v17, v20;
	v20 =	vperm.xlane v10, v2  }
0x127: {  	v24 =	vperm.xlane v11, v3;
	v25 =	vperm.xlane v14, v3;
	v12 =	vadd.f32 v21, v12  }
0x128: {  	v6 =	vadd.f32 v22, v6;
	v21 =	vperm.xlane v17, v3;
	v10 =	vadd.f32 v20, v10  }
0x129: {  	v11 =	vadd.f32 v24, v11;
	v14 =	vadd.f32 v25, v14;
	v20 =	vperm.xlane v12, v3  }
0x12a: {  	v22 =	vperm.xlane v6, v3;
	v17 =	vadd.f32 v21, v17;
	v21 =	vperm.xlane v10, v3  }
0x12b: {  	v24 =	vperm.xlane v11, v4;
	v25 =	vperm.xlane v14, v4;
	v12 =	vadd.f32 v20, v12  }
0x12c: {  	v6 =	vadd.f32 v22, v6;
	v20 =	vperm.xlane v17, v4;
	v10 =	vadd.f32 v21, v10  }
0x12d: {  	v11 =	vadd.f32 v24, v11;
	v14 =	vadd.f32 v25, v14;
	v21 =	vperm.xlane v12, v4  }
0x12e: {  	v19 =	vadd.f32 v19, v38;
	v17 =	vadd.f32 v20, v17;
	v20 =	vperm.xlane v10, v4  }
0x12f: {  	v11 =	vsel vm0, v11, v14;
	v12 =	vadd.f32 v21, v12;
	v14 =	vperm.xlane v6, v4  }
0x130: {  	v11 =	vsel vm1, v11, v17;
	v10 =	vadd.f32 v20, v10;
	v17 =	vperm.xlane v19, v4  }
0x131: {  	v11 =	vsel vm2, v11, v12;
	v6 =	vadd.f32 v14, v6;
	v12 =	vperm.xlane v13, v4  }
0x132: {  	v14 =	vperm.xlane v23, v4;
	v10 =	vsel vm3, v11, v10;
	v11 =	vadd.f32 v17, v19  }
0x133: {  	v6 =	vsel vm4, v10, v6;
	v10 =	vadd.f32 v12, v13;
	v12 =	vperm.xlane v18, v4  }
0x134: {  	v13 =	vperm.xlane v16, v4;
	v6 =	vsel vm5, v6, v11;
	v11 =	vadd.f32 v14, v23  }
0x135: {  	v6 =	vsel vm6, v6, v10;
	v10 =	vadd.f32 v12, v18;
	v12 =	vperm.xlane v15, v4  }
0x136: {  	v6 =	vsel vm7, v6, v11;
	v11 =	vadd.f32 v13, v16;
	v13 =	vperm.xlane v9, v4  }
0x137: {  	v6 =	vsel vm8, v6, v10;
	v10 =	vadd.f32 v12, v15;
	v12 =	vperm.xlane v8, v4  }
0x138: {  	v6 =	vsel vm9, v6, v11;
	v9 =	vadd.f32 v13, v9;
	v11 =	vperm.xlane v7, v4  }
0x139: {  	v6 =	vsel vm10, v6, v10;
	v8 =	vadd.f32 v12, v8;
	v10 =	vperm.xlane v5, v4  }
0x13a: {  	v6 =	vsel vm11, v6, v9;
	v7 =	vadd.f32 v11, v7  }
0x13b: {  	v6 =	vsel vm12, v6, v8;
	v5 =	vadd.f32 v10, v5  }
0x13c: {  	v6 =	vsel vm13, v6, v7  }
0x13d: {  	v5 =	vsel vm14, v6, v5  }
0x13e: {  	v5 =	vmul.f32 $7.812500000e-03, v5  }
0x13f: {  	s28 =	sshra.s32 s25, $0x2;
	s25 =	smov.u32 s26  }
0x140: {  	s24 =	sadd.s32 $0x800, s24;
	[tilespmem:s28+$0x10000] =	vst v5  }
0x141: {  	v10 =	vld [tilespmem:s24+$0x3F0]  }
0x142: {  	v17 =	vld [tilespmem:s24+$0x370]  }
0x143: {  	v39 =	vld [tilespmem:s24+$0x3E0]  }
0x144: {  	v12 =	vld [tilespmem:s24+$0x2F0]  }
0x145: {  	v19 =	vld [tilespmem:s24+$0x360]  }
0x146: {  	v31 =	vld [tilespmem:s24+$0x3D0]  }
0x147: {  	v5 =	vld [tilespmem:s24+$0x270]  }
0x148: {  	v22 =	vld [tilespmem:s24+$0x2E0]  }
0x149: {  	v13 =	vld [tilespmem:s24+$0x350]  }
0x14a: {  	v11 =	vld [tilespmem:s24+$0x3C0]  }
0x14b: {  	v8 =	vld [tilespmem:s24+$0x1F0]  }
0x14c: {  	v32 =	vld [tilespmem:s24+$0x260]  }
0x14d: {  	v38 =	vld [tilespmem:s24+$0x2D0]  }
0x14e: {  	v41 =	vld [tilespmem:s24+$0x340]  }
0x14f: {  	v36 =	vld [tilespmem:s24+$0x3B0]  }
0x150: {  	v21 =	vld [tilespmem:s24+$0x170]  }
0x151: {  	v7 =	vld [tilespmem:s24+$0x1E0]  }
0x152: {  	v40 =	vld [tilespmem:s24+$0x250]  }
0x153: {  	v42 =	vld [tilespmem:s24+$0x2C0]  }
0x154: {  	v43 =	vld [tilespmem:s24+$0x330]  }
0x155: {  	v33 =	vld [tilespmem:s24+$0x3A0]  }
0x156: {  	v18 =	vld [tilespmem:s24+$0xF0]  }
0x157: {  	v20 =	vld [tilespmem:s24+$0x160]  }
0x158: {  	v14 =	vld [tilespmem:s24+$0x1D0]  }
0x159: {  	v44 =	vld [tilespmem:s24+$0x240]  }
0x15a: {  	v45 =	vld [tilespmem:s24+$0x2B0]  }
0x15b: {  	v46 =	vld [tilespmem:s24+$0x320]  }
0x15c: {  	v26 =	vld [tilespmem:s24+$0x380]  }
0x15d: {  	v30 =	vld [tilespmem:s24+$0x390]  }
0x15e: {  	v15 =	vld [tilespmem:s24+$0x70]  }
0x15f: {  	v24 =	vld [tilespmem:s24+$0xE0]  }
0x160: {  	v9 =	vld [tilespmem:s24+$0x150]  }
0x161: {  	v37 =	vld [tilespmem:s24+$0x1C0]  }
0x162: {  	v47 =	vld [tilespmem:s24+$0x230]  }
0x163: {  	v48 =	vld [tilespmem:s24+$0x2A0]  }
0x164: {  	v49 =	vld [tilespmem:s24+$0x300]  }
0x165: {  	v50 =	vld [tilespmem:s24+$0x310]  }
0x166: {  	v16 =	vld [tilespmem:s24+$0xFFFFFFF0]  }
0x167: {  	v27 =	vld [tilespmem:s24+$0x60]  }
0x168: {  	v25 =	vld [tilespmem:s24+$0xD0]  }
0x169: {  	v34 =	vld [tilespmem:s24+$0x140]  }
0x16a: {  	v51 =	vld [tilespmem:s24+$0x1B0]  }
0x16b: {  	v52 =	vld [tilespmem:s24+$0x220]  }
0x16c: {  	v53 =	vld [tilespmem:s24+$0x280]  }
0x16d: {  	v54 =	vld [tilespmem:s24+$0x290]  }
0x16e: {  	v23 =	vld [tilespmem:s24+$0xFFFFFF70]  }
0x16f: {  	v28 =	vld [tilespmem:s24+$0xFFFFFFE0]  }
0x170: {  	v29 =	vld [tilespmem:s24+$0x50]  }
0x171: {  	v35 =	vld [tilespmem:s24+$0xC0]  }
0x172: {  	v55 =	vld [tilespmem:s24+$0x130]  }
0x173: {  	v56 =	vld [tilespmem:s24+$0x1A0]  }
0x174: {  	v57 =	vld [tilespmem:s24+$0x200]  }
0x175: {  	v58 =	vld [tilespmem:s24+$0x210]  }
0x176: {  	v59 =	vadd.f32 v30, v26;
	v6 =	vld [tilespmem:s24+$0xFFFFFEF0]  }
0x177: {  	v26 =	vld [tilespmem:s24+$0xFFFFFF60]  }
0x178: {  	v59 =	vadd.f32 v33, v59;
	v30 =	vld [tilespmem:s24+$0xFFFFFFD0]  }
0x179: {  	v33 =	vld [tilespmem:s24+$0x40]  }
0x17a: {  	v36 =	vadd.f32 v36, v59;
	v60 =	vld [tilespmem:s24+$0xB0]  }
0x17b: {  	v59 =	vld [tilespmem:s24+$0x120]  }
0x17c: {  	v36 =	vadd.f32 v11, v36;
	v49 =	vadd.f32 v50, v49;
	v61 =	vld [tilespmem:s24+$0x180]  }
0x17d: {  	v53 =	vadd.f32 v54, v53;
	v50 =	vld [tilespmem:s24+$0x190]  }
0x17e: {  	v46 =	vadd.f32 v46, v49;
	v49 =	vadd.f32 v31, v36;
	v11 =	vld [tilespmem:s24+$0xFFFFFEE0]  }
0x17f: {  	v48 =	vadd.f32 v48, v53;
	v54 =	vadd.f32 v58, v57;
	v31 =	vld [tilespmem:s24+$0xFFFFFF50]  }
0x180: {  	v43 =	vadd.f32 v43, v46;
	v39 =	vadd.f32 v39, v49;
	v36 =	vld [tilespmem:s24+$0xFFFFFFC0]  }
0x181: {  	v45 =	vadd.f32 v45, v48;
	v49 =	vadd.f32 v52, v54;
	v46 =	vld [tilespmem:s24+$0x30]  }
0x182: {  	v41 =	vadd.f32 v41, v43;
	v39 =	vadd.f32 v10, v39;
	v48 =	vld [tilespmem:s24+$0xA0]  }
0x183: {  	v42 =	vadd.f32 v42, v45;
	v47 =	vadd.f32 v47, v49;
	v43 =	vld [tilespmem:s24+$0x100]  }
0x184: {  	v41 =	vadd.f32 v13, v41;
	v49 =	vperm.xlane v39, v1;
	v45 =	vld [tilespmem:s24+$0x110]  }
0x185: {  	v42 =	vadd.f32 v38, v42;
	v44 =	vadd.f32 v44, v47;
	v10 =	vld [tilespmem:s24+$0xFFFFFE60]  }
0x186: {  	v19 =	vadd.f32 v19, v41;
	v39 =	vadd.f32 v49, v39;
	v13 =	vld [tilespmem:s24+$0xFFFFFED0]  }
0x187: {  	v22 =	vadd.f32 v22, v42;
	v40 =	vadd.f32 v40, v44;
	v38 =	vld [tilespmem:s24+$0xFFFFFF40]  }
0x188: {  	v17 =	vadd.f32 v17, v19;
	v19 =	vperm.xlane v39, v2;
	v41 =	vld [tilespmem:s24+$0xFFFFFFB0]  }
0x189: {  	v22 =	vadd.f32 v12, v22;
	v32 =	vadd.f32 v32, v40;
	v42 =	vld [tilespmem:s24+$0x20]  }
0x18a: {  	v44 =	vadd.f32 v50, v61;
	v39 =	vadd.f32 v19, v39;
	v40 =	vld [tilespmem:s24+$0x80]  }
0x18b: {  	v49 =	vadd.f32 v5, v32;
	v5 =	vperm.xlane v22, v1;
	v32 =	vperm.xlane v17, v1;
	v47 =	vld [tilespmem:s24+$0x90]  }
0x18c: {  	v44 =	vadd.f32 v56, v44;
	v50 =	vperm.xlane v39, v3;
	v12 =	vld [tilespmem:s24+$0xFFFFFDE0]  }
0x18d: {  	v52 =	vperm.xlane v49, v1;
	v22 =	vadd.f32 v5, v22;
	v17 =	vadd.f32 v32, v17;
	v19 =	vld [tilespmem:s24+$0xFFFFFE50]  }
0x18e: {  	v44 =	vadd.f32 v51, v44;
	v5 =	vadd.f32 v50, v39;
	v32 =	vld [tilespmem:s24+$0xFFFFFEC0]  }
0x18f: {  	v49 =	vadd.f32 v52, v49;
	v50 =	vperm.xlane v22, v2;
	v51 =	vperm.xlane v17, v2;
	v39 =	vld [tilespmem:s24+$0xFFFFFF30]  }
0x190: {  	v37 =	vadd.f32 v37, v44;
	v43 =	vadd.f32 v45, v43;
	v52 =	vld [tilespmem:s24+$0xFFFFFFA0]  }
0x191: {  	v45 =	vperm.xlane v49, v2;
	v50 =	vadd.f32 v50, v22;
	v51 =	vadd.f32 v51, v17;
	v44 =	vld [tilespmem:s24+$0x0]  }
0x192: {  	v37 =	vadd.f32 v14, v37;
	v22 =	vadd.f32 v59, v43;
	v53 =	vld [tilespmem:s24+$0x10]  }
0x193: {  	v43 =	vadd.f32 v45, v49;
	v45 =	vperm.xlane v51, v3;
	v40 =	vadd.f32 v47, v40;
	v14 =	vld [tilespmem:s24+$0xFFFFFC70]  }
0x194: {  	v37 =	vadd.f32 v7, v37;
	v47 =	vadd.f32 v55, v22;
	v17 =	vld [tilespmem:s24+$0xFFFFFDD0]  }
0x195: {  	v7 =	vadd.f32 v45, v51;
	v40 =	vadd.f32 v48, v40;
	v48 =	vperm.xlane v50, v3;
	v22 =	vld [tilespmem:s24+$0xFFFFFE40]  }
0x196: {  	v37 =	vadd.f32 v8, v37;
	v34 =	vadd.f32 v34, v47;
	v47 =	vperm.xlane v43, v3;
	v45 =	vld [tilespmem:s24+$0xFFFFFF80]  }
0x197: {  	v40 =	vadd.f32 v60, v40;
	v8 =	vadd.f32 v48, v50;
	v49 =	vld [tilespmem:s24+$0xFFFFFF90]  }
0x198: {  	v34 =	vadd.f32 v9, v34;
	v50 =	vperm.xlane v37, v1;
	v9 =	vadd.f32 v47, v43;
	v48 =	vld [tilespmem:s24+$0xFFFFFEB0]  }
0x199: {  	v35 =	vadd.f32 v35, v40;
	v44 =	vadd.f32 v53, v44;
	v43 =	vld [tilespmem:s24+$0xFFFFFF20]  }
0x19a: {  	v34 =	vadd.f32 v20, v34;
	v37 =	vadd.f32 v50, v37;
	v40 =	vld [tilespmem:s24+$0xFFFFFF00]  }
0x19b: {  	v25 =	vadd.f32 v25, v35;
	v42 =	vadd.f32 v42, v44;
	v47 =	vld [tilespmem:s24+$0xFFFFFF10]  }
0x19c: {  	v34 =	vadd.f32 v21, v34;
	v44 =	vperm.xlane v37, v2;
	v20 =	vld [tilespmem:s24+$0xFFFFFC60];
	v35 =	vadd.f32 v49, v45  }
0x19d: {  	v24 =	vadd.f32 v24, v25;
	v42 =	vadd.f32 v46, v42;
	v21 =	vld [tilespmem:s24+$0xFFFFFDC0]  }
0x19e: {  	v45 =	vld [tilespmem:s24+$0xFFFFFE30];
	v25 =	vadd.f32 v52, v35;
	v35 =	vadd.f32 v44, v37  }
0x19f: {  	v18 =	vadd.f32 v18, v24;
	v33 =	vadd.f32 v33, v42;
	v42 =	vperm.xlane v34, v1;
	v37 =	vld [tilespmem:s24+$0xFFFFFEA0]  }
0x1a0: {  	v24 =	vld [tilespmem:s24+$0xFFFFFC50];
	v40 =	vadd.f32 v47, v40;
	v41 =	vadd.f32 v41, v25  }
0x1a1: {  	v29 =	vadd.f32 v29, v33;
	v33 =	vperm.xlane v18, v1;
	v34 =	vadd.f32 v42, v34;
	v25 =	vld [tilespmem:s24+$0xFFFFFDB0]  }
0x1a2: {  	v42 =	vld [tilespmem:s24+$0xFFFFFE20];
	v40 =	vadd.f32 v43, v40;
	v36 =	vadd.f32 v36, v41  }
0x1a3: {  	v29 =	vadd.f32 v27, v29;
	v18 =	vadd.f32 v33, v18;
	v33 =	vperm.xlane v34, v2;
	v41 =	vld [tilespmem:s24+$0xFFFFFE80]  }
0x1a4: {  	v43 =	vld [tilespmem:s24+$0xFFFFFE90];
	v39 =	vadd.f32 v39, v40;
	v30 =	vadd.f32 v30, v36  }
0x1a5: {  	v33 =	vadd.f32 v33, v34;
	v36 =	vadd.f32 v15, v29;
	v15 =	vperm.xlane v18, v2;
	v27 =	vld [tilespmem:s24+$0xFFFFFC40]  }
0x1a6: {  	v29 =	vld [tilespmem:s24+$0xFFFFFDA0];
	v34 =	vadd.f32 v38, v39;
	v28 =	vadd.f32 v28, v30  }
0x1a7: {  	v18 =	vadd.f32 v15, v18;
	v15 =	vperm.xlane v33, v3;
	v30 =	vperm.xlane v35, v3;
	v38 =	vld [tilespmem:s24+$0xFFFFFE00]  }
0x1a8: {  	v40 =	vperm.xlane v36, v1;
	v39 =	vld [tilespmem:s24+$0xFFFFFE10];
	v31 =	vadd.f32 v31, v34;
	v34 =	vadd.f32 v16, v28  }
0x1a9: {  	v44 =	vperm.xlane v18, v3;
	v16 =	vadd.f32 v15, v33;
	v15 =	vadd.f32 v30, v35;
	v28 =	vld [tilespmem:s24+$0xFFFFFC30]  }
0x1aa: {  	v36 =	vadd.f32 v40, v36;
	v30 =	vld [tilespmem:s24+$0xFFFFFD80];
	v33 =	vadd.f32 v26, v31;
	v35 =	vperm.xlane v34, v1  }
0x1ab: {  	v40 =	vadd.f32 v43, v41;
	v18 =	vadd.f32 v44, v18;
	v26 =	vld [tilespmem:s24+$0xFFFFFD90]  }
0x1ac: {  	v31 =	vld [tilespmem:s24+$0xFFFFFC20];
	v41 =	vadd.f32 v23, v33;
	v43 =	vadd.f32 v35, v34;
	v23 =	vperm.xlane v36, v2  }
.Ltmp5:
0x1ad: {  	v37 =	vadd.f32 v37, v40;
	v33 =	vld [tilespmem:s24+$0xFFFFFD00];
	v38 =	vadd.f32 v39, v38;
	(pc) =	sbr.rel @p0 .LBB2_4-.Ltmp5, $4  }
0x1ae: {  	v34 =	vld [tilespmem:s24+$0xFFFFFC10];
	v39 =	vperm.xlane v41, v1;
	v40 =	vperm.xlane v43, v2;
	v23 =	vadd.f32 v23, v36  }
0x1af: {  	v44 =	vadd.f32 v48, v37;
	v35 =	vld [tilespmem:s24+$0xFFFFFC00];
	v42 =	vadd.f32 v42, v38  }
0x1b0: {  	v36 =	vld [tilespmem:s24+$0xFFFFFC80];
	v38 =	vadd.f32 v39, v41;
	v39 =	vadd.f32 v40, v43;
	v40 =	vperm.xlane v23, v3  }
0x1b1: {  	s26 =	sadd.s32 $0x40, s26;
	v32 =	vadd.f32 v32, v44;
	v37 =	vld [tilespmem:s24+$0xFFFFFC90];
	v41 =	vadd.f32 v45, v42  }
0x1b2: {  	v43 =	vperm.xlane v38, v2  }
0x1b3: {  	v42 =	vld [tilespmem:s24+$0xFFFFFD10];
	v44 =	vperm.xlane v39, v3;
	v23 =	vadd.f32 v40, v23;
	v26 =	vadd.f32 v26, v30  }
0x1b4: {  	v62 =	vld [tilespmem:s24+$0xFFFFFCA0];
	v22 =	vadd.f32 v22, v41;
	v13 =	vadd.f32 v13, v32  }
0x1b5: {  	v63 =	vld [tilespmem:s24+$0xFFFFFD20];
	v38 =	vadd.f32 v43, v38;
	v39 =	vadd.f32 v44, v39  }
0x1b6: {  	v44 =	vld [tilespmem:s24+$0xFFFFFCB0];
	v45 =	vadd.f32 v34, v35;
	v26 =	vadd.f32 v29, v26  }
0x1b7: {  	v47 =	vld [tilespmem:s24+$0xFFFFFD30];
	v19 =	vadd.f32 v19, v22;
	v46 =	vadd.f32 v37, v36  }
0x1b8: {  	v48 =	vld [tilespmem:s24+$0xFFFFFCC0];
	v11 =	vadd.f32 v11, v13;
	v33 =	vadd.f32 v42, v33  }
0x1b9: {  	v49 =	vld [tilespmem:s24+$0xFFFFFD40];
	v13 =	vadd.f32 v31, v45;
	v22 =	vadd.f32 v62, v46  }
0x1ba: {  	v50 =	vld [tilespmem:s24+$0xFFFFFCD0];
	v25 =	vadd.f32 v25, v26;
	v32 =	vadd.f32 v63, v33  }
0x1bb: {  	v51 =	vld [tilespmem:s24+$0xFFFFFD50];
	v13 =	vadd.f32 v28, v13;
	v22 =	vadd.f32 v44, v22  }
0x1bc: {  	v52 =	vld [tilespmem:s24+$0xFFFFFCE0];
	v10 =	vadd.f32 v10, v19;
	v32 =	vadd.f32 v47, v32  }
0x1bd: {  	v53 =	vld [tilespmem:s24+$0xFFFFFD60];
	v13 =	vadd.f32 v27, v13;
	v22 =	vadd.f32 v48, v22  }
0x1be: {  	v54 =	vld [tilespmem:s24+$0xFFFFFCF0];
	v21 =	vadd.f32 v21, v25;
	v30 =	vadd.f32 v49, v32  }
0x1bf: {  	v55 =	vld [tilespmem:s24+$0xFFFFFD70];
	v13 =	vadd.f32 v24, v13;
	v22 =	vadd.f32 v50, v22  }
0x1c0: {  	v57 =	vld [tilespmem:s24+$0xFFFFFDF0];
	v17 =	vadd.f32 v17, v21;
	v56 =	vadd.f32 v51, v30  }
0x1c1: {  	v59 =	vld [tilespmem:s24+$0xFFFFFE70];
	v13 =	vadd.f32 v20, v13;
	v58 =	vadd.f32 v52, v22  }
0x1c2: {  	v12 =	vadd.f32 v12, v17;
	v25 =	vadd.f32 v53, v56  }
0x1c3: {  	v13 =	vadd.f32 v14, v13;
	v60 =	vadd.f32 v54, v58  }
0x1c4: {  	v6 =	vadd.f32 v6, v11;
	v61 =	vadd.f32 v55, v25  }
0x1c5: {  	v12 =	vadd.f32 v57, v12;
	v63 =	vperm.xlane v13, v1;
	v28 =	vperm.xlane v60, v1  }
0x1c6: {  	v62 =	vperm.xlane v38, v3;
	v10 =	vadd.f32 v59, v10;
	v29 =	vperm.xlane v61, v1  }
0x1c7: {  	v32 =	vperm.xlane v12, v1;
	v30 =	vadd.f32 v63, v13;
	v31 =	vadd.f32 v28, v60  }
0x1c8: {  	v34 =	vperm.xlane v6, v1;
	v33 =	vperm.xlane v10, v1;
	v17 =	vadd.f32 v29, v61  }
0x1c9: {  	v12 =	vadd.f32 v32, v12;
	v35 =	vperm.xlane v30, v2;
	v24 =	vperm.xlane v31, v2  }
0x1ca: {  	v6 =	vadd.f32 v34, v6;
	v10 =	vadd.f32 v33, v10;
	v36 =	vperm.xlane v17, v2  }
0x1cb: {  	v37 =	vperm.xlane v12, v2;
	v11 =	vadd.f32 v35, v30;
	v13 =	vadd.f32 v24, v31  }
0x1cc: {  	v21 =	vperm.xlane v6, v2;
	v40 =	vperm.xlane v10, v2;
	v14 =	vadd.f32 v36, v17  }
0x1cd: {  	v12 =	vadd.f32 v37, v12;
	v22 =	vperm.xlane v11, v3;
	v24 =	vperm.xlane v13, v3  }
0x1ce: {  	v6 =	vadd.f32 v21, v6;
	v10 =	vadd.f32 v40, v10;
	v41 =	vperm.xlane v14, v3  }
0x1cf: {  	v42 =	vperm.xlane v12, v3;
	v11 =	vadd.f32 v22, v11;
	v13 =	vadd.f32 v24, v13  }
0x1d0: {  	v21 =	vperm.xlane v6, v3;
	v43 =	vperm.xlane v10, v3;
	v14 =	vadd.f32 v41, v14  }
0x1d1: {  	v12 =	vadd.f32 v42, v12;
	v22 =	vperm.xlane v11, v4;
	v24 =	vperm.xlane v13, v4  }
0x1d2: {  	v6 =	vadd.f32 v21, v6;
	v10 =	vadd.f32 v43, v10;
	v44 =	vperm.xlane v14, v4  }
0x1d3: {  	v45 =	vperm.xlane v12, v4;
	v11 =	vadd.f32 v22, v11;
	v13 =	vadd.f32 v24, v13  }
0x1d4: {  	v19 =	vadd.f32 v62, v38;
	v46 =	vperm.xlane v10, v4;
	v14 =	vadd.f32 v44, v14  }
0x1d5: {  	v47 =	vperm.xlane v6, v4;
	v12 =	vadd.f32 v45, v12;
	v11 =	vsel vm0, v11, v13  }
0x1d6: {  	v48 =	vperm.xlane v19, v4;
	v10 =	vadd.f32 v46, v10;
	v11 =	vsel vm1, v11, v14  }
0x1d7: {  	v49 =	vperm.xlane v39, v4;
	v6 =	vadd.f32 v47, v6;
	v11 =	vsel vm2, v11, v12  }
0x1d8: {  	v50 =	vadd.f32 v48, v19;
	v51 =	vperm.xlane v23, v4;
	v10 =	vsel vm3, v11, v10  }
0x1d9: {  	v52 =	vadd.f32 v49, v39;
	v53 =	vperm.xlane v18, v4;
	v6 =	vsel vm4, v10, v6  }
0x1da: {  	v54 =	vadd.f32 v51, v23;
	v55 =	vperm.xlane v16, v4;
	v6 =	vsel vm5, v6, v50  }
0x1db: {  	v57 =	vperm.xlane v15, v4;
	v56 =	vadd.f32 v53, v18;
	v6 =	vsel vm6, v6, v52  }
0x1dc: {  	v59 =	vperm.xlane v9, v4;
	v58 =	vadd.f32 v55, v16;
	v6 =	vsel vm7, v6, v54  }
0x1dd: {  	v60 =	vadd.f32 v57, v15;
	v61 =	vperm.xlane v8, v4;
	v6 =	vsel vm8, v6, v56  }
0x1de: {  	v62 =	vperm.xlane v7, v4;
	v9 =	vadd.f32 v59, v9;
	v6 =	vsel vm9, v6, v58  }
0x1df: {  	v63 =	vperm.xlane v5, v4;
	v8 =	vadd.f32 v61, v8;
	v6 =	vsel vm10, v6, v60  }
0x1e0: {  	v7 =	vadd.f32 v62, v7;
	v6 =	vsel vm11, v6, v9  }
0x1e1: {  	v5 =	vadd.f32 v63, v5;
	v6 =	vsel vm12, v6, v8  }
.Ltmp6:
0x1e2: {  	v6 =	vsel vm13, v6, v7;
	(pc) =	sbr.rel .LBB2_9-.Ltmp6, $4  }
0x1e3: {  	v5 =	vsel vm14, v6, v5  }
0x1e4: {  	v5 =	vmul.f32 $7.812500000e-03, v5  }
0x1e5: {  	s31 =	sshra.s32 s25, $0x2  }
0x1e6: {  	s24 =	simm.s32 $0x3;
	[tilespmem:s31+$0x10000] =	vst v5  }
.LBB2_6:
0x1e7: {  	s24 =	sshll.u32 s23, $0xF  }
0x1e8: {  	s24 =	sadd.s32 s24, s9  }
0x1e9: {  	s24 =	sshrl.u32 s24, $0x3  }
0x1ea: {  	s25 =	sadd.s32 s0, s24;
	s24 =	simm.s32 $0x0  }
0x1eb: {  	[tilespmem:s24], [sflag:$0x1] =	stream.linear.gather [hbm4b:s25+s24], $0x8000, $0x38;
	[tilespmem:$0x11F80] =	vst v63  }
0x1ec: {  	s25 =	simm.s32 $0x8400  }
0x1ed: {  	v5 =	vld [tilespmem:s25+$0x3F0]  }
0x1ee: {  	v7 =	vld [tilespmem:s25+$0x370]  }
0x1ef: {  	v9 =	vld [tilespmem:s25+$0x3E0]  }
0x1f0: {  	v12 =	vld [tilespmem:s25+$0x2F0]  }
0x1f1: {  	v14 =	vld [tilespmem:s25+$0x360]  }
0x1f2: {  	v10 =	vld [tilespmem:s25+$0x3D0]  }
0x1f3: {  	v17 =	vld [tilespmem:s25+$0x270]  }
0x1f4: {  	v19 =	vld [tilespmem:s25+$0x2E0]  }
0x1f5: {  	v13 =	vld [tilespmem:s25+$0x350]  }
0x1f6: {  	v11 =	vld [tilespmem:s25+$0x3C0]  }
0x1f7: {  	v8 =	vld [tilespmem:s25+$0x1F0]  }
0x1f8: {  	v22 =	vld [tilespmem:s25+$0x260]  }
0x1f9: {  	v31 =	vld [tilespmem:s25+$0x2D0]  }
0x1fa: {  	v32 =	vld [tilespmem:s25+$0x340]  }
0x1fb: {  	v30 =	vld [tilespmem:s25+$0x3B0]  }
0x1fc: {  	v21 =	vld [tilespmem:s25+$0x170]  }
0x1fd: {  	v33 =	vld [tilespmem:s25+$0x1E0]  }
0x1fe: {  	v34 =	vld [tilespmem:s25+$0x250]  }
0x1ff: {  	v35 =	vld [tilespmem:s25+$0x2C0]  }
0x200: {  	v36 =	vld [tilespmem:s25+$0x330]  }
0x201: {  	v37 =	vld [tilespmem:s25+$0x3A0]  }
0x202: {  	v24 =	vld [tilespmem:s25+$0xF0]  }
0x203: {  	v20 =	vld [tilespmem:s25+$0x160]  }
0x204: {  	v38 =	vld [tilespmem:s25+$0x1D0]  }
0x205: {  	v39 =	vld [tilespmem:s25+$0x240]  }
0x206: {  	v40 =	vld [tilespmem:s25+$0x2B0]  }
0x207: {  	v41 =	vld [tilespmem:s25+$0x320]  }
0x208: {  	v18 =	vld [tilespmem:s25+$0x380]  }
0x209: {  	v28 =	vld [tilespmem:s25+$0x390]  }
0x20a: {  	v16 =	vld [tilespmem:s25+$0x70]  }
0x20b: {  	v25 =	vld [tilespmem:s25+$0xE0]  }
0x20c: {  	v42 =	vld [tilespmem:s25+$0x150]  }
0x20d: {  	v43 =	vld [tilespmem:s25+$0x1C0]  }
0x20e: {  	v44 =	vld [tilespmem:s25+$0x230]  }
0x20f: {  	v45 =	vld [tilespmem:s25+$0x2A0]  }
0x210: {  	v46 =	vld [tilespmem:s25+$0x300]  }
0x211: {  	v47 =	vld [tilespmem:s25+$0x310]  }
0x212: {  	v15 =	vld [tilespmem:s25+$0xFFFFFFF0]  }
0x213: {  	v27 =	vld [tilespmem:s25+$0x60]  }
0x214: {  	v48 =	vld [tilespmem:s25+$0xD0]  }
0x215: {  	v49 =	vld [tilespmem:s25+$0x140]  }
0x216: {  	v50 =	vld [tilespmem:s25+$0x1B0]  }
0x217: {  	v51 =	vld [tilespmem:s25+$0x220]  }
0x218: {  	v52 =	vld [tilespmem:s25+$0x280]  }
0x219: {  	v53 =	vld [tilespmem:s25+$0x290]  }
0x21a: {  	v23 =	vld [tilespmem:s25+$0xFFFFFF70]  }
0x21b: {  	v26 =	vld [tilespmem:s25+$0xFFFFFFE0]  }
0x21c: {  	v29 =	vld [tilespmem:s25+$0x50]  }
0x21d: {  	v54 =	vld [tilespmem:s25+$0xC0]  }
0x21e: {  	v55 =	vld [tilespmem:s25+$0x130]  }
0x21f: {  	v56 =	vld [tilespmem:s25+$0x1A0]  }
0x220: {  	v57 =	vld [tilespmem:s25+$0x200]  }
0x221: {  	v58 =	vld [tilespmem:s25+$0x210]  }
0x222: {  	v6 =	vld [tilespmem:s25+$0xFFFFFEF0]  }
0x223: {  	v60 =	vld [tilespmem:s25+$0xB0]  }
0x224: {  	v61 =	vld [tilespmem:s25+$0x180]  }
0x225: {  	v59 =	vadd.f32 v28, v18;
	v18 =	vld [tilespmem:s25+$0xFFFFFF60]  }
0x226: {  	v28 =	vld [tilespmem:s25+$0xFFFFFFD0];
	v46 =	vadd.f32 v47, v46  }
0x227: {  	v47 =	vld [tilespmem:s25+$0x190];
	v52 =	vadd.f32 v53, v52;
	v37 =	vadd.f32 v37, v59  }
0x228: {  	v59 =	vld [tilespmem:s25+$0x40];
	v41 =	vadd.f32 v41, v46  }
0x229: {  	v45 =	vadd.f32 v45, v52;
	v52 =	vld [tilespmem:s25+$0xFFFFFFC0];
	v30 =	vadd.f32 v30, v37  }
0x22a: {  	v37 =	vld [tilespmem:s25+$0x120]  }
0x22b: {  	v36 =	vadd.f32 v36, v41;
	v41 =	vld [tilespmem:s25+$0x30];
	v30 =	vadd.f32 v11, v30  }
0x22c: {  	v40 =	vadd.f32 v40, v45;
	v45 =	vld [tilespmem:s25+$0xA0]  }
0x22d: {  	v62 =	vadd.f32 v58, v57;
	v11 =	vld [tilespmem:s25+$0xFFFFFEE0];
	v10 =	vadd.f32 v10, v30  }
0x22e: {  	v32 =	vadd.f32 v32, v36;
	v35 =	vadd.f32 v35, v40;
	v40 =	vld [tilespmem:s25+$0x110]  }
0x22f: {  	v30 =	vld [tilespmem:s25+$0xFFFFFF50];
	v9 =	vadd.f32 v9, v10;
	v10 =	vadd.f32 v51, v62  }
0x230: {  	v32 =	vadd.f32 v13, v32;
	v13 =	vld [tilespmem:s25+$0xFFFFFED0]  }
0x231: {  	v5 =	vadd.f32 v5, v9;
	v9 =	vld [tilespmem:s25+$0x100];
	v63 =	vadd.f32 v44, v10  }
0x232: {  	v31 =	vadd.f32 v31, v35;
	v35 =	vld [tilespmem:s25+$0x20]  }
0x233: {  	v14 =	vadd.f32 v14, v32;
	v32 =	vld [tilespmem:s25+$0xFFFFFF40];
	v51 =	vperm.xlane v5, v1;
	v36 =	vadd.f32 v39, v63  }
0x234: {  	v19 =	vadd.f32 v19, v31;
	v39 =	vld [tilespmem:s25+$0x90]  }
0x235: {  	v5 =	vadd.f32 v51, v5;
	v34 =	vadd.f32 v34, v36;
	v36 =	vld [tilespmem:s25+$0x80]  }
0x236: {  	v31 =	vld [tilespmem:s25+$0xFFFFFFB0];
	v7 =	vadd.f32 v7, v14;
	v9 =	vadd.f32 v40, v9  }
0x237: {  	v10 =	vld [tilespmem:s25+$0xFFFFFE60];
	v53 =	vadd.f32 v12, v19;
	v14 =	vperm.xlane v5, v2;
	v22 =	vadd.f32 v22, v34  }
0x238: {  	v19 =	vadd.f32 v47, v61;
	v12 =	vld [tilespmem:s25+$0xFFFFFDE0];
	v9 =	vadd.f32 v37, v9  }
0x239: {  	v47 =	vld [tilespmem:s25+$0xFFFFFFA0];
	v5 =	vadd.f32 v14, v5;
	v14 =	vadd.f32 v17, v22;
	v17 =	vperm.xlane v53, v1  }
0x23a: {  	v57 =	vadd.f32 v56, v19;
	v19 =	vld [tilespmem:s25+$0xFFFFFE50];
	v22 =	vperm.xlane v7, v1;
	v36 =	vadd.f32 v39, v36  }
0x23b: {  	v51 =	vld [tilespmem:s25+$0xFFFFFEC0];
	v9 =	vadd.f32 v55, v9;
	v58 =	vperm.xlane v5, v3;
	v17 =	vadd.f32 v17, v53  }
0x23c: {  	v40 =	vld [tilespmem:s25+$0x0];
	v61 =	vperm.xlane v14, v1;
	v7 =	vadd.f32 v22, v7;
	v22 =	vadd.f32 v50, v57  }
0x23d: {  	v57 =	vld [tilespmem:s25+$0x10];
	v36 =	vadd.f32 v45, v36;
	v9 =	vadd.f32 v49, v9  }
0x23e: {  	v34 =	vld [tilespmem:s25+$0xFFFFFF30];
	v5 =	vadd.f32 v58, v5;
	v62 =	vadd.f32 v61, v14;
	v14 =	vperm.xlane v17, v2  }
0x23f: {  	v39 =	vld [tilespmem:s25+$0xFFFFFEB0];
	v63 =	vperm.xlane v7, v2;
	v22 =	vadd.f32 v43, v22;
	v36 =	vadd.f32 v60, v36  }
0x240: {  	v55 =	vld [tilespmem:s25+$0xFFFFFF10];
	v42 =	vadd.f32 v42, v9;
	v56 =	vadd.f32 v14, v17  }
0x241: {  	v49 =	vld [tilespmem:s25+$0xFFFFFF90];
	v53 =	vperm.xlane v62, v2;
	v7 =	vadd.f32 v63, v7;
	v22 =	vadd.f32 v38, v22  }
0x242: {  	v63 =	vld [tilespmem:s25+$0xFFFFFF80];
	v40 =	vadd.f32 v57, v40;
	v36 =	vadd.f32 v54, v36  }
0x243: {  	v14 =	vld [tilespmem:s25+$0xFFFFFC70];
	v42 =	vadd.f32 v20, v42;
	v58 =	vadd.f32 v53, v62;
	v61 =	vperm.xlane v7, v3  }
0x244: {  	v54 =	vld [tilespmem:s25+$0xFFFFFF00];
	v33 =	vadd.f32 v33, v22;
	v62 =	vperm.xlane v56, v3;
	v35 =	vadd.f32 v35, v40  }
0x245: {  	v17 =	vld [tilespmem:s25+$0xFFFFFDD0];
	v36 =	vadd.f32 v48, v36;
	v7 =	vadd.f32 v61, v7  }
0x246: {  	v20 =	vld [tilespmem:s25+$0xFFFFFC60];
	v33 =	vadd.f32 v8, v33;
	v8 =	vadd.f32 v62, v56  }
0x247: {  	v53 =	vld [tilespmem:s25+$0xFFFFFF20];
	v43 =	vperm.xlane v58, v3;
	v56 =	vadd.f32 v21, v42;
	v38 =	vadd.f32 v49, v63  }
0x248: {  	v22 =	vld [tilespmem:s25+$0xFFFFFE40];
	v35 =	vadd.f32 v41, v35;
	v25 =	vadd.f32 v25, v36  }
0x249: {  	v48 =	vld [tilespmem:s25+$0xFFFFFE80];
	v50 =	vperm.xlane v33, v1;
	v9 =	vadd.f32 v43, v58;
	v43 =	vadd.f32 v55, v54  }
0x24a: {  	v21 =	vld [tilespmem:s25+$0xFFFFFDC0];
	v58 =	vadd.f32 v47, v38;
	v35 =	vadd.f32 v59, v35  }
0x24b: {  	v41 =	vld [tilespmem:s25+$0xFFFFFE30];
	v60 =	vperm.xlane v56, v1;
	v59 =	vadd.f32 v24, v25;
	v33 =	vadd.f32 v50, v33  }
0x24c: {  	v63 =	vld [tilespmem:s25+$0xFFFFFE20];
	v37 =	vadd.f32 v53, v43;
	v31 =	vadd.f32 v31, v58  }
0x24d: {  	v54 =	vld [tilespmem:s25+$0xFFFFFE10];
	v62 =	vadd.f32 v60, v56;
	v29 =	vadd.f32 v29, v35;
	v61 =	vperm.xlane v59, v1  }
0x24e: {  	v50 =	vld [tilespmem:s25+$0xFFFFFE90];
	v57 =	vperm.xlane v33, v2;
	v34 =	vadd.f32 v34, v37;
	v31 =	vadd.f32 v52, v31  }
0x24f: {  	v38 =	vld [tilespmem:s25+$0xFFFFFEA0];
	v49 =	vperm.xlane v62, v2;
	v29 =	vadd.f32 v27, v29;
	v35 =	vadd.f32 v61, v59  }
0x250: {  	v24 =	vld [tilespmem:s25+$0xFFFFFC50];
	v33 =	vadd.f32 v57, v33;
	v28 =	vadd.f32 v28, v31  }
0x251: {  	v52 =	vld [tilespmem:s25+$0xFFFFFE00];
	v36 =	vadd.f32 v49, v62;
	v32 =	vadd.f32 v32, v34  }
0x252: {  	v25 =	vld [tilespmem:s25+$0xFFFFFDB0];
	v31 =	vadd.f32 v16, v29;
	v16 =	vperm.xlane v35, v2;
	v26 =	vadd.f32 v26, v28  }
0x253: {  	v27 =	vld [tilespmem:s25+$0xFFFFFC40];
	v59 =	vadd.f32 v50, v48;
	v53 =	vperm.xlane v33, v3;
	v32 =	vadd.f32 v30, v32  }
0x254: {  	v34 =	vld [tilespmem:s25+$0xFFFFFC10];
	v35 =	vadd.f32 v16, v35;
	v55 =	vadd.f32 v15, v26;
	v26 =	vperm.xlane v31, v1  }
0x255: {  	v29 =	vld [tilespmem:s25+$0xFFFFFDA0];
	v16 =	vperm.xlane v36, v3;
	v37 =	vadd.f32 v38, v59;
	v32 =	vadd.f32 v18, v32  }
0x256: {  	v30 =	vld [tilespmem:s25+$0xFFFFFD80];
	v42 =	vadd.f32 v54, v52;
	v57 =	vperm.xlane v55, v1;
	v58 =	vadd.f32 v26, v31  }
0x257: {  	v28 =	vld [tilespmem:s25+$0xFFFFFC30];
	v16 =	vadd.f32 v16, v36;
	v15 =	vadd.f32 v53, v33  }
0x258: {  	v33 =	vld [tilespmem:s25+$0xFFFFFD00];
	v32 =	vadd.f32 v23, v32;
	v60 =	vadd.f32 v57, v55;
	v23 =	vperm.xlane v58, v2  }
0x259: {  	v56 =	vperm.xlane v35, v3;
	v36 =	vld [tilespmem:s25+$0xFFFFFC80];
	v42 =	vadd.f32 v63, v42;
	v63 =	vadd.f32 v39, v37  }
0x25a: {  	v37 =	vld [tilespmem:s25+$0xFFFFFC90];
	v61 =	vperm.xlane v32, v1;
	v62 =	vperm.xlane v60, v2;
	v23 =	vadd.f32 v23, v58  }
0x25b: {  	v26 =	vld [tilespmem:s25+$0xFFFFFD90];
	v18 =	vadd.f32 v56, v35  }
0x25c: {  	v31 =	vld [tilespmem:s25+$0xFFFFFC20];
	v38 =	vadd.f32 v61, v32;
	v39 =	vadd.f32 v62, v60;
	v40 =	vperm.xlane v23, v3  }
0x25d: {  	s26 =	simm.s32 $0x40;
	v35 =	vld [tilespmem:s25+$0xFFFFFC00];
	v41 =	vadd.f32 v41, v42;
	v32 =	vadd.f32 v51, v63  }
.LBB2_7:
0x25e: {  	p0 =	sne.s32 s26, $0x3C0;
	v42 =	vld [tilespmem:s25+$0xFFFFFD10];
	v43 =	vperm.xlane v38, v2;
	v44 =	vperm.xlane v39, v3;
	v23 =	vadd.f32 v40, v23  }
0x25f: {  	v22 =	vadd.f32 v22, v41;
	v32 =	vadd.f32 v13, v32;
	v40 =	vld [tilespmem:s25+$0xFFFFFCA0]  }
0x260: {  	v41 =	vld [tilespmem:s25+$0xFFFFFD20];
	v38 =	vadd.f32 v43, v38;
	v13 =	vadd.f32 v44, v39  }
0x261: {  	v19 =	vadd.f32 v19, v22;
	v11 =	vadd.f32 v11, v32;
	v39 =	vld [tilespmem:s25+$0xFFFFFCB0]  }
0x262: {  	v22 =	vadd.f32 v34, v35;
	v32 =	vadd.f32 v37, v36;
	v34 =	vld [tilespmem:s25+$0xFFFFFD30]  }
0x263: {  	v26 =	vadd.f32 v26, v30;
	v35 =	vld [tilespmem:s25+$0xFFFFFCC0];
	v33 =	vadd.f32 v42, v33  }
0x264: {  	v22 =	vadd.f32 v31, v22;
	v30 =	vadd.f32 v40, v32;
	v31 =	vld [tilespmem:s25+$0xFFFFFD40]  }
0x265: {  	v26 =	vadd.f32 v29, v26;
	v32 =	vld [tilespmem:s25+$0xFFFFFCD0];
	v33 =	vadd.f32 v41, v33  }
0x266: {  	v22 =	vadd.f32 v28, v22;
	v28 =	vadd.f32 v39, v30;
	v29 =	vld [tilespmem:s25+$0xFFFFFD50]  }
0x267: {  	v25 =	vadd.f32 v25, v26;
	v30 =	vld [tilespmem:s25+$0xFFFFFCE0];
	v33 =	vadd.f32 v34, v33  }
0x268: {  	v22 =	vadd.f32 v27, v22;
	v26 =	vadd.f32 v35, v28;
	v27 =	vld [tilespmem:s25+$0xFFFFFD60]  }
0x269: {  	v21 =	vadd.f32 v21, v25;
	v28 =	vld [tilespmem:s25+$0xFFFFFCF0];
	v31 =	vadd.f32 v31, v33  }
0x26a: {  	v22 =	vadd.f32 v24, v22;
	v24 =	vadd.f32 v32, v26;
	v25 =	vld [tilespmem:s25+$0xFFFFFD70]  }
0x26b: {  	v17 =	vadd.f32 v17, v21;
	v26 =	vadd.f32 v29, v31;
	v21 =	vld [tilespmem:s25+$0xFFFFFDF0]  }
0x26c: {  	v20 =	vadd.f32 v20, v22;
	v22 =	vadd.f32 v30, v24;
	v24 =	vld [tilespmem:s25+$0xFFFFFE70]  }
0x26d: {  	v12 =	vadd.f32 v12, v17;
	v26 =	vadd.f32 v27, v26  }
0x26e: {  	v14 =	vadd.f32 v14, v20;
	v17 =	vadd.f32 v28, v22  }
0x26f: {  	v10 =	vadd.f32 v10, v19;
	v19 =	vperm.xlane v38, v3;
	v20 =	vadd.f32 v25, v26  }
0x270: {  	v22 =	vperm.xlane v14, v1;
	v25 =	vperm.xlane v17, v1;
	v12 =	vadd.f32 v21, v12  }
0x271: {  	v6 =	vadd.f32 v6, v11;
	v21 =	vperm.xlane v20, v1;
	v10 =	vadd.f32 v24, v10  }
0x272: {  	v11 =	vadd.f32 v22, v14;
	v14 =	vadd.f32 v25, v17;
	v17 =	vperm.xlane v12, v1  }
0x273: {  	v22 =	vperm.xlane v6, v1;
	v20 =	vadd.f32 v21, v20;
	v21 =	vperm.xlane v10, v1  }
0x274: {  	v24 =	vperm.xlane v11, v2;
	v25 =	vperm.xlane v14, v2;
	v12 =	vadd.f32 v17, v12  }
0x275: {  	v6 =	vadd.f32 v22, v6;
	v17 =	vperm.xlane v20, v2;
	v10 =	vadd.f32 v21, v10  }
0x276: {  	v11 =	vadd.f32 v24, v11;
	v14 =	vadd.f32 v25, v14;
	v21 =	vperm.xlane v12, v2  }
0x277: {  	v22 =	vperm.xlane v6, v2;
	v17 =	vadd.f32 v17, v20;
	v20 =	vperm.xlane v10, v2  }
0x278: {  	v24 =	vperm.xlane v11, v3;
	v25 =	vperm.xlane v14, v3;
	v12 =	vadd.f32 v21, v12  }
0x279: {  	v6 =	vadd.f32 v22, v6;
	v21 =	vperm.xlane v17, v3;
	v10 =	vadd.f32 v20, v10  }
0x27a: {  	v11 =	vadd.f32 v24, v11;
	v14 =	vadd.f32 v25, v14;
	v20 =	vperm.xlane v12, v3  }
0x27b: {  	v22 =	vperm.xlane v6, v3;
	v17 =	vadd.f32 v21, v17;
	v21 =	vperm.xlane v10, v3  }
0x27c: {  	v24 =	vperm.xlane v11, v4;
	v25 =	vperm.xlane v14, v4;
	v12 =	vadd.f32 v20, v12  }
0x27d: {  	v6 =	vadd.f32 v22, v6;
	v20 =	vperm.xlane v17, v4;
	v10 =	vadd.f32 v21, v10  }
0x27e: {  	v11 =	vadd.f32 v24, v11;
	v14 =	vadd.f32 v25, v14;
	v21 =	vperm.xlane v12, v4  }
0x27f: {  	v19 =	vadd.f32 v19, v38;
	v17 =	vadd.f32 v20, v17;
	v20 =	vperm.xlane v10, v4  }
0x280: {  	v11 =	vsel vm0, v11, v14;
	v12 =	vadd.f32 v21, v12;
	v14 =	vperm.xlane v6, v4  }
0x281: {  	v11 =	vsel vm1, v11, v17;
	v10 =	vadd.f32 v20, v10;
	v17 =	vperm.xlane v19, v4  }
0x282: {  	v11 =	vsel vm2, v11, v12;
	v6 =	vadd.f32 v14, v6;
	v12 =	vperm.xlane v13, v4  }
0x283: {  	v14 =	vperm.xlane v23, v4;
	v10 =	vsel vm3, v11, v10;
	v11 =	vadd.f32 v17, v19  }
0x284: {  	v6 =	vsel vm4, v10, v6;
	v10 =	vadd.f32 v12, v13;
	v12 =	vperm.xlane v18, v4  }
0x285: {  	v13 =	vperm.xlane v16, v4;
	v6 =	vsel vm5, v6, v11;
	v11 =	vadd.f32 v14, v23  }
0x286: {  	v6 =	vsel vm6, v6, v10;
	v10 =	vadd.f32 v12, v18;
	v12 =	vperm.xlane v15, v4  }
0x287: {  	v6 =	vsel vm7, v6, v11;
	v11 =	vadd.f32 v13, v16;
	v13 =	vperm.xlane v9, v4  }
0x288: {  	v6 =	vsel vm8, v6, v10;
	v10 =	vadd.f32 v12, v15;
	v12 =	vperm.xlane v8, v4  }
0x289: {  	v6 =	vsel vm9, v6, v11;
	v9 =	vadd.f32 v13, v9;
	v11 =	vperm.xlane v7, v4  }
0x28a: {  	v6 =	vsel vm10, v6, v10;
	v8 =	vadd.f32 v12, v8;
	v10 =	vperm.xlane v5, v4  }
0x28b: {  	v6 =	vsel vm11, v6, v9;
	v7 =	vadd.f32 v11, v7  }
0x28c: {  	v6 =	vsel vm12, v6, v8;
	v5 =	vadd.f32 v10, v5  }
0x28d: {  	v6 =	vsel vm13, v6, v7  }
0x28e: {  	v5 =	vsel vm14, v6, v5  }
0x28f: {  	v5 =	vmul.f32 $7.812500000e-03, v5  }
0x290: {  	s28 =	sshra.s32 s24, $0x2;
	s24 =	smov.u32 s26  }
0x291: {  	s25 =	sadd.s32 $0x800, s25;
	[tilespmem:s28+$0x10000] =	vst v5  }
0x292: {  	v10 =	vld [tilespmem:s25+$0x3F0]  }
0x293: {  	v17 =	vld [tilespmem:s25+$0x370]  }
0x294: {  	v39 =	vld [tilespmem:s25+$0x3E0]  }
0x295: {  	v12 =	vld [tilespmem:s25+$0x2F0]  }
0x296: {  	v19 =	vld [tilespmem:s25+$0x360]  }
0x297: {  	v31 =	vld [tilespmem:s25+$0x3D0]  }
0x298: {  	v5 =	vld [tilespmem:s25+$0x270]  }
0x299: {  	v22 =	vld [tilespmem:s25+$0x2E0]  }
0x29a: {  	v13 =	vld [tilespmem:s25+$0x350]  }
0x29b: {  	v11 =	vld [tilespmem:s25+$0x3C0]  }
0x29c: {  	v8 =	vld [tilespmem:s25+$0x1F0]  }
0x29d: {  	v32 =	vld [tilespmem:s25+$0x260]  }
0x29e: {  	v38 =	vld [tilespmem:s25+$0x2D0]  }
0x29f: {  	v41 =	vld [tilespmem:s25+$0x340]  }
0x2a0: {  	v36 =	vld [tilespmem:s25+$0x3B0]  }
0x2a1: {  	v21 =	vld [tilespmem:s25+$0x170]  }
0x2a2: {  	v7 =	vld [tilespmem:s25+$0x1E0]  }
0x2a3: {  	v40 =	vld [tilespmem:s25+$0x250]  }
0x2a4: {  	v42 =	vld [tilespmem:s25+$0x2C0]  }
0x2a5: {  	v43 =	vld [tilespmem:s25+$0x330]  }
0x2a6: {  	v33 =	vld [tilespmem:s25+$0x3A0]  }
0x2a7: {  	v18 =	vld [tilespmem:s25+$0xF0]  }
0x2a8: {  	v20 =	vld [tilespmem:s25+$0x160]  }
0x2a9: {  	v14 =	vld [tilespmem:s25+$0x1D0]  }
0x2aa: {  	v44 =	vld [tilespmem:s25+$0x240]  }
0x2ab: {  	v45 =	vld [tilespmem:s25+$0x2B0]  }
0x2ac: {  	v46 =	vld [tilespmem:s25+$0x320]  }
0x2ad: {  	v26 =	vld [tilespmem:s25+$0x380]  }
0x2ae: {  	v30 =	vld [tilespmem:s25+$0x390]  }
0x2af: {  	v15 =	vld [tilespmem:s25+$0x70]  }
0x2b0: {  	v24 =	vld [tilespmem:s25+$0xE0]  }
0x2b1: {  	v9 =	vld [tilespmem:s25+$0x150]  }
0x2b2: {  	v37 =	vld [tilespmem:s25+$0x1C0]  }
0x2b3: {  	v47 =	vld [tilespmem:s25+$0x230]  }
0x2b4: {  	v48 =	vld [tilespmem:s25+$0x2A0]  }
0x2b5: {  	v49 =	vld [tilespmem:s25+$0x300]  }
0x2b6: {  	v50 =	vld [tilespmem:s25+$0x310]  }
0x2b7: {  	v16 =	vld [tilespmem:s25+$0xFFFFFFF0]  }
0x2b8: {  	v27 =	vld [tilespmem:s25+$0x60]  }
0x2b9: {  	v25 =	vld [tilespmem:s25+$0xD0]  }
0x2ba: {  	v34 =	vld [tilespmem:s25+$0x140]  }
0x2bb: {  	v51 =	vld [tilespmem:s25+$0x1B0]  }
0x2bc: {  	v52 =	vld [tilespmem:s25+$0x220]  }
0x2bd: {  	v53 =	vld [tilespmem:s25+$0x280]  }
0x2be: {  	v54 =	vld [tilespmem:s25+$0x290]  }
0x2bf: {  	v23 =	vld [tilespmem:s25+$0xFFFFFF70]  }
0x2c0: {  	v28 =	vld [tilespmem:s25+$0xFFFFFFE0]  }
0x2c1: {  	v29 =	vld [tilespmem:s25+$0x50]  }
0x2c2: {  	v35 =	vld [tilespmem:s25+$0xC0]  }
0x2c3: {  	v55 =	vld [tilespmem:s25+$0x130]  }
0x2c4: {  	v56 =	vld [tilespmem:s25+$0x1A0]  }
0x2c5: {  	v57 =	vld [tilespmem:s25+$0x200]  }
0x2c6: {  	v58 =	vld [tilespmem:s25+$0x210]  }
0x2c7: {  	v59 =	vadd.f32 v30, v26;
	v6 =	vld [tilespmem:s25+$0xFFFFFEF0]  }
0x2c8: {  	v26 =	vld [tilespmem:s25+$0xFFFFFF60]  }
0x2c9: {  	v59 =	vadd.f32 v33, v59;
	v30 =	vld [tilespmem:s25+$0xFFFFFFD0]  }
0x2ca: {  	v33 =	vld [tilespmem:s25+$0x40]  }
0x2cb: {  	v36 =	vadd.f32 v36, v59;
	v60 =	vld [tilespmem:s25+$0xB0]  }
0x2cc: {  	v59 =	vld [tilespmem:s25+$0x120]  }
0x2cd: {  	v36 =	vadd.f32 v11, v36;
	v49 =	vadd.f32 v50, v49;
	v61 =	vld [tilespmem:s25+$0x180]  }
0x2ce: {  	v53 =	vadd.f32 v54, v53;
	v50 =	vld [tilespmem:s25+$0x190]  }
0x2cf: {  	v46 =	vadd.f32 v46, v49;
	v49 =	vadd.f32 v31, v36;
	v11 =	vld [tilespmem:s25+$0xFFFFFEE0]  }
0x2d0: {  	v48 =	vadd.f32 v48, v53;
	v54 =	vadd.f32 v58, v57;
	v31 =	vld [tilespmem:s25+$0xFFFFFF50]  }
0x2d1: {  	v43 =	vadd.f32 v43, v46;
	v39 =	vadd.f32 v39, v49;
	v36 =	vld [tilespmem:s25+$0xFFFFFFC0]  }
0x2d2: {  	v45 =	vadd.f32 v45, v48;
	v49 =	vadd.f32 v52, v54;
	v46 =	vld [tilespmem:s25+$0x30]  }
0x2d3: {  	v41 =	vadd.f32 v41, v43;
	v39 =	vadd.f32 v10, v39;
	v48 =	vld [tilespmem:s25+$0xA0]  }
0x2d4: {  	v42 =	vadd.f32 v42, v45;
	v47 =	vadd.f32 v47, v49;
	v43 =	vld [tilespmem:s25+$0x100]  }
0x2d5: {  	v41 =	vadd.f32 v13, v41;
	v49 =	vperm.xlane v39, v1;
	v45 =	vld [tilespmem:s25+$0x110]  }
0x2d6: {  	v42 =	vadd.f32 v38, v42;
	v44 =	vadd.f32 v44, v47;
	v10 =	vld [tilespmem:s25+$0xFFFFFE60]  }
0x2d7: {  	v19 =	vadd.f32 v19, v41;
	v39 =	vadd.f32 v49, v39;
	v13 =	vld [tilespmem:s25+$0xFFFFFED0]  }
0x2d8: {  	v22 =	vadd.f32 v22, v42;
	v40 =	vadd.f32 v40, v44;
	v38 =	vld [tilespmem:s25+$0xFFFFFF40]  }
0x2d9: {  	v17 =	vadd.f32 v17, v19;
	v19 =	vperm.xlane v39, v2;
	v41 =	vld [tilespmem:s25+$0xFFFFFFB0]  }
0x2da: {  	v22 =	vadd.f32 v12, v22;
	v32 =	vadd.f32 v32, v40;
	v42 =	vld [tilespmem:s25+$0x20]  }
0x2db: {  	v44 =	vadd.f32 v50, v61;
	v39 =	vadd.f32 v19, v39;
	v40 =	vld [tilespmem:s25+$0x80]  }
0x2dc: {  	v49 =	vadd.f32 v5, v32;
	v5 =	vperm.xlane v22, v1;
	v32 =	vperm.xlane v17, v1;
	v47 =	vld [tilespmem:s25+$0x90]  }
0x2dd: {  	v44 =	vadd.f32 v56, v44;
	v50 =	vperm.xlane v39, v3;
	v12 =	vld [tilespmem:s25+$0xFFFFFDE0]  }
0x2de: {  	v52 =	vperm.xlane v49, v1;
	v22 =	vadd.f32 v5, v22;
	v17 =	vadd.f32 v32, v17;
	v19 =	vld [tilespmem:s25+$0xFFFFFE50]  }
0x2df: {  	v44 =	vadd.f32 v51, v44;
	v5 =	vadd.f32 v50, v39;
	v32 =	vld [tilespmem:s25+$0xFFFFFEC0]  }
0x2e0: {  	v49 =	vadd.f32 v52, v49;
	v50 =	vperm.xlane v22, v2;
	v51 =	vperm.xlane v17, v2;
	v39 =	vld [tilespmem:s25+$0xFFFFFF30]  }
0x2e1: {  	v37 =	vadd.f32 v37, v44;
	v43 =	vadd.f32 v45, v43;
	v52 =	vld [tilespmem:s25+$0xFFFFFFA0]  }
0x2e2: {  	v45 =	vperm.xlane v49, v2;
	v50 =	vadd.f32 v50, v22;
	v51 =	vadd.f32 v51, v17;
	v44 =	vld [tilespmem:s25+$0x0]  }
0x2e3: {  	v37 =	vadd.f32 v14, v37;
	v22 =	vadd.f32 v59, v43;
	v53 =	vld [tilespmem:s25+$0x10]  }
0x2e4: {  	v43 =	vadd.f32 v45, v49;
	v45 =	vperm.xlane v51, v3;
	v40 =	vadd.f32 v47, v40;
	v14 =	vld [tilespmem:s25+$0xFFFFFC70]  }
0x2e5: {  	v37 =	vadd.f32 v7, v37;
	v47 =	vadd.f32 v55, v22;
	v17 =	vld [tilespmem:s25+$0xFFFFFDD0]  }
0x2e6: {  	v7 =	vadd.f32 v45, v51;
	v40 =	vadd.f32 v48, v40;
	v48 =	vperm.xlane v50, v3;
	v22 =	vld [tilespmem:s25+$0xFFFFFE40]  }
0x2e7: {  	v37 =	vadd.f32 v8, v37;
	v34 =	vadd.f32 v34, v47;
	v47 =	vperm.xlane v43, v3;
	v45 =	vld [tilespmem:s25+$0xFFFFFF80]  }
0x2e8: {  	v40 =	vadd.f32 v60, v40;
	v8 =	vadd.f32 v48, v50;
	v49 =	vld [tilespmem:s25+$0xFFFFFF90]  }
0x2e9: {  	v34 =	vadd.f32 v9, v34;
	v50 =	vperm.xlane v37, v1;
	v9 =	vadd.f32 v47, v43;
	v48 =	vld [tilespmem:s25+$0xFFFFFEB0]  }
0x2ea: {  	v35 =	vadd.f32 v35, v40;
	v44 =	vadd.f32 v53, v44;
	v43 =	vld [tilespmem:s25+$0xFFFFFF20]  }
0x2eb: {  	v34 =	vadd.f32 v20, v34;
	v37 =	vadd.f32 v50, v37;
	v40 =	vld [tilespmem:s25+$0xFFFFFF00]  }
0x2ec: {  	v25 =	vadd.f32 v25, v35;
	v42 =	vadd.f32 v42, v44;
	v47 =	vld [tilespmem:s25+$0xFFFFFF10]  }
0x2ed: {  	v34 =	vadd.f32 v21, v34;
	v44 =	vperm.xlane v37, v2;
	v20 =	vld [tilespmem:s25+$0xFFFFFC60];
	v35 =	vadd.f32 v49, v45  }
0x2ee: {  	v24 =	vadd.f32 v24, v25;
	v42 =	vadd.f32 v46, v42;
	v21 =	vld [tilespmem:s25+$0xFFFFFDC0]  }
0x2ef: {  	v45 =	vld [tilespmem:s25+$0xFFFFFE30];
	v25 =	vadd.f32 v52, v35;
	v35 =	vadd.f32 v44, v37  }
0x2f0: {  	v18 =	vadd.f32 v18, v24;
	v33 =	vadd.f32 v33, v42;
	v42 =	vperm.xlane v34, v1;
	v37 =	vld [tilespmem:s25+$0xFFFFFEA0]  }
0x2f1: {  	v24 =	vld [tilespmem:s25+$0xFFFFFC50];
	v40 =	vadd.f32 v47, v40;
	v41 =	vadd.f32 v41, v25  }
0x2f2: {  	v29 =	vadd.f32 v29, v33;
	v33 =	vperm.xlane v18, v1;
	v34 =	vadd.f32 v42, v34;
	v25 =	vld [tilespmem:s25+$0xFFFFFDB0]  }
0x2f3: {  	v42 =	vld [tilespmem:s25+$0xFFFFFE20];
	v40 =	vadd.f32 v43, v40;
	v36 =	vadd.f32 v36, v41  }
0x2f4: {  	v29 =	vadd.f32 v27, v29;
	v18 =	vadd.f32 v33, v18;
	v33 =	vperm.xlane v34, v2;
	v41 =	vld [tilespmem:s25+$0xFFFFFE80]  }
0x2f5: {  	v43 =	vld [tilespmem:s25+$0xFFFFFE90];
	v39 =	vadd.f32 v39, v40;
	v30 =	vadd.f32 v30, v36  }
0x2f6: {  	v33 =	vadd.f32 v33, v34;
	v36 =	vadd.f32 v15, v29;
	v15 =	vperm.xlane v18, v2;
	v27 =	vld [tilespmem:s25+$0xFFFFFC40]  }
0x2f7: {  	v29 =	vld [tilespmem:s25+$0xFFFFFDA0];
	v34 =	vadd.f32 v38, v39;
	v28 =	vadd.f32 v28, v30  }
0x2f8: {  	v18 =	vadd.f32 v15, v18;
	v15 =	vperm.xlane v33, v3;
	v30 =	vperm.xlane v35, v3;
	v38 =	vld [tilespmem:s25+$0xFFFFFE00]  }
0x2f9: {  	v40 =	vperm.xlane v36, v1;
	v39 =	vld [tilespmem:s25+$0xFFFFFE10];
	v31 =	vadd.f32 v31, v34;
	v34 =	vadd.f32 v16, v28  }
0x2fa: {  	v44 =	vperm.xlane v18, v3;
	v16 =	vadd.f32 v15, v33;
	v15 =	vadd.f32 v30, v35;
	v28 =	vld [tilespmem:s25+$0xFFFFFC30]  }
0x2fb: {  	v36 =	vadd.f32 v40, v36;
	v30 =	vld [tilespmem:s25+$0xFFFFFD80];
	v33 =	vadd.f32 v26, v31;
	v35 =	vperm.xlane v34, v1  }
0x2fc: {  	v40 =	vadd.f32 v43, v41;
	v18 =	vadd.f32 v44, v18;
	v26 =	vld [tilespmem:s25+$0xFFFFFD90]  }
0x2fd: {  	v31 =	vld [tilespmem:s25+$0xFFFFFC20];
	v41 =	vadd.f32 v23, v33;
	v43 =	vadd.f32 v35, v34;
	v23 =	vperm.xlane v36, v2  }
.Ltmp7:
0x2fe: {  	v37 =	vadd.f32 v37, v40;
	v33 =	vld [tilespmem:s25+$0xFFFFFD00];
	v38 =	vadd.f32 v39, v38;
	(pc) =	sbr.rel @p0 .LBB2_7-.Ltmp7, $4  }
0x2ff: {  	v34 =	vld [tilespmem:s25+$0xFFFFFC10];
	v39 =	vperm.xlane v41, v1;
	v40 =	vperm.xlane v43, v2;
	v23 =	vadd.f32 v23, v36  }
0x300: {  	v44 =	vadd.f32 v48, v37;
	v35 =	vld [tilespmem:s25+$0xFFFFFC00];
	v42 =	vadd.f32 v42, v38  }
0x301: {  	v36 =	vld [tilespmem:s25+$0xFFFFFC80];
	v38 =	vadd.f32 v39, v41;
	v39 =	vadd.f32 v40, v43;
	v40 =	vperm.xlane v23, v3  }
0x302: {  	s26 =	sadd.s32 $0x40, s26;
	v32 =	vadd.f32 v32, v44;
	v37 =	vld [tilespmem:s25+$0xFFFFFC90];
	v41 =	vadd.f32 v45, v42  }
.Ltmp8:
0x303: {  	_ = 	snop;
	(pc) =	sbr.rel .LBB2_8-.Ltmp8, $1  }
0x304: {  	_ =	sdelay $0x3  }
.LBB2_11:
0x305: {  	_ =	sfence.sel $0x180000  }
0x306: {  	[bflag:$0x0] =	sbarrier.arrive $0xFFFF  }
0x307: {  	p0 =	sne.s32 s1, $0x0;
	_ =	strace $0x90000047  }
0x308: {  	s0 =	sadd.s32 @!p0 $0x100000, s3;
	[bflag:$0x2] =	sbarrier.arrive $0xFFFF  }
0x309: {  	[sflag:s0] =	ssyncadd.tile.s32 @!p0 $0x1;
	_ =	shalt  }
.Lfunc_end2:
_tile_overlayer_lowered:
.L_overlay_start_2:
0x30a: {  	(tag) =	ssettag $0x2  }
0x30b: {  	s0 =	rddreg [dreg:$0x0];
	s2 =	stileid.u32  }
0x30c: {  	s1 =	rddreg [dreg:$0x1];
	p0 =	sne.s32 s2, $0x0  }
0x30d: {  	s3 =	rddreg [dreg:$0x2];
	[bflag:$0x3] =	sbarrier.arrive $0xFFFF;
	s2 =	simm.s32 @!p0 $0x1C02  }
0x30e: {  	[timem:s3], [sflag:s2] =	dma.local @!p0 [hbm:s0], s1  }
0x30f: {  	s0 =	simm.s32 @!p0 $0x2  }
0x310: {  	_ =	swait.ge @!p0 [sflag:s0], s1  }
0x311: {  	s1 =	ssub.s32 @!p0 $0x0, s1;
	[sflag:s0] =	ssyncset.done @!p0 $0x0  }
0x312: {  	[sflag:s0] =	ssyncadd.s32 @!p0 s1  }
0x313: {  	[bflag:$0x3] =	sbarrier.arrive $0xFFFF  }
0x314: {  	_ =	shalt  }

// kernel: kernel.8.cloned.1.call-start
scs
__scs_entry_jumppad:
0x0: {  	(pc) =	sbr.rel $0x88, $3  }
0x1: {  	(tag) =	ssettag $0x0;
	lr =	simm.s32 $0x1  }
0x2: {  	[smem:$0x3F9E] =	sst lr;
	_ =	strace $0xD0000000  }
0x3: {  	_ = 	snop  }
0x4: {  	_ = 	snop  }
0x5: {  	_ = 	snop  }
0x6: {  	_ = 	snop  }
0x7: {  	_ = 	snop  }
__scs_overlays_trampoline_lowered:
0x8: {  	[smem:$0x3FAD] =	sst s0  }
0x9: {  	[smem:$0x3FAE] =	sst s1  }
0xa: {  	[smem:$0x3FAF] =	sst s2  }
0xb: {  	[smem:$0x3FB0] =	sst s3  }
0xc: {  	[smem:$0x3FB1] =	sst s4  }
0xd: {  	[smem:$0x3FB2] =	sst s5  }
0xe: {  	[smem:$0x3FB3] =	sst s6  }
0xf: {  	[smem:$0x3FB4] =	sst s7  }
0x10: {  	[smem:$0x3FB5] =	sst s8  }
0x11: {  	[smem:$0x3FB6] =	sst s9;
	s0 =	simm.s32 @!p0 $0x0  }
0x12: {  	s1 =	sld [smem:$0x3F9C];
	s0 =	simm.s32 @p0 $0x1  }
0x13: {  	[smem:$0x3FB7] =	sst s0;
	s0 =	simm.s32 @!p1 $0x0  }
0x14: {  	s2 =	sld [smem:$0x3F9B];
	s0 =	simm.s32 @p1 $0x1  }
0x15: {  	[smem:$0x3FB8] =	sst s0;
	s0 =	simm.s32 @!p2 $0x0  }
0x16: {  	s3 =	sld [smem:$0x3FDB];
	s0 =	simm.s32 @p2 $0x1  }
0x17: {  	s4 =	simm.s32 $0x1BF5;
	[smem:$0x3FBA] =	sst s0  }
0x18: {  	s0 =	sld [smem:$0x3F9D];
	_ =	swait.ge [sflag:s4], $0x0  }
0x19: {  	s7 =	sld [smem:$0x3F9E]  }
0x1a: {  	s8 =	sadd.s32 $0xFFFFE003, lr  }
0x1b: {  	s9 =	sadd.s32 $0xFFFFFEF7, lr;
	s5 =	simm.s32 $0xFFFFFFFF;
	p2 =	slt.u32 s8, $0xFFFFF086  }
0x1c: {  	p1 =	slt.u32 s9, $0xF7A;
	s5 =	simm.s32 @!p2 $0x0  }
0x1d: {  	s5 =	simm.s32 @p1 $0x1;
	p0 =	seq.s32 s7, s2  }
0x1e: {  	s7 =	smul.u32 @!p0 $0xF7A, s2;
	p2 =	seq.s32 @!p0 s5, $0x0  }
0x1f: {  	s9 =	smul.u32 $0xF7A, s1;
	s8 =	simm.s32 @!p0 $0x1BF5;
	p2 =	por !p2, p0  }
0x20: {  	[sflag:s8] =	ssyncset.s32 @!p0 $0xFFFFF086;
	s6 =	sadd.s32 @!p0 s3, s7;
	s7 =	simm.s32 @!p0 $0x108  }
0x21: {  	s3 =	sadd.s32 s3, s9;
	s6 =	sadd.s32 @!p0 $0x88, s6;
	s7 =	simm.s32 @p2 $0x1082  }
0x22: {  	[simem:s7], [sflag:s8] =	dma.local @!p0 [hbm:s6], $0xF7A  }
0x23: {  	s9 =	sor.u32 $0xD0000000, s2;
	s6 =	simm.s32 $0x108;
	_ =	swait.ge @!p0 [sflag:s8], $0x0  }
0x24: {  	s3 =	sadd.s32 $0x88, s3;
	s6 =	simm.s32 @!p1 $0x1082;
	[sflag:s4] =	ssyncset.s32 $0xFFFFF086  }
0x25: {  	[simem:s6], [sflag:s4] =	dma.local [hbm:s3], $0xF7A  }
0x26: {  	[smem:$0x3F9E] =	sst s1;
	(tag) =	ssettag s2;
	_ =	strace s9  }
0x27: {  	s1 =	sld [smem:$0x3FAE]  }
0x28: {  	s2 =	sld [smem:$0x3FAF]  }
0x29: {  	s4 =	sld [smem:$0x3FB1]  }
0x2a: {  	p0 =	seq.s32 s5, $0x0;
	s5 =	sld [smem:$0x3FB2]  }
0x2b: {  	s6 =	sld [smem:$0x3FB3]  }
0x2c: {  	s7 =	sld [smem:$0x3FB4]  }
0x2d: {  	s3 =	simm.s32 $0x108;
	s8 =	sld [smem:$0x3FB5]  }
0x2e: {  	s3 =	simm.s32 @!p0 $0x1082;
	s9 =	sld [smem:$0x3FB6]  }
0x2f: {  	lr =	sadd.s32 s0, s3;
	s0 =	sld [smem:$0x3FAD]  }
0x30: {  	s3 =	sld [smem:$0x3FB0]  }
0x31: {  	[smem:$0x3FB9] =	sst s10  }
0x32: {  	s10 =	sld [smem:$0x3FB7];
	_ =	sdelay $0x3  }
0x33: {  	p0 =	seq.s32 s10, $0x1;
	s10 =	sld [smem:$0x3FB9];
	_ =	sdelay $0x3  }
0x34: {  	[smem:$0x3FB9] =	sst s10  }
0x35: {  	s10 =	sld [smem:$0x3FB8];
	_ =	sdelay $0x3  }
0x36: {  	p1 =	seq.s32 s10, $0x1;
	s10 =	sld [smem:$0x3FB9];
	_ =	sdelay $0x3  }
0x37: {  	[smem:$0x3FB9] =	sst s10  }
0x38: {  	s10 =	sld [smem:$0x3FBA]  }
0x39: {  	_ = 	snop;
	(pc) =	sbr.ind lr, $3  }
0x3a: {  	_ = 	snop  }
0x3b: {  	_ = 	snop  }
0x3c: {  	p2 =	seq.s32 s10, $0x1;
	s10 =	sld [smem:$0x3FB9]  }
0x3d: {  	_ =	shalt  }
0x3e: {  	_ =	shalt  }
0x3f: {  	_ =	shalt  }
0x40: {  	_ =	shalt  }
0x41: {  	_ =	shalt  }
0x42: {  	_ =	shalt  }
0x43: {  	_ =	shalt  }
0x44: {  	_ =	shalt  }
0x45: {  	_ =	shalt  }
0x46: {  	_ =	shalt  }
0x47: {  	_ =	shalt  }
0x48: {  	_ =	shalt  }
0x49: {  	_ =	shalt  }
0x4a: {  	_ =	shalt  }
0x4b: {  	_ =	shalt  }
0x4c: {  	_ =	shalt  }
0x4d: {  	_ =	shalt  }
0x4e: {  	_ =	shalt  }
0x4f: {  	_ =	shalt  }
0x50: {  	_ =	shalt  }
0x51: {  	_ =	shalt  }
0x52: {  	_ =	shalt  }
0x53: {  	_ =	shalt  }
0x54: {  	_ =	shalt  }
0x55: {  	_ =	shalt  }
0x56: {  	_ =	shalt  }
0x57: {  	_ =	shalt  }
0x58: {  	_ =	shalt  }
0x59: {  	_ =	shalt  }
0x5a: {  	_ =	shalt  }
0x5b: {  	_ =	shalt  }
0x5c: {  	_ =	shalt  }
0x5d: {  	_ =	shalt  }
0x5e: {  	_ =	shalt  }
0x5f: {  	_ =	shalt  }
0x60: {  	_ =	shalt  }
0x61: {  	_ =	shalt  }
0x62: {  	_ =	shalt  }
0x63: {  	_ =	shalt  }
0x64: {  	_ =	shalt  }
0x65: {  	_ =	shalt  }
0x66: {  	_ =	shalt  }
0x67: {  	_ =	shalt  }
0x68: {  	_ =	shalt  }
0x69: {  	_ =	shalt  }
0x6a: {  	_ =	shalt  }
0x6b: {  	_ =	shalt  }
0x6c: {  	_ =	shalt  }
0x6d: {  	_ =	shalt  }
0x6e: {  	_ =	shalt  }
0x6f: {  	_ =	shalt  }
0x70: {  	_ =	shalt  }
0x71: {  	_ =	shalt  }
0x72: {  	_ =	shalt  }
0x73: {  	_ =	shalt  }
0x74: {  	_ =	shalt  }
0x75: {  	_ =	shalt  }
0x76: {  	_ =	shalt  }
0x77: {  	_ =	shalt  }
0x78: {  	_ =	shalt  }
0x79: {  	_ =	shalt  }
0x7a: {  	_ =	shalt  }
0x7b: {  	_ =	shalt  }
0x7c: {  	_ =	shalt  }
0x7d: {  	_ =	shalt  }
0x7e: {  	_ =	shalt  }
0x7f: {  	_ =	shalt  }
0x80: {  	_ =	shalt  }
0x81: {  	_ =	shalt  }
0x82: {  	_ =	shalt  }
0x83: {  	_ =	shalt  }
0x84: {  	_ =	shalt  }
0x85: {  	_ =	shalt  }
0x86: {  	_ =	shalt  }
0x87: {  	_ =	shalt  }
.Lfunc_end0:
.L_simem_size_0:
called_computation.1_lowered:
.L_overlay_start_0:
0x88: {  	s2 =	sld [smem:$0x3FD9]  }
0x89: {  	s3 =	sld [smem:$0x3FFE];
	_ =	sdelay $0x1  }
0x8a: {  	s1 =	srdreg.scid  }
0x8b: {  	s0 =	sand.u32 $0x1, s1  }
0x8c: {  	s17 =	sshll.u32 s0, $0xA;
	s2 =	sadd.s32 s3, s2  }
0x8d: {  	s2 =	sadd.s32 s2, s17  }
0x8e: {  	[smem:$0x3FC5] =	sst s2  }
0x8f: {  	_ = 	snop  }
0x90: {  	s2 =	sld [smem:$0x3FC8]  }
0x91: {  	s18 =	sld [smem:$0x3FC7];
	(tm) =	ssettm $0x1  }
0x92: {  	s4 =	sld [smem:$0x3FFB];
	_ =	sdelay $0x3  }
0x93: {  	_ =	strace s4  }
0x94: {  	s4 =	sld [smem:$0x3FFC];
	_ =	sdelay $0x3  }
0x95: {  	_ =	strace s4  }
0x96: {  	s4 =	sld [smem:$0x3FFD];
	_ =	sdelay $0x3  }
0x97: {  	_ =	strace s4  }
0x98: {  	_ =	strace $0x8FFFFFFF  }
0x99: {  	s19 =	sld [smem:$0x3FDB];
	_ =	sdelay $0x1  }
0x9a: {  	s5 =	simm.s32 $_scs_section_size  }
0x9b: {  	s6 =	simm.s32 $_size__tile_overlayer_lowered;
	s7 =	simm.s32 $_tile_overlayer_lowered  }
0x9c: {  	s22 =	simm.s32 $0x1BFF;
	s21 =	sshll.u32 s7, $0x1;
	s4 =	sadd.s32 s5, s19  }
0x9d: {  	s8 =	simm.s32 $0x0;
	s20 =	sshll.u32 s6, $0x1;
	s6 =	sadd.s32 s21, s4  }
0x9e: {  	[timem:s8], [sflag:s22] =	dma.local [hbm:s6], s20  }
0x9f: {  	_ =	swait.ge [sflag:s22], s20  }
0xa0: {  	s5 =	ssub.s32 $0x0, s20;
	[sflag:s22] =	ssyncset.done $0x0  }
0xa1: {  	[sflag:s22] =	ssyncadd.s32 s5;
	_ =	sdelay $0x1  }
0xa2: {  	s23 =	simm.s32 $0x1B8B  }
0xa3: {  	_ =	swait.ge [sflag:s23], $0x1  }
0xa4: {  	[sflag:s23] =	ssyncset.done $0x0  }
0xa5: {  	s25 =	simm.s32 $0x1B8E;
	s24 =	sld [smem:$0x3FFE];
	[sflag:s23] =	ssyncadd.s32 $0xFFFFFFFF  }
0xa6: {  	s26 =	simm.s32 $execute0_lowered;
	[smem:$0x3FD2] =	sst s25  }
0xa7: {  	s6 =	sshll.u32 s26, $0x1;
	_ =	strace $0x80000049;
	[dreg:$0x1] =	wrdreg $0xFFFFFFFF  }
0xa8: {  	s28 =	simm.s32 $_size_execute0_lowered;
	s4 =	sadd.s32 s4, s6;
	[dreg:$0x0] =	wrdreg $0x0  }
0xa9: {  	s6 =	sshll.u32 s28, $0x1;
	[dreg:$0x2] =	wrdreg s4  }
0xaa: {  	[dreg:$0x3] =	wrdreg s6  }
0xab: {  	[dreg:$0x4] =	wrdreg $0xC0  }
0xac: {  	_ =	task [dreg:s8], $0x5FFFF  }
0xad: {  	[dreg:$0x1] =	wrdreg $0xFFFFFFFF  }
0xae: {  	[dreg:$0x0] =	wrdreg $0x60  }
0xaf: {  	[dreg:$0x2] =	wrdreg s24  }
0xb0: {  	[dreg:$0x3] =	wrdreg s2  }
0xb1: {  	[dreg:$0x4] =	wrdreg s18  }
0xb2: {  	[dreg:$0x5] =	wrdreg $0x1D000  }
0xb3: {  	[dreg:$0x6] =	wrdreg $0x9  }
0xb4: {  	_ =	task.clear_ibuf [dreg:s8], $0x7FFFF;
	_ =	strace $0x90000049  }
0xb5: {  	s29 =	simm.s32 $0x9;
	_ =	strace $0x8000004B  }
0xb6: {  	_ =	swait.ge [sflag:s29], $0x1  }
0xb7: {  	[sflag:s29] =	ssyncadd.s32 $0xFFFFFFFF  }
0xb8: {  	_ =	strace $0x9000004B  }
0xb9: {  	_ =	sfence  }
0xba: {  	s30 =	sld [smem:$0x0];
	_ =	sdelay $0x2  }
0xbb: {  	s31 =	sshll.u32 s1, $0xD;
	s1 =	sshrl.u32 s1, $0x2  }
0xbc: {  	s3 =	sand.u32 $0x4000, s31;
	s1 =	sadd.s32 s1, s30  }
0xbd: {  	s0 =	sor.u32 s3, s0;
	s1 =	sshll.u32 s1, $0x11  }
0xbe: {  	s0 =	sor.u32 s1, s0  }
0xbf: {  	s0 =	sadd.s32 $0x8F2B, s0  }
0xc0: {  	[sflag:s0] =	ssyncadd.remote.s32 $0x1  }
0xc1: {  	_ =	sfence.sel $0xFFFF  }
0xc2: {  	[dreg:$0x0] =	wrdreg $0xFFFFFFFF;
	(pc) =	sbr.abs _section_cstart, $3  }
0xc3: {  	[dreg:$0x1] =	wrdreg $0xFFFFFFFF  }
0xc4: {  	_ =	task.clear_ibuf [dreg:s8], $0x2FFFF;
	_ =	strace $0x9FFFFFFF  }
0xc5: {  	(tm) =	ssettm $0x7FFFFFFF  }
tec
execute0_lowered:
.L_overlay_start_1:
0x0: {  	(tag) =	ssettag $0x1  }
0x1: {  	s4 =	rddreg [dreg:$0x0]  }
0x2: {  	s8 =	rddreg [dreg:$0x1]  }
0x3: {  	s10 =	rddreg [dreg:$0x2]  }
0x4: {  	s2 =	rddreg [dreg:$0x3]  }
0x5: {  	s0 =	srdreg.scid;
	s1 =	rddreg [dreg:$0x4];
	s3 =	simm.s32 $0x0  }
0x6: {  	s15 =	simm.s32 $0x10;
	s16 =	simm.s32 $0x20;
	s17 =	simm.s32 $0x80  }
0x7: {  	s18 =	simm.s32 $0x1F80;
	s19 =	simm.s32 $0x100;
	s5 =	sand.u32 $0x1, s0  }
0x8: {  	s20 =	simm.s32 $0x2480;
	s0 =	stileid.u32;
	s6 =	smul.u32 $0x1C2, s5  }
0x9: {  	s21 =	simm.s32 $0x0;
	[smem:$0x7FF] =	sst s3;
	s7 =	smul.u32 $0x1C, s0  }
0xa: {  	s25 =	smin.u32 s0, $0x2;
	s26 =	smul.u32 $0x500, s0;
	_ =	strace $0x8000004A  }
0xb: {  	s28 =	sshll.u32 s5, $0x7;
	s5 =	ssub.s32 $0x2, s5;
	s12 =	smul.u32 $0x280, s0  }
0xc: {  	s30 =	sshll.u32 s0, $0x6;
	p0 =	sgt.u32 s0, $0x1;
	s6 =	sadd.s32 s7, s6  }
0xd: {  	p1 =	seq.s32 s0, $0xF;
	s29 =	sshrl.u32 s5, $0x1;
	s6 =	sadd.s32 s25, s6  }
0xe: {  	s14 =	ssub.s32 s5, s29;
	s9 =	sshll.u32 s6, $0x4;
	s6 =	sor.u32 s28, s26  }
0xf: {  	s31 =	sshrl.u32 s12, $0x3;
	s11 =	sadd.s32 s9, s4;
	s6 =	sshrl.u32 s6, $0x3  }
0x10: {  	s8 =	sadd.s32 s8, s9;
	s9 =	sadd.s32 s10, s31;
	s10 =	sadd.s32 $0x4B0, s10  }
0x11: {  	s13 =	sadd.s32 s6, s4;
	s4 =	sadd.s32 s12, s2;
	s6 =	sor.u32 $0x1C01, s30  }
0x12: {  	s7 =	sadd.s32 $0xE00, s11;
	s12 =	smax.u32 s14, $0x1;
	s14 =	simm.s32 $0x1  }
0x13: {  	s5 =	sadd.s32 $0x400, s13;
	s11 =	sadd.s32 $0x4800, s13;
	s13 =	sshrl.u32 s4, $0x3  }
.LBB2_1:
0x14: {  	[spmem:s13@s15], [sflag:s6] =	dma.strided [hbm:s5@s16], $0x50, s14, $0x10   }
0x15: {  	_ =	swait.ge [sflag:s14], $0x50  }
0x16: {  	[sflag:s14] =	ssyncset.done $0x0  }
0x17: {  	[sflag:s14] =	ssyncadd.s32 $0xFFFFFFB0  }
0x18: {  	s22 =	simm.s32 @p0 $0x0;
	s23 =	simm.s32 @p0 $0x1;
	[bflag:$0x0] =	sbarrier.arrive $0xFFFF  }
0x19: {  	[tilespmem:s22], [sflag:$0x1] =	stream.linear.gather @p0 [hbm4b:s7+s22], $0xE00, $0x38;
	[tilespmem:$0x2700] =	vst v63  }
0x1a: {  	_ =	swait.ge @p0 [sflag:s23], $0xE00  }
0x1b: {  	[sflag:s23] =	ssyncset.done @p0 $0x0  }
0x1c: {  	s24 =	simm.s32 @p0 $0xE80;
	[sflag:s23] =	ssyncadd.s32 @p0 $0xFFFFF200  }
0x1d: {  	[tilespmem:s24], [sflag:$0x1] =	stream.linear.gather @p0 [hbm4b:s8+s22], $0xE00, $0x38;
	[tilespmem:$0x2700] =	vst v63  }
0x1e: {  	_ =	swait.ge @p0 [sflag:s23], $0xE00  }
0x1f: {  	[sflag:s23] =	ssyncset.done @p0 $0x0  }
0x20: {  	s22 =	simm.s32 @!p0 $0x0;
	[sflag:s23] =	ssyncadd.s32 @p0 $0xFFFFF200;
	s23 =	simm.s32 @!p0 $0x1  }
0x21: {  	[tilespmem:s22], [sflag:$0x1] =	stream.linear.gather @!p0 [hbm4b:s7+s22], $0xE80, $0x38;
	[tilespmem:$0x2700] =	vst v63  }
0x22: {  	_ =	swait.ge @!p0 [sflag:s23], $0xE80  }
0x23: {  	[sflag:s23] =	ssyncset.done @!p0 $0x0  }
0x24: {  	s24 =	simm.s32 @!p0 $0xE80;
	[sflag:s23] =	ssyncadd.s32 @!p0 $0xFFFFF180  }
0x25: {  	[tilespmem:s24], [sflag:$0x1] =	stream.linear.gather @!p0 [hbm4b:s8+s22], $0xE80, $0x38;
	[tilespmem:$0x2700] =	vst v63  }
0x26: {  	s24 =	simm.s32 @!p0 $0x1D  }
0x27: {  	s24 =	simm.s32 @p0 $0x1C  }
0x28: {  	_ =	swait.ge @!p0 [sflag:s23], $0xE80;
	p2 =	sne.s32 s24, $0x1  }
.Ltmp0:
0x29: {  	[sflag:s23] =	ssyncset.done @!p0 $0x0;
	(pc) =	sbr.rel @!p2 .LBB2_3-.Ltmp0, $4  }
0x2a: {  	s22 =	simm.s32 $0xE80;
	[sflag:s23] =	ssyncadd.s32 @!p0 $0xFFFFF180  }
0x2b: {  	[spmem:s2] =	stream.indirect.scatter.add.f32 [tilespmem:s3], [sflag:$0x1], $0x1, s22, s17, $0xb8;
	[tilespmem:$0x2700] =	vst v63  }
0x2c: {  	_ =	swait.ge [sflag:s14], $0x80  }
0x2d: {  	s23 =	sadd.s32 $0xFFFFFFFF, s24;
	s24 =	simm.s32 $0x0;
	[sflag:s14] =	ssyncset.done $0x0  }
.LBB2_2:
0x2e: {  	[sflag:s14] =	ssyncadd.s32 $0xFFFFFF80  }
0x2f: {  	s24 =	sadd.s32 $0x80, s24;
	s22 =	sadd.s32 $0x80, s22;
	p2 =	sne.s32 s23, $0x1  }
.Ltmp1:
0x30: {  	s23 =	sadd.s32 $0xFFFFFFFF, s23;
	(pc) =	sbr.rel @p2 .LBB2_2-.Ltmp1, $4  }
0x31: {  	_ = 	snop  }
0x32: {  	[spmem:s2] =	stream.indirect.scatter.add.f32 [tilespmem:s24], [sflag:$0x1], $0x1, s22, s17, $0xb8;
	[tilespmem:$0x2700] =	vst v63  }
0x33: {  	_ =	swait.ge [sflag:s14], $0x80  }
0x34: {  	[sflag:s14] =	ssyncset.done $0x0  }
.LBB2_3:
0x35: {  	[sflag:s14] =	ssyncadd.s32 $0xFFFFFF80  }
0x36: {  	[bflag:$0x0] =	sbarrier.arrive $0xFFFF  }
0x37: {  	[tilespmem:s18], [sflag:$0x1] =	stream.linear.gather [spmem:s4], $0x280, $0x38;
	[tilespmem:$0x2700] =	vst v63  }
0x38: {  	_ =	swait.ge [sflag:s14], $0x280  }
0x39: {  	[sflag:s14] =	ssyncset.done $0x0  }
0x3a: {  	s22 =	simm.s32 @p1 $0x0;
	s23 =	simm.s32 @p1 $0x2200;
	[sflag:s14] =	ssyncadd.s32 $0xFFFFFD80  }
0x3b: {  	[tilespmem:s23], [sflag:$0x1] =	stream.linear.gather @p1 [hbm4b:s10+s22], $0x190, $0x38;
	[tilespmem:$0x2700] =	vst v63  }
0x3c: {  	s22 =	simm.s32 @p1 $0x1  }
0x3d: {  	_ =	swait.ge @p1 [sflag:s22], $0x190  }
0x3e: {  	[sflag:s22] =	ssyncset.done @p1 $0x0  }
0x3f: {  	s23 =	simm.s32 @!p1 $0x2200;
	[sflag:s22] =	ssyncadd.s32 @p1 $0xFFFFFE70;
	s22 =	simm.s32 @!p1 $0x0  }
0x40: {  	[tilespmem:s23], [sflag:$0x1] =	stream.linear.gather @!p1 [hbm4b:s9+s22], $0x280, $0x38;
	[tilespmem:$0x2700] =	vst v63  }
0x41: {  	s22 =	simm.s32 @!p1 $0x1  }
0x42: {  	_ =	swait.ge @!p1 [sflag:s22], $0x280  }
0x43: {  	[sflag:s22] =	ssyncset.done @!p1 $0x0  }
0x44: {  	s24 =	simm.s32 $0x0;
	[sflag:s22] =	ssyncadd.s32 @!p1 $0xFFFFFD80  }
0x45: {  	v0 =	vld [tilespmem:s24+$0x2200];
	_ =	sdelay $0x4  }
0x46: {  	(erf) = vrcp.f32 v0;
	_ =	sdelay $0x2  }
0x47: {  	s22 =	simm.s32 $0x10  }
0x48: {  	v1 =	vld [tilespmem:s22+$0x2200];
	_ =	sdelay $0x3  }
0x49: {  	v2 =	vld [tilespmem:s24+$0x1F80]  }
0x4a: {  	s23 =	simm.s32 $0x20;
	v3 =	vpop (erf);
	(erf) = vrcp.f32 v1  }
0x4b: {  	v0 =	vld [tilespmem:s23+$0x2200];
	_ =	sdelay $0x2  }
0x4c: {  	v2 =	vmul.f32 v3, v2  }
0x4d: {  	s25 =	simm.s32 $0xC0;
	v1 =	vld [tilespmem:s22+$0x1F80]  }
.LBB2_4:
0x4e: {  	s26 =	sshra.s32 s25, $0x2;
	p2 =	sne.s32 s25, $0x9C0;
	s25 =	sadd.s32 $0x40, s25;
	(erf) = vrcp.f32 v0;
	[tilespmem:s24+$0x2480] =	vst v2  }
.Ltmp2:
0x4f: {  	s24 =	smov.u32 s22;
	s22 =	smov.u32 s23;
	v0 =	vld [tilespmem:s26+$0x2200];
	(pc) =	sbr.rel @p2 .LBB2_4-.Ltmp2, $4  }
0x50: {  	s23 =	smov.u32 s26  }
0x51: {  	v2 =	vpop (erf)  }
0x52: {  	v2 =	vmul.f32 v2, v1  }
0x53: {  	v1 =	vld [tilespmem:s22+$0x1F80]  }
0x54: {  	(erf) = vrcp.f32 v0;
	_ =	sdelay $0x3  }
0x55: {  	[tilespmem:s24+$0x2480] =	vst v2  }
0x56: {  	v61 =	vld [tilespmem:s23+$0x1F80];
	_ =	sdelay $0x2  }
0x57: {  	v62 =	vpop (erf)  }
0x58: {  	v1 =	vmul.f32 v62, v1;
	v63 =	vpop (erf)  }
0x59: {  	s21 =	sadd.s32 $0x1, s21;
	v0 =	vmul.f32 v63, v61  }
0x5a: {  	p2 =	sne.s32 s21, s12;
	[tilespmem:s22+$0x2480] =	vst v1  }
.Ltmp3:
0x5b: {  	[tilespmem:s23+$0x2480] =	vst v0;
	(pc) =	sbr.rel @p2 .LBB2_1-.Ltmp3, $4  }
0x5c: {  	[hbm4b:s11+s17] =	stream.strided.scatter [tilespmem:s20], [sflag:$0x1], $0x280, s19, s17, $0x38;
	[tilespmem:$0x2700] =	vst v63  }
0x5d: {  	_ =	swait.ge [sflag:s14], $0x280  }
0x5e: {  	[sflag:s14] =	ssyncset.done $0x0  }
0x5f: {  	[sflag:s14] =	ssyncadd.s32 $0xFFFFFD80  }
0x60: {  	_ =	sfence.sel $0x180000  }
0x61: {  	[bflag:$0x0] =	sbarrier.arrive $0xFFFF  }
0x62: {  	p0 =	sne.s32 s0, $0x0;
	_ =	strace $0x9000004A  }
0x63: {  	s0 =	sadd.s32 @!p0 $0x100000, s1;
	[bflag:$0x2] =	sbarrier.arrive $0xFFFF  }
0x64: {  	[sflag:s0] =	ssyncadd.tile.s32 @!p0 $0x1;
	_ =	shalt  }
.Lfunc_end2:
_tile_overlayer_lowered:
.L_overlay_start_2:
0x65: {  	(tag) =	ssettag $0x2  }
0x66: {  	s0 =	rddreg [dreg:$0x0];
	s2 =	stileid.u32  }
0x67: {  	s1 =	rddreg [dreg:$0x1];
	p0 =	sne.s32 s2, $0x0  }
0x68: {  	s3 =	rddreg [dreg:$0x2];
	[bflag:$0x3] =	sbarrier.arrive $0xFFFF;
	s2 =	simm.s32 @!p0 $0x1C01  }
0x69: {  	[timem:s3], [sflag:s2] =	dma.local @!p0 [hbm:s0], s1  }
0x6a: {  	s0 =	simm.s32 @!p0 $0x1  }
0x6b: {  	_ =	swait.ge @!p0 [sflag:s0], s1  }
0x6c: {  	s1 =	ssub.s32 @!p0 $0x0, s1;
	[sflag:s0] =	ssyncset.done @!p0 $0x0  }
0x6d: {  	[sflag:s0] =	ssyncadd.s32 @!p0 s1  }
0x6e: {  	[bflag:$0x3] =	sbarrier.arrive $0xFFFF  }
0x6f: {  	_ =	shalt  }

</sc_bundles>
